<compile_context>
chip_gen: v7x
topology: tpu7x:2x2x1
jax: 0.10.2.dev20260603
libtpu: 0.0.44.dev20260713+nightly
codegen_flags: <defaults>
</compile_context>

<pallas_src>
import functools

import jax
import jax.numpy as jnp
from jax import lax
from jax.experimental import pallas as pl
from jax.experimental.pallas import tpu as pltpu
from jax.experimental.pallas import tpu_sc as plsc

N = 10000
E = 320000
NPAD = 10240
IN128 = 128

NC = 2
NS = 16
NW = NC * NS
ROWS_PER_TILE = NPAD // NW
EDGES_PER_SC = E // NC
EDGES_PER_TILE = EDGES_PER_SC // NS
EB = 128
N_FULL_BLOCKS = EDGES_PER_TILE // EB
TAIL = EDGES_PER_TILE - N_FULL_BLOCKS * EB
HIST_PER_TILE = NPAD // NS

_mesh = plsc.VectorSubcoreMesh(core_axis_name="c", subcore_axis_name="s")
_sc_params = pltpu.CompilerParams(needs_layout_passes=False)


def _dnn_body(x_ref, m_ref, mf_ref, w1_ref, b1_ref, w2_ref, b2_ref, p1w_ref,
              p1b_ref, p2w_ref, p2b_ref, y_ref, pr1_ref, pr2_ref, pos_ref):
    x = x_ref[...]
    h = jnp.maximum(jnp.dot(x, w1_ref[...],
                            preferred_element_type=jnp.float32) + b1_ref[...], 0.0)
    goid = jnp.maximum(jnp.dot(h, w2_ref[...],
                               preferred_element_type=jnp.float32) + b2_ref[...], 0.0)
    y_ref[...] = jnp.where(m_ref[...] > 0, x[:, :IN128], goid)
    pr1 = jnp.dot(goid, p1w_ref[...],
                  preferred_element_type=jnp.float32) + p1b_ref[...]
    pr1_ref[...] = pr1
    pr2_ref[...] = jnp.dot(pr1, p2w_ref[...],
                           preferred_element_type=jnp.float32) + p2b_ref[...]

    @pl.when(pl.program_id(0) == 0)
    def _pos():
        m = mf_ref[...]
        a = lax.broadcasted_iota(jnp.int32, (128, 128), 0)
        b = lax.broadcasted_iota(jnp.int32, (128, 128), 1)
        upper = (a <= b).astype(jnp.float32)
        rowcum = jnp.dot(m, upper, preferred_element_type=jnp.float32)
        rowsum = rowcum[:, 127:128]
        r0 = lax.broadcasted_iota(jnp.int32, (80, 80), 0)
        r1 = lax.broadcasted_iota(jnp.int32, (80, 80), 1)
        strict = (r1 < r0).astype(jnp.float32)
        bp = jnp.dot(strict, rowsum, preferred_element_type=jnp.float32)
        incl = rowcum + bp
        total = jnp.sum(m)
        jr = (lax.broadcasted_iota(jnp.int32, (80, 128), 0) * 128 +
              lax.broadcasted_iota(jnp.int32, (80, 128), 1)).astype(jnp.float32)
        posf = jnp.where(m > 0, incl - 1.0, total + jr - incl)
        pos_ref[...] = posf.astype(jnp.int32)


def _run_dnn(x, mask_col, mask_f, dnn_W1, dnn_b1, dnn_W2, dnn_b2,
             p1_W, p1_b, p2_W, p2_b):
    blk = 1000
    grid = (N // blk,)
    full = lambda shape: pl.BlockSpec(shape, lambda i: (0,) * len(shape))
    row = lambda w: pl.BlockSpec((blk, w), lambda i: (i, 0))
    return pl.pallas_call(
        _dnn_body,
        grid=grid,
        in_specs=[row(512), row(1), full((80, 128)),
                  full((512, 1024)), full((1, 1024)),
                  full((1024, 128)), full((1, 128)),
                  full((128, 128)), full((1, 128)),
                  full((128, 128)), full((1, 128))],
        out_specs=[row(128), row(128), row(128), full((80, 128))],
        out_shape=[jax.ShapeDtypeStruct((N, 128), jnp.float32)] * 3 +
                  [jax.ShapeDtypeStruct((80, 128), jnp.int32)],
    )(x, mask_col, mask_f, dnn_W1, dnn_b1.reshape(1, -1), dnn_W2,
      dnn_b2.reshape(1, -1), p1_W, p1_b.reshape(1, -1), p2_W,
      p2_b.reshape(1, -1))


@functools.partial(
    pl.kernel,
    mesh=_mesh,
    out_type=jax.ShapeDtypeStruct((NW, NPAD), jnp.int32),
    scratch_types=[
        pltpu.VMEM((EDGES_PER_TILE,), jnp.int32),
        pltpu.VMEM((NPAD,), jnp.int32),
    ],
    compiler_params=_sc_params,
)
def _hist_kernel(dst_hbm, histp_hbm, dst_v, hist_v):
    c = lax.axis_index("c")
    s = lax.axis_index("s")
    w = c * NS + s

    def zero_hist(i, _):
        hist_v[pl.ds(i * 16, 16)] = jnp.zeros((16,), jnp.int32)
        return _
    lax.fori_loop(0, NPAD // 16, zero_hist, 0)

    pltpu.sync_copy(dst_hbm.at[pl.ds(w * EDGES_PER_TILE, EDGES_PER_TILE)], dst_v)
    ones = jnp.ones((16,), jnp.int32)

    def hist_step(e, _):
        idx = dst_v[pl.ds(e * 16, 16)]
        plsc.addupdate_scatter(hist_v, [idx], ones)
        return _
    lax.fori_loop(0, EDGES_PER_TILE // 16, hist_step, 0)

    pltpu.sync_copy(hist_v, histp_hbm.at[w])


@functools.partial(
    pl.kernel,
    mesh=_mesh,
    out_type=jax.ShapeDtypeStruct((NPAD, 128), jnp.float32),
    scratch_types=[
        pltpu.VMEM((EB, 128), jnp.float32),
        pltpu.VMEM((64, 128), jnp.float32),
        pltpu.VMEM((16, 128), jnp.float32),
        pltpu.VMEM((EB,), jnp.int32),
        pltpu.VMEM((64,), jnp.int32),
        pltpu.VMEM((16,), jnp.int32),
        pltpu.SemaphoreType.DMA,
    ],
    compiler_params=_sc_params,
)
def _xt_scatter_kernel(y_hbm, pos_hbm, xt_hbm,
                       rows_v, rows64_v, rows16_v, idx_v, idx64_v, idx16_v,
                       sem):
    c = lax.axis_index("c")
    s = lax.axis_index("s")
    w = c * NS + s

    base = w * ROWS_PER_TILE

    @pl.when(w < NW - 1)
    def _full_tile():
        for k in range(2):
            off = base + k * EB
            pltpu.sync_copy(y_hbm.at[pl.ds(off, EB)], rows_v)
            pltpu.sync_copy(pos_hbm.at[pl.ds(off, EB)], idx_v)
            pltpu.async_copy(rows_v, xt_hbm.at[idx_v], sem).wait()
        off = base + 2 * EB
        pltpu.sync_copy(y_hbm.at[pl.ds(off, 64)], rows64_v)
        pltpu.sync_copy(pos_hbm.at[pl.ds(off, 64)], idx64_v)
        pltpu.async_copy(rows64_v, xt_hbm.at[idx64_v], sem).wait()

    @pl.when(w == NW - 1)
    def _last_tile():
        pltpu.sync_copy(y_hbm.at[pl.ds(base, 64)], rows64_v)
        pltpu.sync_copy(pos_hbm.at[pl.ds(base, 64)], idx64_v)
        pltpu.async_copy(rows64_v, xt_hbm.at[idx64_v], sem).wait()
        pltpu.sync_copy(y_hbm.at[pl.ds(base + 64, 16)], rows16_v)
        pltpu.sync_copy(pos_hbm.at[pl.ds(base + 64, 16)], idx16_v)
        pltpu.async_copy(rows16_v, xt_hbm.at[idx16_v], sem).wait()


def _xws_body(xt_ref, hist_ref, w_ref, xws_ref, dinv_ref):
    deg = jnp.sum(hist_ref[...].astype(jnp.float32), axis=1, keepdims=True) + 1.0
    dinv = lax.rsqrt(deg)
    z = jnp.dot(xt_ref[...], w_ref[...], preferred_element_type=jnp.float32)
    xws_ref[...] = dinv * z
    dinv_ref[...] = dinv


def _run_xws(xt, hist2, conv_W):
    blk = 1000
    return pl.pallas_call(
        _xws_body,
        grid=(N // blk,),
        in_specs=[pl.BlockSpec((blk, 128), lambda i: (i, 0)),
                  pl.BlockSpec((blk, NW), lambda i: (i, 0)),
                  pl.BlockSpec((128, 128), lambda i: (0, 0))],
        out_specs=[pl.BlockSpec((blk, 128), lambda i: (i, 0)),
                   pl.BlockSpec((blk, 1), lambda i: (i, 0))],
        out_shape=[jax.ShapeDtypeStruct((N, 128), jnp.float32),
                   jax.ShapeDtypeStruct((N, 1), jnp.float32)],
    )(xt, hist2, conv_W)


EB3 = 104
NBLK3 = EDGES_PER_TILE // EB3
BODIES = NBLK3 // 6


@functools.partial(
    pl.kernel,
    mesh=_mesh,
    out_type=jax.ShapeDtypeStruct((NC, NPAD, 128), jnp.float32),
    scratch_types=[
        [[pltpu.VMEM((EB3,), jnp.int32) for _ in range(2)] for _ in range(3)],
        [[pltpu.VMEM((EB3,), jnp.int32) for _ in range(2)] for _ in range(3)],
        pltpu.VMEM((3, EB3, 128), jnp.float32),
        pltpu.VMEM((TAIL,), jnp.int32),
        pltpu.VMEM((TAIL,), jnp.int32),
        pltpu.VMEM((TAIL, 128), jnp.float32),
        pltpu.VMEM_SHARED((NPAD, 128), jnp.float32),
        [[pltpu.SemaphoreType.DMA for _ in range(2)] for _ in range(3)],
        [pltpu.SemaphoreType.DMA for _ in range(3)],
        [pltpu.SemaphoreType.DMA for _ in range(3)],
    ],
    compiler_params=_sc_params,
)
def _edge_pass_kernel(xws_hbm, src_hbm, dst_hbm, part_hbm,
                      sidx, didx, rows_v, sidx_t, didx_t, rows_t,
                      acc_sh, isem, gsem, ssem):
    c = lax.axis_index("c")
    s = lax.axis_index("s")
    w = c * NS + s

    def zero_row(i, _):
        r = i // 8
        k = i % 8
        rows_v[0, r, pl.ds(k * 16, 16)] = jnp.zeros((16,), jnp.float32)
        return _
    lax.fori_loop(0, EB3 * 8, zero_row, 0)
    rbase = s * HIST_PER_TILE
    for k in range(HIST_PER_TILE // EB3):
        pltpu.sync_copy(rows_v.at[0], acc_sh.at[pl.ds(rbase + k * EB3, EB3)])
    pltpu.sync_copy(rows_v.at[0, pl.ds(0, HIST_PER_TILE % EB3)],
                    acc_sh.at[pl.ds(rbase + (HIST_PER_TILE // EB3) * EB3,
                                    HIST_PER_TILE % EB3)])
    plsc.subcore_barrier()

    ebase = w * EDGES_PER_TILE

    def stage_idx(blk, slot, par):
        off = ebase + blk * EB3
        pltpu.async_copy(src_hbm.at[pl.ds(off, EB3)], sidx[slot][par],
                         isem[slot][par])
        pltpu.async_copy(dst_hbm.at[pl.ds(off, EB3)], didx[slot][par],
                         isem[slot][par])

    def iwait(slot, par):
        pltpu.make_async_copy(src_hbm.at[pl.ds(0, EB3)], sidx[slot][par],
                              isem[slot][par]).wait()
        pltpu.make_async_copy(dst_hbm.at[pl.ds(0, EB3)], didx[slot][par],
                              isem[slot][par]).wait()

    def swait(slot):
        pltpu.make_async_copy(xws_hbm.at[pl.ds(0, EB3)], rows_v.at[slot],
                              ssem[slot]).wait()

    def fire_scatter(slot, par):
        pltpu.async_copy(rows_v.at[slot], acc_sh.at[didx[slot][par]],
                         ssem[slot], add=True)

    for slot in range(3):
        stage_idx(slot, slot, 0)

    def body(i, _):
        g = [None] * 3
        for j in range(6):
            slot = j % 3
            par = 0 if j < 3 else 1
            if j < 3:
                @pl.when(i > 0)
                def _drain(slot=slot):
                    swait(slot)
            else:
                swait(slot)
            stage_idx(jnp.minimum(6 * i + j + 3, NBLK3 - 1), slot, 1 - par)
            iwait(slot, par)
            g[slot] = pltpu.async_copy(xws_hbm.at[sidx[slot][par]],
                                       rows_v.at[slot], gsem[slot])
            if j > 0:
                prev = (j - 1) % 3
                g[prev].wait()
                fire_scatter(prev, 0 if j - 1 < 3 else 1)
        g[2].wait()
        fire_scatter(2, 1)
        return _
    lax.fori_loop(0, BODIES, body, 0)

    for slot in range(3):
        swait(slot)
        iwait(slot, 0)

    toff = ebase + NBLK3 * EB3
    pltpu.sync_copy(src_hbm.at[pl.ds(toff, TAIL)], sidx_t)
    pltpu.sync_copy(dst_hbm.at[pl.ds(toff, TAIL)], didx_t)
    pltpu.async_copy(xws_hbm.at[sidx_t], rows_t, gsem[0]).wait()
    pltpu.async_copy(rows_t, acc_sh.at[didx_t], ssem[0], add=True).wait()

    plsc.subcore_barrier()

    pltpu.sync_copy(acc_sh.at[pl.ds(rbase, HIST_PER_TILE)],
                    part_hbm.at[c, pl.ds(rbase, HIST_PER_TILE)])


def _mid_body(p0_ref, p1_ref, xws_ref, dinv_ref, pr_ref, m_ref, b_ref, w_ref,
              out_ref):
    agg = p0_ref[...] + p1_ref[...] + xws_ref[...]
    dinv = dinv_ref[...]
    h = jnp.maximum(dinv * agg + b_ref[...], 0.0)
    h = jnp.where(m_ref[...] > 0, h, pr_ref[...])
    out_ref[...] = dinv * jnp.dot(h, w_ref[...],
                                  preferred_element_type=jnp.float32)


def _run_mid(p0, p1, xws, dinv, proj, mask_col, conv_b, next_W):
    blk = 1000
    row = lambda w: pl.BlockSpec((blk, w), lambda i: (i, 0))
    return pl.pallas_call(
        _mid_body,
        grid=(N // blk,),
        in_specs=[row(128), row(128), row(128), row(1), row(128), row(1),
                  pl.BlockSpec((1, 128), lambda i: (0, 0)),
                  pl.BlockSpec((128, 128), lambda i: (0, 0))],
        out_specs=row(128),
        out_shape=jax.ShapeDtypeStruct((N, 128), jnp.float32),
    )(p0, p1, xws, dinv, proj, mask_col, conv_b.reshape(1, -1), next_W)


def _final_body(q0_ref, q1_ref, xws_ref, dinv_ref, pr_ref, m_ref, b_ref,
                fcw_ref, fcb_ref, out_ref):
    agg = q0_ref[...] + q1_ref[...] + xws_ref[...]
    h = jnp.maximum(dinv_ref[...] * agg + b_ref[...], 0.0)
    h = jnp.where(m_ref[...] > 0, h, pr_ref[...])
    out_ref[...] = jnp.dot(h, fcw_ref[...],
                           preferred_element_type=jnp.float32) + fcb_ref[...]


def _run_final(q0, q1, xws, dinv, proj, mask_col, conv_b, fc_W, fc_b):
    blk = 1000
    row = lambda w: pl.BlockSpec((blk, w), lambda i: (i, 0))
    return pl.pallas_call(
        _final_body,
        grid=(N // blk,),
        in_specs=[row(128), row(128), row(128), row(1), row(128), row(1),
                  pl.BlockSpec((1, 128), lambda i: (0, 0)),
                  pl.BlockSpec((128, 64), lambda i: (0, 0)),
                  pl.BlockSpec((1, 64), lambda i: (0, 0))],
        out_specs=row(64),
        out_shape=jax.ShapeDtypeStruct((N, 64), jnp.float32),
    )(q0, q1, xws, dinv, proj, mask_col, conv_b.reshape(1, -1), fc_W,
      fc_b.reshape(1, -1))


def kernel(x, edge_index, mask, dnn_W1, dnn_b1, dnn_W2, dnn_b2,
           conv1_W, conv1_b, conv2_W, conv2_b, p1_W, p1_b, p2_W, p2_b,
           fc_W, fc_b):
    mask = mask.astype(bool)
    mask_col = mask.astype(jnp.int32).reshape(N, 1)
    mask_f = jnp.pad(mask.astype(jnp.float32), (0, NPAD - N)).reshape(80, 128)
    src = edge_index[0].astype(jnp.int32)
    dst = edge_index[1].astype(jnp.int32)

    histp = _hist_kernel(dst)
    y, proj1, proj2, pos = _run_dnn(x, mask_col, mask_f, dnn_W1, dnn_b1,
                                    dnn_W2, dnn_b2, p1_W, p1_b, p2_W, p2_b)
    xt = _xt_scatter_kernel(y, pos.reshape(NPAD))
    hist2 = histp.transpose(1, 0)

    xws1, dinv = _run_xws(xt, hist2, conv1_W)
    p = _edge_pass_kernel(xws1, src, dst)
    xws2 = _run_mid(p[0], p[1], xws1, dinv, proj1, mask_col, conv1_b, conv2_W)
    q = _edge_pass_kernel(xws2, src, dst)
    out = _run_final(q[0], q[1], xws2, dinv, proj2, mask_col, conv2_b,
                     fc_W, fc_b)
    return out

# --- scband reference (transcript-rebuilt; emitter-appended) ---
"""Pipeline reference for scband-xun-zi-m-gcn-79654463472115 (READ-ONLY COPY).

The authoritative reference and input builder live on the scoring server;
editing this copy changes nothing except your own understanding.
"""

import jax, jax.numpy as jnp
import numpy as np

N = 10000
E = 320000
INPUT_DIM = 128
H1 = 128
H2 = 128
OUT_DIM = 64
GOID_IN = 512


def setup_inputs(seed: int = 0) -> dict:
    key = jax.random.key(seed)
    ks = jax.random.split(key, 20)
    x = jax.random.normal(ks[0], (N, GOID_IN), dtype=jnp.float32)
    edge_index = jax.random.randint(ks[1], (2, E), 0, N)
    mask = jax.random.randint(ks[2], (N,), 0, 2).astype(bool)
    def lin(k, fan_in, fan_out):
        kw, kb = jax.random.split(k)
        s = 1.0 / np.sqrt(fan_in)
        W = jax.random.uniform(kw, (fan_in, fan_out), jnp.float32, -s, s)
        b = jax.random.uniform(kb, (fan_out,), jnp.float32, -s, s)
        return W, b
    dnn_W1, dnn_b1 = lin(ks[3], GOID_IN, 1024)
    dnn_W2, dnn_b2 = lin(ks[4], 1024, INPUT_DIM)
    conv1_W, conv1_b = lin(ks[5], INPUT_DIM, H1)
    conv2_W, conv2_b = lin(ks[6], H1, H2)
    p1_W, p1_b = lin(ks[7], INPUT_DIM, H1)
    p2_W, p2_b = lin(ks[8], H1, H2)
    fc_W, fc_b = lin(ks[9], H2, OUT_DIM)
    return {"x": x, "edge_index": edge_index, "mask": mask,
            "dnn_W1": dnn_W1, "dnn_b1": dnn_b1, "dnn_W2": dnn_W2, "dnn_b2": dnn_b2,
            "conv1_W": conv1_W, "conv1_b": conv1_b, "conv2_W": conv2_W, "conv2_b": conv2_b,
            "p1_W": p1_W, "p1_b": p1_b, "p2_W": p2_W, "p2_b": p2_b,
            "fc_W": fc_W, "fc_b": fc_b}


def _gcn_conv(x, src, dst, norm, W, b):
    xw = x @ W
    msg = xw[src] * norm[:, None]
    out = jnp.zeros((x.shape[0], W.shape[1]), x.dtype).at[dst].add(msg)
    return out + b


def reference(x, edge_index, mask, dnn_W1, dnn_b1, dnn_W2, dnn_b2,
              conv1_W, conv1_b, conv2_W, conv2_b, p1_W, p1_b, p2_W, p2_b, fc_W, fc_b):
    mask = mask.astype(bool)
    perm = jnp.argsort(~mask, stable=True)
    # goid_dnn under torch.no_grad -> stop_gradient
    h = jnp.maximum(x @ dnn_W1 + dnn_b1, 0.0)
    goid_t = jnp.maximum(h @ dnn_W2 + dnn_b2, 0.0)
    goid_t = jax.lax.stop_gradient(goid_t)
    x_t = jnp.where(mask[perm][:, None], x[perm][:, :INPUT_DIM], goid_t[perm])
    # GCN normalization with self-loops (PyG GCNConv default)
    src = edge_index[0]
    dst = edge_index[1]
    loop = jnp.arange(N)
    src_l = jnp.concatenate([src, loop])
    dst_l = jnp.concatenate([dst, loop])
    deg = jnp.zeros((N,), jnp.float32).at[dst_l].add(1.0)
    dinv = jnp.where(deg > 0, 1.0 / jnp.sqrt(deg), 0.0)
    norm = dinv[src_l] * dinv[dst_l]
    h1 = jnp.maximum(_gcn_conv(x_t, src_l, dst_l, norm, conv1_W, conv1_b), 0.0)
    # dropout p=0.2, eval mode -> identity
    proj1_out = goid_t @ p1_W + p1_b
    h1 = jnp.where(mask[:, None], h1, proj1_out)
    h2 = jnp.maximum(_gcn_conv(h1, src_l, dst_l, norm, conv2_W, conv2_b), 0.0)
    h2 = jnp.where(mask[:, None], h2, proj1_out @ p2_W + p2_b)
    out = h2 @ fc_W + fc_b
    return out

if __name__ == "__main__":
    import jax
    _d = setup_inputs()
    print(jax.jit(kernel)(*tuple(_d.values())))

</pallas_src>

<mosaic_0001>
#map = affine_map<(d0, d1) -> (0, 0)>
#map1 = affine_map<(d0, d1) -> (0)>
#map2 = affine_map<(d0, d1) -> (0, 0, 0)>
module attributes {stable_mosaic.version = 14 : i64} {
  func.func @_edge_pass_kernel(%arg0: i32, %arg1: i32, %arg2: memref<10000x128xf32, #tpu.memory_space<hbm>>, %arg3: memref<320000xi32, #tpu.memory_space<hbm>>, %arg4: memref<320000xi32, #tpu.memory_space<hbm>>, %arg5: memref<2x10240x128xf32, #tpu.memory_space<hbm>>, %arg6: memref<104xi32, #tpu.memory_space<vmem>>, %arg7: memref<104xi32, #tpu.memory_space<vmem>>, %arg8: memref<104xi32, #tpu.memory_space<vmem>>, %arg9: memref<104xi32, #tpu.memory_space<vmem>>, %arg10: memref<104xi32, #tpu.memory_space<vmem>>, %arg11: memref<104xi32, #tpu.memory_space<vmem>>, %arg12: memref<104xi32, #tpu.memory_space<vmem>>, %arg13: memref<104xi32, #tpu.memory_space<vmem>>, %arg14: memref<104xi32, #tpu.memory_space<vmem>>, %arg15: memref<104xi32, #tpu.memory_space<vmem>>, %arg16: memref<104xi32, #tpu.memory_space<vmem>>, %arg17: memref<104xi32, #tpu.memory_space<vmem>>, %arg18: memref<3x104x128xf32, #tpu.memory_space<vmem>>, %arg19: memref<16xi32, #tpu.memory_space<vmem>>, %arg20: memref<16xi32, #tpu.memory_space<vmem>>, %arg21: memref<16x128xf32, #tpu.memory_space<vmem>>, %arg22: memref<10240x128xf32, #tpu.memory_space<vmem_shared>>, %arg23: memref<!tpu.dma_semaphore, #tpu.memory_space<semaphore_mem>>, %arg24: memref<!tpu.dma_semaphore, #tpu.memory_space<semaphore_mem>>, %arg25: memref<!tpu.dma_semaphore, #tpu.memory_space<semaphore_mem>>, %arg26: memref<!tpu.dma_semaphore, #tpu.memory_space<semaphore_mem>>, %arg27: memref<!tpu.dma_semaphore, #tpu.memory_space<semaphore_mem>>, %arg28: memref<!tpu.dma_semaphore, #tpu.memory_space<semaphore_mem>>, %arg29: memref<!tpu.dma_semaphore, #tpu.memory_space<semaphore_mem>>, %arg30: memref<!tpu.dma_semaphore, #tpu.memory_space<semaphore_mem>>, %arg31: memref<!tpu.dma_semaphore, #tpu.memory_space<semaphore_mem>>, %arg32: memref<!tpu.dma_semaphore, #tpu.memory_space<semaphore_mem>>, %arg33: memref<!tpu.dma_semaphore, #tpu.memory_space<semaphore_mem>>, %arg34: memref<!tpu.dma_semaphore, #tpu.memory_space<semaphore_mem>>) attributes {dimension_semantics = [#tpu.dimension_semantics<core_parallel>, #tpu.dimension_semantics<subcore_parallel>], iteration_bounds = array<i64: 2, 16>, scalar_prefetch = 0 : i64, scratch_operands = 29 : i64, tpu.core_type = #tpu.core_type<sc_vector_subcore>, window_params = [{transform_indices = #map}, {transform_indices = #map1}, {transform_indices = #map1}, {transform_indices = #map2}]} {
    %mul3A = arith.constant 16 : i32
    %mul3A_0 = arith.muli %arg0, %mul3A : i32
    %add3A = arith.addi %mul3A_0, %arg1 : i32
    %scan3A = arith.constant 0 : i32
    %scan3A_1 = arith.constant 0 : i32
    %scan3A_2 = arith.constant 832 : i32
    %scan3A_3 = arith.addi %scan3A_1, %scan3A_2 : i32
    %scan3A_4 = arith.constant 1 : i32
    scf.for %scan3A_136 = %scan3A_1 to %scan3A_3 step %scan3A_4  : i32 {
      %jit3A = arith.constant 8 : i32
      %div3A = arith.divsi %scan3A_136, %jit3A : i32
      %sign3A = arith.constant 0 : i32
      %sign3A_137 = arith.cmpi sgt, %scan3A_136, %sign3A : i32
      %sign3A_138 = arith.extui %sign3A_137 : i1 to i32
      %sign3A_139 = arith.constant 0 : i32
      %sign3A_140 = arith.cmpi slt, %scan3A_136, %sign3A_139 : i32
      %sign3A_141 = arith.extui %sign3A_140 : i1 to i32
      %sign3A_142 = arith.subi %sign3A_138, %sign3A_141 : i32
      %sign3A_143 = arith.constant 0 : i32
      %sign3A_144 = arith.cmpi sgt, %jit3A, %sign3A_143 : i32
      %sign3A_145 = arith.extui %sign3A_144 : i1 to i32
      %sign3A_146 = arith.constant 0 : i32
      %sign3A_147 = arith.cmpi slt, %jit3A, %sign3A_146 : i32
      %sign3A_148 = arith.extui %sign3A_147 : i1 to i32
      %sign3A_149 = arith.subi %sign3A_145, %sign3A_148 : i32
      %ne3A = arith.cmpi ne, %sign3A_142, %sign3A_149 : i32
      %rem3A = arith.remsi %scan3A_136, %jit3A : i32
      %ne3A_150 = arith.constant 0 : i32
      %ne3A_151 = arith.cmpi ne, %rem3A, %ne3A_150 : i32
      %and3A = arith.andi %ne3A, %ne3A_151 : i1
      %sub3A = arith.constant 1 : i32
      %sub3A_152 = arith.subi %div3A, %sub3A : i32
      %select_n3A = arith.select %and3A, %sub3A_152, %div3A : i32
      %jit3A_153 = arith.constant 8 : i32
      %eq3A = arith.constant 0 : i32
      %eq3A_154 = arith.cmpi eq, %jit3A_153, %eq3A : i32
      %jit3A_155 = arith.constant 1 : i32
      %select_n3A_156 = arith.select %eq3A_154, %jit3A_155, %jit3A_153 : i32
      %rem3A_157 = arith.remsi %scan3A_136, %select_n3A_156 : i32
      %ne3A_158 = arith.constant 0 : i32
      %ne3A_159 = arith.cmpi ne, %rem3A_157, %ne3A_158 : i32
      %lt3A = arith.constant 0 : i32
      %lt3A_160 = arith.cmpi slt, %rem3A_157, %lt3A : i32
      %lt3A_161 = arith.constant 0 : i32
      %lt3A_162 = arith.cmpi slt, %select_n3A_156, %lt3A_161 : i32
      %ne3A_163 = arith.xori %lt3A_160, %lt3A_162 : i1
      %and3A_164 = arith.andi %ne3A_163, %ne3A_159 : i1
      %add3A_165 = arith.addi %rem3A_157, %select_n3A_156 : i32
      %select_n3A_166 = arith.select %and3A_164, %add3A_165, %rem3A_157 : i32
      %broadcast_in_dim3A = arith.constant 0.000000e+00 : f32
      %broadcast_in_dim3A_167 = vector.broadcast %broadcast_in_dim3A : f32 to vector<16xf32>
      %mul3A_168 = arith.constant 16 : i32
      %mul3A_169 = arith.muli %select_n3A_166, %mul3A_168 : i32
      %swap3A = arith.constant 0 : i32
      %swap3A_170 = arith.index_cast %swap3A : i32 to index
      %swap3A_171 = arith.index_cast %select_n3A : i32 to index
      %swap3A_172 = arith.index_cast %mul3A_169 : i32 to index
      %swap3A_173 = tpu.vector_load %arg18[%swap3A_170, %swap3A_171, %swap3A_172] {strides = array<i32>} : memref<3x104x128xf32, #tpu.memory_space<vmem>>, vector<16xf32>,
      tpu.vector_store %arg18[%swap3A_170, %swap3A_171, %swap3A_172], %broadcast_in_dim3A_167 {strides = array<i32>} : memref<3x104x128xf32, #tpu.memory_space<vmem>>, vector<16xf32>,
    }
    %scan3A_5 = arith.constant 832 : i32
    %mul3A_6 = arith.constant 640 : i32
    %mul3A_7 = arith.muli %arg1, %mul3A_6 : i32
    %add3A_8 = arith.constant 0 : i32
    %add3A_9 = arith.addi %mul3A_7, %add3A_8 : i32
    %run_scoped3A = arith.constant 0 : i32
    "tpu.region"() ({
      %run_scoped3A_136 = tpu.sem_alloc : memref<!tpu.dma_semaphore, #tpu.memory_space<semaphore_mem>>
      %dma_start3A_137 = arith.constant 0 : i32
      %dma_start3A_138 = arith.constant 0 : i32
      %dma_start3A_139 = tpu.memref_slice %arg18[%run_scoped3A, %dma_start3A_137, %dma_start3A_138] : memref<3x104x128xf32, #tpu.memory_space<vmem>> -> memref<1x104x128xf32, #tpu.memory_space<vmem>>
      %dma_start3A_140 = tpu.memref_squeeze %dma_start3A_139 : memref<1x104x128xf32, #tpu.memory_space<vmem>> -> memref<104x128xf32, #tpu.memory_space<vmem>>
      %dma_start3A_141 = arith.constant 0 : i32
      %dma_start3A_142 = tpu.memref_slice %arg22[%add3A_9, %dma_start3A_141] : memref<10240x128xf32, #tpu.memory_space<vmem_shared>> -> memref<104x128xf32, #tpu.memory_space<vmem_shared>>
      %dma_start3A_143 = arith.constant 0 : i32
      %dma_start3A_144 = tpu.memref_slice %arg22[%add3A_9, %dma_start3A_143] : memref<10240x128xf32, #tpu.memory_space<vmem_shared>> -> memref<104x128xf32, #tpu.memory_space<vmem_shared>>
      %dma_start3A_145 = arith.constant 0 : i32
      %dma_start3A_146 = arith.constant 0 : i32
      %dma_start3A_147 = tpu.memref_slice %arg18[%run_scoped3A, %dma_start3A_145, %dma_start3A_146] : memref<3x104x128xf32, #tpu.memory_space<vmem>> -> memref<1x104x128xf32, #tpu.memory_space<vmem>>
      %dma_start3A_148 = tpu.memref_squeeze %dma_start3A_147 : memref<1x104x128xf32, #tpu.memory_space<vmem>> -> memref<104x128xf32, #tpu.memory_space<vmem>>
      tpu.enqueue_dma source(%dma_start3A_148 : memref<104x128xf32, #tpu.memory_space<vmem>>) target(%dma_start3A_144 : memref<104x128xf32, #tpu.memory_space<vmem_shared>>) target_semaphore(%run_scoped3A_136 : memref<!tpu.dma_semaphore, #tpu.memory_space<semaphore_mem>>)
      %dma_wait3A_149 = arith.constant 0 : i32
      %dma_wait3A_150 = arith.constant 0 : i32
      %dma_wait3A_151 = tpu.memref_slice %arg18[%run_scoped3A, %dma_wait3A_149, %dma_wait3A_150] : memref<3x104x128xf32, #tpu.memory_space<vmem>> -> memref<1x104x128xf32, #tpu.memory_space<vmem>>
      %dma_wait3A_152 = tpu.memref_squeeze %dma_wait3A_151 : memref<1x104x128xf32, #tpu.memory_space<vmem>> -> memref<104x128xf32, #tpu.memory_space<vmem>>
      %dma_wait3A_153 = arith.constant 0 : i32
      %dma_wait3A_154 = tpu.memref_slice %arg22[%add3A_9, %dma_wait3A_153] : memref<10240x128xf32, #tpu.memory_space<vmem_shared>> -> memref<104x128xf32, #tpu.memory_space<vmem_shared>>
      %dma_wait3A_155 = arith.constant 0 : i32
      %dma_wait3A_156 = tpu.memref_slice %arg22[%add3A_9, %dma_wait3A_155] : memref<10240x128xf32, #tpu.memory_space<vmem_shared>> -> memref<104x128xf32, #tpu.memory_space<vmem_shared>>
      %dma_wait3A_157 = arith.constant 0 : i32
      %dma_wait3A_158 = arith.constant 0 : i32
      %dma_wait3A_159 = tpu.memref_slice %arg18[%run_scoped3A, %dma_wait3A_157, %dma_wait3A_158] : memref<3x104x128xf32, #tpu.memory_space<vmem>> -> memref<1x104x128xf32, #tpu.memory_space<vmem>>
      %dma_wait3A_160 = tpu.memref_squeeze %dma_wait3A_159 : memref<1x104x128xf32, #tpu.memory_space<vmem>> -> memref<104x128xf32, #tpu.memory_space<vmem>>
      tpu.wait_dma2 semaphore(%run_scoped3A_136 : memref<!tpu.dma_semaphore, #tpu.memory_space<semaphore_mem>>) src(%dma_wait3A_160 : memref<104x128xf32, #tpu.memory_space<vmem>>) dst(%dma_wait3A_156 : memref<104x128xf32, #tpu.memory_space<vmem_shared>>)
      tpu.yield
    }) : () -> ()
    %add3A_10 = arith.constant 104 : i32
    %add3A_11 = arith.addi %mul3A_7, %add3A_10 : i32
    %run_scoped3A_12 = arith.constant 0 : i32
    "tpu.region"() ({
      %run_scoped3A_136 = tpu.sem_alloc : memref<!tpu.dma_semaphore, #tpu.memory_space<semaphore_mem>>
      %dma_start3A_137 = arith.constant 0 : i32
      %dma_start3A_138 = arith.constant 0 : i32
      %dma_start3A_139 = tpu.memref_slice %arg18[%run_scoped3A_12, %dma_start3A_137, %dma_start3A_138] : memref<3x104x128xf32, #tpu.memory_space<vmem>> -> memref<1x104x128xf32, #tpu.memory_space<vmem>>
      %dma_start3A_140 = tpu.memref_squeeze %dma_start3A_139 : memref<1x104x128xf32, #tpu.memory_space<vmem>> -> memref<104x128xf32, #tpu.memory_space<vmem>>
      %dma_start3A_141 = arith.constant 0 : i32
      %dma_start3A_142 = tpu.memref_slice %arg22[%add3A_11, %dma_start3A_141] : memref<10240x128xf32, #tpu.memory_space<vmem_shared>> -> memref<104x128xf32, #tpu.memory_space<vmem_shared>>
      %dma_start3A_143 = arith.constant 0 : i32
      %dma_start3A_144 = tpu.memref_slice %arg22[%add3A_11, %dma_start3A_143] : memref<10240x128xf32, #tpu.memory_space<vmem_shared>> -> memref<104x128xf32, #tpu.memory_space<vmem_shared>>
      %dma_start3A_145 = arith.constant 0 : i32
      %dma_start3A_146 = arith.constant 0 : i32
      %dma_start3A_147 = tpu.memref_slice %arg18[%run_scoped3A_12, %dma_start3A_145, %dma_start3A_146] : memref<3x104x128xf32, #tpu.memory_space<vmem>> -> memref<1x104x128xf32, #tpu.memory_space<vmem>>
      %dma_start3A_148 = tpu.memref_squeeze %dma_start3A_147 : memref<1x104x128xf32, #tpu.memory_space<vmem>> -> memref<104x128xf32, #tpu.memory_space<vmem>>
      tpu.enqueue_dma source(%dma_start3A_148 : memref<104x128xf32, #tpu.memory_space<vmem>>) target(%dma_start3A_144 : memref<104x128xf32, #tpu.memory_space<vmem_shared>>) target_semaphore(%run_scoped3A_136 : memref<!tpu.dma_semaphore, #tpu.memory_space<semaphore_mem>>)
      %dma_wait3A_149 = arith.constant 0 : i32
      %dma_wait3A_150 = arith.constant 0 : i32
      %dma_wait3A_151 = tpu.memref_slice %arg18[%run_scoped3A_12, %dma_wait3A_149, %dma_wait3A_150] : memref<3x104x128xf32, #tpu.memory_space<vmem>> -> memref<1x104x128xf32, #tpu.memory_space<vmem>>
      %dma_wait3A_152 = tpu.memref_squeeze %dma_wait3A_151 : memref<1x104x128xf32, #tpu.memory_space<vmem>> -> memref<104x128xf32, #tpu.memory_space<vmem>>
      %dma_wait3A_153 = arith.constant 0 : i32
      %dma_wait3A_154 = tpu.memref_slice %arg22[%add3A_11, %dma_wait3A_153] : memref<10240x128xf32, #tpu.memory_space<vmem_shared>> -> memref<104x128xf32, #tpu.memory_space<vmem_shared>>
      %dma_wait3A_155 = arith.constant 0 : i32
      %dma_wait3A_156 = tpu.memref_slice %arg22[%add3A_11, %dma_wait3A_155] : memref<10240x128xf32, #tpu.memory_space<vmem_shared>> -> memref<104x128xf32, #tpu.memory_space<vmem_shared>>
      %dma_wait3A_157 = arith.constant 0 : i32
      %dma_wait3A_158 = arith.constant 0 : i32
      %dma_wait3A_159 = tpu.memref_slice %arg18[%run_scoped3A_12, %dma_wait3A_157, %dma_wait3A_158] : memref<3x104x128xf32, #tpu.memory_space<vmem>> -> memref<1x104x128xf32, #tpu.memory_space<vmem>>
      %dma_wait3A_160 = tpu.memref_squeeze %dma_wait3A_159 : memref<1x104x128xf32, #tpu.memory_space<vmem>> -> memref<104x128xf32, #tpu.memory_space<vmem>>
      tpu.wait_dma2 semaphore(%run_scoped3A_136 : memref<!tpu.dma_semaphore, #tpu.memory_space<semaphore_mem>>) src(%dma_wait3A_160 : memref<104x128xf32, #tpu.memory_space<vmem>>) dst(%dma_wait3A_156 : memref<104x128xf32, #tpu.memory_space<vmem_shared>>)
      tpu.yield
    }) : () -> ()
    %add3A_13 = arith.constant 208 : i32
    %add3A_14 = arith.addi %mul3A_7, %add3A_13 : i32
    %run_scoped3A_15 = arith.constant 0 : i32
    "tpu.region"() ({
      %run_scoped3A_136 = tpu.sem_alloc : memref<!tpu.dma_semaphore, #tpu.memory_space<semaphore_mem>>
      %dma_start3A_137 = arith.constant 0 : i32
      %dma_start3A_138 = arith.constant 0 : i32
      %dma_start3A_139 = tpu.memref_slice %arg18[%run_scoped3A_15, %dma_start3A_137, %dma_start3A_138] : memref<3x104x128xf32, #tpu.memory_space<vmem>> -> memref<1x104x128xf32, #tpu.memory_space<vmem>>
      %dma_start3A_140 = tpu.memref_squeeze %dma_start3A_139 : memref<1x104x128xf32, #tpu.memory_space<vmem>> -> memref<104x128xf32, #tpu.memory_space<vmem>>
      %dma_start3A_141 = arith.constant 0 : i32
      %dma_start3A_142 = tpu.memref_slice %arg22[%add3A_14, %dma_start3A_141] : memref<10240x128xf32, #tpu.memory_space<vmem_shared>> -> memref<104x128xf32, #tpu.memory_space<vmem_shared>>
      %dma_start3A_143 = arith.constant 0 : i32
      %dma_start3A_144 = tpu.memref_slice %arg22[%add3A_14, %dma_start3A_143] : memref<10240x128xf32, #tpu.memory_space<vmem_shared>> -> memref<104x128xf32, #tpu.memory_space<vmem_shared>>
      %dma_start3A_145 = arith.constant 0 : i32
      %dma_start3A_146 = arith.constant 0 : i32
      %dma_start3A_147 = tpu.memref_slice %arg18[%run_scoped3A_15, %dma_start3A_145, %dma_start3A_146] : memref<3x104x128xf32, #tpu.memory_space<vmem>> -> memref<1x104x128xf32, #tpu.memory_space<vmem>>
      %dma_start3A_148 = tpu.memref_squeeze %dma_start3A_147 : memref<1x104x128xf32, #tpu.memory_space<vmem>> -> memref<104x128xf32, #tpu.memory_space<vmem>>
      tpu.enqueue_dma source(%dma_start3A_148 : memref<104x128xf32, #tpu.memory_space<vmem>>) target(%dma_start3A_144 : memref<104x128xf32, #tpu.memory_space<vmem_shared>>) target_semaphore(%run_scoped3A_136 : memref<!tpu.dma_semaphore, #tpu.memory_space<semaphore_mem>>)
      %dma_wait3A_149 = arith.constant 0 : i32
      %dma_wait3A_150 = arith.constant 0 : i32
      %dma_wait3A_151 = tpu.memref_slice %arg18[%run_scoped3A_15, %dma_wait3A_149, %dma_wait3A_150] : memref<3x104x128xf32, #tpu.memory_space<vmem>> -> memref<1x104x128xf32, #tpu.memory_space<vmem>>
      %dma_wait3A_152 = tpu.memref_squeeze %dma_wait3A_151 : memref<1x104x128xf32, #tpu.memory_space<vmem>> -> memref<104x128xf32, #tpu.memory_space<vmem>>
      %dma_wait3A_153 = arith.constant 0 : i32
      %dma_wait3A_154 = tpu.memref_slice %arg22[%add3A_14, %dma_wait3A_153] : memref<10240x128xf32, #tpu.memory_space<vmem_shared>> -> memref<104x128xf32, #tpu.memory_space<vmem_shared>>
      %dma_wait3A_155 = arith.constant 0 : i32
      %dma_wait3A_156 = tpu.memref_slice %arg22[%add3A_14, %dma_wait3A_155] : memref<10240x128xf32, #tpu.memory_space<vmem_shared>> -> memref<104x128xf32, #tpu.memory_space<vmem_shared>>
      %dma_wait3A_157 = arith.constant 0 : i32
      %dma_wait3A_158 = arith.constant 0 : i32
      %dma_wait3A_159 = tpu.memref_slice %arg18[%run_scoped3A_15, %dma_wait3A_157, %dma_wait3A_158] : memref<3x104x128xf32, #tpu.memory_space<vmem>> -> memref<1x104x128xf32, #tpu.memory_space<vmem>>
      %dma_wait3A_160 = tpu.memref_squeeze %dma_wait3A_159 : memref<1x104x128xf32, #tpu.memory_space<vmem>> -> memref<104x128xf32, #tpu.memory_space<vmem>>
      tpu.wait_dma2 semaphore(%run_scoped3A_136 : memref<!tpu.dma_semaphore, #tpu.memory_space<semaphore_mem>>) src(%dma_wait3A_160 : memref<104x128xf32, #tpu.memory_space<vmem>>) dst(%dma_wait3A_156 : memref<104x128xf32, #tpu.memory_space<vmem_shared>>)
      tpu.yield
    }) : () -> ()
    %add3A_16 = arith.constant 312 : i32
    %add3A_17 = arith.addi %mul3A_7, %add3A_16 : i32
    %run_scoped3A_18 = arith.constant 0 : i32
    "tpu.region"() ({
      %run_scoped3A_136 = tpu.sem_alloc : memref<!tpu.dma_semaphore, #tpu.memory_space<semaphore_mem>>
      %dma_start3A_137 = arith.constant 0 : i32
      %dma_start3A_138 = arith.constant 0 : i32
      %dma_start3A_139 = tpu.memref_slice %arg18[%run_scoped3A_18, %dma_start3A_137, %dma_start3A_138] : memref<3x104x128xf32, #tpu.memory_space<vmem>> -> memref<1x104x128xf32, #tpu.memory_space<vmem>>
      %dma_start3A_140 = tpu.memref_squeeze %dma_start3A_139 : memref<1x104x128xf32, #tpu.memory_space<vmem>> -> memref<104x128xf32, #tpu.memory_space<vmem>>
      %dma_start3A_141 = arith.constant 0 : i32
      %dma_start3A_142 = tpu.memref_slice %arg22[%add3A_17, %dma_start3A_141] : memref<10240x128xf32, #tpu.memory_space<vmem_shared>> -> memref<104x128xf32, #tpu.memory_space<vmem_shared>>
      %dma_start3A_143 = arith.constant 0 : i32
      %dma_start3A_144 = tpu.memref_slice %arg22[%add3A_17, %dma_start3A_143] : memref<10240x128xf32, #tpu.memory_space<vmem_shared>> -> memref<104x128xf32, #tpu.memory_space<vmem_shared>>
      %dma_start3A_145 = arith.constant 0 : i32
      %dma_start3A_146 = arith.constant 0 : i32
      %dma_start3A_147 = tpu.memref_slice %arg18[%run_scoped3A_18, %dma_start3A_145, %dma_start3A_146] : memref<3x104x128xf32, #tpu.memory_space<vmem>> -> memref<1x104x128xf32, #tpu.memory_space<vmem>>
      %dma_start3A_148 = tpu.memref_squeeze %dma_start3A_147 : memref<1x104x128xf32, #tpu.memory_space<vmem>> -> memref<104x128xf32, #tpu.memory_space<vmem>>
      tpu.enqueue_dma source(%dma_start3A_148 : memref<104x128xf32, #tpu.memory_space<vmem>>) target(%dma_start3A_144 : memref<104x128xf32, #tpu.memory_space<vmem_shared>>) target_semaphore(%run_scoped3A_136 : memref<!tpu.dma_semaphore, #tpu.memory_space<semaphore_mem>>)
      %dma_wait3A_149 = arith.constant 0 : i32
      %dma_wait3A_150 = arith.constant 0 : i32
      %dma_wait3A_151 = tpu.memref_slice %arg18[%run_scoped3A_18, %dma_wait3A_149, %dma_wait3A_150] : memref<3x104x128xf32, #tpu.memory_space<vmem>> -> memref<1x104x128xf32, #tpu.memory_space<vmem>>
      %dma_wait3A_152 = tpu.memref_squeeze %dma_wait3A_151 : memref<1x104x128xf32, #tpu.memory_space<vmem>> -> memref<104x128xf32, #tpu.memory_space<vmem>>
      %dma_wait3A_153 = arith.constant 0 : i32
      %dma_wait3A_154 = tpu.memref_slice %arg22[%add3A_17, %dma_wait3A_153] : memref<10240x128xf32, #tpu.memory_space<vmem_shared>> -> memref<104x128xf32, #tpu.memory_space<vmem_shared>>
      %dma_wait3A_155 = arith.constant 0 : i32
      %dma_wait3A_156 = tpu.memref_slice %arg22[%add3A_17, %dma_wait3A_155] : memref<10240x128xf32, #tpu.memory_space<vmem_shared>> -> memref<104x128xf32, #tpu.memory_space<vmem_shared>>
      %dma_wait3A_157 = arith.constant 0 : i32
      %dma_wait3A_158 = arith.constant 0 : i32
      %dma_wait3A_159 = tpu.memref_slice %arg18[%run_scoped3A_18, %dma_wait3A_157, %dma_wait3A_158] : memref<3x104x128xf32, #tpu.memory_space<vmem>> -> memref<1x104x128xf32, #tpu.memory_space<vmem>>
      %dma_wait3A_160 = tpu.memref_squeeze %dma_wait3A_159 : memref<1x104x128xf32, #tpu.memory_space<vmem>> -> memref<104x128xf32, #tpu.memory_space<vmem>>
      tpu.wait_dma2 semaphore(%run_scoped3A_136 : memref<!tpu.dma_semaphore, #tpu.memory_space<semaphore_mem>>) src(%dma_wait3A_160 : memref<104x128xf32, #tpu.memory_space<vmem>>) dst(%dma_wait3A_156 : memref<104x128xf32, #tpu.memory_space<vmem_shared>>)
      tpu.yield
    }) : () -> ()
    %add3A_19 = arith.constant 416 : i32
    %add3A_20 = arith.addi %mul3A_7, %add3A_19 : i32
    %run_scoped3A_21 = arith.constant 0 : i32
    "tpu.region"() ({
      %run_scoped3A_136 = tpu.sem_alloc : memref<!tpu.dma_semaphore, #tpu.memory_space<semaphore_mem>>
      %dma_start3A_137 = arith.constant 0 : i32
      %dma_start3A_138 = arith.constant 0 : i32
      %dma_start3A_139 = tpu.memref_slice %arg18[%run_scoped3A_21, %dma_start3A_137, %dma_start3A_138] : memref<3x104x128xf32, #tpu.memory_space<vmem>> -> memref<1x104x128xf32, #tpu.memory_space<vmem>>
      %dma_start3A_140 = tpu.memref_squeeze %dma_start3A_139 : memref<1x104x128xf32, #tpu.memory_space<vmem>> -> memref<104x128xf32, #tpu.memory_space<vmem>>
      %dma_start3A_141 = arith.constant 0 : i32
      %dma_start3A_142 = tpu.memref_slice %arg22[%add3A_20, %dma_start3A_141] : memref<10240x128xf32, #tpu.memory_space<vmem_shared>> -> memref<104x128xf32, #tpu.memory_space<vmem_shared>>
      %dma_start3A_143 = arith.constant 0 : i32
      %dma_start3A_144 = tpu.memref_slice %arg22[%add3A_20, %dma_start3A_143] : memref<10240x128xf32, #tpu.memory_space<vmem_shared>> -> memref<104x128xf32, #tpu.memory_space<vmem_shared>>
      %dma_start3A_145 = arith.constant 0 : i32
      %dma_start3A_146 = arith.constant 0 : i32
      %dma_start3A_147 = tpu.memref_slice %arg18[%run_scoped3A_21, %dma_start3A_145, %dma_start3A_146] : memref<3x104x128xf32, #tpu.memory_space<vmem>> -> memref<1x104x128xf32, #tpu.memory_space<vmem>>
      %dma_start3A_148 = tpu.memref_squeeze %dma_start3A_147 : memref<1x104x128xf32, #tpu.memory_space<vmem>> -> memref<104x128xf32, #tpu.memory_space<vmem>>
      tpu.enqueue_dma source(%dma_start3A_148 : memref<104x128xf32, #tpu.memory_space<vmem>>) target(%dma_start3A_144 : memref<104x128xf32, #tpu.memory_space<vmem_shared>>) target_semaphore(%run_scoped3A_136 : memref<!tpu.dma_semaphore, #tpu.memory_space<semaphore_mem>>)
      %dma_wait3A_149 = arith.constant 0 : i32
      %dma_wait3A_150 = arith.constant 0 : i32
      %dma_wait3A_151 = tpu.memref_slice %arg18[%run_scoped3A_21, %dma_wait3A_149, %dma_wait3A_150] : memref<3x104x128xf32, #tpu.memory_space<vmem>> -> memref<1x104x128xf32, #tpu.memory_space<vmem>>
      %dma_wait3A_152 = tpu.memref_squeeze %dma_wait3A_151 : memref<1x104x128xf32, #tpu.memory_space<vmem>> -> memref<104x128xf32, #tpu.memory_space<vmem>>
      %dma_wait3A_153 = arith.constant 0 : i32
      %dma_wait3A_154 = tpu.memref_slice %arg22[%add3A_20, %dma_wait3A_153] : memref<10240x128xf32, #tpu.memory_space<vmem_shared>> -> memref<104x128xf32, #tpu.memory_space<vmem_shared>>
      %dma_wait3A_155 = arith.constant 0 : i32
      %dma_wait3A_156 = tpu.memref_slice %arg22[%add3A_20, %dma_wait3A_155] : memref<10240x128xf32, #tpu.memory_space<vmem_shared>> -> memref<104x128xf32, #tpu.memory_space<vmem_shared>>
      %dma_wait3A_157 = arith.constant 0 : i32
      %dma_wait3A_158 = arith.constant 0 : i32
      %dma_wait3A_159 = tpu.memref_slice %arg18[%run_scoped3A_21, %dma_wait3A_157, %dma_wait3A_158] : memref<3x104x128xf32, #tpu.memory_space<vmem>> -> memref<1x104x128xf32, #tpu.memory_space<vmem>>
      %dma_wait3A_160 = tpu.memref_squeeze %dma_wait3A_159 : memref<1x104x128xf32, #tpu.memory_space<vmem>> -> memref<104x128xf32, #tpu.memory_space<vmem>>
      tpu.wait_dma2 semaphore(%run_scoped3A_136 : memref<!tpu.dma_semaphore, #tpu.memory_space<semaphore_mem>>) src(%dma_wait3A_160 : memref<104x128xf32, #tpu.memory_space<vmem>>) dst(%dma_wait3A_156 : memref<104x128xf32, #tpu.memory_space<vmem_shared>>)
      tpu.yield
    }) : () -> ()
    %add3A_22 = arith.constant 520 : i32
    %add3A_23 = arith.addi %mul3A_7, %add3A_22 : i32
    %run_scoped3A_24 = arith.constant 0 : i32
    "tpu.region"() ({
      %run_scoped3A_136 = tpu.sem_alloc : memref<!tpu.dma_semaphore, #tpu.memory_space<semaphore_mem>>
      %dma_start3A_137 = arith.constant 0 : i32
      %dma_start3A_138 = arith.constant 0 : i32
      %dma_start3A_139 = tpu.memref_slice %arg18[%run_scoped3A_24, %dma_start3A_137, %dma_start3A_138] : memref<3x104x128xf32, #tpu.memory_space<vmem>> -> memref<1x104x128xf32, #tpu.memory_space<vmem>>
      %dma_start3A_140 = tpu.memref_squeeze %dma_start3A_139 : memref<1x104x128xf32, #tpu.memory_space<vmem>> -> memref<104x128xf32, #tpu.memory_space<vmem>>
      %dma_start3A_141 = arith.constant 0 : i32
      %dma_start3A_142 = tpu.memref_slice %arg22[%add3A_23, %dma_start3A_141] : memref<10240x128xf32, #tpu.memory_space<vmem_shared>> -> memref<104x128xf32, #tpu.memory_space<vmem_shared>>
      %dma_start3A_143 = arith.constant 0 : i32
      %dma_start3A_144 = tpu.memref_slice %arg22[%add3A_23, %dma_start3A_143] : memref<10240x128xf32, #tpu.memory_space<vmem_shared>> -> memref<104x128xf32, #tpu.memory_space<vmem_shared>>
      %dma_start3A_145 = arith.constant 0 : i32
      %dma_start3A_146 = arith.constant 0 : i32
      %dma_start3A_147 = tpu.memref_slice %arg18[%run_scoped3A_24, %dma_start3A_145, %dma_start3A_146] : memref<3x104x128xf32, #tpu.memory_space<vmem>> -> memref<1x104x128xf32, #tpu.memory_space<vmem>>
      %dma_start3A_148 = tpu.memref_squeeze %dma_start3A_147 : memref<1x104x128xf32, #tpu.memory_space<vmem>> -> memref<104x128xf32, #tpu.memory_space<vmem>>
      tpu.enqueue_dma source(%dma_start3A_148 : memref<104x128xf32, #tpu.memory_space<vmem>>) target(%dma_start3A_144 : memref<104x128xf32, #tpu.memory_space<vmem_shared>>) target_semaphore(%run_scoped3A_136 : memref<!tpu.dma_semaphore, #tpu.memory_space<semaphore_mem>>)
      %dma_wait3A_149 = arith.constant 0 : i32
      %dma_wait3A_150 = arith.constant 0 : i32
      %dma_wait3A_151 = tpu.memref_slice %arg18[%run_scoped3A_24, %dma_wait3A_149, %dma_wait3A_150] : memref<3x104x128xf32, #tpu.memory_space<vmem>> -> memref<1x104x128xf32, #tpu.memory_space<vmem>>
      %dma_wait3A_152 = tpu.memref_squeeze %dma_wait3A_151 : memref<1x104x128xf32, #tpu.memory_space<vmem>> -> memref<104x128xf32, #tpu.memory_space<vmem>>
      %dma_wait3A_153 = arith.constant 0 : i32
      %dma_wait3A_154 = tpu.memref_slice %arg22[%add3A_23, %dma_wait3A_153] : memref<10240x128xf32, #tpu.memory_space<vmem_shared>> -> memref<104x128xf32, #tpu.memory_space<vmem_shared>>
      %dma_wait3A_155 = arith.constant 0 : i32
      %dma_wait3A_156 = tpu.memref_slice %arg22[%add3A_23, %dma_wait3A_155] : memref<10240x128xf32, #tpu.memory_space<vmem_shared>> -> memref<104x128xf32, #tpu.memory_space<vmem_shared>>
      %dma_wait3A_157 = arith.constant 0 : i32
      %dma_wait3A_158 = arith.constant 0 : i32
      %dma_wait3A_159 = tpu.memref_slice %arg18[%run_scoped3A_24, %dma_wait3A_157, %dma_wait3A_158] : memref<3x104x128xf32, #tpu.memory_space<vmem>> -> memref<1x104x128xf32, #tpu.memory_space<vmem>>
      %dma_wait3A_160 = tpu.memref_squeeze %dma_wait3A_159 : memref<1x104x128xf32, #tpu.memory_space<vmem>> -> memref<104x128xf32, #tpu.memory_space<vmem>>
      tpu.wait_dma2 semaphore(%run_scoped3A_136 : memref<!tpu.dma_semaphore, #tpu.memory_space<semaphore_mem>>) src(%dma_wait3A_160 : memref<104x128xf32, #tpu.memory_space<vmem>>) dst(%dma_wait3A_156 : memref<104x128xf32, #tpu.memory_space<vmem_shared>>)
      tpu.yield
    }) : () -> ()
    %add3A_25 = arith.constant 624 : i32
    %add3A_26 = arith.addi %mul3A_7, %add3A_25 : i32
    %run_scoped3A_27 = arith.constant 0 : i32
    "tpu.region"() ({
      %run_scoped3A_136 = tpu.sem_alloc : memref<!tpu.dma_semaphore, #tpu.memory_space<semaphore_mem>>
      %dma_start3A_137 = arith.constant 0 : i32
      %dma_start3A_138 = arith.constant 0 : i32
      %dma_start3A_139 = tpu.memref_slice %arg18[%run_scoped3A_27, %dma_start3A_137, %dma_start3A_138] : memref<3x104x128xf32, #tpu.memory_space<vmem>> -> memref<1x16x128xf32, #tpu.memory_space<vmem>>
      %dma_start3A_140 = tpu.memref_squeeze %dma_start3A_139 : memref<1x16x128xf32, #tpu.memory_space<vmem>> -> memref<16x128xf32, #tpu.memory_space<vmem>>
      %dma_start3A_141 = arith.constant 0 : i32
      %dma_start3A_142 = tpu.memref_slice %arg22[%add3A_26, %dma_start3A_141] : memref<10240x128xf32, #tpu.memory_space<vmem_shared>> -> memref<16x128xf32, #tpu.memory_space<vmem_shared>>
      %dma_start3A_143 = arith.constant 0 : i32
      %dma_start3A_144 = tpu.memref_slice %arg22[%add3A_26, %dma_start3A_143] : memref<10240x128xf32, #tpu.memory_space<vmem_shared>> -> memref<16x128xf32, #tpu.memory_space<vmem_shared>>
      %dma_start3A_145 = arith.constant 0 : i32
      %dma_start3A_146 = arith.constant 0 : i32
      %dma_start3A_147 = tpu.memref_slice %arg18[%run_scoped3A_27, %dma_start3A_145, %dma_start3A_146] : memref<3x104x128xf32, #tpu.memory_space<vmem>> -> memref<1x16x128xf32, #tpu.memory_space<vmem>>
      %dma_start3A_148 = tpu.memref_squeeze %dma_start3A_147 : memref<1x16x128xf32, #tpu.memory_space<vmem>> -> memref<16x128xf32, #tpu.memory_space<vmem>>
      tpu.enqueue_dma source(%dma_start3A_148 : memref<16x128xf32, #tpu.memory_space<vmem>>) target(%dma_start3A_144 : memref<16x128xf32, #tpu.memory_space<vmem_shared>>) target_semaphore(%run_scoped3A_136 : memref<!tpu.dma_semaphore, #tpu.memory_space<semaphore_mem>>)
      %dma_wait3A_149 = arith.constant 0 : i32
      %dma_wait3A_150 = arith.constant 0 : i32
      %dma_wait3A_151 = tpu.memref_slice %arg18[%run_scoped3A_27, %dma_wait3A_149, %dma_wait3A_150] : memref<3x104x128xf32, #tpu.memory_space<vmem>> -> memref<1x16x128xf32, #tpu.memory_space<vmem>>
      %dma_wait3A_152 = tpu.memref_squeeze %dma_wait3A_151 : memref<1x16x128xf32, #tpu.memory_space<vmem>> -> memref<16x128xf32, #tpu.memory_space<vmem>>
      %dma_wait3A_153 = arith.constant 0 : i32
      %dma_wait3A_154 = tpu.memref_slice %arg22[%add3A_26, %dma_wait3A_153] : memref<10240x128xf32, #tpu.memory_space<vmem_shared>> -> memref<16x128xf32, #tpu.memory_space<vmem_shared>>
      %dma_wait3A_155 = arith.constant 0 : i32
      %dma_wait3A_156 = tpu.memref_slice %arg22[%add3A_26, %dma_wait3A_155] : memref<10240x128xf32, #tpu.memory_space<vmem_shared>> -> memref<16x128xf32, #tpu.memory_space<vmem_shared>>
      %dma_wait3A_157 = arith.constant 0 : i32
      %dma_wait3A_158 = arith.constant 0 : i32
      %dma_wait3A_159 = tpu.memref_slice %arg18[%run_scoped3A_27, %dma_wait3A_157, %dma_wait3A_158] : memref<3x104x128xf32, #tpu.memory_space<vmem>> -> memref<1x16x128xf32, #tpu.memory_space<vmem>>
      %dma_wait3A_160 = tpu.memref_squeeze %dma_wait3A_159 : memref<1x16x128xf32, #tpu.memory_space<vmem>> -> memref<16x128xf32, #tpu.memory_space<vmem>>
      tpu.wait_dma2 semaphore(%run_scoped3A_136 : memref<!tpu.dma_semaphore, #tpu.memory_space<semaphore_mem>>) src(%dma_wait3A_160 : memref<16x128xf32, #tpu.memory_space<vmem>>) dst(%dma_wait3A_156 : memref<16x128xf32, #tpu.memory_space<vmem_shared>>)
      tpu.yield
    }) : () -> ()
    %barrier3A = arith.constant 0 : index
    tpu.barrier barrier_id(%barrier3A)
    %mul3A_28 = arith.constant 10000 : i32
    %mul3A_29 = arith.muli %add3A, %mul3A_28 : i32
    %add3A_30 = arith.constant 0 : i32
    %add3A_31 = arith.addi %mul3A_29, %add3A_30 : i32
    %dma_start3A = tpu.memref_slice %arg3[%add3A_31] : memref<320000xi32, #tpu.memory_space<hbm>> -> memref<104xi32, #tpu.memory_space<hbm>>
    %dma_start3A_32 = tpu.memref_slice %arg3[%add3A_31] : memref<320000xi32, #tpu.memory_space<hbm>> -> memref<104xi32, #tpu.memory_space<hbm>>
    tpu.enqueue_dma source(%dma_start3A_32 : memref<104xi32, #tpu.memory_space<hbm>>) target(%arg6 : memref<104xi32, #tpu.memory_space<vmem>>) target_semaphore(%arg23 : memref<!tpu.dma_semaphore, #tpu.memory_space<semaphore_mem>>)
    %dma_start3A_33 = tpu.memref_slice %arg4[%add3A_31] : memref<320000xi32, #tpu.memory_space<hbm>> -> memref<104xi32, #tpu.memory_space<hbm>>
    %dma_start3A_34 = tpu.memref_slice %arg4[%add3A_31] : memref<320000xi32, #tpu.memory_space<hbm>> -> memref<104xi32, #tpu.memory_space<hbm>>
    tpu.enqueue_dma source(%dma_start3A_34 : memref<104xi32, #tpu.memory_space<hbm>>) target(%arg12 : memref<104xi32, #tpu.memory_space<vmem>>) target_semaphore(%arg23 : memref<!tpu.dma_semaphore, #tpu.memory_space<semaphore_mem>>)
    %add3A_35 = arith.constant 104 : i32
    %add3A_36 = arith.addi %mul3A_29, %add3A_35 : i32
    %dma_start3A_37 = tpu.memref_slice %arg3[%add3A_36] : memref<320000xi32, #tpu.memory_space<hbm>> -> memref<104xi32, #tpu.memory_space<hbm>>
    %dma_start3A_38 = tpu.memref_slice %arg3[%add3A_36] : memref<320000xi32, #tpu.memory_space<hbm>> -> memref<104xi32, #tpu.memory_space<hbm>>
    tpu.enqueue_dma source(%dma_start3A_38 : memref<104xi32, #tpu.memory_space<hbm>>) target(%arg8 : memref<104xi32, #tpu.memory_space<vmem>>) target_semaphore(%arg25 : memref<!tpu.dma_semaphore, #tpu.memory_space<semaphore_mem>>)
    %dma_start3A_39 = tpu.memref_slice %arg4[%add3A_36] : memref<320000xi32, #tpu.memory_space<hbm>> -> memref<104xi32, #tpu.memory_space<hbm>>
    %dma_start3A_40 = tpu.memref_slice %arg4[%add3A_36] : memref<320000xi32, #tpu.memory_space<hbm>> -> memref<104xi32, #tpu.memory_space<hbm>>
    tpu.enqueue_dma source(%dma_start3A_40 : memref<104xi32, #tpu.memory_space<hbm>>) target(%arg14 : memref<104xi32, #tpu.memory_space<vmem>>) target_semaphore(%arg25 : memref<!tpu.dma_semaphore, #tpu.memory_space<semaphore_mem>>)
    %add3A_41 = arith.constant 208 : i32
    %add3A_42 = arith.addi %mul3A_29, %add3A_41 : i32
    %dma_start3A_43 = tpu.memref_slice %arg3[%add3A_42] : memref<320000xi32, #tpu.memory_space<hbm>> -> memref<104xi32, #tpu.memory_space<hbm>>
    %dma_start3A_44 = tpu.memref_slice %arg3[%add3A_42] : memref<320000xi32, #tpu.memory_space<hbm>> -> memref<104xi32, #tpu.memory_space<hbm>>
    tpu.enqueue_dma source(%dma_start3A_44 : memref<104xi32, #tpu.memory_space<hbm>>) target(%arg10 : memref<104xi32, #tpu.memory_space<vmem>>) target_semaphore(%arg27 : memref<!tpu.dma_semaphore, #tpu.memory_space<semaphore_mem>>)
    %dma_start3A_45 = tpu.memref_slice %arg4[%add3A_42] : memref<320000xi32, #tpu.memory_space<hbm>> -> memref<104xi32, #tpu.memory_space<hbm>>
    %dma_start3A_46 = tpu.memref_slice %arg4[%add3A_42] : memref<320000xi32, #tpu.memory_space<hbm>> -> memref<104xi32, #tpu.memory_space<hbm>>
    tpu.enqueue_dma source(%dma_start3A_46 : memref<104xi32, #tpu.memory_space<hbm>>) target(%arg16 : memref<104xi32, #tpu.memory_space<vmem>>) target_semaphore(%arg27 : memref<!tpu.dma_semaphore, #tpu.memory_space<semaphore_mem>>)
    %scan3A_47 = arith.constant 0 : i32
    %scan3A_48 = arith.constant 0 : i32
    %scan3A_49 = arith.constant 16 : i32
    %scan3A_50 = arith.addi %scan3A_48, %scan3A_49 : i32
    %scan3A_51 = arith.constant 1 : i32
    scf.for %scan3A_136 = %scan3A_48 to %scan3A_50 step %scan3A_51  : i32 {
      %gt3A = arith.constant 0 : i32
      %gt3A_137 = arith.cmpi sgt, %scan3A_136, %gt3A : i32
      %convert_element_type3A = arith.extui %gt3A_137 : i1 to i32
      %cond3A = arith.constant 0 : i32
      %cond3A_138 = arith.cmpi ne, %convert_element_type3A, %cond3A : i32
      scf.if %cond3A_138 {
        %dma_wait3A_475 = arith.constant 0 : i32
        %dma_wait3A_476 = arith.constant 0 : i32
        %dma_wait3A_477 = arith.constant 0 : i32
        %dma_wait3A_478 = tpu.memref_slice %arg18[%dma_wait3A_475, %dma_wait3A_476, %dma_wait3A_477] : memref<3x104x128xf32, #tpu.memory_space<vmem>> -> memref<1x104x128xf32, #tpu.memory_space<vmem>>
        %dma_wait3A_479 = tpu.memref_squeeze %dma_wait3A_478 : memref<1x104x128xf32, #tpu.memory_space<vmem>> -> memref<104x128xf32, #tpu.memory_space<vmem>>
        %dma_wait3A_480 = arith.constant 0 : i32
        %dma_wait3A_481 = arith.constant 0 : i32
        %dma_wait3A_482 = tpu.memref_slice %arg2[%dma_wait3A_480, %dma_wait3A_481] : memref<10000x128xf32, #tpu.memory_space<hbm>> -> memref<104x128xf32, #tpu.memory_space<hbm>>
        %dma_wait3A_483 = arith.constant 0 : i32
        %dma_wait3A_484 = arith.constant 0 : i32
        %dma_wait3A_485 = tpu.memref_slice %arg18[%dma_wait3A_475, %dma_wait3A_483, %dma_wait3A_484] : memref<3x104x128xf32, #tpu.memory_space<vmem>> -> memref<1x104x128xf32, #tpu.memory_space<vmem>>
        %dma_wait3A_486 = tpu.memref_squeeze %dma_wait3A_485 : memref<1x104x128xf32, #tpu.memory_space<vmem>> -> memref<104x128xf32, #tpu.memory_space<vmem>>
        %dma_wait3A_487 = arith.constant 0 : i32
        %dma_wait3A_488 = arith.constant 0 : i32
        %dma_wait3A_489 = tpu.memref_slice %arg2[%dma_wait3A_487, %dma_wait3A_488] : memref<10000x128xf32, #tpu.memory_space<hbm>> -> memref<104x128xf32, #tpu.memory_space<hbm>>
        tpu.wait_dma2 semaphore(%arg32 : memref<!tpu.dma_semaphore, #tpu.memory_space<semaphore_mem>>) src(%dma_wait3A_489 : memref<104x128xf32, #tpu.memory_space<hbm>>) dst(%dma_wait3A_486 : memref<104x128xf32, #tpu.memory_space<vmem>>)
      } else {
      }
      %mul3A_139 = arith.constant 6 : i32
      %mul3A_140 = arith.muli %mul3A_139, %scan3A_136 : i32
      %add3A_141 = arith.constant 0 : i32
      %add3A_142 = arith.addi %mul3A_140, %add3A_141 : i32
      %add3A_143 = arith.constant 3 : i32
      %add3A_144 = arith.addi %add3A_142, %add3A_143 : i32
      %min3A = arith.constant 95 : i32
      %min3A_145 = arith.minsi %add3A_144, %min3A : i32
      %mul3A_146 = arith.constant 104 : i32
      %mul3A_147 = arith.muli %min3A_145, %mul3A_146 : i32
      %add3A_148 = arith.addi %mul3A_29, %mul3A_147 : i32
      %dma_start3A_149 = tpu.memref_slice %arg3[%add3A_148] : memref<320000xi32, #tpu.memory_space<hbm>> -> memref<104xi32, #tpu.memory_space<hbm>>
      %dma_start3A_150 = tpu.memref_slice %arg3[%add3A_148] : memref<320000xi32, #tpu.memory_space<hbm>> -> memref<104xi32, #tpu.memory_space<hbm>>
      tpu.enqueue_dma source(%dma_start3A_150 : memref<104xi32, #tpu.memory_space<hbm>>) target(%arg7 : memref<104xi32, #tpu.memory_space<vmem>>) target_semaphore(%arg24 : memref<!tpu.dma_semaphore, #tpu.memory_space<semaphore_mem>>)
      %dma_start3A_151 = tpu.memref_slice %arg4[%add3A_148] : memref<320000xi32, #tpu.memory_space<hbm>> -> memref<104xi32, #tpu.memory_space<hbm>>
      %dma_start3A_152 = tpu.memref_slice %arg4[%add3A_148] : memref<320000xi32, #tpu.memory_space<hbm>> -> memref<104xi32, #tpu.memory_space<hbm>>
      tpu.enqueue_dma source(%dma_start3A_152 : memref<104xi32, #tpu.memory_space<hbm>>) target(%arg13 : memref<104xi32, #tpu.memory_space<vmem>>) target_semaphore(%arg24 : memref<!tpu.dma_semaphore, #tpu.memory_space<semaphore_mem>>)
      %dma_wait3A_153 = arith.constant 0 : i32
      %dma_wait3A_154 = tpu.memref_slice %arg3[%dma_wait3A_153] : memref<320000xi32, #tpu.memory_space<hbm>> -> memref<104xi32, #tpu.memory_space<hbm>>
      %dma_wait3A_155 = arith.constant 0 : i32
      %dma_wait3A_156 = tpu.memref_slice %arg3[%dma_wait3A_155] : memref<320000xi32, #tpu.memory_space<hbm>> -> memref<104xi32, #tpu.memory_space<hbm>>
      tpu.wait_dma2 semaphore(%arg23 : memref<!tpu.dma_semaphore, #tpu.memory_space<semaphore_mem>>) src(%dma_wait3A_156 : memref<104xi32, #tpu.memory_space<hbm>>) dst(%arg6 : memref<104xi32, #tpu.memory_space<vmem>>)
      %dma_wait3A_157 = arith.constant 0 : i32
      %dma_wait3A_158 = tpu.memref_slice %arg4[%dma_wait3A_157] : memref<320000xi32, #tpu.memory_space<hbm>> -> memref<104xi32, #tpu.memory_space<hbm>>
      %dma_wait3A_159 = arith.constant 0 : i32
      %dma_wait3A_160 = tpu.memref_slice %arg4[%dma_wait3A_159] : memref<320000xi32, #tpu.memory_space<hbm>> -> memref<104xi32, #tpu.memory_space<hbm>>
      tpu.wait_dma2 semaphore(%arg23 : memref<!tpu.dma_semaphore, #tpu.memory_space<semaphore_mem>>) src(%dma_wait3A_160 : memref<104xi32, #tpu.memory_space<hbm>>) dst(%arg12 : memref<104xi32, #tpu.memory_space<vmem>>)
      %dma_start3A_161 = arith.constant 0 : i32
      %dma_start3A_162 = arith.constant 0 : i32
      %dma_start3A_163 = arith.constant 0 : i32
      %dma_start3A_164 = tpu.memref_slice %arg18[%dma_start3A_161, %dma_start3A_162, %dma_start3A_163] : memref<3x104x128xf32, #tpu.memory_space<vmem>> -> memref<1x104x128xf32, #tpu.memory_space<vmem>>
      %dma_start3A_165 = tpu.memref_squeeze %dma_start3A_164 : memref<1x104x128xf32, #tpu.memory_space<vmem>> -> memref<104x128xf32, #tpu.memory_space<vmem>>
      %dma_start3A_166 = arith.constant 0 : i32
      %dma_start3A_167 = arith.constant 0 : i32
      %dma_start3A_168 = tpu.memref_slice %arg2[%dma_start3A_166, %dma_start3A_167] : memref<10000x128xf32, #tpu.memory_space<hbm>> -> memref<10000x128xf32, #tpu.memory_space<hbm>>
      tpu.enqueue_indirect_dma source(%dma_start3A_168 : memref<10000x128xf32, #tpu.memory_space<hbm>>) target(%dma_start3A_165 : memref<104x128xf32, #tpu.memory_space<vmem>>) offsets(%arg6 : memref<104xi32, #tpu.memory_space<vmem>>) semaphore(%arg29 : memref<!tpu.dma_semaphore, #tpu.memory_space<semaphore_mem>>)
      %gt3A_169 = arith.constant 0 : i32
      %gt3A_170 = arith.cmpi sgt, %scan3A_136, %gt3A_169 : i32
      %convert_element_type3A_171 = arith.extui %gt3A_170 : i1 to i32
      %cond3A_172 = arith.constant 0 : i32
      %cond3A_173 = arith.cmpi ne, %convert_element_type3A_171, %cond3A_172 : i32
      scf.if %cond3A_173 {
        %dma_wait3A_475 = arith.constant 1 : i32
        %dma_wait3A_476 = arith.constant 0 : i32
        %dma_wait3A_477 = arith.constant 0 : i32
        %dma_wait3A_478 = tpu.memref_slice %arg18[%dma_wait3A_475, %dma_wait3A_476, %dma_wait3A_477] : memref<3x104x128xf32, #tpu.memory_space<vmem>> -> memref<1x104x128xf32, #tpu.memory_space<vmem>>
        %dma_wait3A_479 = tpu.memref_squeeze %dma_wait3A_478 : memref<1x104x128xf32, #tpu.memory_space<vmem>> -> memref<104x128xf32, #tpu.memory_space<vmem>>
        %dma_wait3A_480 = arith.constant 0 : i32
        %dma_wait3A_481 = arith.constant 0 : i32
        %dma_wait3A_482 = tpu.memref_slice %arg2[%dma_wait3A_480, %dma_wait3A_481] : memref<10000x128xf32, #tpu.memory_space<hbm>> -> memref<104x128xf32, #tpu.memory_space<hbm>>
        %dma_wait3A_483 = arith.constant 0 : i32
        %dma_wait3A_484 = arith.constant 0 : i32
        %dma_wait3A_485 = tpu.memref_slice %arg18[%dma_wait3A_475, %dma_wait3A_483, %dma_wait3A_484] : memref<3x104x128xf32, #tpu.memory_space<vmem>> -> memref<1x104x128xf32, #tpu.memory_space<vmem>>
        %dma_wait3A_486 = tpu.memref_squeeze %dma_wait3A_485 : memref<1x104x128xf32, #tpu.memory_space<vmem>> -> memref<104x128xf32, #tpu.memory_space<vmem>>
        %dma_wait3A_487 = arith.constant 0 : i32
        %dma_wait3A_488 = arith.constant 0 : i32
        %dma_wait3A_489 = tpu.memref_slice %arg2[%dma_wait3A_487, %dma_wait3A_488] : memref<10000x128xf32, #tpu.memory_space<hbm>> -> memref<104x128xf32, #tpu.memory_space<hbm>>
        tpu.wait_dma2 semaphore(%arg33 : memref<!tpu.dma_semaphore, #tpu.memory_space<semaphore_mem>>) src(%dma_wait3A_489 : memref<104x128xf32, #tpu.memory_space<hbm>>) dst(%dma_wait3A_486 : memref<104x128xf32, #tpu.memory_space<vmem>>)
      } else {
      }
      %mul3A_174 = arith.constant 6 : i32
      %mul3A_175 = arith.muli %mul3A_174, %scan3A_136 : i32
      %add3A_176 = arith.constant 1 : i32
      %add3A_177 = arith.addi %mul3A_175, %add3A_176 : i32
      %add3A_178 = arith.constant 3 : i32
      %add3A_179 = arith.addi %add3A_177, %add3A_178 : i32
      %min3A_180 = arith.constant 95 : i32
      %min3A_181 = arith.minsi %add3A_179, %min3A_180 : i32
      %mul3A_182 = arith.constant 104 : i32
      %mul3A_183 = arith.muli %min3A_181, %mul3A_182 : i32
      %add3A_184 = arith.addi %mul3A_29, %mul3A_183 : i32
      %dma_start3A_185 = tpu.memref_slice %arg3[%add3A_184] : memref<320000xi32, #tpu.memory_space<hbm>> -> memref<104xi32, #tpu.memory_space<hbm>>
      %dma_start3A_186 = tpu.memref_slice %arg3[%add3A_184] : memref<320000xi32, #tpu.memory_space<hbm>> -> memref<104xi32, #tpu.memory_space<hbm>>
      tpu.enqueue_dma source(%dma_start3A_186 : memref<104xi32, #tpu.memory_space<hbm>>) target(%arg9 : memref<104xi32, #tpu.memory_space<vmem>>) target_semaphore(%arg26 : memref<!tpu.dma_semaphore, #tpu.memory_space<semaphore_mem>>)
      %dma_start3A_187 = tpu.memref_slice %arg4[%add3A_184] : memref<320000xi32, #tpu.memory_space<hbm>> -> memref<104xi32, #tpu.memory_space<hbm>>
      %dma_start3A_188 = tpu.memref_slice %arg4[%add3A_184] : memref<320000xi32, #tpu.memory_space<hbm>> -> memref<104xi32, #tpu.memory_space<hbm>>
      tpu.enqueue_dma source(%dma_start3A_188 : memref<104xi32, #tpu.memory_space<hbm>>) target(%arg15 : memref<104xi32, #tpu.memory_space<vmem>>) target_semaphore(%arg26 : memref<!tpu.dma_semaphore, #tpu.memory_space<semaphore_mem>>)
      %dma_wait3A_189 = arith.constant 0 : i32
      %dma_wait3A_190 = tpu.memref_slice %arg3[%dma_wait3A_189] : memref<320000xi32, #tpu.memory_space<hbm>> -> memref<104xi32, #tpu.memory_space<hbm>>
      %dma_wait3A_191 = arith.constant 0 : i32
      %dma_wait3A_192 = tpu.memref_slice %arg3[%dma_wait3A_191] : memref<320000xi32, #tpu.memory_space<hbm>> -> memref<104xi32, #tpu.memory_space<hbm>>
      tpu.wait_dma2 semaphore(%arg25 : memref<!tpu.dma_semaphore, #tpu.memory_space<semaphore_mem>>) src(%dma_wait3A_192 : memref<104xi32, #tpu.memory_space<hbm>>) dst(%arg8 : memref<104xi32, #tpu.memory_space<vmem>>)
      %dma_wait3A_193 = arith.constant 0 : i32
      %dma_wait3A_194 = tpu.memref_slice %arg4[%dma_wait3A_193] : memref<320000xi32, #tpu.memory_space<hbm>> -> memref<104xi32, #tpu.memory_space<hbm>>
      %dma_wait3A_195 = arith.constant 0 : i32
      %dma_wait3A_196 = tpu.memref_slice %arg4[%dma_wait3A_195] : memref<320000xi32, #tpu.memory_space<hbm>> -> memref<104xi32, #tpu.memory_space<hbm>>
      tpu.wait_dma2 semaphore(%arg25 : memref<!tpu.dma_semaphore, #tpu.memory_space<semaphore_mem>>) src(%dma_wait3A_196 : memref<104xi32, #tpu.memory_space<hbm>>) dst(%arg14 : memref<104xi32, #tpu.memory_space<vmem>>)
      %dma_start3A_197 = arith.constant 1 : i32
      %dma_start3A_198 = arith.constant 0 : i32
      %dma_start3A_199 = arith.constant 0 : i32
      %dma_start3A_200 = tpu.memref_slice %arg18[%dma_start3A_197, %dma_start3A_198, %dma_start3A_199] : memref<3x104x128xf32, #tpu.memory_space<vmem>> -> memref<1x104x128xf32, #tpu.memory_space<vmem>>
      %dma_start3A_201 = tpu.memref_squeeze %dma_start3A_200 : memref<1x104x128xf32, #tpu.memory_space<vmem>> -> memref<104x128xf32, #tpu.memory_space<vmem>>
      %dma_start3A_202 = arith.constant 0 : i32
      %dma_start3A_203 = arith.constant 0 : i32
      %dma_start3A_204 = tpu.memref_slice %arg2[%dma_start3A_202, %dma_start3A_203] : memref<10000x128xf32, #tpu.memory_space<hbm>> -> memref<10000x128xf32, #tpu.memory_space<hbm>>
      tpu.enqueue_indirect_dma source(%dma_start3A_204 : memref<10000x128xf32, #tpu.memory_space<hbm>>) target(%dma_start3A_201 : memref<104x128xf32, #tpu.memory_space<vmem>>) offsets(%arg8 : memref<104xi32, #tpu.memory_space<vmem>>) semaphore(%arg30 : memref<!tpu.dma_semaphore, #tpu.memory_space<semaphore_mem>>)
      %dma_wait3A_205 = arith.constant 0 : i32
      %dma_wait3A_206 = arith.constant 0 : i32
      %dma_wait3A_207 = arith.constant 0 : i32
      %dma_wait3A_208 = tpu.memref_slice %arg18[%dma_wait3A_205, %dma_wait3A_206, %dma_wait3A_207] : memref<3x104x128xf32, #tpu.memory_space<vmem>> -> memref<1x104x128xf32, #tpu.memory_space<vmem>>
      %dma_wait3A_209 = tpu.memref_squeeze %dma_wait3A_208 : memref<1x104x128xf32, #tpu.memory_space<vmem>> -> memref<104x128xf32, #tpu.memory_space<vmem>>
      %dma_wait3A_210 = arith.constant 0 : i32
      %dma_wait3A_211 = arith.constant 0 : i32
      %dma_wait3A_212 = tpu.memref_slice %arg2[%dma_wait3A_210, %dma_wait3A_211] : memref<10000x128xf32, #tpu.memory_space<hbm>> -> memref<10000x128xf32, #tpu.memory_space<hbm>>
      tpu.wait_indirect_dma semaphore(%arg29 : memref<!tpu.dma_semaphore, #tpu.memory_space<semaphore_mem>>) src(%dma_wait3A_212 : memref<10000x128xf32, #tpu.memory_space<hbm>>) dst(%dma_wait3A_209 : memref<104x128xf32, #tpu.memory_space<vmem>>)
      %dma_start3A_213 = arith.constant 0 : i32
      %dma_start3A_214 = arith.constant 0 : i32
      %dma_start3A_215 = arith.constant 0 : i32
      %dma_start3A_216 = tpu.memref_slice %arg18[%dma_start3A_213, %dma_start3A_214, %dma_start3A_215] : memref<3x104x128xf32, #tpu.memory_space<vmem>> -> memref<1x104x128xf32, #tpu.memory_space<vmem>>
      %dma_start3A_217 = tpu.memref_squeeze %dma_start3A_216 : memref<1x104x128xf32, #tpu.memory_space<vmem>> -> memref<104x128xf32, #tpu.memory_space<vmem>>
      %dma_start3A_218 = arith.constant 0 : i32
      %dma_start3A_219 = arith.constant 0 : i32
      %dma_start3A_220 = tpu.memref_slice %arg22[%dma_start3A_218, %dma_start3A_219] : memref<10240x128xf32, #tpu.memory_space<vmem_shared>> -> memref<10240x128xf32, #tpu.memory_space<vmem_shared>>
      tpu.enqueue_indirect_dma source(%dma_start3A_217 : memref<104x128xf32, #tpu.memory_space<vmem>>) target(%dma_start3A_220 : memref<10240x128xf32, #tpu.memory_space<vmem_shared>>) offsets(%arg12 : memref<104xi32, #tpu.memory_space<vmem>>) semaphore(%arg32 : memref<!tpu.dma_semaphore, #tpu.memory_space<semaphore_mem>>) {add = true}
      %gt3A_221 = arith.constant 0 : i32
      %gt3A_222 = arith.cmpi sgt, %scan3A_136, %gt3A_221 : i32
      %convert_element_type3A_223 = arith.extui %gt3A_222 : i1 to i32
      %cond3A_224 = arith.constant 0 : i32
      %cond3A_225 = arith.cmpi ne, %convert_element_type3A_223, %cond3A_224 : i32
      scf.if %cond3A_225 {
        %dma_wait3A_475 = arith.constant 2 : i32
        %dma_wait3A_476 = arith.constant 0 : i32
        %dma_wait3A_477 = arith.constant 0 : i32
        %dma_wait3A_478 = tpu.memref_slice %arg18[%dma_wait3A_475, %dma_wait3A_476, %dma_wait3A_477] : memref<3x104x128xf32, #tpu.memory_space<vmem>> -> memref<1x104x128xf32, #tpu.memory_space<vmem>>
        %dma_wait3A_479 = tpu.memref_squeeze %dma_wait3A_478 : memref<1x104x128xf32, #tpu.memory_space<vmem>> -> memref<104x128xf32, #tpu.memory_space<vmem>>
        %dma_wait3A_480 = arith.constant 0 : i32
        %dma_wait3A_481 = arith.constant 0 : i32
        %dma_wait3A_482 = tpu.memref_slice %arg2[%dma_wait3A_480, %dma_wait3A_481] : memref<10000x128xf32, #tpu.memory_space<hbm>> -> memref<104x128xf32, #tpu.memory_space<hbm>>
        %dma_wait3A_483 = arith.constant 0 : i32
        %dma_wait3A_484 = arith.constant 0 : i32
        %dma_wait3A_485 = tpu.memref_slice %arg18[%dma_wait3A_475, %dma_wait3A_483, %dma_wait3A_484] : memref<3x104x128xf32, #tpu.memory_space<vmem>> -> memref<1x104x128xf32, #tpu.memory_space<vmem>>
        %dma_wait3A_486 = tpu.memref_squeeze %dma_wait3A_485 : memref<1x104x128xf32, #tpu.memory_space<vmem>> -> memref<104x128xf32, #tpu.memory_space<vmem>>
        %dma_wait3A_487 = arith.constant 0 : i32
        %dma_wait3A_488 = arith.constant 0 : i32
        %dma_wait3A_489 = tpu.memref_slice %arg2[%dma_wait3A_487, %dma_wait3A_488] : memref<10000x128xf32, #tpu.memory_space<hbm>> -> memref<104x128xf32, #tpu.memory_space<hbm>>
        tpu.wait_dma2 semaphore(%arg34 : memref<!tpu.dma_semaphore, #tpu.memory_space<semaphore_mem>>) src(%dma_wait3A_489 : memref<104x128xf32, #tpu.memory_space<hbm>>) dst(%dma_wait3A_486 : memref<104x128xf32, #tpu.memory_space<vmem>>)
      } else {
      }
      %mul3A_226 = arith.constant 6 : i32
      %mul3A_227 = arith.muli %mul3A_226, %scan3A_136 : i32
      %add3A_228 = arith.constant 2 : i32
      %add3A_229 = arith.addi %mul3A_227, %add3A_228 : i32
      %add3A_230 = arith.constant 3 : i32
      %add3A_231 = arith.addi %add3A_229, %add3A_230 : i32
      %min3A_232 = arith.constant 95 : i32
      %min3A_233 = arith.minsi %add3A_231, %min3A_232 : i32
      %mul3A_234 = arith.constant 104 : i32
      %mul3A_235 = arith.muli %min3A_233, %mul3A_234 : i32
      %add3A_236 = arith.addi %mul3A_29, %mul3A_235 : i32
      %dma_start3A_237 = tpu.memref_slice %arg3[%add3A_236] : memref<320000xi32, #tpu.memory_space<hbm>> -> memref<104xi32, #tpu.memory_space<hbm>>
      %dma_start3A_238 = tpu.memref_slice %arg3[%add3A_236] : memref<320000xi32, #tpu.memory_space<hbm>> -> memref<104xi32, #tpu.memory_space<hbm>>
      tpu.enqueue_dma source(%dma_start3A_238 : memref<104xi32, #tpu.memory_space<hbm>>) target(%arg11 : memref<104xi32, #tpu.memory_space<vmem>>) target_semaphore(%arg28 : memref<!tpu.dma_semaphore, #tpu.memory_space<semaphore_mem>>)
      %dma_start3A_239 = tpu.memref_slice %arg4[%add3A_236] : memref<320000xi32, #tpu.memory_space<hbm>> -> memref<104xi32, #tpu.memory_space<hbm>>
      %dma_start3A_240 = tpu.memref_slice %arg4[%add3A_236] : memref<320000xi32, #tpu.memory_space<hbm>> -> memref<104xi32, #tpu.memory_space<hbm>>
      tpu.enqueue_dma source(%dma_start3A_240 : memref<104xi32, #tpu.memory_space<hbm>>) target(%arg17 : memref<104xi32, #tpu.memory_space<vmem>>) target_semaphore(%arg28 : memref<!tpu.dma_semaphore, #tpu.memory_space<semaphore_mem>>)
      %dma_wait3A_241 = arith.constant 0 : i32
      %dma_wait3A_242 = tpu.memref_slice %arg3[%dma_wait3A_241] : memref<320000xi32, #tpu.memory_space<hbm>> -> memref<104xi32, #tpu.memory_space<hbm>>
      %dma_wait3A_243 = arith.constant 0 : i32
      %dma_wait3A_244 = tpu.memref_slice %arg3[%dma_wait3A_243] : memref<320000xi32, #tpu.memory_space<hbm>> -> memref<104xi32, #tpu.memory_space<hbm>>
      tpu.wait_dma2 semaphore(%arg27 : memref<!tpu.dma_semaphore, #tpu.memory_space<semaphore_mem>>) src(%dma_wait3A_244 : memref<104xi32, #tpu.memory_space<hbm>>) dst(%arg10 : memref<104xi32, #tpu.memory_space<vmem>>)
      %dma_wait3A_245 = arith.constant 0 : i32
      %dma_wait3A_246 = tpu.memref_slice %arg4[%dma_wait3A_245] : memref<320000xi32, #tpu.memory_space<hbm>> -> memref<104xi32, #tpu.memory_space<hbm>>
      %dma_wait3A_247 = arith.constant 0 : i32
      %dma_wait3A_248 = tpu.memref_slice %arg4[%dma_wait3A_247] : memref<320000xi32, #tpu.memory_space<hbm>> -> memref<104xi32, #tpu.memory_space<hbm>>
      tpu.wait_dma2 semaphore(%arg27 : memref<!tpu.dma_semaphore, #tpu.memory_space<semaphore_mem>>) src(%dma_wait3A_248 : memref<104xi32, #tpu.memory_space<hbm>>) dst(%arg16 : memref<104xi32, #tpu.memory_space<vmem>>)
      %dma_start3A_249 = arith.constant 2 : i32
      %dma_start3A_250 = arith.constant 0 : i32
      %dma_start3A_251 = arith.constant 0 : i32
      %dma_start3A_252 = tpu.memref_slice %arg18[%dma_start3A_249, %dma_start3A_250, %dma_start3A_251] : memref<3x104x128xf32, #tpu.memory_space<vmem>> -> memref<1x104x128xf32, #tpu.memory_space<vmem>>
      %dma_start3A_253 = tpu.memref_squeeze %dma_start3A_252 : memref<1x104x128xf32, #tpu.memory_space<vmem>> -> memref<104x128xf32, #tpu.memory_space<vmem>>
      %dma_start3A_254 = arith.constant 0 : i32
      %dma_start3A_255 = arith.constant 0 : i32
      %dma_start3A_256 = tpu.memref_slice %arg2[%dma_start3A_254, %dma_start3A_255] : memref<10000x128xf32, #tpu.memory_space<hbm>> -> memref<10000x128xf32, #tpu.memory_space<hbm>>
      tpu.enqueue_indirect_dma source(%dma_start3A_256 : memref<10000x128xf32, #tpu.memory_space<hbm>>) target(%dma_start3A_253 : memref<104x128xf32, #tpu.memory_space<vmem>>) offsets(%arg10 : memref<104xi32, #tpu.memory_space<vmem>>) semaphore(%arg31 : memref<!tpu.dma_semaphore, #tpu.memory_space<semaphore_mem>>)
      %dma_wait3A_257 = arith.constant 1 : i32
      %dma_wait3A_258 = arith.constant 0 : i32
      %dma_wait3A_259 = arith.constant 0 : i32
      %dma_wait3A_260 = tpu.memref_slice %arg18[%dma_wait3A_257, %dma_wait3A_258, %dma_wait3A_259] : memref<3x104x128xf32, #tpu.memory_space<vmem>> -> memref<1x104x128xf32, #tpu.memory_space<vmem>>
      %dma_wait3A_261 = tpu.memref_squeeze %dma_wait3A_260 : memref<1x104x128xf32, #tpu.memory_space<vmem>> -> memref<104x128xf32, #tpu.memory_space<vmem>>
      %dma_wait3A_262 = arith.constant 0 : i32
      %dma_wait3A_263 = arith.constant 0 : i32
      %dma_wait3A_264 = tpu.memref_slice %arg2[%dma_wait3A_262, %dma_wait3A_263] : memref<10000x128xf32, #tpu.memory_space<hbm>> -> memref<10000x128xf32, #tpu.memory_space<hbm>>
      tpu.wait_indirect_dma semaphore(%arg30 : memref<!tpu.dma_semaphore, #tpu.memory_space<semaphore_mem>>) src(%dma_wait3A_264 : memref<10000x128xf32, #tpu.memory_space<hbm>>) dst(%dma_wait3A_261 : memref<104x128xf32, #tpu.memory_space<vmem>>)
      %dma_start3A_265 = arith.constant 1 : i32
      %dma_start3A_266 = arith.constant 0 : i32
      %dma_start3A_267 = arith.constant 0 : i32
      %dma_start3A_268 = tpu.memref_slice %arg18[%dma_start3A_265, %dma_start3A_266, %dma_start3A_267] : memref<3x104x128xf32, #tpu.memory_space<vmem>> -> memref<1x104x128xf32, #tpu.memory_space<vmem>>
      %dma_start3A_269 = tpu.memref_squeeze %dma_start3A_268 : memref<1x104x128xf32, #tpu.memory_space<vmem>> -> memref<104x128xf32, #tpu.memory_space<vmem>>
      %dma_start3A_270 = arith.constant 0 : i32
      %dma_start3A_271 = arith.constant 0 : i32
      %dma_start3A_272 = tpu.memref_slice %arg22[%dma_start3A_270, %dma_start3A_271] : memref<10240x128xf32, #tpu.memory_space<vmem_shared>> -> memref<10240x128xf32, #tpu.memory_space<vmem_shared>>
      tpu.enqueue_indirect_dma source(%dma_start3A_269 : memref<104x128xf32, #tpu.memory_space<vmem>>) target(%dma_start3A_272 : memref<10240x128xf32, #tpu.memory_space<vmem_shared>>) offsets(%arg14 : memref<104xi32, #tpu.memory_space<vmem>>) semaphore(%arg33 : memref<!tpu.dma_semaphore, #tpu.memory_space<semaphore_mem>>) {add = true}
      %dma_wait3A_273 = arith.constant 0 : i32
      %dma_wait3A_274 = arith.constant 0 : i32
      %dma_wait3A_275 = arith.constant 0 : i32
      %dma_wait3A_276 = tpu.memref_slice %arg18[%dma_wait3A_273, %dma_wait3A_274, %dma_wait3A_275] : memref<3x104x128xf32, #tpu.memory_space<vmem>> -> memref<1x104x128xf32, #tpu.memory_space<vmem>>
      %dma_wait3A_277 = tpu.memref_squeeze %dma_wait3A_276 : memref<1x104x128xf32, #tpu.memory_space<vmem>> -> memref<104x128xf32, #tpu.memory_space<vmem>>
      %dma_wait3A_278 = arith.constant 0 : i32
      %dma_wait3A_279 = arith.constant 0 : i32
      %dma_wait3A_280 = tpu.memref_slice %arg2[%dma_wait3A_278, %dma_wait3A_279] : memref<10000x128xf32, #tpu.memory_space<hbm>> -> memref<104x128xf32, #tpu.memory_space<hbm>>
      %dma_wait3A_281 = arith.constant 0 : i32
      %dma_wait3A_282 = arith.constant 0 : i32
      %dma_wait3A_283 = tpu.memref_slice %arg18[%dma_wait3A_273, %dma_wait3A_281, %dma_wait3A_282] : memref<3x104x128xf32, #tpu.memory_space<vmem>> -> memref<1x104x128xf32, #tpu.memory_space<vmem>>
      %dma_wait3A_284 = tpu.memref_squeeze %dma_wait3A_283 : memref<1x104x128xf32, #tpu.memory_space<vmem>> -> memref<104x128xf32, #tpu.memory_space<vmem>>
      %dma_wait3A_285 = arith.constant 0 : i32
      %dma_wait3A_286 = arith.constant 0 : i32
      %dma_wait3A_287 = tpu.memref_slice %arg2[%dma_wait3A_285, %dma_wait3A_286] : memref<10000x128xf32, #tpu.memory_space<hbm>> -> memref<104x128xf32, #tpu.memory_space<hbm>>
      tpu.wait_dma2 semaphore(%arg32 : memref<!tpu.dma_semaphore, #tpu.memory_space<semaphore_mem>>) src(%dma_wait3A_287 : memref<104x128xf32, #tpu.memory_space<hbm>>) dst(%dma_wait3A_284 : memref<104x128xf32, #tpu.memory_space<vmem>>)
      %mul3A_288 = arith.constant 6 : i32
      %mul3A_289 = arith.muli %mul3A_288, %scan3A_136 : i32
      %add3A_290 = arith.constant 3 : i32
      %add3A_291 = arith.addi %mul3A_289, %add3A_290 : i32
      %add3A_292 = arith.constant 3 : i32
      %add3A_293 = arith.addi %add3A_291, %add3A_292 : i32
      %min3A_294 = arith.constant 95 : i32
      %min3A_295 = arith.minsi %add3A_293, %min3A_294 : i32
      %mul3A_296 = arith.constant 104 : i32
      %mul3A_297 = arith.muli %min3A_295, %mul3A_296 : i32
      %add3A_298 = arith.addi %mul3A_29, %mul3A_297 : i32
      %dma_start3A_299 = tpu.memref_slice %arg3[%add3A_298] : memref<320000xi32, #tpu.memory_space<hbm>> -> memref<104xi32, #tpu.memory_space<hbm>>
      %dma_start3A_300 = tpu.memref_slice %arg3[%add3A_298] : memref<320000xi32, #tpu.memory_space<hbm>> -> memref<104xi32, #tpu.memory_space<hbm>>
      tpu.enqueue_dma source(%dma_start3A_300 : memref<104xi32, #tpu.memory_space<hbm>>) target(%arg6 : memref<104xi32, #tpu.memory_space<vmem>>) target_semaphore(%arg23 : memref<!tpu.dma_semaphore, #tpu.memory_space<semaphore_mem>>)
      %dma_start3A_301 = tpu.memref_slice %arg4[%add3A_298] : memref<320000xi32, #tpu.memory_space<hbm>> -> memref<104xi32, #tpu.memory_space<hbm>>
      %dma_start3A_302 = tpu.memref_slice %arg4[%add3A_298] : memref<320000xi32, #tpu.memory_space<hbm>> -> memref<104xi32, #tpu.memory_space<hbm>>
      tpu.enqueue_dma source(%dma_start3A_302 : memref<104xi32, #tpu.memory_space<hbm>>) target(%arg12 : memref<104xi32, #tpu.memory_space<vmem>>) target_semaphore(%arg23 : memref<!tpu.dma_semaphore, #tpu.memory_space<semaphore_mem>>)
      %dma_wait3A_303 = arith.constant 0 : i32
      %dma_wait3A_304 = tpu.memref_slice %arg3[%dma_wait3A_303] : memref<320000xi32, #tpu.memory_space<hbm>> -> memref<104xi32, #tpu.memory_space<hbm>>
      %dma_wait3A_305 = arith.constant 0 : i32
      %dma_wait3A_306 = tpu.memref_slice %arg3[%dma_wait3A_305] : memref<320000xi32, #tpu.memory_space<hbm>> -> memref<104xi32, #tpu.memory_space<hbm>>
      tpu.wait_dma2 semaphore(%arg24 : memref<!tpu.dma_semaphore, #tpu.memory_space<semaphore_mem>>) src(%dma_wait3A_306 : memref<104xi32, #tpu.memory_space<hbm>>) dst(%arg7 : memref<104xi32, #tpu.memory_space<vmem>>)
      %dma_wait3A_307 = arith.constant 0 : i32
      %dma_wait3A_308 = tpu.memref_slice %arg4[%dma_wait3A_307] : memref<320000xi32, #tpu.memory_space<hbm>> -> memref<104xi32, #tpu.memory_space<hbm>>
      %dma_wait3A_309 = arith.constant 0 : i32
      %dma_wait3A_310 = tpu.memref_slice %arg4[%dma_wait3A_309] : memref<320000xi32, #tpu.memory_space<hbm>> -> memref<104xi32, #tpu.memory_space<hbm>>
      tpu.wait_dma2 semaphore(%arg24 : memref<!tpu.dma_semaphore, #tpu.memory_space<semaphore_mem>>) src(%dma_wait3A_310 : memref<104xi32, #tpu.memory_space<hbm>>) dst(%arg13 : memref<104xi32, #tpu.memory_space<vmem>>)
      %dma_start3A_311 = arith.constant 0 : i32
      %dma_start3A_312 = arith.constant 0 : i32
      %dma_start3A_313 = arith.constant 0 : i32
      %dma_start3A_314 = tpu.memref_slice %arg18[%dma_start3A_311, %dma_start3A_312, %dma_start3A_313] : memref<3x104x128xf32, #tpu.memory_space<vmem>> -> memref<1x104x128xf32, #tpu.memory_space<vmem>>
      %dma_start3A_315 = tpu.memref_squeeze %dma_start3A_314 : memref<1x104x128xf32, #tpu.memory_space<vmem>> -> memref<104x128xf32, #tpu.memory_space<vmem>>
      %dma_start3A_316 = arith.constant 0 : i32
      %dma_start3A_317 = arith.constant 0 : i32
      %dma_start3A_318 = tpu.memref_slice %arg2[%dma_start3A_316, %dma_start3A_317] : memref<10000x128xf32, #tpu.memory_space<hbm>> -> memref<10000x128xf32, #tpu.memory_space<hbm>>
      tpu.enqueue_indirect_dma source(%dma_start3A_318 : memref<10000x128xf32, #tpu.memory_space<hbm>>) target(%dma_start3A_315 : memref<104x128xf32, #tpu.memory_space<vmem>>) offsets(%arg7 : memref<104xi32, #tpu.memory_space<vmem>>) semaphore(%arg29 : memref<!tpu.dma_semaphore, #tpu.memory_space<semaphore_mem>>)
      %dma_wait3A_319 = arith.constant 2 : i32
      %dma_wait3A_320 = arith.constant 0 : i32
      %dma_wait3A_321 = arith.constant 0 : i32
      %dma_wait3A_322 = tpu.memref_slice %arg18[%dma_wait3A_319, %dma_wait3A_320, %dma_wait3A_321] : memref<3x104x128xf32, #tpu.memory_space<vmem>> -> memref<1x104x128xf32, #tpu.memory_space<vmem>>
      %dma_wait3A_323 = tpu.memref_squeeze %dma_wait3A_322 : memref<1x104x128xf32, #tpu.memory_space<vmem>> -> memref<104x128xf32, #tpu.memory_space<vmem>>
      %dma_wait3A_324 = arith.constant 0 : i32
      %dma_wait3A_325 = arith.constant 0 : i32
      %dma_wait3A_326 = tpu.memref_slice %arg2[%dma_wait3A_324, %dma_wait3A_325] : memref<10000x128xf32, #tpu.memory_space<hbm>> -> memref<10000x128xf32, #tpu.memory_space<hbm>>
      tpu.wait_indirect_dma semaphore(%arg31 : memref<!tpu.dma_semaphore, #tpu.memory_space<semaphore_mem>>) src(%dma_wait3A_326 : memref<10000x128xf32, #tpu.memory_space<hbm>>) dst(%dma_wait3A_323 : memref<104x128xf32, #tpu.memory_space<vmem>>)
      %dma_start3A_327 = arith.constant 2 : i32
      %dma_start3A_328 = arith.constant 0 : i32
      %dma_start3A_329 = arith.constant 0 : i32
      %dma_start3A_330 = tpu.memref_slice %arg18[%dma_start3A_327, %dma_start3A_328, %dma_start3A_329] : memref<3x104x128xf32, #tpu.memory_space<vmem>> -> memref<1x104x128xf32, #tpu.memory_space<vmem>>
      %dma_start3A_331 = tpu.memref_squeeze %dma_start3A_330 : memref<1x104x128xf32, #tpu.memory_space<vmem>> -> memref<104x128xf32, #tpu.memory_space<vmem>>
      %dma_start3A_332 = arith.constant 0 : i32
      %dma_start3A_333 = arith.constant 0 : i32
      %dma_start3A_334 = tpu.memref_slice %arg22[%dma_start3A_332, %dma_start3A_333] : memref<10240x128xf32, #tpu.memory_space<vmem_shared>> -> memref<10240x128xf32, #tpu.memory_space<vmem_shared>>
      tpu.enqueue_indirect_dma source(%dma_start3A_331 : memref<104x128xf32, #tpu.memory_space<vmem>>) target(%dma_start3A_334 : memref<10240x128xf32, #tpu.memory_space<vmem_shared>>) offsets(%arg16 : memref<104xi32, #tpu.memory_space<vmem>>) semaphore(%arg34 : memref<!tpu.dma_semaphore, #tpu.memory_space<semaphore_mem>>) {add = true}
      %dma_wait3A_335 = arith.constant 1 : i32
      %dma_wait3A_336 = arith.constant 0 : i32
      %dma_wait3A_337 = arith.constant 0 : i32
      %dma_wait3A_338 = tpu.memref_slice %arg18[%dma_wait3A_335, %dma_wait3A_336, %dma_wait3A_337] : memref<3x104x128xf32, #tpu.memory_space<vmem>> -> memref<1x104x128xf32, #tpu.memory_space<vmem>>
      %dma_wait3A_339 = tpu.memref_squeeze %dma_wait3A_338 : memref<1x104x128xf32, #tpu.memory_space<vmem>> -> memref<104x128xf32, #tpu.memory_space<vmem>>
      %dma_wait3A_340 = arith.constant 0 : i32
      %dma_wait3A_341 = arith.constant 0 : i32
      %dma_wait3A_342 = tpu.memref_slice %arg2[%dma_wait3A_340, %dma_wait3A_341] : memref<10000x128xf32, #tpu.memory_space<hbm>> -> memref<104x128xf32, #tpu.memory_space<hbm>>
      %dma_wait3A_343 = arith.constant 0 : i32
      %dma_wait3A_344 = arith.constant 0 : i32
      %dma_wait3A_345 = tpu.memref_slice %arg18[%dma_wait3A_335, %dma_wait3A_343, %dma_wait3A_344] : memref<3x104x128xf32, #tpu.memory_space<vmem>> -> memref<1x104x128xf32, #tpu.memory_space<vmem>>
      %dma_wait3A_346 = tpu.memref_squeeze %dma_wait3A_345 : memref<1x104x128xf32, #tpu.memory_space<vmem>> -> memref<104x128xf32, #tpu.memory_space<vmem>>
      %dma_wait3A_347 = arith.constant 0 : i32
      %dma_wait3A_348 = arith.constant 0 : i32
      %dma_wait3A_349 = tpu.memref_slice %arg2[%dma_wait3A_347, %dma_wait3A_348] : memref<10000x128xf32, #tpu.memory_space<hbm>> -> memref<104x128xf32, #tpu.memory_space<hbm>>
      tpu.wait_dma2 semaphore(%arg33 : memref<!tpu.dma_semaphore, #tpu.memory_space<semaphore_mem>>) src(%dma_wait3A_349 : memref<104x128xf32, #tpu.memory_space<hbm>>) dst(%dma_wait3A_346 : memref<104x128xf32, #tpu.memory_space<vmem>>)
      %mul3A_350 = arith.constant 6 : i32
      %mul3A_351 = arith.muli %mul3A_350, %scan3A_136 : i32
      %add3A_352 = arith.constant 4 : i32
      %add3A_353 = arith.addi %mul3A_351, %add3A_352 : i32
      %add3A_354 = arith.constant 3 : i32
      %add3A_355 = arith.addi %add3A_353, %add3A_354 : i32
      %min3A_356 = arith.constant 95 : i32
      %min3A_357 = arith.minsi %add3A_355, %min3A_356 : i32
      %mul3A_358 = arith.constant 104 : i32
      %mul3A_359 = arith.muli %min3A_357, %mul3A_358 : i32
      %add3A_360 = arith.addi %mul3A_29, %mul3A_359 : i32
      %dma_start3A_361 = tpu.memref_slice %arg3[%add3A_360] : memref<320000xi32, #tpu.memory_space<hbm>> -> memref<104xi32, #tpu.memory_space<hbm>>
      %dma_start3A_362 = tpu.memref_slice %arg3[%add3A_360] : memref<320000xi32, #tpu.memory_space<hbm>> -> memref<104xi32, #tpu.memory_space<hbm>>
      tpu.enqueue_dma source(%dma_start3A_362 : memref<104xi32, #tpu.memory_space<hbm>>) target(%arg8 : memref<104xi32, #tpu.memory_space<vmem>>) target_semaphore(%arg25 : memref<!tpu.dma_semaphore, #tpu.memory_space<semaphore_mem>>)
      %dma_start3A_363 = tpu.memref_slice %arg4[%add3A_360] : memref<320000xi32, #tpu.memory_space<hbm>> -> memref<104xi32, #tpu.memory_space<hbm>>
      %dma_start3A_364 = tpu.memref_slice %arg4[%add3A_360] : memref<320000xi32, #tpu.memory_space<hbm>> -> memref<104xi32, #tpu.memory_space<hbm>>
      tpu.enqueue_dma source(%dma_start3A_364 : memref<104xi32, #tpu.memory_space<hbm>>) target(%arg14 : memref<104xi32, #tpu.memory_space<vmem>>) target_semaphore(%arg25 : memref<!tpu.dma_semaphore, #tpu.memory_space<semaphore_mem>>)
      %dma_wait3A_365 = arith.constant 0 : i32
      %dma_wait3A_366 = tpu.memref_slice %arg3[%dma_wait3A_365] : memref<320000xi32, #tpu.memory_space<hbm>> -> memref<104xi32, #tpu.memory_space<hbm>>
      %dma_wait3A_367 = arith.constant 0 : i32
      %dma_wait3A_368 = tpu.memref_slice %arg3[%dma_wait3A_367] : memref<320000xi32, #tpu.memory_space<hbm>> -> memref<104xi32, #tpu.memory_space<hbm>>
      tpu.wait_dma2 semaphore(%arg26 : memref<!tpu.dma_semaphore, #tpu.memory_space<semaphore_mem>>) src(%dma_wait3A_368 : memref<104xi32, #tpu.memory_space<hbm>>) dst(%arg9 : memref<104xi32, #tpu.memory_space<vmem>>)
      %dma_wait3A_369 = arith.constant 0 : i32
      %dma_wait3A_370 = tpu.memref_slice %arg4[%dma_wait3A_369] : memref<320000xi32, #tpu.memory_space<hbm>> -> memref<104xi32, #tpu.memory_space<hbm>>
      %dma_wait3A_371 = arith.constant 0 : i32
      %dma_wait3A_372 = tpu.memref_slice %arg4[%dma_wait3A_371] : memref<320000xi32, #tpu.memory_space<hbm>> -> memref<104xi32, #tpu.memory_space<hbm>>
      tpu.wait_dma2 semaphore(%arg26 : memref<!tpu.dma_semaphore, #tpu.memory_space<semaphore_mem>>) src(%dma_wait3A_372 : memref<104xi32, #tpu.memory_space<hbm>>) dst(%arg15 : memref<104xi32, #tpu.memory_space<vmem>>)
      %dma_start3A_373 = arith.constant 1 : i32
      %dma_start3A_374 = arith.constant 0 : i32
      %dma_start3A_375 = arith.constant 0 : i32
      %dma_start3A_376 = tpu.memref_slice %arg18[%dma_start3A_373, %dma_start3A_374, %dma_start3A_375] : memref<3x104x128xf32, #tpu.memory_space<vmem>> -> memref<1x104x128xf32, #tpu.memory_space<vmem>>
      %dma_start3A_377 = tpu.memref_squeeze %dma_start3A_376 : memref<1x104x128xf32, #tpu.memory_space<vmem>> -> memref<104x128xf32, #tpu.memory_space<vmem>>
      %dma_start3A_378 = arith.constant 0 : i32
      %dma_start3A_379 = arith.constant 0 : i32
      %dma_start3A_380 = tpu.memref_slice %arg2[%dma_start3A_378, %dma_start3A_379] : memref<10000x128xf32, #tpu.memory_space<hbm>> -> memref<10000x128xf32, #tpu.memory_space<hbm>>
      tpu.enqueue_indirect_dma source(%dma_start3A_380 : memref<10000x128xf32, #tpu.memory_space<hbm>>) target(%dma_start3A_377 : memref<104x128xf32, #tpu.memory_space<vmem>>) offsets(%arg9 : memref<104xi32, #tpu.memory_space<vmem>>) semaphore(%arg30 : memref<!tpu.dma_semaphore, #tpu.memory_space<semaphore_mem>>)
      %dma_wait3A_381 = arith.constant 0 : i32
      %dma_wait3A_382 = arith.constant 0 : i32
      %dma_wait3A_383 = arith.constant 0 : i32
      %dma_wait3A_384 = tpu.memref_slice %arg18[%dma_wait3A_381, %dma_wait3A_382, %dma_wait3A_383] : memref<3x104x128xf32, #tpu.memory_space<vmem>> -> memref<1x104x128xf32, #tpu.memory_space<vmem>>
      %dma_wait3A_385 = tpu.memref_squeeze %dma_wait3A_384 : memref<1x104x128xf32, #tpu.memory_space<vmem>> -> memref<104x128xf32, #tpu.memory_space<vmem>>
      %dma_wait3A_386 = arith.constant 0 : i32
      %dma_wait3A_387 = arith.constant 0 : i32
      %dma_wait3A_388 = tpu.memref_slice %arg2[%dma_wait3A_386, %dma_wait3A_387] : memref<10000x128xf32, #tpu.memory_space<hbm>> -> memref<10000x128xf32, #tpu.memory_space<hbm>>
      tpu.wait_indirect_dma semaphore(%arg29 : memref<!tpu.dma_semaphore, #tpu.memory_space<semaphore_mem>>) src(%dma_wait3A_388 : memref<10000x128xf32, #tpu.memory_space<hbm>>) dst(%dma_wait3A_385 : memref<104x128xf32, #tpu.memory_space<vmem>>)
      %dma_start3A_389 = arith.constant 0 : i32
      %dma_start3A_390 = arith.constant 0 : i32
      %dma_start3A_391 = arith.constant 0 : i32
      %dma_start3A_392 = tpu.memref_slice %arg18[%dma_start3A_389, %dma_start3A_390, %dma_start3A_391] : memref<3x104x128xf32, #tpu.memory_space<vmem>> -> memref<1x104x128xf32, #tpu.memory_space<vmem>>
      %dma_start3A_393 = tpu.memref_squeeze %dma_start3A_392 : memref<1x104x128xf32, #tpu.memory_space<vmem>> -> memref<104x128xf32, #tpu.memory_space<vmem>>
      %dma_start3A_394 = arith.constant 0 : i32
      %dma_start3A_395 = arith.constant 0 : i32
      %dma_start3A_396 = tpu.memref_slice %arg22[%dma_start3A_394, %dma_start3A_395] : memref<10240x128xf32, #tpu.memory_space<vmem_shared>> -> memref<10240x128xf32, #tpu.memory_space<vmem_shared>>
      tpu.enqueue_indirect_dma source(%dma_start3A_393 : memref<104x128xf32, #tpu.memory_space<vmem>>) target(%dma_start3A_396 : memref<10240x128xf32, #tpu.memory_space<vmem_shared>>) offsets(%arg13 : memref<104xi32, #tpu.memory_space<vmem>>) semaphore(%arg32 : memref<!tpu.dma_semaphore, #tpu.memory_space<semaphore_mem>>) {add = true}
      %dma_wait3A_397 = arith.constant 2 : i32
      %dma_wait3A_398 = arith.constant 0 : i32
      %dma_wait3A_399 = arith.constant 0 : i32
      %dma_wait3A_400 = tpu.memref_slice %arg18[%dma_wait3A_397, %dma_wait3A_398, %dma_wait3A_399] : memref<3x104x128xf32, #tpu.memory_space<vmem>> -> memref<1x104x128xf32, #tpu.memory_space<vmem>>
      %dma_wait3A_401 = tpu.memref_squeeze %dma_wait3A_400 : memref<1x104x128xf32, #tpu.memory_space<vmem>> -> memref<104x128xf32, #tpu.memory_space<vmem>>
      %dma_wait3A_402 = arith.constant 0 : i32
      %dma_wait3A_403 = arith.constant 0 : i32
      %dma_wait3A_404 = tpu.memref_slice %arg2[%dma_wait3A_402, %dma_wait3A_403] : memref<10000x128xf32, #tpu.memory_space<hbm>> -> memref<104x128xf32, #tpu.memory_space<hbm>>
      %dma_wait3A_405 = arith.constant 0 : i32
      %dma_wait3A_406 = arith.constant 0 : i32
      %dma_wait3A_407 = tpu.memref_slice %arg18[%dma_wait3A_397, %dma_wait3A_405, %dma_wait3A_406] : memref<3x104x128xf32, #tpu.memory_space<vmem>> -> memref<1x104x128xf32, #tpu.memory_space<vmem>>
      %dma_wait3A_408 = tpu.memref_squeeze %dma_wait3A_407 : memref<1x104x128xf32, #tpu.memory_space<vmem>> -> memref<104x128xf32, #tpu.memory_space<vmem>>
      %dma_wait3A_409 = arith.constant 0 : i32
      %dma_wait3A_410 = arith.constant 0 : i32
      %dma_wait3A_411 = tpu.memref_slice %arg2[%dma_wait3A_409, %dma_wait3A_410] : memref<10000x128xf32, #tpu.memory_space<hbm>> -> memref<104x128xf32, #tpu.memory_space<hbm>>
      tpu.wait_dma2 semaphore(%arg34 : memref<!tpu.dma_semaphore, #tpu.memory_space<semaphore_mem>>) src(%dma_wait3A_411 : memref<104x128xf32, #tpu.memory_space<hbm>>) dst(%dma_wait3A_408 : memref<104x128xf32, #tpu.memory_space<vmem>>)
      %mul3A_412 = arith.constant 6 : i32
      %mul3A_413 = arith.muli %mul3A_412, %scan3A_136 : i32
      %add3A_414 = arith.constant 5 : i32
      %add3A_415 = arith.addi %mul3A_413, %add3A_414 : i32
      %add3A_416 = arith.constant 3 : i32
      %add3A_417 = arith.addi %add3A_415, %add3A_416 : i32
      %min3A_418 = arith.constant 95 : i32
      %min3A_419 = arith.minsi %add3A_417, %min3A_418 : i32
      %mul3A_420 = arith.constant 104 : i32
      %mul3A_421 = arith.muli %min3A_419, %mul3A_420 : i32
      %add3A_422 = arith.addi %mul3A_29, %mul3A_421 : i32
      %dma_start3A_423 = tpu.memref_slice %arg3[%add3A_422] : memref<320000xi32, #tpu.memory_space<hbm>> -> memref<104xi32, #tpu.memory_space<hbm>>
      %dma_start3A_424 = tpu.memref_slice %arg3[%add3A_422] : memref<320000xi32, #tpu.memory_space<hbm>> -> memref<104xi32, #tpu.memory_space<hbm>>
      tpu.enqueue_dma source(%dma_start3A_424 : memref<104xi32, #tpu.memory_space<hbm>>) target(%arg10 : memref<104xi32, #tpu.memory_space<vmem>>) target_semaphore(%arg27 : memref<!tpu.dma_semaphore, #tpu.memory_space<semaphore_mem>>)
      %dma_start3A_425 = tpu.memref_slice %arg4[%add3A_422] : memref<320000xi32, #tpu.memory_space<hbm>> -> memref<104xi32, #tpu.memory_space<hbm>>
      %dma_start3A_426 = tpu.memref_slice %arg4[%add3A_422] : memref<320000xi32, #tpu.memory_space<hbm>> -> memref<104xi32, #tpu.memory_space<hbm>>
      tpu.enqueue_dma source(%dma_start3A_426 : memref<104xi32, #tpu.memory_space<hbm>>) target(%arg16 : memref<104xi32, #tpu.memory_space<vmem>>) target_semaphore(%arg27 : memref<!tpu.dma_semaphore, #tpu.memory_space<semaphore_mem>>)
      %dma_wait3A_427 = arith.constant 0 : i32
      %dma_wait3A_428 = tpu.memref_slice %arg3[%dma_wait3A_427] : memref<320000xi32, #tpu.memory_space<hbm>> -> memref<104xi32, #tpu.memory_space<hbm>>
      %dma_wait3A_429 = arith.constant 0 : i32
      %dma_wait3A_430 = tpu.memref_slice %arg3[%dma_wait3A_429] : memref<320000xi32, #tpu.memory_space<hbm>> -> memref<104xi32, #tpu.memory_space<hbm>>
      tpu.wait_dma2 semaphore(%arg28 : memref<!tpu.dma_semaphore, #tpu.memory_space<semaphore_mem>>) src(%dma_wait3A_430 : memref<104xi32, #tpu.memory_space<hbm>>) dst(%arg11 : memref<104xi32, #tpu.memory_space<vmem>>)
      %dma_wait3A_431 = arith.constant 0 : i32
      %dma_wait3A_432 = tpu.memref_slice %arg4[%dma_wait3A_431] : memref<320000xi32, #tpu.memory_space<hbm>> -> memref<104xi32, #tpu.memory_space<hbm>>
      %dma_wait3A_433 = arith.constant 0 : i32
      %dma_wait3A_434 = tpu.memref_slice %arg4[%dma_wait3A_433] : memref<320000xi32, #tpu.memory_space<hbm>> -> memref<104xi32, #tpu.memory_space<hbm>>
      tpu.wait_dma2 semaphore(%arg28 : memref<!tpu.dma_semaphore, #tpu.memory_space<semaphore_mem>>) src(%dma_wait3A_434 : memref<104xi32, #tpu.memory_space<hbm>>) dst(%arg17 : memref<104xi32, #tpu.memory_space<vmem>>)
      %dma_start3A_435 = arith.constant 2 : i32
      %dma_start3A_436 = arith.constant 0 : i32
      %dma_start3A_437 = arith.constant 0 : i32
      %dma_start3A_438 = tpu.memref_slice %arg18[%dma_start3A_435, %dma_start3A_436, %dma_start3A_437] : memref<3x104x128xf32, #tpu.memory_space<vmem>> -> memref<1x104x128xf32, #tpu.memory_space<vmem>>
      %dma_start3A_439 = tpu.memref_squeeze %dma_start3A_438 : memref<1x104x128xf32, #tpu.memory_space<vmem>> -> memref<104x128xf32, #tpu.memory_space<vmem>>
      %dma_start3A_440 = arith.constant 0 : i32
      %dma_start3A_441 = arith.constant 0 : i32
      %dma_start3A_442 = tpu.memref_slice %arg2[%dma_start3A_440, %dma_start3A_441] : memref<10000x128xf32, #tpu.memory_space<hbm>> -> memref<10000x128xf32, #tpu.memory_space<hbm>>
      tpu.enqueue_indirect_dma source(%dma_start3A_442 : memref<10000x128xf32, #tpu.memory_space<hbm>>) target(%dma_start3A_439 : memref<104x128xf32, #tpu.memory_space<vmem>>) offsets(%arg11 : memref<104xi32, #tpu.memory_space<vmem>>) semaphore(%arg31 : memref<!tpu.dma_semaphore, #tpu.memory_space<semaphore_mem>>)
      %dma_wait3A_443 = arith.constant 1 : i32
      %dma_wait3A_444 = arith.constant 0 : i32
      %dma_wait3A_445 = arith.constant 0 : i32
      %dma_wait3A_446 = tpu.memref_slice %arg18[%dma_wait3A_443, %dma_wait3A_444, %dma_wait3A_445] : memref<3x104x128xf32, #tpu.memory_space<vmem>> -> memref<1x104x128xf32, #tpu.memory_space<vmem>>
      %dma_wait3A_447 = tpu.memref_squeeze %dma_wait3A_446 : memref<1x104x128xf32, #tpu.memory_space<vmem>> -> memref<104x128xf32, #tpu.memory_space<vmem>>
      %dma_wait3A_448 = arith.constant 0 : i32
      %dma_wait3A_449 = arith.constant 0 : i32
      %dma_wait3A_450 = tpu.memref_slice %arg2[%dma_wait3A_448, %dma_wait3A_449] : memref<10000x128xf32, #tpu.memory_space<hbm>> -> memref<10000x128xf32, #tpu.memory_space<hbm>>
      tpu.wait_indirect_dma semaphore(%arg30 : memref<!tpu.dma_semaphore, #tpu.memory_space<semaphore_mem>>) src(%dma_wait3A_450 : memref<10000x128xf32, #tpu.memory_space<hbm>>) dst(%dma_wait3A_447 : memref<104x128xf32, #tpu.memory_space<vmem>>)
      %dma_start3A_451 = arith.constant 1 : i32
      %dma_start3A_452 = arith.constant 0 : i32
      %dma_start3A_453 = arith.constant 0 : i32
      %dma_start3A_454 = tpu.memref_slice %arg18[%dma_start3A_451, %dma_start3A_452, %dma_start3A_453] : memref<3x104x128xf32, #tpu.memory_space<vmem>> -> memref<1x104x128xf32, #tpu.memory_space<vmem>>
      %dma_start3A_455 = tpu.memref_squeeze %dma_start3A_454 : memref<1x104x128xf32, #tpu.memory_space<vmem>> -> memref<104x128xf32, #tpu.memory_space<vmem>>
      %dma_start3A_456 = arith.constant 0 : i32
      %dma_start3A_457 = arith.constant 0 : i32
      %dma_start3A_458 = tpu.memref_slice %arg22[%dma_start3A_456, %dma_start3A_457] : memref<10240x128xf32, #tpu.memory_space<vmem_shared>> -> memref<10240x128xf32, #tpu.memory_space<vmem_shared>>
      tpu.enqueue_indirect_dma source(%dma_start3A_455 : memref<104x128xf32, #tpu.memory_space<vmem>>) target(%dma_start3A_458 : memref<10240x128xf32, #tpu.memory_space<vmem_shared>>) offsets(%arg15 : memref<104xi32, #tpu.memory_space<vmem>>) semaphore(%arg33 : memref<!tpu.dma_semaphore, #tpu.memory_space<semaphore_mem>>) {add = true}
      %dma_wait3A_459 = arith.constant 2 : i32
      %dma_wait3A_460 = arith.constant 0 : i32
      %dma_wait3A_461 = arith.constant 0 : i32
      %dma_wait3A_462 = tpu.memref_slice %arg18[%dma_wait3A_459, %dma_wait3A_460, %dma_wait3A_461] : memref<3x104x128xf32, #tpu.memory_space<vmem>> -> memref<1x104x128xf32, #tpu.memory_space<vmem>>
      %dma_wait3A_463 = tpu.memref_squeeze %dma_wait3A_462 : memref<1x104x128xf32, #tpu.memory_space<vmem>> -> memref<104x128xf32, #tpu.memory_space<vmem>>
      %dma_wait3A_464 = arith.constant 0 : i32
      %dma_wait3A_465 = arith.constant 0 : i32
      %dma_wait3A_466 = tpu.memref_slice %arg2[%dma_wait3A_464, %dma_wait3A_465] : memref<10000x128xf32, #tpu.memory_space<hbm>> -> memref<10000x128xf32, #tpu.memory_space<hbm>>
      tpu.wait_indirect_dma semaphore(%arg31 : memref<!tpu.dma_semaphore, #tpu.memory_space<semaphore_mem>>) src(%dma_wait3A_466 : memref<10000x128xf32, #tpu.memory_space<hbm>>) dst(%dma_wait3A_463 : memref<104x128xf32, #tpu.memory_space<vmem>>)
      %dma_start3A_467 = arith.constant 2 : i32
      %dma_start3A_468 = arith.constant 0 : i32
      %dma_start3A_469 = arith.constant 0 : i32
      %dma_start3A_470 = tpu.memref_slice %arg18[%dma_start3A_467, %dma_start3A_468, %dma_start3A_469] : memref<3x104x128xf32, #tpu.memory_space<vmem>> -> memref<1x104x128xf32, #tpu.memory_space<vmem>>
      %dma_start3A_471 = tpu.memref_squeeze %dma_start3A_470 : memref<1x104x128xf32, #tpu.memory_space<vmem>> -> memref<104x128xf32, #tpu.memory_space<vmem>>
      %dma_start3A_472 = arith.constant 0 : i32
      %dma_start3A_473 = arith.constant 0 : i32
      %dma_start3A_474 = tpu.memref_slice %arg22[%dma_start3A_472, %dma_start3A_473] : memref<10240x128xf32, #tpu.memory_space<vmem_shared>> -> memref<10240x128xf32, #tpu.memory_space<vmem_shared>>
      tpu.enqueue_indirect_dma source(%dma_start3A_471 : memref<104x128xf32, #tpu.memory_space<vmem>>) target(%dma_start3A_474 : memref<10240x128xf32, #tpu.memory_space<vmem_shared>>) offsets(%arg17 : memref<104xi32, #tpu.memory_space<vmem>>) semaphore(%arg34 : memref<!tpu.dma_semaphore, #tpu.memory_space<semaphore_mem>>) {add = true}
    }
    %scan3A_52 = arith.constant 16 : i32
    %dma_wait3A = arith.constant 0 : i32
    %dma_wait3A_53 = arith.constant 0 : i32
    %dma_wait3A_54 = arith.constant 0 : i32
    %dma_wait3A_55 = tpu.memref_slice %arg18[%dma_wait3A, %dma_wait3A_53, %dma_wait3A_54] : memref<3x104x128xf32, #tpu.memory_space<vmem>> -> memref<1x104x128xf32, #tpu.memory_space<vmem>>
    %dma_wait3A_56 = tpu.memref_squeeze %dma_wait3A_55 : memref<1x104x128xf32, #tpu.memory_space<vmem>> -> memref<104x128xf32, #tpu.memory_space<vmem>>
    %dma_wait3A_57 = arith.constant 0 : i32
    %dma_wait3A_58 = arith.constant 0 : i32
    %dma_wait3A_59 = tpu.memref_slice %arg2[%dma_wait3A_57, %dma_wait3A_58] : memref<10000x128xf32, #tpu.memory_space<hbm>> -> memref<104x128xf32, #tpu.memory_space<hbm>>
    %dma_wait3A_60 = arith.constant 0 : i32
    %dma_wait3A_61 = arith.constant 0 : i32
    %dma_wait3A_62 = tpu.memref_slice %arg18[%dma_wait3A, %dma_wait3A_60, %dma_wait3A_61] : memref<3x104x128xf32, #tpu.memory_space<vmem>> -> memref<1x104x128xf32, #tpu.memory_space<vmem>>
    %dma_wait3A_63 = tpu.memref_squeeze %dma_wait3A_62 : memref<1x104x128xf32, #tpu.memory_space<vmem>> -> memref<104x128xf32, #tpu.memory_space<vmem>>
    %dma_wait3A_64 = arith.constant 0 : i32
    %dma_wait3A_65 = arith.constant 0 : i32
    %dma_wait3A_66 = tpu.memref_slice %arg2[%dma_wait3A_64, %dma_wait3A_65] : memref<10000x128xf32, #tpu.memory_space<hbm>> -> memref<104x128xf32, #tpu.memory_space<hbm>>
    tpu.wait_dma2 semaphore(%arg32 : memref<!tpu.dma_semaphore, #tpu.memory_space<semaphore_mem>>) src(%dma_wait3A_66 : memref<104x128xf32, #tpu.memory_space<hbm>>) dst(%dma_wait3A_63 : memref<104x128xf32, #tpu.memory_space<vmem>>)
    %dma_wait3A_67 = arith.constant 0 : i32
    %dma_wait3A_68 = tpu.memref_slice %arg3[%dma_wait3A_67] : memref<320000xi32, #tpu.memory_space<hbm>> -> memref<104xi32, #tpu.memory_space<hbm>>
    %dma_wait3A_69 = arith.constant 0 : i32
    %dma_wait3A_70 = tpu.memref_slice %arg3[%dma_wait3A_69] : memref<320000xi32, #tpu.memory_space<hbm>> -> memref<104xi32, #tpu.memory_space<hbm>>
    tpu.wait_dma2 semaphore(%arg23 : memref<!tpu.dma_semaphore, #tpu.memory_space<semaphore_mem>>) src(%dma_wait3A_70 : memref<104xi32, #tpu.memory_space<hbm>>) dst(%arg6 : memref<104xi32, #tpu.memory_space<vmem>>)
    %dma_wait3A_71 = arith.constant 0 : i32
    %dma_wait3A_72 = tpu.memref_slice %arg4[%dma_wait3A_71] : memref<320000xi32, #tpu.memory_space<hbm>> -> memref<104xi32, #tpu.memory_space<hbm>>
    %dma_wait3A_73 = arith.constant 0 : i32
    %dma_wait3A_74 = tpu.memref_slice %arg4[%dma_wait3A_73] : memref<320000xi32, #tpu.memory_space<hbm>> -> memref<104xi32, #tpu.memory_space<hbm>>
    tpu.wait_dma2 semaphore(%arg23 : memref<!tpu.dma_semaphore, #tpu.memory_space<semaphore_mem>>) src(%dma_wait3A_74 : memref<104xi32, #tpu.memory_space<hbm>>) dst(%arg12 : memref<104xi32, #tpu.memory_space<vmem>>)
    %dma_wait3A_75 = arith.constant 1 : i32
    %dma_wait3A_76 = arith.constant 0 : i32
    %dma_wait3A_77 = arith.constant 0 : i32
    %dma_wait3A_78 = tpu.memref_slice %arg18[%dma_wait3A_75, %dma_wait3A_76, %dma_wait3A_77] : memref<3x104x128xf32, #tpu.memory_space<vmem>> -> memref<1x104x128xf32, #tpu.memory_space<vmem>>
    %dma_wait3A_79 = tpu.memref_squeeze %dma_wait3A_78 : memref<1x104x128xf32, #tpu.memory_space<vmem>> -> memref<104x128xf32, #tpu.memory_space<vmem>>
    %dma_wait3A_80 = arith.constant 0 : i32
    %dma_wait3A_81 = arith.constant 0 : i32
    %dma_wait3A_82 = tpu.memref_slice %arg2[%dma_wait3A_80, %dma_wait3A_81] : memref<10000x128xf32, #tpu.memory_space<hbm>> -> memref<104x128xf32, #tpu.memory_space<hbm>>
    %dma_wait3A_83 = arith.constant 0 : i32
    %dma_wait3A_84 = arith.constant 0 : i32
    %dma_wait3A_85 = tpu.memref_slice %arg18[%dma_wait3A_75, %dma_wait3A_83, %dma_wait3A_84] : memref<3x104x128xf32, #tpu.memory_space<vmem>> -> memref<1x104x128xf32, #tpu.memory_space<vmem>>
    %dma_wait3A_86 = tpu.memref_squeeze %dma_wait3A_85 : memref<1x104x128xf32, #tpu.memory_space<vmem>> -> memref<104x128xf32, #tpu.memory_space<vmem>>
    %dma_wait3A_87 = arith.constant 0 : i32
    %dma_wait3A_88 = arith.constant 0 : i32
    %dma_wait3A_89 = tpu.memref_slice %arg2[%dma_wait3A_87, %dma_wait3A_88] : memref<10000x128xf32, #tpu.memory_space<hbm>> -> memref<104x128xf32, #tpu.memory_space<hbm>>
    tpu.wait_dma2 semaphore(%arg33 : memref<!tpu.dma_semaphore, #tpu.memory_space<semaphore_mem>>) src(%dma_wait3A_89 : memref<104x128xf32, #tpu.memory_space<hbm>>) dst(%dma_wait3A_86 : memref<104x128xf32, #tpu.memory_space<vmem>>)
    %dma_wait3A_90 = arith.constant 0 : i32
    %dma_wait3A_91 = tpu.memref_slice %arg3[%dma_wait3A_90] : memref<320000xi32, #tpu.memory_space<hbm>> -> memref<104xi32, #tpu.memory_space<hbm>>
    %dma_wait3A_92 = arith.constant 0 : i32
    %dma_wait3A_93 = tpu.memref_slice %arg3[%dma_wait3A_92] : memref<320000xi32, #tpu.memory_space<hbm>> -> memref<104xi32, #tpu.memory_space<hbm>>
    tpu.wait_dma2 semaphore(%arg25 : memref<!tpu.dma_semaphore, #tpu.memory_space<semaphore_mem>>) src(%dma_wait3A_93 : memref<104xi32, #tpu.memory_space<hbm>>) dst(%arg8 : memref<104xi32, #tpu.memory_space<vmem>>)
    %dma_wait3A_94 = arith.constant 0 : i32
    %dma_wait3A_95 = tpu.memref_slice %arg4[%dma_wait3A_94] : memref<320000xi32, #tpu.memory_space<hbm>> -> memref<104xi32, #tpu.memory_space<hbm>>
    %dma_wait3A_96 = arith.constant 0 : i32
    %dma_wait3A_97 = tpu.memref_slice %arg4[%dma_wait3A_96] : memref<320000xi32, #tpu.memory_space<hbm>> -> memref<104xi32, #tpu.memory_space<hbm>>
    tpu.wait_dma2 semaphore(%arg25 : memref<!tpu.dma_semaphore, #tpu.memory_space<semaphore_mem>>) src(%dma_wait3A_97 : memref<104xi32, #tpu.memory_space<hbm>>) dst(%arg14 : memref<104xi32, #tpu.memory_space<vmem>>)
    %dma_wait3A_98 = arith.constant 2 : i32
    %dma_wait3A_99 = arith.constant 0 : i32
    %dma_wait3A_100 = arith.constant 0 : i32
    %dma_wait3A_101 = tpu.memref_slice %arg18[%dma_wait3A_98, %dma_wait3A_99, %dma_wait3A_100] : memref<3x104x128xf32, #tpu.memory_space<vmem>> -> memref<1x104x128xf32, #tpu.memory_space<vmem>>
    %dma_wait3A_102 = tpu.memref_squeeze %dma_wait3A_101 : memref<1x104x128xf32, #tpu.memory_space<vmem>> -> memref<104x128xf32, #tpu.memory_space<vmem>>
    %dma_wait3A_103 = arith.constant 0 : i32
    %dma_wait3A_104 = arith.constant 0 : i32
    %dma_wait3A_105 = tpu.memref_slice %arg2[%dma_wait3A_103, %dma_wait3A_104] : memref<10000x128xf32, #tpu.memory_space<hbm>> -> memref<104x128xf32, #tpu.memory_space<hbm>>
    %dma_wait3A_106 = arith.constant 0 : i32
    %dma_wait3A_107 = arith.constant 0 : i32
    %dma_wait3A_108 = tpu.memref_slice %arg18[%dma_wait3A_98, %dma_wait3A_106, %dma_wait3A_107] : memref<3x104x128xf32, #tpu.memory_space<vmem>> -> memref<1x104x128xf32, #tpu.memory_space<vmem>>
    %dma_wait3A_109 = tpu.memref_squeeze %dma_wait3A_108 : memref<1x104x128xf32, #tpu.memory_space<vmem>> -> memref<104x128xf32, #tpu.memory_space<vmem>>
    %dma_wait3A_110 = arith.constant 0 : i32
    %dma_wait3A_111 = arith.constant 0 : i32
    %dma_wait3A_112 = tpu.memref_slice %arg2[%dma_wait3A_110, %dma_wait3A_111] : memref<10000x128xf32, #tpu.memory_space<hbm>> -> memref<104x128xf32, #tpu.memory_space<hbm>>
    tpu.wait_dma2 semaphore(%arg34 : memref<!tpu.dma_semaphore, #tpu.memory_space<semaphore_mem>>) src(%dma_wait3A_112 : memref<104x128xf32, #tpu.memory_space<hbm>>) dst(%dma_wait3A_109 : memref<104x128xf32, #tpu.memory_space<vmem>>)
    %dma_wait3A_113 = arith.constant 0 : i32
    %dma_wait3A_114 = tpu.memref_slice %arg3[%dma_wait3A_113] : memref<320000xi32, #tpu.memory_space<hbm>> -> memref<104xi32, #tpu.memory_space<hbm>>
    %dma_wait3A_115 = arith.constant 0 : i32
    %dma_wait3A_116 = tpu.memref_slice %arg3[%dma_wait3A_115] : memref<320000xi32, #tpu.memory_space<hbm>> -> memref<104xi32, #tpu.memory_space<hbm>>
    tpu.wait_dma2 semaphore(%arg27 : memref<!tpu.dma_semaphore, #tpu.memory_space<semaphore_mem>>) src(%dma_wait3A_116 : memref<104xi32, #tpu.memory_space<hbm>>) dst(%arg10 : memref<104xi32, #tpu.memory_space<vmem>>)
    %dma_wait3A_117 = arith.constant 0 : i32
    %dma_wait3A_118 = tpu.memref_slice %arg4[%dma_wait3A_117] : memref<320000xi32, #tpu.memory_space<hbm>> -> memref<104xi32, #tpu.memory_space<hbm>>
    %dma_wait3A_119 = arith.constant 0 : i32
    %dma_wait3A_120 = tpu.memref_slice %arg4[%dma_wait3A_119] : memref<320000xi32, #tpu.memory_space<hbm>> -> memref<104xi32, #tpu.memory_space<hbm>>
    tpu.wait_dma2 semaphore(%arg27 : memref<!tpu.dma_semaphore, #tpu.memory_space<semaphore_mem>>) src(%dma_wait3A_120 : memref<104xi32, #tpu.memory_space<hbm>>) dst(%arg16 : memref<104xi32, #tpu.memory_space<vmem>>)
    %add3A_121 = arith.constant 9984 : i32
    %add3A_122 = arith.addi %mul3A_29, %add3A_121 : i32
    "tpu.region"() ({
      %run_scoped3A_136 = tpu.sem_alloc : memref<!tpu.dma_semaphore, #tpu.memory_space<semaphore_mem>>
      %dma_start3A_137 = tpu.memref_slice %arg3[%add3A_122] : memref<320000xi32, #tpu.memory_space<hbm>> -> memref<16xi32, #tpu.memory_space<hbm>>
      %dma_start3A_138 = tpu.memref_slice %arg3[%add3A_122] : memref<320000xi32, #tpu.memory_space<hbm>> -> memref<16xi32, #tpu.memory_space<hbm>>
      tpu.enqueue_dma source(%dma_start3A_138 : memref<16xi32, #tpu.memory_space<hbm>>) target(%arg19 : memref<16xi32, #tpu.memory_space<vmem>>) target_semaphore(%run_scoped3A_136 : memref<!tpu.dma_semaphore, #tpu.memory_space<semaphore_mem>>)
      %dma_wait3A_139 = tpu.memref_slice %arg3[%add3A_122] : memref<320000xi32, #tpu.memory_space<hbm>> -> memref<16xi32, #tpu.memory_space<hbm>>
      %dma_wait3A_140 = tpu.memref_slice %arg3[%add3A_122] : memref<320000xi32, #tpu.memory_space<hbm>> -> memref<16xi32, #tpu.memory_space<hbm>>
      tpu.wait_dma2 semaphore(%run_scoped3A_136 : memref<!tpu.dma_semaphore, #tpu.memory_space<semaphore_mem>>) src(%dma_wait3A_140 : memref<16xi32, #tpu.memory_space<hbm>>) dst(%arg19 : memref<16xi32, #tpu.memory_space<vmem>>)
      tpu.yield
    }) : () -> ()
    "tpu.region"() ({
      %run_scoped3A_136 = tpu.sem_alloc : memref<!tpu.dma_semaphore, #tpu.memory_space<semaphore_mem>>
      %dma_start3A_137 = tpu.memref_slice %arg4[%add3A_122] : memref<320000xi32, #tpu.memory_space<hbm>> -> memref<16xi32, #tpu.memory_space<hbm>>
      %dma_start3A_138 = tpu.memref_slice %arg4[%add3A_122] : memref<320000xi32, #tpu.memory_space<hbm>> -> memref<16xi32, #tpu.memory_space<hbm>>
      tpu.enqueue_dma source(%dma_start3A_138 : memref<16xi32, #tpu.memory_space<hbm>>) target(%arg20 : memref<16xi32, #tpu.memory_space<vmem>>) target_semaphore(%run_scoped3A_136 : memref<!tpu.dma_semaphore, #tpu.memory_space<semaphore_mem>>)
      %dma_wait3A_139 = tpu.memref_slice %arg4[%add3A_122] : memref<320000xi32, #tpu.memory_space<hbm>> -> memref<16xi32, #tpu.memory_space<hbm>>
      %dma_wait3A_140 = tpu.memref_slice %arg4[%add3A_122] : memref<320000xi32, #tpu.memory_space<hbm>> -> memref<16xi32, #tpu.memory_space<hbm>>
      tpu.wait_dma2 semaphore(%run_scoped3A_136 : memref<!tpu.dma_semaphore, #tpu.memory_space<semaphore_mem>>) src(%dma_wait3A_140 : memref<16xi32, #tpu.memory_space<hbm>>) dst(%arg20 : memref<16xi32, #tpu.memory_space<vmem>>)
      tpu.yield
    }) : () -> ()
    %dma_start3A_123 = arith.constant 0 : i32
    %dma_start3A_124 = arith.constant 0 : i32
    %dma_start3A_125 = tpu.memref_slice %arg2[%dma_start3A_123, %dma_start3A_124] : memref<10000x128xf32, #tpu.memory_space<hbm>> -> memref<10000x128xf32, #tpu.memory_space<hbm>>
    tpu.enqueue_indirect_dma source(%dma_start3A_125 : memref<10000x128xf32, #tpu.memory_space<hbm>>) target(%arg21 : memref<16x128xf32, #tpu.memory_space<vmem>>) offsets(%arg19 : memref<16xi32, #tpu.memory_space<vmem>>) semaphore(%arg29 : memref<!tpu.dma_semaphore, #tpu.memory_space<semaphore_mem>>)
    %dma_wait3A_126 = arith.constant 0 : i32
    %dma_wait3A_127 = arith.constant 0 : i32
    %dma_wait3A_128 = tpu.memref_slice %arg2[%dma_wait3A_126, %dma_wait3A_127] : memref<10000x128xf32, #tpu.memory_space<hbm>> -> memref<10000x128xf32, #tpu.memory_space<hbm>>
    tpu.wait_indirect_dma semaphore(%arg29 : memref<!tpu.dma_semaphore, #tpu.memory_space<semaphore_mem>>) src(%dma_wait3A_128 : memref<10000x128xf32, #tpu.memory_space<hbm>>) dst(%arg21 : memref<16x128xf32, #tpu.memory_space<vmem>>)
    %dma_start3A_129 = arith.constant 0 : i32
    %dma_start3A_130 = arith.constant 0 : i32
    %dma_start3A_131 = tpu.memref_slice %arg22[%dma_start3A_129, %dma_start3A_130] : memref<10240x128xf32, #tpu.memory_space<vmem_shared>> -> memref<10240x128xf32, #tpu.memory_space<vmem_shared>>
    tpu.enqueue_indirect_dma source(%arg21 : memref<16x128xf32, #tpu.memory_space<vmem>>) target(%dma_start3A_131 : memref<10240x128xf32, #tpu.memory_space<vmem_shared>>) offsets(%arg20 : memref<16xi32, #tpu.memory_space<vmem>>) semaphore(%arg32 : memref<!tpu.dma_semaphore, #tpu.memory_space<semaphore_mem>>) {add = true}
    %dma_wait3A_132 = arith.constant 0 : i32
    %dma_wait3A_133 = arith.constant 0 : i32
    %dma_wait3A_134 = tpu.memref_slice %arg22[%dma_wait3A_132, %dma_wait3A_133] : memref<10240x128xf32, #tpu.memory_space<vmem_shared>> -> memref<10240x128xf32, #tpu.memory_space<vmem_shared>>
    tpu.wait_indirect_dma semaphore(%arg32 : memref<!tpu.dma_semaphore, #tpu.memory_space<semaphore_mem>>) src(%arg21 : memref<16x128xf32, #tpu.memory_space<vmem>>) dst(%dma_wait3A_134 : memref<10240x128xf32, #tpu.memory_space<vmem_shared>>)
    %barrier3A_135 = arith.constant 0 : index
    tpu.barrier barrier_id(%barrier3A_135)
    "tpu.region"() ({
      %run_scoped3A_136 = tpu.sem_alloc : memref<!tpu.dma_semaphore, #tpu.memory_space<semaphore_mem>>
      %dma_start3A_137 = arith.constant 0 : i32
      %dma_start3A_138 = tpu.memref_slice %arg5[%arg0, %mul3A_7, %dma_start3A_137] : memref<2x10240x128xf32, #tpu.memory_space<hbm>> -> memref<1x640x128xf32, #tpu.memory_space<hbm>>
      %dma_start3A_139 = tpu.memref_squeeze %dma_start3A_138 : memref<1x640x128xf32, #tpu.memory_space<hbm>> -> memref<640x128xf32, #tpu.memory_space<hbm>>
      %dma_start3A_140 = arith.constant 0 : i32
      %dma_start3A_141 = tpu.memref_slice %arg22[%mul3A_7, %dma_start3A_140] : memref<10240x128xf32, #tpu.memory_space<vmem_shared>> -> memref<640x128xf32, #tpu.memory_space<vmem_shared>>
      tpu.enqueue_dma source(%dma_start3A_141 : memref<640x128xf32, #tpu.memory_space<vmem_shared>>) target(%dma_start3A_139 : memref<640x128xf32, #tpu.memory_space<hbm>>) target_semaphore(%run_scoped3A_136 : memref<!tpu.dma_semaphore, #tpu.memory_space<semaphore_mem>>)
      %dma_wait3A_142 = arith.constant 0 : i32
      %dma_wait3A_143 = tpu.memref_slice %arg5[%arg0, %mul3A_7, %dma_wait3A_142] : memref<2x10240x128xf32, #tpu.memory_space<hbm>> -> memref<1x640x128xf32, #tpu.memory_space<hbm>>
      %dma_wait3A_144 = tpu.memref_squeeze %dma_wait3A_143 : memref<1x640x128xf32, #tpu.memory_space<hbm>> -> memref<640x128xf32, #tpu.memory_space<hbm>>
      %dma_wait3A_145 = arith.constant 0 : i32
      %dma_wait3A_146 = tpu.memref_slice %arg22[%mul3A_7, %dma_wait3A_145] : memref<10240x128xf32, #tpu.memory_space<vmem_shared>> -> memref<640x128xf32, #tpu.memory_space<vmem_shared>>
      tpu.wait_dma2 semaphore(%run_scoped3A_136 : memref<!tpu.dma_semaphore, #tpu.memory_space<semaphore_mem>>) src(%dma_wait3A_146 : memref<640x128xf32, #tpu.memory_space<vmem_shared>>) dst(%dma_wait3A_144 : memref<640x128xf32, #tpu.memory_space<hbm>>)
      tpu.yield
    }) : () -> ()
    return
  }
}

#map = affine_map<(d0, d1) -> (0, 0)>
#map1 = affine_map<(d0, d1) -> (0)>
#map2 = affine_map<(d0, d1) -> (0, 0, 0)>
module attributes {stable_mosaic.version = 14 : i64} {
  func.func @_edge_pass_kernel(%arg0: i32, %arg1: i32, %arg2: memref<10000x128xf32, #tpu.memory_space<hbm>>, %arg3: memref<320000xi32, #tpu.memory_space<hbm>>, %arg4: memref<320000xi32, #tpu.memory_space<hbm>>, %arg5: memref<2x10240x128xf32, #tpu.memory_space<hbm>>, %arg6: memref<104xi32, #tpu.memory_space<vmem>>, %arg7: memref<104xi32, #tpu.memory_space<vmem>>, %arg8: memref<104xi32, #tpu.memory_space<vmem>>, %arg9: memref<104xi32, #tpu.memory_space<vmem>>, %arg10: memref<104xi32, #tpu.memory_space<vmem>>, %arg11: memref<104xi32, #tpu.memory_space<vmem>>, %arg12: memref<104xi32, #tpu.memory_space<vmem>>, %arg13: memref<104xi32, #tpu.memory_space<vmem>>, %arg14: memref<104xi32, #tpu.memory_space<vmem>>, %arg15: memref<104xi32, #tpu.memory_space<vmem>>, %arg16: memref<104xi32, #tpu.memory_space<vmem>>, %arg17: memref<104xi32, #tpu.memory_space<vmem>>, %arg18: memref<3x104x128xf32, #tpu.memory_space<vmem>>, %arg19: memref<16xi32, #tpu.memory_space<vmem>>, %arg20: memref<16xi32, #tpu.memory_space<vmem>>, %arg21: memref<16x128xf32, #tpu.memory_space<vmem>>, %arg22: memref<10240x128xf32, #tpu.memory_space<vmem_shared>>, %arg23: memref<!tpu.dma_semaphore, #tpu.memory_space<semaphore_mem>>, %arg24: memref<!tpu.dma_semaphore, #tpu.memory_space<semaphore_mem>>, %arg25: memref<!tpu.dma_semaphore, #tpu.memory_space<semaphore_mem>>, %arg26: memref<!tpu.dma_semaphore, #tpu.memory_space<semaphore_mem>>, %arg27: memref<!tpu.dma_semaphore, #tpu.memory_space<semaphore_mem>>, %arg28: memref<!tpu.dma_semaphore, #tpu.memory_space<semaphore_mem>>, %arg29: memref<!tpu.dma_semaphore, #tpu.memory_space<semaphore_mem>>, %arg30: memref<!tpu.dma_semaphore, #tpu.memory_space<semaphore_mem>>, %arg31: memref<!tpu.dma_semaphore, #tpu.memory_space<semaphore_mem>>, %arg32: memref<!tpu.dma_semaphore, #tpu.memory_space<semaphore_mem>>, %arg33: memref<!tpu.dma_semaphore, #tpu.memory_space<semaphore_mem>>, %arg34: memref<!tpu.dma_semaphore, #tpu.memory_space<semaphore_mem>>) attributes {dimension_semantics = [#tpu.dimension_semantics<core_parallel>, #tpu.dimension_semantics<subcore_parallel>], iteration_bounds = array<i64: 2, 16>, scalar_prefetch = 0 : i64, scratch_operands = 29 : i64, tpu.core_type = #tpu.core_type<sc_vector_subcore>, window_params = [{transform_indices = #map}, {transform_indices = #map1}, {transform_indices = #map1}, {transform_indices = #map2}]} {
    %mul3A = arith.constant 16 : i32
    %mul3A_0 = arith.muli %arg0, %mul3A : i32
    %add3A = arith.addi %mul3A_0, %arg1 : i32
    %scan3A = arith.constant 0 : i32
    %scan3A_1 = arith.constant 0 : i32
    %scan3A_2 = arith.constant 832 : i32
    %scan3A_3 = arith.addi %scan3A_1, %scan3A_2 : i32
    %scan3A_4 = arith.constant 1 : i32
    scf.for %scan3A_136 = %scan3A_1 to %scan3A_3 step %scan3A_4  : i32 {
      %jit3A = arith.constant 8 : i32
      %div3A = arith.divsi %scan3A_136, %jit3A : i32
      %sign3A = arith.constant 0 : i32
      %sign3A_137 = arith.cmpi sgt, %scan3A_136, %sign3A : i32
      %sign3A_138 = arith.extui %sign3A_137 : i1 to i32
      %sign3A_139 = arith.constant 0 : i32
      %sign3A_140 = arith.cmpi slt, %scan3A_136, %sign3A_139 : i32
      %sign3A_141 = arith.extui %sign3A_140 : i1 to i32
      %sign3A_142 = arith.subi %sign3A_138, %sign3A_141 : i32
      %sign3A_143 = arith.constant 0 : i32
      %sign3A_144 = arith.cmpi sgt, %jit3A, %sign3A_143 : i32
      %sign3A_145 = arith.extui %sign3A_144 : i1 to i32
      %sign3A_146 = arith.constant 0 : i32
      %sign3A_147 = arith.cmpi slt, %jit3A, %sign3A_146 : i32
      %sign3A_148 = arith.extui %sign3A_147 : i1 to i32
      %sign3A_149 = arith.subi %sign3A_145, %sign3A_148 : i32
      %ne3A = arith.cmpi ne, %sign3A_142, %sign3A_149 : i32
      %rem3A = arith.remsi %scan3A_136, %jit3A : i32
      %ne3A_150 = arith.constant 0 : i32
      %ne3A_151 = arith.cmpi ne, %rem3A, %ne3A_150 : i32
      %and3A = arith.andi %ne3A, %ne3A_151 : i1
      %sub3A = arith.constant 1 : i32
      %sub3A_152 = arith.subi %div3A, %sub3A : i32
      %select_n3A = arith.select %and3A, %sub3A_152, %div3A : i32
      %jit3A_153 = arith.constant 8 : i32
      %eq3A = arith.constant 0 : i32
      %eq3A_154 = arith.cmpi eq, %jit3A_153, %eq3A : i32
      %jit3A_155 = arith.constant 1 : i32
      %select_n3A_156 = arith.select %eq3A_154, %jit3A_155, %jit3A_153 : i32
      %rem3A_157 = arith.remsi %scan3A_136, %select_n3A_156 : i32
      %ne3A_158 = arith.constant 0 : i32
      %ne3A_159 = arith.cmpi ne, %rem3A_157, %ne3A_158 : i32
      %lt3A = arith.constant 0 : i32
      %lt3A_160 = arith.cmpi slt, %rem3A_157, %lt3A : i32
      %lt3A_161 = arith.constant 0 : i32
      %lt3A_162 = arith.cmpi slt, %select_n3A_156, %lt3A_161 : i32
      %ne3A_163 = arith.xori %lt3A_160, %lt3A_162 : i1
      %and3A_164 = arith.andi %ne3A_163, %ne3A_159 : i1
      %add3A_165 = arith.addi %rem3A_157, %select_n3A_156 : i32
      %select_n3A_166 = arith.select %and3A_164, %add3A_165, %rem3A_157 : i32
      %broadcast_in_dim3A = arith.constant 0.000000e+00 : f32
      %broadcast_in_dim3A_167 = vector.broadcast %broadcast_in_dim3A : f32 to vector<16xf32>
      %mul3A_168 = arith.constant 16 : i32
      %mul3A_169 = arith.muli %select_n3A_166, %mul3A_168 : i32
      %swap3A = arith.constant 0 : i32
      %swap3A_170 = arith.index_cast %swap3A : i32 to index
      %swap3A_171 = arith.index_cast %select_n3A : i32 to index
      %swap3A_172 = arith.index_cast %mul3A_169 : i32 to index
      %swap3A_173 = tpu.vector_load %arg18[%swap3A_170, %swap3A_171, %swap3A_172] {strides = array<i32>} : memref<3x104x128xf32, #tpu.memory_space<vmem>>, vector<16xf32>,
      tpu.vector_store %arg18[%swap3A_170, %swap3A_171, %swap3A_172], %broadcast_in_dim3A_167 {strides = array<i32>} : memref<3x104x128xf32, #tpu.memory_space<vmem>>, vector<16xf32>,
    }
    %scan3A_5 = arith.constant 832 : i32
    %mul3A_6 = arith.constant 640 : i32
    %mul3A_7 = arith.muli %arg1, %mul3A_6 : i32
    %add3A_8 = arith.constant 0 : i32
    %add3A_9 = arith.addi %mul3A_7, %add3A_8 : i32
    %run_scoped3A = arith.constant 0 : i32
    "tpu.region"() ({
      %run_scoped3A_136 = tpu.sem_alloc : memref<!tpu.dma_semaphore, #tpu.memory_space<semaphore_mem>>
      %dma_start3A_137 = arith.constant 0 : i32
      %dma_start3A_138 = arith.constant 0 : i32
      %dma_start3A_139 = tpu.memref_slice %arg18[%run_scoped3A, %dma_start3A_137, %dma_start3A_138] : memref<3x104x128xf32, #tpu.memory_space<vmem>> -> memref<1x104x128xf32, #tpu.memory_space<vmem>>
      %dma_start3A_140 = tpu.memref_squeeze %dma_start3A_139 : memref<1x104x128xf32, #tpu.memory_space<vmem>> -> memref<104x128xf32, #tpu.memory_space<vmem>>
      %dma_start3A_141 = arith.constant 0 : i32
      %dma_start3A_142 = tpu.memref_slice %arg22[%add3A_9, %dma_start3A_141] : memref<10240x128xf32, #tpu.memory_space<vmem_shared>> -> memref<104x128xf32, #tpu.memory_space<vmem_shared>>
      %dma_start3A_143 = arith.constant 0 : i32
      %dma_start3A_144 = tpu.memref_slice %arg22[%add3A_9, %dma_start3A_143] : memref<10240x128xf32, #tpu.memory_space<vmem_shared>> -> memref<104x128xf32, #tpu.memory_space<vmem_shared>>
      %dma_start3A_145 = arith.constant 0 : i32
      %dma_start3A_146 = arith.constant 0 : i32
      %dma_start3A_147 = tpu.memref_slice %arg18[%run_scoped3A, %dma_start3A_145, %dma_start3A_146] : memref<3x104x128xf32, #tpu.memory_space<vmem>> -> memref<1x104x128xf32, #tpu.memory_space<vmem>>
      %dma_start3A_148 = tpu.memref_squeeze %dma_start3A_147 : memref<1x104x128xf32, #tpu.memory_space<vmem>> -> memref<104x128xf32, #tpu.memory_space<vmem>>
      tpu.enqueue_dma source(%dma_start3A_148 : memref<104x128xf32, #tpu.memory_space<vmem>>) target(%dma_start3A_144 : memref<104x128xf32, #tpu.memory_space<vmem_shared>>) target_semaphore(%run_scoped3A_136 : memref<!tpu.dma_semaphore, #tpu.memory_space<semaphore_mem>>)
      %dma_wait3A_149 = arith.constant 0 : i32
      %dma_wait3A_150 = arith.constant 0 : i32
      %dma_wait3A_151 = tpu.memref_slice %arg18[%run_scoped3A, %dma_wait3A_149, %dma_wait3A_150] : memref<3x104x128xf32, #tpu.memory_space<vmem>> -> memref<1x104x128xf32, #tpu.memory_space<vmem>>
      %dma_wait3A_152 = tpu.memref_squeeze %dma_wait3A_151 : memref<1x104x128xf32, #tpu.memory_space<vmem>> -> memref<104x128xf32, #tpu.memory_space<vmem>>
      %dma_wait3A_153 = arith.constant 0 : i32
      %dma_wait3A_154 = tpu.memref_slice %arg22[%add3A_9, %dma_wait3A_153] : memref<10240x128xf32, #tpu.memory_space<vmem_shared>> -> memref<104x128xf32, #tpu.memory_space<vmem_shared>>
      %dma_wait3A_155 = arith.constant 0 : i32
      %dma_wait3A_156 = tpu.memref_slice %arg22[%add3A_9, %dma_wait3A_155] : memref<10240x128xf32, #tpu.memory_space<vmem_shared>> -> memref<104x128xf32, #tpu.memory_space<vmem_shared>>
      %dma_wait3A_157 = arith.constant 0 : i32
      %dma_wait3A_158 = arith.constant 0 : i32
      %dma_wait3A_159 = tpu.memref_slice %arg18[%run_scoped3A, %dma_wait3A_157, %dma_wait3A_158] : memref<3x104x128xf32, #tpu.memory_space<vmem>> -> memref<1x104x128xf32, #tpu.memory_space<vmem>>
      %dma_wait3A_160 = tpu.memref_squeeze %dma_wait3A_159 : memref<1x104x128xf32, #tpu.memory_space<vmem>> -> memref<104x128xf32, #tpu.memory_space<vmem>>
      tpu.wait_dma2 semaphore(%run_scoped3A_136 : memref<!tpu.dma_semaphore, #tpu.memory_space<semaphore_mem>>) src(%dma_wait3A_160 : memref<104x128xf32, #tpu.memory_space<vmem>>) dst(%dma_wait3A_156 : memref<104x128xf32, #tpu.memory_space<vmem_shared>>)
      tpu.yield
    }) : () -> ()
    %add3A_10 = arith.constant 104 : i32
    %add3A_11 = arith.addi %mul3A_7, %add3A_10 : i32
    %run_scoped3A_12 = arith.constant 0 : i32
    "tpu.region"() ({
      %run_scoped3A_136 = tpu.sem_alloc : memref<!tpu.dma_semaphore, #tpu.memory_space<semaphore_mem>>
      %dma_start3A_137 = arith.constant 0 : i32
      %dma_start3A_138 = arith.constant 0 : i32
      %dma_start3A_139 = tpu.memref_slice %arg18[%run_scoped3A_12, %dma_start3A_137, %dma_start3A_138] : memref<3x104x128xf32, #tpu.memory_space<vmem>> -> memref<1x104x128xf32, #tpu.memory_space<vmem>>
      %dma_start3A_140 = tpu.memref_squeeze %dma_start3A_139 : memref<1x104x128xf32, #tpu.memory_space<vmem>> -> memref<104x128xf32, #tpu.memory_space<vmem>>
      %dma_start3A_141 = arith.constant 0 : i32
      %dma_start3A_142 = tpu.memref_slice %arg22[%add3A_11, %dma_start3A_141] : memref<10240x128xf32, #tpu.memory_space<vmem_shared>> -> memref<104x128xf32, #tpu.memory_space<vmem_shared>>
      %dma_start3A_143 = arith.constant 0 : i32
      %dma_start3A_144 = tpu.memref_slice %arg22[%add3A_11, %dma_start3A_143] : memref<10240x128xf32, #tpu.memory_space<vmem_shared>> -> memref<104x128xf32, #tpu.memory_space<vmem_shared>>
      %dma_start3A_145 = arith.constant 0 : i32
      %dma_start3A_146 = arith.constant 0 : i32
      %dma_start3A_147 = tpu.memref_slice %arg18[%run_scoped3A_12, %dma_start3A_145, %dma_start3A_146] : memref<3x104x128xf32, #tpu.memory_space<vmem>> -> memref<1x104x128xf32, #tpu.memory_space<vmem>>
      %dma_start3A_148 = tpu.memref_squeeze %dma_start3A_147 : memref<1x104x128xf32, #tpu.memory_space<vmem>> -> memref<104x128xf32, #tpu.memory_space<vmem>>
      tpu.enqueue_dma source(%dma_start3A_148 : memref<104x128xf32, #tpu.memory_space<vmem>>) target(%dma_start3A_144 : memref<104x128xf32, #tpu.memory_space<vmem_shared>>) target_semaphore(%run_scoped3A_136 : memref<!tpu.dma_semaphore, #tpu.memory_space<semaphore_mem>>)
      %dma_wait3A_149 = arith.constant 0 : i32
      %dma_wait3A_150 = arith.constant 0 : i32
      %dma_wait3A_151 = tpu.memref_slice %arg18[%run_scoped3A_12, %dma_wait3A_149, %dma_wait3A_150] : memref<3x104x128xf32, #tpu.memory_space<vmem>> -> memref<1x104x128xf32, #tpu.memory_space<vmem>>
      %dma_wait3A_152 = tpu.memref_squeeze %dma_wait3A_151 : memref<1x104x128xf32, #tpu.memory_space<vmem>> -> memref<104x128xf32, #tpu.memory_space<vmem>>
      %dma_wait3A_153 = arith.constant 0 : i32
      %dma_wait3A_154 = tpu.memref_slice %arg22[%add3A_11, %dma_wait3A_153] : memref<10240x128xf32, #tpu.memory_space<vmem_shared>> -> memref<104x128xf32, #tpu.memory_space<vmem_shared>>
      %dma_wait3A_155 = arith.constant 0 : i32
      %dma_wait3A_156 = tpu.memref_slice %arg22[%add3A_11, %dma_wait3A_155] : memref<10240x128xf32, #tpu.memory_space<vmem_shared>> -> memref<104x128xf32, #tpu.memory_space<vmem_shared>>
      %dma_wait3A_157 = arith.constant 0 : i32
      %dma_wait3A_158 = arith.constant 0 : i32
      %dma_wait3A_159 = tpu.memref_slice %arg18[%run_scoped3A_12, %dma_wait3A_157, %dma_wait3A_158] : memref<3x104x128xf32, #tpu.memory_space<vmem>> -> memref<1x104x128xf32, #tpu.memory_space<vmem>>
      %dma_wait3A_160 = tpu.memref_squeeze %dma_wait3A_159 : memref<1x104x128xf32, #tpu.memory_space<vmem>> -> memref<104x128xf32, #tpu.memory_space<vmem>>
      tpu.wait_dma2 semaphore(%run_scoped3A_136 : memref<!tpu.dma_semaphore, #tpu.memory_space<semaphore_mem>>) src(%dma_wait3A_160 : memref<104x128xf32, #tpu.memory_space<vmem>>) dst(%dma_wait3A_156 : memref<104x128xf32, #tpu.memory_space<vmem_shared>>)
      tpu.yield
    }) : () -> ()
    %add3A_13 = arith.constant 208 : i32
    %add3A_14 = arith.addi %mul3A_7, %add3A_13 : i32
    %run_scoped3A_15 = arith.constant 0 : i32
    "tpu.region"() ({
      %run_scoped3A_136 = tpu.sem_alloc : memref<!tpu.dma_semaphore, #tpu.memory_space<semaphore_mem>>
      %dma_start3A_137 = arith.constant 0 : i32
      %dma_start3A_138 = arith.constant 0 : i32
      %dma_start3A_139 = tpu.memref_slice %arg18[%run_scoped3A_15, %dma_start3A_137, %dma_start3A_138] : memref<3x104x128xf32, #tpu.memory_space<vmem>> -> memref<1x104x128xf32, #tpu.memory_space<vmem>>
      %dma_start3A_140 = tpu.memref_squeeze %dma_start3A_139 : memref<1x104x128xf32, #tpu.memory_space<vmem>> -> memref<104x128xf32, #tpu.memory_space<vmem>>
      %dma_start3A_141 = arith.constant 0 : i32
      %dma_start3A_142 = tpu.memref_slice %arg22[%add3A_14, %dma_start3A_141] : memref<10240x128xf32, #tpu.memory_space<vmem_shared>> -> memref<104x128xf32, #tpu.memory_space<vmem_shared>>
      %dma_start3A_143 = arith.constant 0 : i32
      %dma_start3A_144 = tpu.memref_slice %arg22[%add3A_14, %dma_start3A_143] : memref<10240x128xf32, #tpu.memory_space<vmem_shared>> -> memref<104x128xf32, #tpu.memory_space<vmem_shared>>
      %dma_start3A_145 = arith.constant 0 : i32
      %dma_start3A_146 = arith.constant 0 : i32
      %dma_start3A_147 = tpu.memref_slice %arg18[%run_scoped3A_15, %dma_start3A_145, %dma_start3A_146] : memref<3x104x128xf32, #tpu.memory_space<vmem>> -> memref<1x104x128xf32, #tpu.memory_space<vmem>>
      %dma_start3A_148 = tpu.memref_squeeze %dma_start3A_147 : memref<1x104x128xf32, #tpu.memory_space<vmem>> -> memref<104x128xf32, #tpu.memory_space<vmem>>
      tpu.enqueue_dma source(%dma_start3A_148 : memref<104x128xf32, #tpu.memory_space<vmem>>) target(%dma_start3A_144 : memref<104x128xf32, #tpu.memory_space<vmem_shared>>) target_semaphore(%run_scoped3A_136 : memref<!tpu.dma_semaphore, #tpu.memory_space<semaphore_mem>>)
      %dma_wait3A_149 = arith.constant 0 : i32
      %dma_wait3A_150 = arith.constant 0 : i32
      %dma_wait3A_151 = tpu.memref_slice %arg18[%run_scoped3A_15, %dma_wait3A_149, %dma_wait3A_150] : memref<3x104x128xf32, #tpu.memory_space<vmem>> -> memref<1x104x128xf32, #tpu.memory_space<vmem>>
      %dma_wait3A_152 = tpu.memref_squeeze %dma_wait3A_151 : memref<1x104x128xf32, #tpu.memory_space<vmem>> -> memref<104x128xf32, #tpu.memory_space<vmem>>
      %dma_wait3A_153 = arith.constant 0 : i32
      %dma_wait3A_154 = tpu.memref_slice %arg22[%add3A_14, %dma_wait3A_153] : memref<10240x128xf32, #tpu.memory_space<vmem_shared>> -> memref<104x128xf32, #tpu.memory_space<vmem_shared>>
      %dma_wait3A_155 = arith.constant 0 : i32
      %dma_wait3A_156 = tpu.memref_slice %arg22[%add3A_14, %dma_wait3A_155] : memref<10240x128xf32, #tpu.memory_space<vmem_shared>> -> memref<104x128xf32, #tpu.memory_space<vmem_shared>>
      %dma_wait3A_157 = arith.constant 0 : i32
      %dma_wait3A_158 = arith.constant 0 : i32
      %dma_wait3A_159 = tpu.memref_slice %arg18[%run_scoped3A_15, %dma_wait3A_157, %dma_wait3A_158] : memref<3x104x128xf32, #tpu.memory_space<vmem>> -> memref<1x104x128xf32, #tpu.memory_space<vmem>>
      %dma_wait3A_160 = tpu.memref_squeeze %dma_wait3A_159 : memref<1x104x128xf32, #tpu.memory_space<vmem>> -> memref<104x128xf32, #tpu.memory_space<vmem>>
      tpu.wait_dma2 semaphore(%run_scoped3A_136 : memref<!tpu.dma_semaphore, #tpu.memory_space<semaphore_mem>>) src(%dma_wait3A_160 : memref<104x128xf32, #tpu.memory_space<vmem>>) dst(%dma_wait3A_156 : memref<104x128xf32, #tpu.memory_space<vmem_shared>>)
      tpu.yield
    }) : () -> ()
    %add3A_16 = arith.constant 312 : i32
    %add3A_17 = arith.addi %mul3A_7, %add3A_16 : i32
    %run_scoped3A_18 = arith.constant 0 : i32
    "tpu.region"() ({
      %run_scoped3A_136 = tpu.sem_alloc : memref<!tpu.dma_semaphore, #tpu.memory_space<semaphore_mem>>
      %dma_start3A_137 = arith.constant 0 : i32
      %dma_start3A_138 = arith.constant 0 : i32
      %dma_start3A_139 = tpu.memref_slice %arg18[%run_scoped3A_18, %dma_start3A_137, %dma_start3A_138] : memref<3x104x128xf32, #tpu.memory_space<vmem>> -> memref<1x104x128xf32, #tpu.memory_space<vmem>>
      %dma_start3A_140 = tpu.memref_squeeze %dma_start3A_139 : memref<1x104x128xf32, #tpu.memory_space<vmem>> -> memref<104x128xf32, #tpu.memory_space<vmem>>
      %dma_start3A_141 = arith.constant 0 : i32
      %dma_start3A_142 = tpu.memref_slice %arg22[%add3A_17, %dma_start3A_141] : memref<10240x128xf32, #tpu.memory_space<vmem_shared>> -> memref<104x128xf32, #tpu.memory_space<vmem_shared>>
      %dma_start3A_143 = arith.constant 0 : i32
      %dma_start3A_144 = tpu.memref_slice %arg22[%add3A_17, %dma_start3A_143] : memref<10240x128xf32, #tpu.memory_space<vmem_shared>> -> memref<104x128xf32, #tpu.memory_space<vmem_shared>>
      %dma_start3A_145 = arith.constant 0 : i32
      %dma_start3A_146 = arith.constant 0 : i32
      %dma_start3A_147 = tpu.memref_slice %arg18[%run_scoped3A_18, %dma_start3A_145, %dma_start3A_146] : memref<3x104x128xf32, #tpu.memory_space<vmem>> -> memref<1x104x128xf32, #tpu.memory_space<vmem>>
      %dma_start3A_148 = tpu.memref_squeeze %dma_start3A_147 : memref<1x104x128xf32, #tpu.memory_space<vmem>> -> memref<104x128xf32, #tpu.memory_space<vmem>>
      tpu.enqueue_dma source(%dma_start3A_148 : memref<104x128xf32, #tpu.memory_space<vmem>>) target(%dma_start3A_144 : memref<104x128xf32, #tpu.memory_space<vmem_shared>>) target_semaphore(%run_scoped3A_136 : memref<!tpu.dma_semaphore, #tpu.memory_space<semaphore_mem>>)
      %dma_wait3A_149 = arith.constant 0 : i32
      %dma_wait3A_150 = arith.constant 0 : i32
      %dma_wait3A_151 = tpu.memref_slice %arg18[%run_scoped3A_18, %dma_wait3A_149, %dma_wait3A_150] : memref<3x104x128xf32, #tpu.memory_space<vmem>> -> memref<1x104x128xf32, #tpu.memory_space<vmem>>
      %dma_wait3A_152 = tpu.memref_squeeze %dma_wait3A_151 : memref<1x104x128xf32, #tpu.memory_space<vmem>> -> memref<104x128xf32, #tpu.memory_space<vmem>>
      %dma_wait3A_153 = arith.constant 0 : i32
      %dma_wait3A_154 = tpu.memref_slice %arg22[%add3A_17, %dma_wait3A_153] : memref<10240x128xf32, #tpu.memory_space<vmem_shared>> -> memref<104x128xf32, #tpu.memory_space<vmem_shared>>
      %dma_wait3A_155 = arith.constant 0 : i32
      %dma_wait3A_156 = tpu.memref_slice %arg22[%add3A_17, %dma_wait3A_155] : memref<10240x128xf32, #tpu.memory_space<vmem_shared>> -> memref<104x128xf32, #tpu.memory_space<vmem_shared>>
      %dma_wait3A_157 = arith.constant 0 : i32
      %dma_wait3A_158 = arith.constant 0 : i32
      %dma_wait3A_159 = tpu.memref_slice %arg18[%run_scoped3A_18, %dma_wait3A_157, %dma_wait3A_158] : memref<3x104x128xf32, #tpu.memory_space<vmem>> -> memref<1x104x128xf32, #tpu.memory_space<vmem>>
      %dma_wait3A_160 = tpu.memref_squeeze %dma_wait3A_159 : memref<1x104x128xf32, #tpu.memory_space<vmem>> -> memref<104x128xf32, #tpu.memory_space<vmem>>
      tpu.wait_dma2 semaphore(%run_scoped3A_136 : memref<!tpu.dma_semaphore, #tpu.memory_space<semaphore_mem>>) src(%dma_wait3A_160 : memref<104x128xf32, #tpu.memory_space<vmem>>) dst(%dma_wait3A_156 : memref<104x128xf32, #tpu.memory_space<vmem_shared>>)
      tpu.yield
    }) : () -> ()
    %add3A_19 = arith.constant 416 : i32
    %add3A_20 = arith.addi %mul3A_7, %add3A_19 : i32
    %run_scoped3A_21 = arith.constant 0 : i32
    "tpu.region"() ({
      %run_scoped3A_136 = tpu.sem_alloc : memref<!tpu.dma_semaphore, #tpu.memory_space<semaphore_mem>>
      %dma_start3A_137 = arith.constant 0 : i32
      %dma_start3A_138 = arith.constant 0 : i32
      %dma_start3A_139 = tpu.memref_slice %arg18[%run_scoped3A_21, %dma_start3A_137, %dma_start3A_138] : memref<3x104x128xf32, #tpu.memory_space<vmem>> -> memref<1x104x128xf32, #tpu.memory_space<vmem>>
      %dma_start3A_140 = tpu.memref_squeeze %dma_start3A_139 : memref<1x104x128xf32, #tpu.memory_space<vmem>> -> memref<104x128xf32, #tpu.memory_space<vmem>>
      %dma_start3A_141 = arith.constant 0 : i32
      %dma_start3A_142 = tpu.memref_slice %arg22[%add3A_20, %dma_start3A_141] : memref<10240x128xf32, #tpu.memory_space<vmem_shared>> -> memref<104x128xf32, #tpu.memory_space<vmem_shared>>
      %dma_start3A_143 = arith.constant 0 : i32
      %dma_start3A_144 = tpu.memref_slice %arg22[%add3A_20, %dma_start3A_143] : memref<10240x128xf32, #tpu.memory_space<vmem_shared>> -> memref<104x128xf32, #tpu.memory_space<vmem_shared>>
      %dma_start3A_145 = arith.constant 0 : i32
      %dma_start3A_146 = arith.constant 0 : i32
      %dma_start3A_147 = tpu.memref_slice %arg18[%run_scoped3A_21, %dma_start3A_145, %dma_start3A_146] : memref<3x104x128xf32, #tpu.memory_space<vmem>> -> memref<1x104x128xf32, #tpu.memory_space<vmem>>
      %dma_start3A_148 = tpu.memref_squeeze %dma_start3A_147 : memref<1x104x128xf32, #tpu.memory_space<vmem>> -> memref<104x128xf32, #tpu.memory_space<vmem>>
      tpu.enqueue_dma source(%dma_start3A_148 : memref<104x128xf32, #tpu.memory_space<vmem>>) target(%dma_start3A_144 : memref<104x128xf32, #tpu.memory_space<vmem_shared>>) target_semaphore(%run_scoped3A_136 : memref<!tpu.dma_semaphore, #tpu.memory_space<semaphore_mem>>)
      %dma_wait3A_149 = arith.constant 0 : i32
      %dma_wait3A_150 = arith.constant 0 : i32
      %dma_wait3A_151 = tpu.memref_slice %arg18[%run_scoped3A_21, %dma_wait3A_149, %dma_wait3A_150] : memref<3x104x128xf32, #tpu.memory_space<vmem>> -> memref<1x104x128xf32, #tpu.memory_space<vmem>>
      %dma_wait3A_152 = tpu.memref_squeeze %dma_wait3A_151 : memref<1x104x128xf32, #tpu.memory_space<vmem>> -> memref<104x128xf32, #tpu.memory_space<vmem>>
      %dma_wait3A_153 = arith.constant 0 : i32
      %dma_wait3A_154 = tpu.memref_slice %arg22[%add3A_20, %dma_wait3A_153] : memref<10240x128xf32, #tpu.memory_space<vmem_shared>> -> memref<104x128xf32, #tpu.memory_space<vmem_shared>>
      %dma_wait3A_155 = arith.constant 0 : i32
      %dma_wait3A_156 = tpu.memref_slice %arg22[%add3A_20, %dma_wait3A_155] : memref<10240x128xf32, #tpu.memory_space<vmem_shared>> -> memref<104x128xf32, #tpu.memory_space<vmem_shared>>
      %dma_wait3A_157 = arith.constant 0 : i32
      %dma_wait3A_158 = arith.constant 0 : i32
      %dma_wait3A_159 = tpu.memref_slice %arg18[%run_scoped3A_21, %dma_wait3A_157, %dma_wait3A_158] : memref<3x104x128xf32, #tpu.memory_space<vmem>> -> memref<1x104x128xf32, #tpu.memory_space<vmem>>
      %dma_wait3A_160 = tpu.memref_squeeze %dma_wait3A_159 : memref<1x104x128xf32, #tpu.memory_space<vmem>> -> memref<104x128xf32, #tpu.memory_space<vmem>>
      tpu.wait_dma2 semaphore(%run_scoped3A_136 : memref<!tpu.dma_semaphore, #tpu.memory_space<semaphore_mem>>) src(%dma_wait3A_160 : memref<104x128xf32, #tpu.memory_space<vmem>>) dst(%dma_wait3A_156 : memref<104x128xf32, #tpu.memory_space<vmem_shared>>)
      tpu.yield
    }) : () -> ()
    %add3A_22 = arith.constant 520 : i32
    %add3A_23 = arith.addi %mul3A_7, %add3A_22 : i32
    %run_scoped3A_24 = arith.constant 0 : i32
    "tpu.region"() ({
      %run_scoped3A_136 = tpu.sem_alloc : memref<!tpu.dma_semaphore, #tpu.memory_space<semaphore_mem>>
      %dma_start3A_137 = arith.constant 0 : i32
      %dma_start3A_138 = arith.constant 0 : i32
      %dma_start3A_139 = tpu.memref_slice %arg18[%run_scoped3A_24, %dma_start3A_137, %dma_start3A_138] : memref<3x104x128xf32, #tpu.memory_space<vmem>> -> memref<1x104x128xf32, #tpu.memory_space<vmem>>
      %dma_start3A_140 = tpu.memref_squeeze %dma_start3A_139 : memref<1x104x128xf32, #tpu.memory_space<vmem>> -> memref<104x128xf32, #tpu.memory_space<vmem>>
      %dma_start3A_141 = arith.constant 0 : i32
      %dma_start3A_142 = tpu.memref_slice %arg22[%add3A_23, %dma_start3A_141] : memref<10240x128xf32, #tpu.memory_space<vmem_shared>> -> memref<104x128xf32, #tpu.memory_space<vmem_shared>>
      %dma_start3A_143 = arith.constant 0 : i32
      %dma_start3A_144 = tpu.memref_slice %arg22[%add3A_23, %dma_start3A_143] : memref<10240x128xf32, #tpu.memory_space<vmem_shared>> -> memref<104x128xf32, #tpu.memory_space<vmem_shared>>
      %dma_start3A_145 = arith.constant 0 : i32
      %dma_start3A_146 = arith.constant 0 : i32
      %dma_start3A_147 = tpu.memref_slice %arg18[%run_scoped3A_24, %dma_start3A_145, %dma_start3A_146] : memref<3x104x128xf32, #tpu.memory_space<vmem>> -> memref<1x104x128xf32, #tpu.memory_space<vmem>>
      %dma_start3A_148 = tpu.memref_squeeze %dma_start3A_147 : memref<1x104x128xf32, #tpu.memory_space<vmem>> -> memref<104x128xf32, #tpu.memory_space<vmem>>
      tpu.enqueue_dma source(%dma_start3A_148 : memref<104x128xf32, #tpu.memory_space<vmem>>) target(%dma_start3A_144 : memref<104x128xf32, #tpu.memory_space<vmem_shared>>) target_semaphore(%run_scoped3A_136 : memref<!tpu.dma_semaphore, #tpu.memory_space<semaphore_mem>>)
      %dma_wait3A_149 = arith.constant 0 : i32
      %dma_wait3A_150 = arith.constant 0 : i32
      %dma_wait3A_151 = tpu.memref_slice %arg18[%run_scoped3A_24, %dma_wait3A_149, %dma_wait3A_150] : memref<3x104x128xf32, #tpu.memory_space<vmem>> -> memref<1x104x128xf32, #tpu.memory_space<vmem>>
      %dma_wait3A_152 = tpu.memref_squeeze %dma_wait3A_151 : memref<1x104x128xf32, #tpu.memory_space<vmem>> -> memref<104x128xf32, #tpu.memory_space<vmem>>
      %dma_wait3A_153 = arith.constant 0 : i32
      %dma_wait3A_154 = tpu.memref_slice %arg22[%add3A_23, %dma_wait3A_153] : memref<10240x128xf32, #tpu.memory_space<vmem_shared>> -> memref<104x128xf32, #tpu.memory_space<vmem_shared>>
      %dma_wait3A_155 = arith.constant 0 : i32
      %dma_wait3A_156 = tpu.memref_slice %arg22[%add3A_23, %dma_wait3A_155] : memref<10240x128xf32, #tpu.memory_space<vmem_shared>> -> memref<104x128xf32, #tpu.memory_space<vmem_shared>>
      %dma_wait3A_157 = arith.constant 0 : i32
      %dma_wait3A_158 = arith.constant 0 : i32
      %dma_wait3A_159 = tpu.memref_slice %arg18[%run_scoped3A_24, %dma_wait3A_157, %dma_wait3A_158] : memref<3x104x128xf32, #tpu.memory_space<vmem>> -> memref<1x104x128xf32, #tpu.memory_space<vmem>>
      %dma_wait3A_160 = tpu.memref_squeeze %dma_wait3A_159 : memref<1x104x128xf32, #tpu.memory_space<vmem>> -> memref<104x128xf32, #tpu.memory_space<vmem>>
      tpu.wait_dma2 semaphore(%run_scoped3A_136 : memref<!tpu.dma_semaphore, #tpu.memory_space<semaphore_mem>>) src(%dma_wait3A_160 : memref<104x128xf32, #tpu.memory_space<vmem>>) dst(%dma_wait3A_156 : memref<104x128xf32, #tpu.memory_space<vmem_shared>>)
      tpu.yield
    }) : () -> ()
    %add3A_25 = arith.constant 624 : i32
    %add3A_26 = arith.addi %mul3A_7, %add3A_25 : i32
    %run_scoped3A_27 = arith.constant 0 : i32
    "tpu.region"() ({
      %run_scoped3A_136 = tpu.sem_alloc : memref<!tpu.dma_semaphore, #tpu.memory_space<semaphore_mem>>
      %dma_start3A_137 = arith.constant 0 : i32
      %dma_start3A_138 = arith.constant 0 : i32
      %dma_start3A_139 = tpu.memref_slice %arg18[%run_scoped3A_27, %dma_start3A_137, %dma_start3A_138] : memref<3x104x128xf32, #tpu.memory_space<vmem>> -> memref<1x16x128xf32, #tpu.memory_space<vmem>>
      %dma_start3A_140 = tpu.memref_squeeze %dma_start3A_139 : memref<1x16x128xf32, #tpu.memory_space<vmem>> -> memref<16x128xf32, #tpu.memory_space<vmem>>
      %dma_start3A_141 = arith.constant 0 : i32
      %dma_start3A_142 = tpu.memref_slice %arg22[%add3A_26, %dma_start3A_141] : memref<10240x128xf32, #tpu.memory_space<vmem_shared>> -> memref<16x128xf32, #tpu.memory_space<vmem_shared>>
      %dma_start3A_143 = arith.constant 0 : i32
      %dma_start3A_144 = tpu.memref_slice %arg22[%add3A_26, %dma_start3A_143] : memref<10240x128xf32, #tpu.memory_space<vmem_shared>> -> memref<16x128xf32, #tpu.memory_space<vmem_shared>>
      %dma_start3A_145 = arith.constant 0 : i32
      %dma_start3A_146 = arith.constant 0 : i32
      %dma_start3A_147 = tpu.memref_slice %arg18[%run_scoped3A_27, %dma_start3A_145, %dma_start3A_146] : memref<3x104x128xf32, #tpu.memory_space<vmem>> -> memref<1x16x128xf32, #tpu.memory_space<vmem>>
      %dma_start3A_148 = tpu.memref_squeeze %dma_start3A_147 : memref<1x16x128xf32, #tpu.memory_space<vmem>> -> memref<16x128xf32, #tpu.memory_space<vmem>>
      tpu.enqueue_dma source(%dma_start3A_148 : memref<16x128xf32, #tpu.memory_space<vmem>>) target(%dma_start3A_144 : memref<16x128xf32, #tpu.memory_space<vmem_shared>>) target_semaphore(%run_scoped3A_136 : memref<!tpu.dma_semaphore, #tpu.memory_space<semaphore_mem>>)
      %dma_wait3A_149 = arith.constant 0 : i32
      %dma_wait3A_150 = arith.constant 0 : i32
      %dma_wait3A_151 = tpu.memref_slice %arg18[%run_scoped3A_27, %dma_wait3A_149, %dma_wait3A_150] : memref<3x104x128xf32, #tpu.memory_space<vmem>> -> memref<1x16x128xf32, #tpu.memory_space<vmem>>
      %dma_wait3A_152 = tpu.memref_squeeze %dma_wait3A_151 : memref<1x16x128xf32, #tpu.memory_space<vmem>> -> memref<16x128xf32, #tpu.memory_space<vmem>>
      %dma_wait3A_153 = arith.constant 0 : i32
      %dma_wait3A_154 = tpu.memref_slice %arg22[%add3A_26, %dma_wait3A_153] : memref<10240x128xf32, #tpu.memory_space<vmem_shared>> -> memref<16x128xf32, #tpu.memory_space<vmem_shared>>
      %dma_wait3A_155 = arith.constant 0 : i32
      %dma_wait3A_156 = tpu.memref_slice %arg22[%add3A_26, %dma_wait3A_155] : memref<10240x128xf32, #tpu.memory_space<vmem_shared>> -> memref<16x128xf32, #tpu.memory_space<vmem_shared>>
      %dma_wait3A_157 = arith.constant 0 : i32
      %dma_wait3A_158 = arith.constant 0 : i32
      %dma_wait3A_159 = tpu.memref_slice %arg18[%run_scoped3A_27, %dma_wait3A_157, %dma_wait3A_158] : memref<3x104x128xf32, #tpu.memory_space<vmem>> -> memref<1x16x128xf32, #tpu.memory_space<vmem>>
      %dma_wait3A_160 = tpu.memref_squeeze %dma_wait3A_159 : memref<1x16x128xf32, #tpu.memory_space<vmem>> -> memref<16x128xf32, #tpu.memory_space<vmem>>
      tpu.wait_dma2 semaphore(%run_scoped3A_136 : memref<!tpu.dma_semaphore, #tpu.memory_space<semaphore_mem>>) src(%dma_wait3A_160 : memref<16x128xf32, #tpu.memory_space<vmem>>) dst(%dma_wait3A_156 : memref<16x128xf32, #tpu.memory_space<vmem_shared>>)
      tpu.yield
    }) : () -> ()
    %barrier3A = arith.constant 0 : index
    tpu.barrier barrier_id(%barrier3A)
    %mul3A_28 = arith.constant 10000 : i32
    %mul3A_29 = arith.muli %add3A, %mul3A_28 : i32
    %add3A_30 = arith.constant 0 : i32
    %add3A_31 = arith.addi %mul3A_29, %add3A_30 : i32
    %dma_start3A = tpu.memref_slice %arg3[%add3A_31] : memref<320000xi32, #tpu.memory_space<hbm>> -> memref<104xi32, #tpu.memory_space<hbm>>
    %dma_start3A_32 = tpu.memref_slice %arg3[%add3A_31] : memref<320000xi32, #tpu.memory_space<hbm>> -> memref<104xi32, #tpu.memory_space<hbm>>
    tpu.enqueue_dma source(%dma_start3A_32 : memref<104xi32, #tpu.memory_space<hbm>>) target(%arg6 : memref<104xi32, #tpu.memory_space<vmem>>) target_semaphore(%arg23 : memref<!tpu.dma_semaphore, #tpu.memory_space<semaphore_mem>>)
    %dma_start3A_33 = tpu.memref_slice %arg4[%add3A_31] : memref<320000xi32, #tpu.memory_space<hbm>> -> memref<104xi32, #tpu.memory_space<hbm>>
    %dma_start3A_34 = tpu.memref_slice %arg4[%add3A_31] : memref<320000xi32, #tpu.memory_space<hbm>> -> memref<104xi32, #tpu.memory_space<hbm>>
    tpu.enqueue_dma source(%dma_start3A_34 : memref<104xi32, #tpu.memory_space<hbm>>) target(%arg12 : memref<104xi32, #tpu.memory_space<vmem>>) target_semaphore(%arg23 : memref<!tpu.dma_semaphore, #tpu.memory_space<semaphore_mem>>)
    %add3A_35 = arith.constant 104 : i32
    %add3A_36 = arith.addi %mul3A_29, %add3A_35 : i32
    %dma_start3A_37 = tpu.memref_slice %arg3[%add3A_36] : memref<320000xi32, #tpu.memory_space<hbm>> -> memref<104xi32, #tpu.memory_space<hbm>>
    %dma_start3A_38 = tpu.memref_slice %arg3[%add3A_36] : memref<320000xi32, #tpu.memory_space<hbm>> -> memref<104xi32, #tpu.memory_space<hbm>>
    tpu.enqueue_dma source(%dma_start3A_38 : memref<104xi32, #tpu.memory_space<hbm>>) target(%arg8 : memref<104xi32, #tpu.memory_space<vmem>>) target_semaphore(%arg25 : memref<!tpu.dma_semaphore, #tpu.memory_space<semaphore_mem>>)
    %dma_start3A_39 = tpu.memref_slice %arg4[%add3A_36] : memref<320000xi32, #tpu.memory_space<hbm>> -> memref<104xi32, #tpu.memory_space<hbm>>
    %dma_start3A_40 = tpu.memref_slice %arg4[%add3A_36] : memref<320000xi32, #tpu.memory_space<hbm>> -> memref<104xi32, #tpu.memory_space<hbm>>
    tpu.enqueue_dma source(%dma_start3A_40 : memref<104xi32, #tpu.memory_space<hbm>>) target(%arg14 : memref<104xi32, #tpu.memory_space<vmem>>) target_semaphore(%arg25 : memref<!tpu.dma_semaphore, #tpu.memory_space<semaphore_mem>>)
    %add3A_41 = arith.constant 208 : i32
    %add3A_42 = arith.addi %mul3A_29, %add3A_41 : i32
    %dma_start3A_43 = tpu.memref_slice %arg3[%add3A_42] : memref<320000xi32, #tpu.memory_space<hbm>> -> memref<104xi32, #tpu.memory_space<hbm>>
    %dma_start3A_44 = tpu.memref_slice %arg3[%add3A_42] : memref<320000xi32, #tpu.memory_space<hbm>> -> memref<104xi32, #tpu.memory_space<hbm>>
    tpu.enqueue_dma source(%dma_start3A_44 : memref<104xi32, #tpu.memory_space<hbm>>) target(%arg10 : memref<104xi32, #tpu.memory_space<vmem>>) target_semaphore(%arg27 : memref<!tpu.dma_semaphore, #tpu.memory_space<semaphore_mem>>)
    %dma_start3A_45 = tpu.memref_slice %arg4[%add3A_42] : memref<320000xi32, #tpu.memory_space<hbm>> -> memref<104xi32, #tpu.memory_space<hbm>>
    %dma_start3A_46 = tpu.memref_slice %arg4[%add3A_42] : memref<320000xi32, #tpu.memory_space<hbm>> -> memref<104xi32, #tpu.memory_space<hbm>>
    tpu.enqueue_dma source(%dma_start3A_46 : memref<104xi32, #tpu.memory_space<hbm>>) target(%arg16 : memref<104xi32, #tpu.memory_space<vmem>>) target_semaphore(%arg27 : memref<!tpu.dma_semaphore, #tpu.memory_space<semaphore_mem>>)
    %scan3A_47 = arith.constant 0 : i32
    %scan3A_48 = arith.constant 0 : i32
    %scan3A_49 = arith.constant 16 : i32
    %scan3A_50 = arith.addi %scan3A_48, %scan3A_49 : i32
    %scan3A_51 = arith.constant 1 : i32
    scf.for %scan3A_136 = %scan3A_48 to %scan3A_50 step %scan3A_51  : i32 {
      %gt3A = arith.constant 0 : i32
      %gt3A_137 = arith.cmpi sgt, %scan3A_136, %gt3A : i32
      %convert_element_type3A = arith.extui %gt3A_137 : i1 to i32
      %cond3A = arith.constant 0 : i32
      %cond3A_138 = arith.cmpi ne, %convert_element_type3A, %cond3A : i32
      scf.if %cond3A_138 {
        %dma_wait3A_475 = arith.constant 0 : i32
        %dma_wait3A_476 = arith.constant 0 : i32
        %dma_wait3A_477 = arith.constant 0 : i32
        %dma_wait3A_478 = tpu.memref_slice %arg18[%dma_wait3A_475, %dma_wait3A_476, %dma_wait3A_477] : memref<3x104x128xf32, #tpu.memory_space<vmem>> -> memref<1x104x128xf32, #tpu.memory_space<vmem>>
        %dma_wait3A_479 = tpu.memref_squeeze %dma_wait3A_478 : memref<1x104x128xf32, #tpu.memory_space<vmem>> -> memref<104x128xf32, #tpu.memory_space<vmem>>
        %dma_wait3A_480 = arith.constant 0 : i32
        %dma_wait3A_481 = arith.constant 0 : i32
        %dma_wait3A_482 = tpu.memref_slice %arg2[%dma_wait3A_480, %dma_wait3A_481] : memref<10000x128xf32, #tpu.memory_space<hbm>> -> memref<104x128xf32, #tpu.memory_space<hbm>>
        %dma_wait3A_483 = arith.constant 0 : i32
        %dma_wait3A_484 = arith.constant 0 : i32
        %dma_wait3A_485 = tpu.memref_slice %arg18[%dma_wait3A_475, %dma_wait3A_483, %dma_wait3A_484] : memref<3x104x128xf32, #tpu.memory_space<vmem>> -> memref<1x104x128xf32, #tpu.memory_space<vmem>>
        %dma_wait3A_486 = tpu.memref_squeeze %dma_wait3A_485 : memref<1x104x128xf32, #tpu.memory_space<vmem>> -> memref<104x128xf32, #tpu.memory_space<vmem>>
        %dma_wait3A_487 = arith.constant 0 : i32
        %dma_wait3A_488 = arith.constant 0 : i32
        %dma_wait3A_489 = tpu.memref_slice %arg2[%dma_wait3A_487, %dma_wait3A_488] : memref<10000x128xf32, #tpu.memory_space<hbm>> -> memref<104x128xf32, #tpu.memory_space<hbm>>
        tpu.wait_dma2 semaphore(%arg32 : memref<!tpu.dma_semaphore, #tpu.memory_space<semaphore_mem>>) src(%dma_wait3A_489 : memref<104x128xf32, #tpu.memory_space<hbm>>) dst(%dma_wait3A_486 : memref<104x128xf32, #tpu.memory_space<vmem>>)
      } else {
      }
      %mul3A_139 = arith.constant 6 : i32
      %mul3A_140 = arith.muli %mul3A_139, %scan3A_136 : i32
      %add3A_141 = arith.constant 0 : i32
      %add3A_142 = arith.addi %mul3A_140, %add3A_141 : i32
      %add3A_143 = arith.constant 3 : i32
      %add3A_144 = arith.addi %add3A_142, %add3A_143 : i32
      %min3A = arith.constant 95 : i32
      %min3A_145 = arith.minsi %add3A_144, %min3A : i32
      %mul3A_146 = arith.constant 104 : i32
      %mul3A_147 = arith.muli %min3A_145, %mul3A_146 : i32
      %add3A_148 = arith.addi %mul3A_29, %mul3A_147 : i32
      %dma_start3A_149 = tpu.memref_slice %arg3[%add3A_148] : memref<320000xi32, #tpu.memory_space<hbm>> -> memref<104xi32, #tpu.memory_space<hbm>>
      %dma_start3A_150 = tpu.memref_slice %arg3[%add3A_148] : memref<320000xi32, #tpu.memory_space<hbm>> -> memref<104xi32, #tpu.memory_space<hbm>>
      tpu.enqueue_dma source(%dma_start3A_150 : memref<104xi32, #tpu.memory_space<hbm>>) target(%arg7 : memref<104xi32, #tpu.memory_space<vmem>>) target_semaphore(%arg24 : memref<!tpu.dma_semaphore, #tpu.memory_space<semaphore_mem>>)
      %dma_start3A_151 = tpu.memref_slice %arg4[%add3A_148] : memref<320000xi32, #tpu.memory_space<hbm>> -> memref<104xi32, #tpu.memory_space<hbm>>
      %dma_start3A_152 = tpu.memref_slice %arg4[%add3A_148] : memref<320000xi32, #tpu.memory_space<hbm>> -> memref<104xi32, #tpu.memory_space<hbm>>
      tpu.enqueue_dma source(%dma_start3A_152 : memref<104xi32, #tpu.memory_space<hbm>>) target(%arg13 : memref<104xi32, #tpu.memory_space<vmem>>) target_semaphore(%arg24 : memref<!tpu.dma_semaphore, #tpu.memory_space<semaphore_mem>>)
      %dma_wait3A_153 = arith.constant 0 : i32
      %dma_wait3A_154 = tpu.memref_slice %arg3[%dma_wait3A_153] : memref<320000xi32, #tpu.memory_space<hbm>> -> memref<104xi32, #tpu.memory_space<hbm>>
      %dma_wait3A_155 = arith.constant 0 : i32
      %dma_wait3A_156 = tpu.memref_slice %arg3[%dma_wait3A_155] : memref<320000xi32, #tpu.memory_space<hbm>> -> memref<104xi32, #tpu.memory_space<hbm>>
      tpu.wait_dma2 semaphore(%arg23 : memref<!tpu.dma_semaphore, #tpu.memory_space<semaphore_mem>>) src(%dma_wait3A_156 : memref<104xi32, #tpu.memory_space<hbm>>) dst(%arg6 : memref<104xi32, #tpu.memory_space<vmem>>)
      %dma_wait3A_157 = arith.constant 0 : i32
      %dma_wait3A_158 = tpu.memref_slice %arg4[%dma_wait3A_157] : memref<320000xi32, #tpu.memory_space<hbm>> -> memref<104xi32, #tpu.memory_space<hbm>>
      %dma_wait3A_159 = arith.constant 0 : i32
      %dma_wait3A_160 = tpu.memref_slice %arg4[%dma_wait3A_159] : memref<320000xi32, #tpu.memory_space<hbm>> -> memref<104xi32, #tpu.memory_space<hbm>>
      tpu.wait_dma2 semaphore(%arg23 : memref<!tpu.dma_semaphore, #tpu.memory_space<semaphore_mem>>) src(%dma_wait3A_160 : memref<104xi32, #tpu.memory_space<hbm>>) dst(%arg12 : memref<104xi32, #tpu.memory_space<vmem>>)
      %dma_start3A_161 = arith.constant 0 : i32
      %dma_start3A_162 = arith.constant 0 : i32
      %dma_start3A_163 = arith.constant 0 : i32
      %dma_start3A_164 = tpu.memref_slice %arg18[%dma_start3A_161, %dma_start3A_162, %dma_start3A_163] : memref<3x104x128xf32, #tpu.memory_space<vmem>> -> memref<1x104x128xf32, #tpu.memory_space<vmem>>
      %dma_start3A_165 = tpu.memref_squeeze %dma_start3A_164 : memref<1x104x128xf32, #tpu.memory_space<vmem>> -> memref<104x128xf32, #tpu.memory_space<vmem>>
      %dma_start3A_166 = arith.constant 0 : i32
      %dma_start3A_167 = arith.constant 0 : i32
      %dma_start3A_168 = tpu.memref_slice %arg2[%dma_start3A_166, %dma_start3A_167] : memref<10000x128xf32, #tpu.memory_space<hbm>> -> memref<10000x128xf32, #tpu.memory_space<hbm>>
      tpu.enqueue_indirect_dma source(%dma_start3A_168 : memref<10000x128xf32, #tpu.memory_space<hbm>>) target(%dma_start3A_165 : memref<104x128xf32, #tpu.memory_space<vmem>>) offsets(%arg6 : memref<104xi32, #tpu.memory_space<vmem>>) semaphore(%arg29 : memref<!tpu.dma_semaphore, #tpu.memory_space<semaphore_mem>>)
      %gt3A_169 = arith.constant 0 : i32
      %gt3A_170 = arith.cmpi sgt, %scan3A_136, %gt3A_169 : i32
      %convert_element_type3A_171 = arith.extui %gt3A_170 : i1 to i32
      %cond3A_172 = arith.constant 0 : i32
      %cond3A_173 = arith.cmpi ne, %convert_element_type3A_171, %cond3A_172 : i32
      scf.if %cond3A_173 {
        %dma_wait3A_475 = arith.constant 1 : i32
        %dma_wait3A_476 = arith.constant 0 : i32
        %dma_wait3A_477 = arith.constant 0 : i32
        %dma_wait3A_478 = tpu.memref_slice %arg18[%dma_wait3A_475, %dma_wait3A_476, %dma_wait3A_477] : memref<3x104x128xf32, #tpu.memory_space<vmem>> -> memref<1x104x128xf32, #tpu.memory_space<vmem>>
        %dma_wait3A_479 = tpu.memref_squeeze %dma_wait3A_478 : memref<1x104x128xf32, #tpu.memory_space<vmem>> -> memref<104x128xf32, #tpu.memory_space<vmem>>
        %dma_wait3A_480 = arith.constant 0 : i32
        %dma_wait3A_481 = arith.constant 0 : i32
        %dma_wait3A_482 = tpu.memref_slice %arg2[%dma_wait3A_480, %dma_wait3A_481] : memref<10000x128xf32, #tpu.memory_space<hbm>> -> memref<104x128xf32, #tpu.memory_space<hbm>>
        %dma_wait3A_483 = arith.constant 0 : i32
        %dma_wait3A_484 = arith.constant 0 : i32
        %dma_wait3A_485 = tpu.memref_slice %arg18[%dma_wait3A_475, %dma_wait3A_483, %dma_wait3A_484] : memref<3x104x128xf32, #tpu.memory_space<vmem>> -> memref<1x104x128xf32, #tpu.memory_space<vmem>>
        %dma_wait3A_486 = tpu.memref_squeeze %dma_wait3A_485 : memref<1x104x128xf32, #tpu.memory_space<vmem>> -> memref<104x128xf32, #tpu.memory_space<vmem>>
        %dma_wait3A_487 = arith.constant 0 : i32
        %dma_wait3A_488 = arith.constant 0 : i32
        %dma_wait3A_489 = tpu.memref_slice %arg2[%dma_wait3A_487, %dma_wait3A_488] : memref<10000x128xf32, #tpu.memory_space<hbm>> -> memref<104x128xf32, #tpu.memory_space<hbm>>
        tpu.wait_dma2 semaphore(%arg33 : memref<!tpu.dma_semaphore, #tpu.memory_space<semaphore_mem>>) src(%dma_wait3A_489 : memref<104x128xf32, #tpu.memory_space<hbm>>) dst(%dma_wait3A_486 : memref<104x128xf32, #tpu.memory_space<vmem>>)
      } else {
      }
      %mul3A_174 = arith.constant 6 : i32
      %mul3A_175 = arith.muli %mul3A_174, %scan3A_136 : i32
      %add3A_176 = arith.constant 1 : i32
      %add3A_177 = arith.addi %mul3A_175, %add3A_176 : i32
      %add3A_178 = arith.constant 3 : i32
      %add3A_179 = arith.addi %add3A_177, %add3A_178 : i32
      %min3A_180 = arith.constant 95 : i32
      %min3A_181 = arith.minsi %add3A_179, %min3A_180 : i32
      %mul3A_182 = arith.constant 104 : i32
      %mul3A_183 = arith.muli %min3A_181, %mul3A_182 : i32
      %add3A_184 = arith.addi %mul3A_29, %mul3A_183 : i32
      %dma_start3A_185 = tpu.memref_slice %arg3[%add3A_184] : memref<320000xi32, #tpu.memory_space<hbm>> -> memref<104xi32, #tpu.memory_space<hbm>>
      %dma_start3A_186 = tpu.memref_slice %arg3[%add3A_184] : memref<320000xi32, #tpu.memory_space<hbm>> -> memref<104xi32, #tpu.memory_space<hbm>>
      tpu.enqueue_dma source(%dma_start3A_186 : memref<104xi32, #tpu.memory_space<hbm>>) target(%arg9 : memref<104xi32, #tpu.memory_space<vmem>>) target_semaphore(%arg26 : memref<!tpu.dma_semaphore, #tpu.memory_space<semaphore_mem>>)
      %dma_start3A_187 = tpu.memref_slice %arg4[%add3A_184] : memref<320000xi32, #tpu.memory_space<hbm>> -> memref<104xi32, #tpu.memory_space<hbm>>
      %dma_start3A_188 = tpu.memref_slice %arg4[%add3A_184] : memref<320000xi32, #tpu.memory_space<hbm>> -> memref<104xi32, #tpu.memory_space<hbm>>
      tpu.enqueue_dma source(%dma_start3A_188 : memref<104xi32, #tpu.memory_space<hbm>>) target(%arg15 : memref<104xi32, #tpu.memory_space<vmem>>) target_semaphore(%arg26 : memref<!tpu.dma_semaphore, #tpu.memory_space<semaphore_mem>>)
      %dma_wait3A_189 = arith.constant 0 : i32
      %dma_wait3A_190 = tpu.memref_slice %arg3[%dma_wait3A_189] : memref<320000xi32, #tpu.memory_space<hbm>> -> memref<104xi32, #tpu.memory_space<hbm>>
      %dma_wait3A_191 = arith.constant 0 : i32
      %dma_wait3A_192 = tpu.memref_slice %arg3[%dma_wait3A_191] : memref<320000xi32, #tpu.memory_space<hbm>> -> memref<104xi32, #tpu.memory_space<hbm>>
      tpu.wait_dma2 semaphore(%arg25 : memref<!tpu.dma_semaphore, #tpu.memory_space<semaphore_mem>>) src(%dma_wait3A_192 : memref<104xi32, #tpu.memory_space<hbm>>) dst(%arg8 : memref<104xi32, #tpu.memory_space<vmem>>)
      %dma_wait3A_193 = arith.constant 0 : i32
      %dma_wait3A_194 = tpu.memref_slice %arg4[%dma_wait3A_193] : memref<320000xi32, #tpu.memory_space<hbm>> -> memref<104xi32, #tpu.memory_space<hbm>>
      %dma_wait3A_195 = arith.constant 0 : i32
      %dma_wait3A_196 = tpu.memref_slice %arg4[%dma_wait3A_195] : memref<320000xi32, #tpu.memory_space<hbm>> -> memref<104xi32, #tpu.memory_space<hbm>>
      tpu.wait_dma2 semaphore(%arg25 : memref<!tpu.dma_semaphore, #tpu.memory_space<semaphore_mem>>) src(%dma_wait3A_196 : memref<104xi32, #tpu.memory_space<hbm>>) dst(%arg14 : memref<104xi32, #tpu.memory_space<vmem>>)
      %dma_start3A_197 = arith.constant 1 : i32
      %dma_start3A_198 = arith.constant 0 : i32
      %dma_start3A_199 = arith.constant 0 : i32
      %dma_start3A_200 = tpu.memref_slice %arg18[%dma_start3A_197, %dma_start3A_198, %dma_start3A_199] : memref<3x104x128xf32, #tpu.memory_space<vmem>> -> memref<1x104x128xf32, #tpu.memory_space<vmem>>
      %dma_start3A_201 = tpu.memref_squeeze %dma_start3A_200 : memref<1x104x128xf32, #tpu.memory_space<vmem>> -> memref<104x128xf32, #tpu.memory_space<vmem>>
      %dma_start3A_202 = arith.constant 0 : i32
      %dma_start3A_203 = arith.constant 0 : i32
      %dma_start3A_204 = tpu.memref_slice %arg2[%dma_start3A_202, %dma_start3A_203] : memref<10000x128xf32, #tpu.memory_space<hbm>> -> memref<10000x128xf32, #tpu.memory_space<hbm>>
      tpu.enqueue_indirect_dma source(%dma_start3A_204 : memref<10000x128xf32, #tpu.memory_space<hbm>>) target(%dma_start3A_201 : memref<104x128xf32, #tpu.memory_space<vmem>>) offsets(%arg8 : memref<104xi32, #tpu.memory_space<vmem>>) semaphore(%arg30 : memref<!tpu.dma_semaphore, #tpu.memory_space<semaphore_mem>>)
      %dma_wait3A_205 = arith.constant 0 : i32
      %dma_wait3A_206 = arith.constant 0 : i32
      %dma_wait3A_207 = arith.constant 0 : i32
      %dma_wait3A_208 = tpu.memref_slice %arg18[%dma_wait3A_205, %dma_wait3A_206, %dma_wait3A_207] : memref<3x104x128xf32, #tpu.memory_space<vmem>> -> memref<1x104x128xf32, #tpu.memory_space<vmem>>
      %dma_wait3A_209 = tpu.memref_squeeze %dma_wait3A_208 : memref<1x104x128xf32, #tpu.memory_space<vmem>> -> memref<104x128xf32, #tpu.memory_space<vmem>>
      %dma_wait3A_210 = arith.constant 0 : i32
      %dma_wait3A_211 = arith.constant 0 : i32
      %dma_wait3A_212 = tpu.memref_slice %arg2[%dma_wait3A_210, %dma_wait3A_211] : memref<10000x128xf32, #tpu.memory_space<hbm>> -> memref<10000x128xf32, #tpu.memory_space<hbm>>
      tpu.wait_indirect_dma semaphore(%arg29 : memref<!tpu.dma_semaphore, #tpu.memory_space<semaphore_mem>>) src(%dma_wait3A_212 : memref<10000x128xf32, #tpu.memory_space<hbm>>) dst(%dma_wait3A_209 : memref<104x128xf32, #tpu.memory_space<vmem>>)
      %dma_start3A_213 = arith.constant 0 : i32
      %dma_start3A_214 = arith.constant 0 : i32
      %dma_start3A_215 = arith.constant 0 : i32
      %dma_start3A_216 = tpu.memref_slice %arg18[%dma_start3A_213, %dma_start3A_214, %dma_start3A_215] : memref<3x104x128xf32, #tpu.memory_space<vmem>> -> memref<1x104x128xf32, #tpu.memory_space<vmem>>
      %dma_start3A_217 = tpu.memref_squeeze %dma_start3A_216 : memref<1x104x128xf32, #tpu.memory_space<vmem>> -> memref<104x128xf32, #tpu.memory_space<vmem>>
      %dma_start3A_218 = arith.constant 0 : i32
      %dma_start3A_219 = arith.constant 0 : i32
      %dma_start3A_220 = tpu.memref_slice %arg22[%dma_start3A_218, %dma_start3A_219] : memref<10240x128xf32, #tpu.memory_space<vmem_shared>> -> memref<10240x128xf32, #tpu.memory_space<vmem_shared>>
      tpu.enqueue_indirect_dma source(%dma_start3A_217 : memref<104x128xf32, #tpu.memory_space<vmem>>) target(%dma_start3A_220 : memref<10240x128xf32, #tpu.memory_space<vmem_shared>>) offsets(%arg12 : memref<104xi32, #tpu.memory_space<vmem>>) semaphore(%arg32 : memref<!tpu.dma_semaphore, #tpu.memory_space<semaphore_mem>>) {add = true}
      %gt3A_221 = arith.constant 0 : i32
      %gt3A_222 = arith.cmpi sgt, %scan3A_136, %gt3A_221 : i32
      %convert_element_type3A_223 = arith.extui %gt3A_222 : i1 to i32
      %cond3A_224 = arith.constant 0 : i32
      %cond3A_225 = arith.cmpi ne, %convert_element_type3A_223, %cond3A_224 : i32
      scf.if %cond3A_225 {
        %dma_wait3A_475 = arith.constant 2 : i32
        %dma_wait3A_476 = arith.constant 0 : i32
        %dma_wait3A_477 = arith.constant 0 : i32
        %dma_wait3A_478 = tpu.memref_slice %arg18[%dma_wait3A_475, %dma_wait3A_476, %dma_wait3A_477] : memref<3x104x128xf32, #tpu.memory_space<vmem>> -> memref<1x104x128xf32, #tpu.memory_space<vmem>>
        %dma_wait3A_479 = tpu.memref_squeeze %dma_wait3A_478 : memref<1x104x128xf32, #tpu.memory_space<vmem>> -> memref<104x128xf32, #tpu.memory_space<vmem>>
        %dma_wait3A_480 = arith.constant 0 : i32
        %dma_wait3A_481 = arith.constant 0 : i32
        %dma_wait3A_482 = tpu.memref_slice %arg2[%dma_wait3A_480, %dma_wait3A_481] : memref<10000x128xf32, #tpu.memory_space<hbm>> -> memref<104x128xf32, #tpu.memory_space<hbm>>
        %dma_wait3A_483 = arith.constant 0 : i32
        %dma_wait3A_484 = arith.constant 0 : i32
        %dma_wait3A_485 = tpu.memref_slice %arg18[%dma_wait3A_475, %dma_wait3A_483, %dma_wait3A_484] : memref<3x104x128xf32, #tpu.memory_space<vmem>> -> memref<1x104x128xf32, #tpu.memory_space<vmem>>
        %dma_wait3A_486 = tpu.memref_squeeze %dma_wait3A_485 : memref<1x104x128xf32, #tpu.memory_space<vmem>> -> memref<104x128xf32, #tpu.memory_space<vmem>>
        %dma_wait3A_487 = arith.constant 0 : i32
        %dma_wait3A_488 = arith.constant 0 : i32
        %dma_wait3A_489 = tpu.memref_slice %arg2[%dma_wait3A_487, %dma_wait3A_488] : memref<10000x128xf32, #tpu.memory_space<hbm>> -> memref<104x128xf32, #tpu.memory_space<hbm>>
        tpu.wait_dma2 semaphore(%arg34 : memref<!tpu.dma_semaphore, #tpu.memory_space<semaphore_mem>>) src(%dma_wait3A_489 : memref<104x128xf32, #tpu.memory_space<hbm>>) dst(%dma_wait3A_486 : memref<104x128xf32, #tpu.memory_space<vmem>>)
      } else {
      }
      %mul3A_226 = arith.constant 6 : i32
      %mul3A_227 = arith.muli %mul3A_226, %scan3A_136 : i32
      %add3A_228 = arith.constant 2 : i32
      %add3A_229 = arith.addi %mul3A_227, %add3A_228 : i32
      %add3A_230 = arith.constant 3 : i32
      %add3A_231 = arith.addi %add3A_229, %add3A_230 : i32
      %min3A_232 = arith.constant 95 : i32
      %min3A_233 = arith.minsi %add3A_231, %min3A_232 : i32
      %mul3A_234 = arith.constant 104 : i32
      %mul3A_235 = arith.muli %min3A_233, %mul3A_234 : i32
      %add3A_236 = arith.addi %mul3A_29, %mul3A_235 : i32
      %dma_start3A_237 = tpu.memref_slice %arg3[%add3A_236] : memref<320000xi32, #tpu.memory_space<hbm>> -> memref<104xi32, #tpu.memory_space<hbm>>
      %dma_start3A_238 = tpu.memref_slice %arg3[%add3A_236] : memref<320000xi32, #tpu.memory_space<hbm>> -> memref<104xi32, #tpu.memory_space<hbm>>
      tpu.enqueue_dma source(%dma_start3A_238 : memref<104xi32, #tpu.memory_space<hbm>>) target(%arg11 : memref<104xi32, #tpu.memory_space<vmem>>) target_semaphore(%arg28 : memref<!tpu.dma_semaphore, #tpu.memory_space<semaphore_mem>>)
      %dma_start3A_239 = tpu.memref_slice %arg4[%add3A_236] : memref<320000xi32, #tpu.memory_space<hbm>> -> memref<104xi32, #tpu.memory_space<hbm>>
      %dma_start3A_240 = tpu.memref_slice %arg4[%add3A_236] : memref<320000xi32, #tpu.memory_space<hbm>> -> memref<104xi32, #tpu.memory_space<hbm>>
      tpu.enqueue_dma source(%dma_start3A_240 : memref<104xi32, #tpu.memory_space<hbm>>) target(%arg17 : memref<104xi32, #tpu.memory_space<vmem>>) target_semaphore(%arg28 : memref<!tpu.dma_semaphore, #tpu.memory_space<semaphore_mem>>)
      %dma_wait3A_241 = arith.constant 0 : i32
      %dma_wait3A_242 = tpu.memref_slice %arg3[%dma_wait3A_241] : memref<320000xi32, #tpu.memory_space<hbm>> -> memref<104xi32, #tpu.memory_space<hbm>>
      %dma_wait3A_243 = arith.constant 0 : i32
      %dma_wait3A_244 = tpu.memref_slice %arg3[%dma_wait3A_243] : memref<320000xi32, #tpu.memory_space<hbm>> -> memref<104xi32, #tpu.memory_space<hbm>>
      tpu.wait_dma2 semaphore(%arg27 : memref<!tpu.dma_semaphore, #tpu.memory_space<semaphore_mem>>) src(%dma_wait3A_244 : memref<104xi32, #tpu.memory_space<hbm>>) dst(%arg10 : memref<104xi32, #tpu.memory_space<vmem>>)
      %dma_wait3A_245 = arith.constant 0 : i32
      %dma_wait3A_246 = tpu.memref_slice %arg4[%dma_wait3A_245] : memref<320000xi32, #tpu.memory_space<hbm>> -> memref<104xi32, #tpu.memory_space<hbm>>
      %dma_wait3A_247 = arith.constant 0 : i32
      %dma_wait3A_248 = tpu.memref_slice %arg4[%dma_wait3A_247] : memref<320000xi32, #tpu.memory_space<hbm>> -> memref<104xi32, #tpu.memory_space<hbm>>
      tpu.wait_dma2 semaphore(%arg27 : memref<!tpu.dma_semaphore, #tpu.memory_space<semaphore_mem>>) src(%dma_wait3A_248 : memref<104xi32, #tpu.memory_space<hbm>>) dst(%arg16 : memref<104xi32, #tpu.memory_space<vmem>>)
      %dma_start3A_249 = arith.constant 2 : i32
      %dma_start3A_250 = arith.constant 0 : i32
      %dma_start3A_251 = arith.constant 0 : i32
      %dma_start3A_252 = tpu.memref_slice %arg18[%dma_start3A_249, %dma_start3A_250, %dma_start3A_251] : memref<3x104x128xf32, #tpu.memory_space<vmem>> -> memref<1x104x128xf32, #tpu.memory_space<vmem>>
      %dma_start3A_253 = tpu.memref_squeeze %dma_start3A_252 : memref<1x104x128xf32, #tpu.memory_space<vmem>> -> memref<104x128xf32, #tpu.memory_space<vmem>>
      %dma_start3A_254 = arith.constant 0 : i32
      %dma_start3A_255 = arith.constant 0 : i32
      %dma_start3A_256 = tpu.memref_slice %arg2[%dma_start3A_254, %dma_start3A_255] : memref<10000x128xf32, #tpu.memory_space<hbm>> -> memref<10000x128xf32, #tpu.memory_space<hbm>>
      tpu.enqueue_indirect_dma source(%dma_start3A_256 : memref<10000x128xf32, #tpu.memory_space<hbm>>) target(%dma_start3A_253 : memref<104x128xf32, #tpu.memory_space<vmem>>) offsets(%arg10 : memref<104xi32, #tpu.memory_space<vmem>>) semaphore(%arg31 : memref<!tpu.dma_semaphore, #tpu.memory_space<semaphore_mem>>)
      %dma_wait3A_257 = arith.constant 1 : i32
      %dma_wait3A_258 = arith.constant 0 : i32
      %dma_wait3A_259 = arith.constant 0 : i32
      %dma_wait3A_260 = tpu.memref_slice %arg18[%dma_wait3A_257, %dma_wait3A_258, %dma_wait3A_259] : memref<3x104x128xf32, #tpu.memory_space<vmem>> -> memref<1x104x128xf32, #tpu.memory_space<vmem>>
      %dma_wait3A_261 = tpu.memref_squeeze %dma_wait3A_260 : memref<1x104x128xf32, #tpu.memory_space<vmem>> -> memref<104x128xf32, #tpu.memory_space<vmem>>
      %dma_wait3A_262 = arith.constant 0 : i32
      %dma_wait3A_263 = arith.constant 0 : i32
      %dma_wait3A_264 = tpu.memref_slice %arg2[%dma_wait3A_262, %dma_wait3A_263] : memref<10000x128xf32, #tpu.memory_space<hbm>> -> memref<10000x128xf32, #tpu.memory_space<hbm>>
      tpu.wait_indirect_dma semaphore(%arg30 : memref<!tpu.dma_semaphore, #tpu.memory_space<semaphore_mem>>) src(%dma_wait3A_264 : memref<10000x128xf32, #tpu.memory_space<hbm>>) dst(%dma_wait3A_261 : memref<104x128xf32, #tpu.memory_space<vmem>>)
      %dma_start3A_265 = arith.constant 1 : i32
      %dma_start3A_266 = arith.constant 0 : i32
      %dma_start3A_267 = arith.constant 0 : i32
      %dma_start3A_268 = tpu.memref_slice %arg18[%dma_start3A_265, %dma_start3A_266, %dma_start3A_267] : memref<3x104x128xf32, #tpu.memory_space<vmem>> -> memref<1x104x128xf32, #tpu.memory_space<vmem>>
      %dma_start3A_269 = tpu.memref_squeeze %dma_start3A_268 : memref<1x104x128xf32, #tpu.memory_space<vmem>> -> memref<104x128xf32, #tpu.memory_space<vmem>>
      %dma_start3A_270 = arith.constant 0 : i32
      %dma_start3A_271 = arith.constant 0 : i32
      %dma_start3A_272 = tpu.memref_slice %arg22[%dma_start3A_270, %dma_start3A_271] : memref<10240x128xf32, #tpu.memory_space<vmem_shared>> -> memref<10240x128xf32, #tpu.memory_space<vmem_shared>>
      tpu.enqueue_indirect_dma source(%dma_start3A_269 : memref<104x128xf32, #tpu.memory_space<vmem>>) target(%dma_start3A_272 : memref<10240x128xf32, #tpu.memory_space<vmem_shared>>) offsets(%arg14 : memref<104xi32, #tpu.memory_space<vmem>>) semaphore(%arg33 : memref<!tpu.dma_semaphore, #tpu.memory_space<semaphore_mem>>) {add = true}
      %dma_wait3A_273 = arith.constant 0 : i32
      %dma_wait3A_274 = arith.constant 0 : i32
      %dma_wait3A_275 = arith.constant 0 : i32
      %dma_wait3A_276 = tpu.memref_slice %arg18[%dma_wait3A_273, %dma_wait3A_274, %dma_wait3A_275] : memref<3x104x128xf32, #tpu.memory_space<vmem>> -> memref<1x104x128xf32, #tpu.memory_space<vmem>>
      %dma_wait3A_277 = tpu.memref_squeeze %dma_wait3A_276 : memref<1x104x128xf32, #tpu.memory_space<vmem>> -> memref<104x128xf32, #tpu.memory_space<vmem>>
      %dma_wait3A_278 = arith.constant 0 : i32
      %dma_wait3A_279 = arith.constant 0 : i32
      %dma_wait3A_280 = tpu.memref_slice %arg2[%dma_wait3A_278, %dma_wait3A_279] : memref<10000x128xf32, #tpu.memory_space<hbm>> -> memref<104x128xf32, #tpu.memory_space<hbm>>
      %dma_wait3A_281 = arith.constant 0 : i32
      %dma_wait3A_282 = arith.constant 0 : i32
      %dma_wait3A_283 = tpu.memref_slice %arg18[%dma_wait3A_273, %dma_wait3A_281, %dma_wait3A_282] : memref<3x104x128xf32, #tpu.memory_space<vmem>> -> memref<1x104x128xf32, #tpu.memory_space<vmem>>
      %dma_wait3A_284 = tpu.memref_squeeze %dma_wait3A_283 : memref<1x104x128xf32, #tpu.memory_space<vmem>> -> memref<104x128xf32, #tpu.memory_space<vmem>>
      %dma_wait3A_285 = arith.constant 0 : i32
      %dma_wait3A_286 = arith.constant 0 : i32
      %dma_wait3A_287 = tpu.memref_slice %arg2[%dma_wait3A_285, %dma_wait3A_286] : memref<10000x128xf32, #tpu.memory_space<hbm>> -> memref<104x128xf32, #tpu.memory_space<hbm>>
      tpu.wait_dma2 semaphore(%arg32 : memref<!tpu.dma_semaphore, #tpu.memory_space<semaphore_mem>>) src(%dma_wait3A_287 : memref<104x128xf32, #tpu.memory_space<hbm>>) dst(%dma_wait3A_284 : memref<104x128xf32, #tpu.memory_space<vmem>>)
      %mul3A_288 = arith.constant 6 : i32
      %mul3A_289 = arith.muli %mul3A_288, %scan3A_136 : i32
      %add3A_290 = arith.constant 3 : i32
      %add3A_291 = arith.addi %mul3A_289, %add3A_290 : i32
      %add3A_292 = arith.constant 3 : i32
      %add3A_293 = arith.addi %add3A_291, %add3A_292 : i32
      %min3A_294 = arith.constant 95 : i32
      %min3A_295 = arith.minsi %add3A_293, %min3A_294 : i32
      %mul3A_296 = arith.constant 104 : i32
      %mul3A_297 = arith.muli %min3A_295, %mul3A_296 : i32
      %add3A_298 = arith.addi %mul3A_29, %mul3A_297 : i32
      %dma_start3A_299 = tpu.memref_slice %arg3[%add3A_298] : memref<320000xi32, #tpu.memory_space<hbm>> -> memref<104xi32, #tpu.memory_space<hbm>>
      %dma_start3A_300 = tpu.memref_slice %arg3[%add3A_298] : memref<320000xi32, #tpu.memory_space<hbm>> -> memref<104xi32, #tpu.memory_space<hbm>>
      tpu.enqueue_dma source(%dma_start3A_300 : memref<104xi32, #tpu.memory_space<hbm>>) target(%arg6 : memref<104xi32, #tpu.memory_space<vmem>>) target_semaphore(%arg23 : memref<!tpu.dma_semaphore, #tpu.memory_space<semaphore_mem>>)
      %dma_start3A_301 = tpu.memref_slice %arg4[%add3A_298] : memref<320000xi32, #tpu.memory_space<hbm>> -> memref<104xi32, #tpu.memory_space<hbm>>
      %dma_start3A_302 = tpu.memref_slice %arg4[%add3A_298] : memref<320000xi32, #tpu.memory_space<hbm>> -> memref<104xi32, #tpu.memory_space<hbm>>
      tpu.enqueue_dma source(%dma_start3A_302 : memref<104xi32, #tpu.memory_space<hbm>>) target(%arg12 : memref<104xi32, #tpu.memory_space<vmem>>) target_semaphore(%arg23 : memref<!tpu.dma_semaphore, #tpu.memory_space<semaphore_mem>>)
      %dma_wait3A_303 = arith.constant 0 : i32
      %dma_wait3A_304 = tpu.memref_slice %arg3[%dma_wait3A_303] : memref<320000xi32, #tpu.memory_space<hbm>> -> memref<104xi32, #tpu.memory_space<hbm>>
      %dma_wait3A_305 = arith.constant 0 : i32
      %dma_wait3A_306 = tpu.memref_slice %arg3[%dma_wait3A_305] : memref<320000xi32, #tpu.memory_space<hbm>> -> memref<104xi32, #tpu.memory_space<hbm>>
      tpu.wait_dma2 semaphore(%arg24 : memref<!tpu.dma_semaphore, #tpu.memory_space<semaphore_mem>>) src(%dma_wait3A_306 : memref<104xi32, #tpu.memory_space<hbm>>) dst(%arg7 : memref<104xi32, #tpu.memory_space<vmem>>)
      %dma_wait3A_307 = arith.constant 0 : i32
      %dma_wait3A_308 = tpu.memref_slice %arg4[%dma_wait3A_307] : memref<320000xi32, #tpu.memory_space<hbm>> -> memref<104xi32, #tpu.memory_space<hbm>>
      %dma_wait3A_309 = arith.constant 0 : i32
      %dma_wait3A_310 = tpu.memref_slice %arg4[%dma_wait3A_309] : memref<320000xi32, #tpu.memory_space<hbm>> -> memref<104xi32, #tpu.memory_space<hbm>>
      tpu.wait_dma2 semaphore(%arg24 : memref<!tpu.dma_semaphore, #tpu.memory_space<semaphore_mem>>) src(%dma_wait3A_310 : memref<104xi32, #tpu.memory_space<hbm>>) dst(%arg13 : memref<104xi32, #tpu.memory_space<vmem>>)
      %dma_start3A_311 = arith.constant 0 : i32
      %dma_start3A_312 = arith.constant 0 : i32
      %dma_start3A_313 = arith.constant 0 : i32
      %dma_start3A_314 = tpu.memref_slice %arg18[%dma_start3A_311, %dma_start3A_312, %dma_start3A_313] : memref<3x104x128xf32, #tpu.memory_space<vmem>> -> memref<1x104x128xf32, #tpu.memory_space<vmem>>
      %dma_start3A_315 = tpu.memref_squeeze %dma_start3A_314 : memref<1x104x128xf32, #tpu.memory_space<vmem>> -> memref<104x128xf32, #tpu.memory_space<vmem>>
      %dma_start3A_316 = arith.constant 0 : i32
      %dma_start3A_317 = arith.constant 0 : i32
      %dma_start3A_318 = tpu.memref_slice %arg2[%dma_start3A_316, %dma_start3A_317] : memref<10000x128xf32, #tpu.memory_space<hbm>> -> memref<10000x128xf32, #tpu.memory_space<hbm>>
      tpu.enqueue_indirect_dma source(%dma_start3A_318 : memref<10000x128xf32, #tpu.memory_space<hbm>>) target(%dma_start3A_315 : memref<104x128xf32, #tpu.memory_space<vmem>>) offsets(%arg7 : memref<104xi32, #tpu.memory_space<vmem>>) semaphore(%arg29 : memref<!tpu.dma_semaphore, #tpu.memory_space<semaphore_mem>>)
      %dma_wait3A_319 = arith.constant 2 : i32
      %dma_wait3A_320 = arith.constant 0 : i32
      %dma_wait3A_321 = arith.constant 0 : i32
      %dma_wait3A_322 = tpu.memref_slice %arg18[%dma_wait3A_319, %dma_wait3A_320, %dma_wait3A_321] : memref<3x104x128xf32, #tpu.memory_space<vmem>> -> memref<1x104x128xf32, #tpu.memory_space<vmem>>
      %dma_wait3A_323 = tpu.memref_squeeze %dma_wait3A_322 : memref<1x104x128xf32, #tpu.memory_space<vmem>> -> memref<104x128xf32, #tpu.memory_space<vmem>>
      %dma_wait3A_324 = arith.constant 0 : i32
      %dma_wait3A_325 = arith.constant 0 : i32
      %dma_wait3A_326 = tpu.memref_slice %arg2[%dma_wait3A_324, %dma_wait3A_325] : memref<10000x128xf32, #tpu.memory_space<hbm>> -> memref<10000x128xf32, #tpu.memory_space<hbm>>
      tpu.wait_indirect_dma semaphore(%arg31 : memref<!tpu.dma_semaphore, #tpu.memory_space<semaphore_mem>>) src(%dma_wait3A_326 : memref<10000x128xf32, #tpu.memory_space<hbm>>) dst(%dma_wait3A_323 : memref<104x128xf32, #tpu.memory_space<vmem>>)
      %dma_start3A_327 = arith.constant 2 : i32
      %dma_start3A_328 = arith.constant 0 : i32
      %dma_start3A_329 = arith.constant 0 : i32
      %dma_start3A_330 = tpu.memref_slice %arg18[%dma_start3A_327, %dma_start3A_328, %dma_start3A_329] : memref<3x104x128xf32, #tpu.memory_space<vmem>> -> memref<1x104x128xf32, #tpu.memory_space<vmem>>
      %dma_start3A_331 = tpu.memref_squeeze %dma_start3A_330 : memref<1x104x128xf32, #tpu.memory_space<vmem>> -> memref<104x128xf32, #tpu.memory_space<vmem>>
      %dma_start3A_332 = arith.constant 0 : i32
      %dma_start3A_333 = arith.constant 0 : i32
      %dma_start3A_334 = tpu.memref_slice %arg22[%dma_start3A_332, %dma_start3A_333] : memref<10240x128xf32, #tpu.memory_space<vmem_shared>> -> memref<10240x128xf32, #tpu.memory_space<vmem_shared>>
      tpu.enqueue_indirect_dma source(%dma_start3A_331 : memref<104x128xf32, #tpu.memory_space<vmem>>) target(%dma_start3A_334 : memref<10240x128xf32, #tpu.memory_space<vmem_shared>>) offsets(%arg16 : memref<104xi32, #tpu.memory_space<vmem>>) semaphore(%arg34 : memref<!tpu.dma_semaphore, #tpu.memory_space<semaphore_mem>>) {add = true}
      %dma_wait3A_335 = arith.constant 1 : i32
      %dma_wait3A_336 = arith.constant 0 : i32
      %dma_wait3A_337 = arith.constant 0 : i32
      %dma_wait3A_338 = tpu.memref_slice %arg18[%dma_wait3A_335, %dma_wait3A_336, %dma_wait3A_337] : memref<3x104x128xf32, #tpu.memory_space<vmem>> -> memref<1x104x128xf32, #tpu.memory_space<vmem>>
      %dma_wait3A_339 = tpu.memref_squeeze %dma_wait3A_338 : memref<1x104x128xf32, #tpu.memory_space<vmem>> -> memref<104x128xf32, #tpu.memory_space<vmem>>
      %dma_wait3A_340 = arith.constant 0 : i32
      %dma_wait3A_341 = arith.constant 0 : i32
      %dma_wait3A_342 = tpu.memref_slice %arg2[%dma_wait3A_340, %dma_wait3A_341] : memref<10000x128xf32, #tpu.memory_space<hbm>> -> memref<104x128xf32, #tpu.memory_space<hbm>>
      %dma_wait3A_343 = arith.constant 0 : i32
      %dma_wait3A_344 = arith.constant 0 : i32
      %dma_wait3A_345 = tpu.memref_slice %arg18[%dma_wait3A_335, %dma_wait3A_343, %dma_wait3A_344] : memref<3x104x128xf32, #tpu.memory_space<vmem>> -> memref<1x104x128xf32, #tpu.memory_space<vmem>>
      %dma_wait3A_346 = tpu.memref_squeeze %dma_wait3A_345 : memref<1x104x128xf32, #tpu.memory_space<vmem>> -> memref<104x128xf32, #tpu.memory_space<vmem>>
      %dma_wait3A_347 = arith.constant 0 : i32
      %dma_wait3A_348 = arith.constant 0 : i32
      %dma_wait3A_349 = tpu.memref_slice %arg2[%dma_wait3A_347, %dma_wait3A_348] : memref<10000x128xf32, #tpu.memory_space<hbm>> -> memref<104x128xf32, #tpu.memory_space<hbm>>
      tpu.wait_dma2 semaphore(%arg33 : memref<!tpu.dma_semaphore, #tpu.memory_space<semaphore_mem>>) src(%dma_wait3A_349 : memref<104x128xf32, #tpu.memory_space<hbm>>) dst(%dma_wait3A_346 : memref<104x128xf32, #tpu.memory_space<vmem>>)
      %mul3A_350 = arith.constant 6 : i32
      %mul3A_351 = arith.muli %mul3A_350, %scan3A_136 : i32
      %add3A_352 = arith.constant 4 : i32
      %add3A_353 = arith.addi %mul3A_351, %add3A_352 : i32
      %add3A_354 = arith.constant 3 : i32
      %add3A_355 = arith.addi %add3A_353, %add3A_354 : i32
      %min3A_356 = arith.constant 95 : i32
      %min3A_357 = arith.minsi %add3A_355, %min3A_356 : i32
      %mul3A_358 = arith.constant 104 : i32
      %mul3A_359 = arith.muli %min3A_357, %mul3A_358 : i32
      %add3A_360 = arith.addi %mul3A_29, %mul3A_359 : i32
      %dma_start3A_361 = tpu.memref_slice %arg3[%add3A_360] : memref<320000xi32, #tpu.memory_space<hbm>> -> memref<104xi32, #tpu.memory_space<hbm>>
      %dma_start3A_362 = tpu.memref_slice %arg3[%add3A_360] : memref<320000xi32, #tpu.memory_space<hbm>> -> memref<104xi32, #tpu.memory_space<hbm>>
      tpu.enqueue_dma source(%dma_start3A_362 : memref<104xi32, #tpu.memory_space<hbm>>) target(%arg8 : memref<104xi32, #tpu.memory_space<vmem>>) target_semaphore(%arg25 : memref<!tpu.dma_semaphore, #tpu.memory_space<semaphore_mem>>)
      %dma_start3A_363 = tpu.memref_slice %arg4[%add3A_360] : memref<320000xi32, #tpu.memory_space<hbm>> -> memref<104xi32, #tpu.memory_space<hbm>>
      %dma_start3A_364 = tpu.memref_slice %arg4[%add3A_360] : memref<320000xi32, #tpu.memory_space<hbm>> -> memref<104xi32, #tpu.memory_space<hbm>>
      tpu.enqueue_dma source(%dma_start3A_364 : memref<104xi32, #tpu.memory_space<hbm>>) target(%arg14 : memref<104xi32, #tpu.memory_space<vmem>>) target_semaphore(%arg25 : memref<!tpu.dma_semaphore, #tpu.memory_space<semaphore_mem>>)
      %dma_wait3A_365 = arith.constant 0 : i32
      %dma_wait3A_366 = tpu.memref_slice %arg3[%dma_wait3A_365] : memref<320000xi32, #tpu.memory_space<hbm>> -> memref<104xi32, #tpu.memory_space<hbm>>
      %dma_wait3A_367 = arith.constant 0 : i32
      %dma_wait3A_368 = tpu.memref_slice %arg3[%dma_wait3A_367] : memref<320000xi32, #tpu.memory_space<hbm>> -> memref<104xi32, #tpu.memory_space<hbm>>
      tpu.wait_dma2 semaphore(%arg26 : memref<!tpu.dma_semaphore, #tpu.memory_space<semaphore_mem>>) src(%dma_wait3A_368 : memref<104xi32, #tpu.memory_space<hbm>>) dst(%arg9 : memref<104xi32, #tpu.memory_space<vmem>>)
      %dma_wait3A_369 = arith.constant 0 : i32
      %dma_wait3A_370 = tpu.memref_slice %arg4[%dma_wait3A_369] : memref<320000xi32, #tpu.memory_space<hbm>> -> memref<104xi32, #tpu.memory_space<hbm>>
      %dma_wait3A_371 = arith.constant 0 : i32
      %dma_wait3A_372 = tpu.memref_slice %arg4[%dma_wait3A_371] : memref<320000xi32, #tpu.memory_space<hbm>> -> memref<104xi32, #tpu.memory_space<hbm>>
      tpu.wait_dma2 semaphore(%arg26 : memref<!tpu.dma_semaphore, #tpu.memory_space<semaphore_mem>>) src(%dma_wait3A_372 : memref<104xi32, #tpu.memory_space<hbm>>) dst(%arg15 : memref<104xi32, #tpu.memory_space<vmem>>)
      %dma_start3A_373 = arith.constant 1 : i32
      %dma_start3A_374 = arith.constant 0 : i32
      %dma_start3A_375 = arith.constant 0 : i32
      %dma_start3A_376 = tpu.memref_slice %arg18[%dma_start3A_373, %dma_start3A_374, %dma_start3A_375] : memref<3x104x128xf32, #tpu.memory_space<vmem>> -> memref<1x104x128xf32, #tpu.memory_space<vmem>>
      %dma_start3A_377 = tpu.memref_squeeze %dma_start3A_376 : memref<1x104x128xf32, #tpu.memory_space<vmem>> -> memref<104x128xf32, #tpu.memory_space<vmem>>
      %dma_start3A_378 = arith.constant 0 : i32
      %dma_start3A_379 = arith.constant 0 : i32
      %dma_start3A_380 = tpu.memref_slice %arg2[%dma_start3A_378, %dma_start3A_379] : memref<10000x128xf32, #tpu.memory_space<hbm>> -> memref<10000x128xf32, #tpu.memory_space<hbm>>
      tpu.enqueue_indirect_dma source(%dma_start3A_380 : memref<10000x128xf32, #tpu.memory_space<hbm>>) target(%dma_start3A_377 : memref<104x128xf32, #tpu.memory_space<vmem>>) offsets(%arg9 : memref<104xi32, #tpu.memory_space<vmem>>) semaphore(%arg30 : memref<!tpu.dma_semaphore, #tpu.memory_space<semaphore_mem>>)
      %dma_wait3A_381 = arith.constant 0 : i32
      %dma_wait3A_382 = arith.constant 0 : i32
      %dma_wait3A_383 = arith.constant 0 : i32
      %dma_wait3A_384 = tpu.memref_slice %arg18[%dma_wait3A_381, %dma_wait3A_382, %dma_wait3A_383] : memref<3x104x128xf32, #tpu.memory_space<vmem>> -> memref<1x104x128xf32, #tpu.memory_space<vmem>>
      %dma_wait3A_385 = tpu.memref_squeeze %dma_wait3A_384 : memref<1x104x128xf32, #tpu.memory_space<vmem>> -> memref<104x128xf32, #tpu.memory_space<vmem>>
      %dma_wait3A_386 = arith.constant 0 : i32
      %dma_wait3A_387 = arith.constant 0 : i32
      %dma_wait3A_388 = tpu.memref_slice %arg2[%dma_wait3A_386, %dma_wait3A_387] : memref<10000x128xf32, #tpu.memory_space<hbm>> -> memref<10000x128xf32, #tpu.memory_space<hbm>>
      tpu.wait_indirect_dma semaphore(%arg29 : memref<!tpu.dma_semaphore, #tpu.memory_space<semaphore_mem>>) src(%dma_wait3A_388 : memref<10000x128xf32, #tpu.memory_space<hbm>>) dst(%dma_wait3A_385 : memref<104x128xf32, #tpu.memory_space<vmem>>)
      %dma_start3A_389 = arith.constant 0 : i32
      %dma_start3A_390 = arith.constant 0 : i32
      %dma_start3A_391 = arith.constant 0 : i32
      %dma_start3A_392 = tpu.memref_slice %arg18[%dma_start3A_389, %dma_start3A_390, %dma_start3A_391] : memref<3x104x128xf32, #tpu.memory_space<vmem>> -> memref<1x104x128xf32, #tpu.memory_space<vmem>>
      %dma_start3A_393 = tpu.memref_squeeze %dma_start3A_392 : memref<1x104x128xf32, #tpu.memory_space<vmem>> -> memref<104x128xf32, #tpu.memory_space<vmem>>
      %dma_start3A_394 = arith.constant 0 : i32
      %dma_start3A_395 = arith.constant 0 : i32
      %dma_start3A_396 = tpu.memref_slice %arg22[%dma_start3A_394, %dma_start3A_395] : memref<10240x128xf32, #tpu.memory_space<vmem_shared>> -> memref<10240x128xf32, #tpu.memory_space<vmem_shared>>
      tpu.enqueue_indirect_dma source(%dma_start3A_393 : memref<104x128xf32, #tpu.memory_space<vmem>>) target(%dma_start3A_396 : memref<10240x128xf32, #tpu.memory_space<vmem_shared>>) offsets(%arg13 : memref<104xi32, #tpu.memory_space<vmem>>) semaphore(%arg32 : memref<!tpu.dma_semaphore, #tpu.memory_space<semaphore_mem>>) {add = true}
      %dma_wait3A_397 = arith.constant 2 : i32
      %dma_wait3A_398 = arith.constant 0 : i32
      %dma_wait3A_399 = arith.constant 0 : i32
      %dma_wait3A_400 = tpu.memref_slice %arg18[%dma_wait3A_397, %dma_wait3A_398, %dma_wait3A_399] : memref<3x104x128xf32, #tpu.memory_space<vmem>> -> memref<1x104x128xf32, #tpu.memory_space<vmem>>
      %dma_wait3A_401 = tpu.memref_squeeze %dma_wait3A_400 : memref<1x104x128xf32, #tpu.memory_space<vmem>> -> memref<104x128xf32, #tpu.memory_space<vmem>>
      %dma_wait3A_402 = arith.constant 0 : i32
      %dma_wait3A_403 = arith.constant 0 : i32
      %dma_wait3A_404 = tpu.memref_slice %arg2[%dma_wait3A_402, %dma_wait3A_403] : memref<10000x128xf32, #tpu.memory_space<hbm>> -> memref<104x128xf32, #tpu.memory_space<hbm>>
      %dma_wait3A_405 = arith.constant 0 : i32
      %dma_wait3A_406 = arith.constant 0 : i32
      %dma_wait3A_407 = tpu.memref_slice %arg18[%dma_wait3A_397, %dma_wait3A_405, %dma_wait3A_406] : memref<3x104x128xf32, #tpu.memory_space<vmem>> -> memref<1x104x128xf32, #tpu.memory_space<vmem>>
      %dma_wait3A_408 = tpu.memref_squeeze %dma_wait3A_407 : memref<1x104x128xf32, #tpu.memory_space<vmem>> -> memref<104x128xf32, #tpu.memory_space<vmem>>
      %dma_wait3A_409 = arith.constant 0 : i32
      %dma_wait3A_410 = arith.constant 0 : i32
      %dma_wait3A_411 = tpu.memref_slice %arg2[%dma_wait3A_409, %dma_wait3A_410] : memref<10000x128xf32, #tpu.memory_space<hbm>> -> memref<104x128xf32, #tpu.memory_space<hbm>>
      tpu.wait_dma2 semaphore(%arg34 : memref<!tpu.dma_semaphore, #tpu.memory_space<semaphore_mem>>) src(%dma_wait3A_411 : memref<104x128xf32, #tpu.memory_space<hbm>>) dst(%dma_wait3A_408 : memref<104x128xf32, #tpu.memory_space<vmem>>)
      %mul3A_412 = arith.constant 6 : i32
      %mul3A_413 = arith.muli %mul3A_412, %scan3A_136 : i32
      %add3A_414 = arith.constant 5 : i32
      %add3A_415 = arith.addi %mul3A_413, %add3A_414 : i32
      %add3A_416 = arith.constant 3 : i32
      %add3A_417 = arith.addi %add3A_415, %add3A_416 : i32
      %min3A_418 = arith.constant 95 : i32
      %min3A_419 = arith.minsi %add3A_417, %min3A_418 : i32
      %mul3A_420 = arith.constant 104 : i32
      %mul3A_421 = arith.muli %min3A_419, %mul3A_420 : i32
      %add3A_422 = arith.addi %mul3A_29, %mul3A_421 : i32
      %dma_start3A_423 = tpu.memref_slice %arg3[%add3A_422] : memref<320000xi32, #tpu.memory_space<hbm>> -> memref<104xi32, #tpu.memory_space<hbm>>
      %dma_start3A_424 = tpu.memref_slice %arg3[%add3A_422] : memref<320000xi32, #tpu.memory_space<hbm>> -> memref<104xi32, #tpu.memory_space<hbm>>
      tpu.enqueue_dma source(%dma_start3A_424 : memref<104xi32, #tpu.memory_space<hbm>>) target(%arg10 : memref<104xi32, #tpu.memory_space<vmem>>) target_semaphore(%arg27 : memref<!tpu.dma_semaphore, #tpu.memory_space<semaphore_mem>>)
      %dma_start3A_425 = tpu.memref_slice %arg4[%add3A_422] : memref<320000xi32, #tpu.memory_space<hbm>> -> memref<104xi32, #tpu.memory_space<hbm>>
      %dma_start3A_426 = tpu.memref_slice %arg4[%add3A_422] : memref<320000xi32, #tpu.memory_space<hbm>> -> memref<104xi32, #tpu.memory_space<hbm>>
      tpu.enqueue_dma source(%dma_start3A_426 : memref<104xi32, #tpu.memory_space<hbm>>) target(%arg16 : memref<104xi32, #tpu.memory_space<vmem>>) target_semaphore(%arg27 : memref<!tpu.dma_semaphore, #tpu.memory_space<semaphore_mem>>)
      %dma_wait3A_427 = arith.constant 0 : i32
      %dma_wait3A_428 = tpu.memref_slice %arg3[%dma_wait3A_427] : memref<320000xi32, #tpu.memory_space<hbm>> -> memref<104xi32, #tpu.memory_space<hbm>>
      %dma_wait3A_429 = arith.constant 0 : i32
      %dma_wait3A_430 = tpu.memref_slice %arg3[%dma_wait3A_429] : memref<320000xi32, #tpu.memory_space<hbm>> -> memref<104xi32, #tpu.memory_space<hbm>>
      tpu.wait_dma2 semaphore(%arg28 : memref<!tpu.dma_semaphore, #tpu.memory_space<semaphore_mem>>) src(%dma_wait3A_430 : memref<104xi32, #tpu.memory_space<hbm>>) dst(%arg11 : memref<104xi32, #tpu.memory_space<vmem>>)
      %dma_wait3A_431 = arith.constant 0 : i32
      %dma_wait3A_432 = tpu.memref_slice %arg4[%dma_wait3A_431] : memref<320000xi32, #tpu.memory_space<hbm>> -> memref<104xi32, #tpu.memory_space<hbm>>
      %dma_wait3A_433 = arith.constant 0 : i32
      %dma_wait3A_434 = tpu.memref_slice %arg4[%dma_wait3A_433] : memref<320000xi32, #tpu.memory_space<hbm>> -> memref<104xi32, #tpu.memory_space<hbm>>
      tpu.wait_dma2 semaphore(%arg28 : memref<!tpu.dma_semaphore, #tpu.memory_space<semaphore_mem>>) src(%dma_wait3A_434 : memref<104xi32, #tpu.memory_space<hbm>>) dst(%arg17 : memref<104xi32, #tpu.memory_space<vmem>>)
      %dma_start3A_435 = arith.constant 2 : i32
      %dma_start3A_436 = arith.constant 0 : i32
      %dma_start3A_437 = arith.constant 0 : i32
      %dma_start3A_438 = tpu.memref_slice %arg18[%dma_start3A_435, %dma_start3A_436, %dma_start3A_437] : memref<3x104x128xf32, #tpu.memory_space<vmem>> -> memref<1x104x128xf32, #tpu.memory_space<vmem>>
      %dma_start3A_439 = tpu.memref_squeeze %dma_start3A_438 : memref<1x104x128xf32, #tpu.memory_space<vmem>> -> memref<104x128xf32, #tpu.memory_space<vmem>>
      %dma_start3A_440 = arith.constant 0 : i32
      %dma_start3A_441 = arith.constant 0 : i32
      %dma_start3A_442 = tpu.memref_slice %arg2[%dma_start3A_440, %dma_start3A_441] : memref<10000x128xf32, #tpu.memory_space<hbm>> -> memref<10000x128xf32, #tpu.memory_space<hbm>>
      tpu.enqueue_indirect_dma source(%dma_start3A_442 : memref<10000x128xf32, #tpu.memory_space<hbm>>) target(%dma_start3A_439 : memref<104x128xf32, #tpu.memory_space<vmem>>) offsets(%arg11 : memref<104xi32, #tpu.memory_space<vmem>>) semaphore(%arg31 : memref<!tpu.dma_semaphore, #tpu.memory_space<semaphore_mem>>)
      %dma_wait3A_443 = arith.constant 1 : i32
      %dma_wait3A_444 = arith.constant 0 : i32
      %dma_wait3A_445 = arith.constant 0 : i32
      %dma_wait3A_446 = tpu.memref_slice %arg18[%dma_wait3A_443, %dma_wait3A_444, %dma_wait3A_445] : memref<3x104x128xf32, #tpu.memory_space<vmem>> -> memref<1x104x128xf32, #tpu.memory_space<vmem>>
      %dma_wait3A_447 = tpu.memref_squeeze %dma_wait3A_446 : memref<1x104x128xf32, #tpu.memory_space<vmem>> -> memref<104x128xf32, #tpu.memory_space<vmem>>
      %dma_wait3A_448 = arith.constant 0 : i32
      %dma_wait3A_449 = arith.constant 0 : i32
      %dma_wait3A_450 = tpu.memref_slice %arg2[%dma_wait3A_448, %dma_wait3A_449] : memref<10000x128xf32, #tpu.memory_space<hbm>> -> memref<10000x128xf32, #tpu.memory_space<hbm>>
      tpu.wait_indirect_dma semaphore(%arg30 : memref<!tpu.dma_semaphore, #tpu.memory_space<semaphore_mem>>) src(%dma_wait3A_450 : memref<10000x128xf32, #tpu.memory_space<hbm>>) dst(%dma_wait3A_447 : memref<104x128xf32, #tpu.memory_space<vmem>>)
      %dma_start3A_451 = arith.constant 1 : i32
      %dma_start3A_452 = arith.constant 0 : i32
      %dma_start3A_453 = arith.constant 0 : i32
      %dma_start3A_454 = tpu.memref_slice %arg18[%dma_start3A_451, %dma_start3A_452, %dma_start3A_453] : memref<3x104x128xf32, #tpu.memory_space<vmem>> -> memref<1x104x128xf32, #tpu.memory_space<vmem>>
      %dma_start3A_455 = tpu.memref_squeeze %dma_start3A_454 : memref<1x104x128xf32, #tpu.memory_space<vmem>> -> memref<104x128xf32, #tpu.memory_space<vmem>>
      %dma_start3A_456 = arith.constant 0 : i32
      %dma_start3A_457 = arith.constant 0 : i32
      %dma_start3A_458 = tpu.memref_slice %arg22[%dma_start3A_456, %dma_start3A_457] : memref<10240x128xf32, #tpu.memory_space<vmem_shared>> -> memref<10240x128xf32, #tpu.memory_space<vmem_shared>>
      tpu.enqueue_indirect_dma source(%dma_start3A_455 : memref<104x128xf32, #tpu.memory_space<vmem>>) target(%dma_start3A_458 : memref<10240x128xf32, #tpu.memory_space<vmem_shared>>) offsets(%arg15 : memref<104xi32, #tpu.memory_space<vmem>>) semaphore(%arg33 : memref<!tpu.dma_semaphore, #tpu.memory_space<semaphore_mem>>) {add = true}
      %dma_wait3A_459 = arith.constant 2 : i32
      %dma_wait3A_460 = arith.constant 0 : i32
      %dma_wait3A_461 = arith.constant 0 : i32
      %dma_wait3A_462 = tpu.memref_slice %arg18[%dma_wait3A_459, %dma_wait3A_460, %dma_wait3A_461] : memref<3x104x128xf32, #tpu.memory_space<vmem>> -> memref<1x104x128xf32, #tpu.memory_space<vmem>>
      %dma_wait3A_463 = tpu.memref_squeeze %dma_wait3A_462 : memref<1x104x128xf32, #tpu.memory_space<vmem>> -> memref<104x128xf32, #tpu.memory_space<vmem>>
      %dma_wait3A_464 = arith.constant 0 : i32
      %dma_wait3A_465 = arith.constant 0 : i32
      %dma_wait3A_466 = tpu.memref_slice %arg2[%dma_wait3A_464, %dma_wait3A_465] : memref<10000x128xf32, #tpu.memory_space<hbm>> -> memref<10000x128xf32, #tpu.memory_space<hbm>>
      tpu.wait_indirect_dma semaphore(%arg31 : memref<!tpu.dma_semaphore, #tpu.memory_space<semaphore_mem>>) src(%dma_wait3A_466 : memref<10000x128xf32, #tpu.memory_space<hbm>>) dst(%dma_wait3A_463 : memref<104x128xf32, #tpu.memory_space<vmem>>)
      %dma_start3A_467 = arith.constant 2 : i32
      %dma_start3A_468 = arith.constant 0 : i32
      %dma_start3A_469 = arith.constant 0 : i32
      %dma_start3A_470 = tpu.memref_slice %arg18[%dma_start3A_467, %dma_start3A_468, %dma_start3A_469] : memref<3x104x128xf32, #tpu.memory_space<vmem>> -> memref<1x104x128xf32, #tpu.memory_space<vmem>>
      %dma_start3A_471 = tpu.memref_squeeze %dma_start3A_470 : memref<1x104x128xf32, #tpu.memory_space<vmem>> -> memref<104x128xf32, #tpu.memory_space<vmem>>
      %dma_start3A_472 = arith.constant 0 : i32
      %dma_start3A_473 = arith.constant 0 : i32
      %dma_start3A_474 = tpu.memref_slice %arg22[%dma_start3A_472, %dma_start3A_473] : memref<10240x128xf32, #tpu.memory_space<vmem_shared>> -> memref<10240x128xf32, #tpu.memory_space<vmem_shared>>
      tpu.enqueue_indirect_dma source(%dma_start3A_471 : memref<104x128xf32, #tpu.memory_space<vmem>>) target(%dma_start3A_474 : memref<10240x128xf32, #tpu.memory_space<vmem_shared>>) offsets(%arg17 : memref<104xi32, #tpu.memory_space<vmem>>) semaphore(%arg34 : memref<!tpu.dma_semaphore, #tpu.memory_space<semaphore_mem>>) {add = true}
    }
    %scan3A_52 = arith.constant 16 : i32
    %dma_wait3A = arith.constant 0 : i32
    %dma_wait3A_53 = arith.constant 0 : i32
    %dma_wait3A_54 = arith.constant 0 : i32
    %dma_wait3A_55 = tpu.memref_slice %arg18[%dma_wait3A, %dma_wait3A_53, %dma_wait3A_54] : memref<3x104x128xf32, #tpu.memory_space<vmem>> -> memref<1x104x128xf32, #tpu.memory_space<vmem>>
    %dma_wait3A_56 = tpu.memref_squeeze %dma_wait3A_55 : memref<1x104x128xf32, #tpu.memory_space<vmem>> -> memref<104x128xf32, #tpu.memory_space<vmem>>
    %dma_wait3A_57 = arith.constant 0 : i32
    %dma_wait3A_58 = arith.constant 0 : i32
    %dma_wait3A_59 = tpu.memref_slice %arg2[%dma_wait3A_57, %dma_wait3A_58] : memref<10000x128xf32, #tpu.memory_space<hbm>> -> memref<104x128xf32, #tpu.memory_space<hbm>>
    %dma_wait3A_60 = arith.constant 0 : i32
    %dma_wait3A_61 = arith.constant 0 : i32
    %dma_wait3A_62 = tpu.memref_slice %arg18[%dma_wait3A, %dma_wait3A_60, %dma_wait3A_61] : memref<3x104x128xf32, #tpu.memory_space<vmem>> -> memref<1x104x128xf32, #tpu.memory_space<vmem>>
    %dma_wait3A_63 = tpu.memref_squeeze %dma_wait3A_62 : memref<1x104x128xf32, #tpu.memory_space<vmem>> -> memref<104x128xf32, #tpu.memory_space<vmem>>
    %dma_wait3A_64 = arith.constant 0 : i32
    %dma_wait3A_65 = arith.constant 0 : i32
    %dma_wait3A_66 = tpu.memref_slice %arg2[%dma_wait3A_64, %dma_wait3A_65] : memref<10000x128xf32, #tpu.memory_space<hbm>> -> memref<104x128xf32, #tpu.memory_space<hbm>>
    tpu.wait_dma2 semaphore(%arg32 : memref<!tpu.dma_semaphore, #tpu.memory_space<semaphore_mem>>) src(%dma_wait3A_66 : memref<104x128xf32, #tpu.memory_space<hbm>>) dst(%dma_wait3A_63 : memref<104x128xf32, #tpu.memory_space<vmem>>)
    %dma_wait3A_67 = arith.constant 0 : i32
    %dma_wait3A_68 = tpu.memref_slice %arg3[%dma_wait3A_67] : memref<320000xi32, #tpu.memory_space<hbm>> -> memref<104xi32, #tpu.memory_space<hbm>>
    %dma_wait3A_69 = arith.constant 0 : i32
    %dma_wait3A_70 = tpu.memref_slice %arg3[%dma_wait3A_69] : memref<320000xi32, #tpu.memory_space<hbm>> -> memref<104xi32, #tpu.memory_space<hbm>>
    tpu.wait_dma2 semaphore(%arg23 : memref<!tpu.dma_semaphore, #tpu.memory_space<semaphore_mem>>) src(%dma_wait3A_70 : memref<104xi32, #tpu.memory_space<hbm>>) dst(%arg6 : memref<104xi32, #tpu.memory_space<vmem>>)
    %dma_wait3A_71 = arith.constant 0 : i32
    %dma_wait3A_72 = tpu.memref_slice %arg4[%dma_wait3A_71] : memref<320000xi32, #tpu.memory_space<hbm>> -> memref<104xi32, #tpu.memory_space<hbm>>
    %dma_wait3A_73 = arith.constant 0 : i32
    %dma_wait3A_74 = tpu.memref_slice %arg4[%dma_wait3A_73] : memref<320000xi32, #tpu.memory_space<hbm>> -> memref<104xi32, #tpu.memory_space<hbm>>
    tpu.wait_dma2 semaphore(%arg23 : memref<!tpu.dma_semaphore, #tpu.memory_space<semaphore_mem>>) src(%dma_wait3A_74 : memref<104xi32, #tpu.memory_space<hbm>>) dst(%arg12 : memref<104xi32, #tpu.memory_space<vmem>>)
    %dma_wait3A_75 = arith.constant 1 : i32
    %dma_wait3A_76 = arith.constant 0 : i32
    %dma_wait3A_77 = arith.constant 0 : i32
    %dma_wait3A_78 = tpu.memref_slice %arg18[%dma_wait3A_75, %dma_wait3A_76, %dma_wait3A_77] : memref<3x104x128xf32, #tpu.memory_space<vmem>> -> memref<1x104x128xf32, #tpu.memory_space<vmem>>
    %dma_wait3A_79 = tpu.memref_squeeze %dma_wait3A_78 : memref<1x104x128xf32, #tpu.memory_space<vmem>> -> memref<104x128xf32, #tpu.memory_space<vmem>>
    %dma_wait3A_80 = arith.constant 0 : i32
    %dma_wait3A_81 = arith.constant 0 : i32
    %dma_wait3A_82 = tpu.memref_slice %arg2[%dma_wait3A_80, %dma_wait3A_81] : memref<10000x128xf32, #tpu.memory_space<hbm>> -> memref<104x128xf32, #tpu.memory_space<hbm>>
    %dma_wait3A_83 = arith.constant 0 : i32
    %dma_wait3A_84 = arith.constant 0 : i32
    %dma_wait3A_85 = tpu.memref_slice %arg18[%dma_wait3A_75, %dma_wait3A_83, %dma_wait3A_84] : memref<3x104x128xf32, #tpu.memory_space<vmem>> -> memref<1x104x128xf32, #tpu.memory_space<vmem>>
    %dma_wait3A_86 = tpu.memref_squeeze %dma_wait3A_85 : memref<1x104x128xf32, #tpu.memory_space<vmem>> -> memref<104x128xf32, #tpu.memory_space<vmem>>
    %dma_wait3A_87 = arith.constant 0 : i32
    %dma_wait3A_88 = arith.constant 0 : i32
    %dma_wait3A_89 = tpu.memref_slice %arg2[%dma_wait3A_87, %dma_wait3A_88] : memref<10000x128xf32, #tpu.memory_space<hbm>> -> memref<104x128xf32, #tpu.memory_space<hbm>>
    tpu.wait_dma2 semaphore(%arg33 : memref<!tpu.dma_semaphore, #tpu.memory_space<semaphore_mem>>) src(%dma_wait3A_89 : memref<104x128xf32, #tpu.memory_space<hbm>>) dst(%dma_wait3A_86 : memref<104x128xf32, #tpu.memory_space<vmem>>)
    %dma_wait3A_90 = arith.constant 0 : i32
    %dma_wait3A_91 = tpu.memref_slice %arg3[%dma_wait3A_90] : memref<320000xi32, #tpu.memory_space<hbm>> -> memref<104xi32, #tpu.memory_space<hbm>>
    %dma_wait3A_92 = arith.constant 0 : i32
    %dma_wait3A_93 = tpu.memref_slice %arg3[%dma_wait3A_92] : memref<320000xi32, #tpu.memory_space<hbm>> -> memref<104xi32, #tpu.memory_space<hbm>>
    tpu.wait_dma2 semaphore(%arg25 : memref<!tpu.dma_semaphore, #tpu.memory_space<semaphore_mem>>) src(%dma_wait3A_93 : memref<104xi32, #tpu.memory_space<hbm>>) dst(%arg8 : memref<104xi32, #tpu.memory_space<vmem>>)
    %dma_wait3A_94 = arith.constant 0 : i32
    %dma_wait3A_95 = tpu.memref_slice %arg4[%dma_wait3A_94] : memref<320000xi32, #tpu.memory_space<hbm>> -> memref<104xi32, #tpu.memory_space<hbm>>
    %dma_wait3A_96 = arith.constant 0 : i32
    %dma_wait3A_97 = tpu.memref_slice %arg4[%dma_wait3A_96] : memref<320000xi32, #tpu.memory_space<hbm>> -> memref<104xi32, #tpu.memory_space<hbm>>
    tpu.wait_dma2 semaphore(%arg25 : memref<!tpu.dma_semaphore, #tpu.memory_space<semaphore_mem>>) src(%dma_wait3A_97 : memref<104xi32, #tpu.memory_space<hbm>>) dst(%arg14 : memref<104xi32, #tpu.memory_space<vmem>>)
    %dma_wait3A_98 = arith.constant 2 : i32
    %dma_wait3A_99 = arith.constant 0 : i32
    %dma_wait3A_100 = arith.constant 0 : i32
    %dma_wait3A_101 = tpu.memref_slice %arg18[%dma_wait3A_98, %dma_wait3A_99, %dma_wait3A_100] : memref<3x104x128xf32, #tpu.memory_space<vmem>> -> memref<1x104x128xf32, #tpu.memory_space<vmem>>
    %dma_wait3A_102 = tpu.memref_squeeze %dma_wait3A_101 : memref<1x104x128xf32, #tpu.memory_space<vmem>> -> memref<104x128xf32, #tpu.memory_space<vmem>>
    %dma_wait3A_103 = arith.constant 0 : i32
    %dma_wait3A_104 = arith.constant 0 : i32
    %dma_wait3A_105 = tpu.memref_slice %arg2[%dma_wait3A_103, %dma_wait3A_104] : memref<10000x128xf32, #tpu.memory_space<hbm>> -> memref<104x128xf32, #tpu.memory_space<hbm>>
    %dma_wait3A_106 = arith.constant 0 : i32
    %dma_wait3A_107 = arith.constant 0 : i32
    %dma_wait3A_108 = tpu.memref_slice %arg18[%dma_wait3A_98, %dma_wait3A_106, %dma_wait3A_107] : memref<3x104x128xf32, #tpu.memory_space<vmem>> -> memref<1x104x128xf32, #tpu.memory_space<vmem>>
    %dma_wait3A_109 = tpu.memref_squeeze %dma_wait3A_108 : memref<1x104x128xf32, #tpu.memory_space<vmem>> -> memref<104x128xf32, #tpu.memory_space<vmem>>
    %dma_wait3A_110 = arith.constant 0 : i32
    %dma_wait3A_111 = arith.constant 0 : i32
    %dma_wait3A_112 = tpu.memref_slice %arg2[%dma_wait3A_110, %dma_wait3A_111] : memref<10000x128xf32, #tpu.memory_space<hbm>> -> memref<104x128xf32, #tpu.memory_space<hbm>>
    tpu.wait_dma2 semaphore(%arg34 : memref<!tpu.dma_semaphore, #tpu.memory_space<semaphore_mem>>) src(%dma_wait3A_112 : memref<104x128xf32, #tpu.memory_space<hbm>>) dst(%dma_wait3A_109 : memref<104x128xf32, #tpu.memory_space<vmem>>)
    %dma_wait3A_113 = arith.constant 0 : i32
    %dma_wait3A_114 = tpu.memref_slice %arg3[%dma_wait3A_113] : memref<320000xi32, #tpu.memory_space<hbm>> -> memref<104xi32, #tpu.memory_space<hbm>>
    %dma_wait3A_115 = arith.constant 0 : i32
    %dma_wait3A_116 = tpu.memref_slice %arg3[%dma_wait3A_115] : memref<320000xi32, #tpu.memory_space<hbm>> -> memref<104xi32, #tpu.memory_space<hbm>>
    tpu.wait_dma2 semaphore(%arg27 : memref<!tpu.dma_semaphore, #tpu.memory_space<semaphore_mem>>) src(%dma_wait3A_116 : memref<104xi32, #tpu.memory_space<hbm>>) dst(%arg10 : memref<104xi32, #tpu.memory_space<vmem>>)
    %dma_wait3A_117 = arith.constant 0 : i32
    %dma_wait3A_118 = tpu.memref_slice %arg4[%dma_wait3A_117] : memref<320000xi32, #tpu.memory_space<hbm>> -> memref<104xi32, #tpu.memory_space<hbm>>
    %dma_wait3A_119 = arith.constant 0 : i32
    %dma_wait3A_120 = tpu.memref_slice %arg4[%dma_wait3A_119] : memref<320000xi32, #tpu.memory_space<hbm>> -> memref<104xi32, #tpu.memory_space<hbm>>
    tpu.wait_dma2 semaphore(%arg27 : memref<!tpu.dma_semaphore, #tpu.memory_space<semaphore_mem>>) src(%dma_wait3A_120 : memref<104xi32, #tpu.memory_space<hbm>>) dst(%arg16 : memref<104xi32, #tpu.memory_space<vmem>>)
    %add3A_121 = arith.constant 9984 : i32
    %add3A_122 = arith.addi %mul3A_29, %add3A_121 : i32
    "tpu.region"() ({
      %run_scoped3A_136 = tpu.sem_alloc : memref<!tpu.dma_semaphore, #tpu.memory_space<semaphore_mem>>
      %dma_start3A_137 = tpu.memref_slice %arg3[%add3A_122] : memref<320000xi32, #tpu.memory_space<hbm>> -> memref<16xi32, #tpu.memory_space<hbm>>
      %dma_start3A_138 = tpu.memref_slice %arg3[%add3A_122] : memref<320000xi32, #tpu.memory_space<hbm>> -> memref<16xi32, #tpu.memory_space<hbm>>
      tpu.enqueue_dma source(%dma_start3A_138 : memref<16xi32, #tpu.memory_space<hbm>>) target(%arg19 : memref<16xi32, #tpu.memory_space<vmem>>) target_semaphore(%run_scoped3A_136 : memref<!tpu.dma_semaphore, #tpu.memory_space<semaphore_mem>>)
      %dma_wait3A_139 = tpu.memref_slice %arg3[%add3A_122] : memref<320000xi32, #tpu.memory_space<hbm>> -> memref<16xi32, #tpu.memory_space<hbm>>
      %dma_wait3A_140 = tpu.memref_slice %arg3[%add3A_122] : memref<320000xi32, #tpu.memory_space<hbm>> -> memref<16xi32, #tpu.memory_space<hbm>>
      tpu.wait_dma2 semaphore(%run_scoped3A_136 : memref<!tpu.dma_semaphore, #tpu.memory_space<semaphore_mem>>) src(%dma_wait3A_140 : memref<16xi32, #tpu.memory_space<hbm>>) dst(%arg19 : memref<16xi32, #tpu.memory_space<vmem>>)
      tpu.yield
    }) : () -> ()
    "tpu.region"() ({
      %run_scoped3A_136 = tpu.sem_alloc : memref<!tpu.dma_semaphore, #tpu.memory_space<semaphore_mem>>
      %dma_start3A_137 = tpu.memref_slice %arg4[%add3A_122] : memref<320000xi32, #tpu.memory_space<hbm>> -> memref<16xi32, #tpu.memory_space<hbm>>
      %dma_start3A_138 = tpu.memref_slice %arg4[%add3A_122] : memref<320000xi32, #tpu.memory_space<hbm>> -> memref<16xi32, #tpu.memory_space<hbm>>
      tpu.enqueue_dma source(%dma_start3A_138 : memref<16xi32, #tpu.memory_space<hbm>>) target(%arg20 : memref<16xi32, #tpu.memory_space<vmem>>) target_semaphore(%run_scoped3A_136 : memref<!tpu.dma_semaphore, #tpu.memory_space<semaphore_mem>>)
      %dma_wait3A_139 = tpu.memref_slice %arg4[%add3A_122] : memref<320000xi32, #tpu.memory_space<hbm>> -> memref<16xi32, #tpu.memory_space<hbm>>
      %dma_wait3A_140 = tpu.memref_slice %arg4[%add3A_122] : memref<320000xi32, #tpu.memory_space<hbm>> -> memref<16xi32, #tpu.memory_space<hbm>>
      tpu.wait_dma2 semaphore(%run_scoped3A_136 : memref<!tpu.dma_semaphore, #tpu.memory_space<semaphore_mem>>) src(%dma_wait3A_140 : memref<16xi32, #tpu.memory_space<hbm>>) dst(%arg20 : memref<16xi32, #tpu.memory_space<vmem>>)
      tpu.yield
    }) : () -> ()
    %dma_start3A_123 = arith.constant 0 : i32
    %dma_start3A_124 = arith.constant 0 : i32
    %dma_start3A_125 = tpu.memref_slice %arg2[%dma_start3A_123, %dma_start3A_124] : memref<10000x128xf32, #tpu.memory_space<hbm>> -> memref<10000x128xf32, #tpu.memory_space<hbm>>
    tpu.enqueue_indirect_dma source(%dma_start3A_125 : memref<10000x128xf32, #tpu.memory_space<hbm>>) target(%arg21 : memref<16x128xf32, #tpu.memory_space<vmem>>) offsets(%arg19 : memref<16xi32, #tpu.memory_space<vmem>>) semaphore(%arg29 : memref<!tpu.dma_semaphore, #tpu.memory_space<semaphore_mem>>)
    %dma_wait3A_126 = arith.constant 0 : i32
    %dma_wait3A_127 = arith.constant 0 : i32
    %dma_wait3A_128 = tpu.memref_slice %arg2[%dma_wait3A_126, %dma_wait3A_127] : memref<10000x128xf32, #tpu.memory_space<hbm>> -> memref<10000x128xf32, #tpu.memory_space<hbm>>
    tpu.wait_indirect_dma semaphore(%arg29 : memref<!tpu.dma_semaphore, #tpu.memory_space<semaphore_mem>>) src(%dma_wait3A_128 : memref<10000x128xf32, #tpu.memory_space<hbm>>) dst(%arg21 : memref<16x128xf32, #tpu.memory_space<vmem>>)
    %dma_start3A_129 = arith.constant 0 : i32
    %dma_start3A_130 = arith.constant 0 : i32
    %dma_start3A_131 = tpu.memref_slice %arg22[%dma_start3A_129, %dma_start3A_130] : memref<10240x128xf32, #tpu.memory_space<vmem_shared>> -> memref<10240x128xf32, #tpu.memory_space<vmem_shared>>
    tpu.enqueue_indirect_dma source(%arg21 : memref<16x128xf32, #tpu.memory_space<vmem>>) target(%dma_start3A_131 : memref<10240x128xf32, #tpu.memory_space<vmem_shared>>) offsets(%arg20 : memref<16xi32, #tpu.memory_space<vmem>>) semaphore(%arg32 : memref<!tpu.dma_semaphore, #tpu.memory_space<semaphore_mem>>) {add = true}
    %dma_wait3A_132 = arith.constant 0 : i32
    %dma_wait3A_133 = arith.constant 0 : i32
    %dma_wait3A_134 = tpu.memref_slice %arg22[%dma_wait3A_132, %dma_wait3A_133] : memref<10240x128xf32, #tpu.memory_space<vmem_shared>> -> memref<10240x128xf32, #tpu.memory_space<vmem_shared>>
    tpu.wait_indirect_dma semaphore(%arg32 : memref<!tpu.dma_semaphore, #tpu.memory_space<semaphore_mem>>) src(%arg21 : memref<16x128xf32, #tpu.memory_space<vmem>>) dst(%dma_wait3A_134 : memref<10240x128xf32, #tpu.memory_space<vmem_shared>>)
    %barrier3A_135 = arith.constant 0 : index
    tpu.barrier barrier_id(%barrier3A_135)
    "tpu.region"() ({
      %run_scoped3A_136 = tpu.sem_alloc : memref<!tpu.dma_semaphore, #tpu.memory_space<semaphore_mem>>
      %dma_start3A_137 = arith.constant 0 : i32
      %dma_start3A_138 = tpu.memref_slice %arg5[%arg0, %mul3A_7, %dma_start3A_137] : memref<2x10240x128xf32, #tpu.memory_space<hbm>> -> memref<1x640x128xf32, #tpu.memory_space<hbm>>
      %dma_start3A_139 = tpu.memref_squeeze %dma_start3A_138 : memref<1x640x128xf32, #tpu.memory_space<hbm>> -> memref<640x128xf32, #tpu.memory_space<hbm>>
      %dma_start3A_140 = arith.constant 0 : i32
      %dma_start3A_141 = tpu.memref_slice %arg22[%mul3A_7, %dma_start3A_140] : memref<10240x128xf32, #tpu.memory_space<vmem_shared>> -> memref<640x128xf32, #tpu.memory_space<vmem_shared>>
      tpu.enqueue_dma source(%dma_start3A_141 : memref<640x128xf32, #tpu.memory_space<vmem_shared>>) target(%dma_start3A_139 : memref<640x128xf32, #tpu.memory_space<hbm>>) target_semaphore(%run_scoped3A_136 : memref<!tpu.dma_semaphore, #tpu.memory_space<semaphore_mem>>)
      %dma_wait3A_142 = arith.constant 0 : i32
      %dma_wait3A_143 = tpu.memref_slice %arg5[%arg0, %mul3A_7, %dma_wait3A_142] : memref<2x10240x128xf32, #tpu.memory_space<hbm>> -> memref<1x640x128xf32, #tpu.memory_space<hbm>>
      %dma_wait3A_144 = tpu.memref_squeeze %dma_wait3A_143 : memref<1x640x128xf32, #tpu.memory_space<hbm>> -> memref<640x128xf32, #tpu.memory_space<hbm>>
      %dma_wait3A_145 = arith.constant 0 : i32
      %dma_wait3A_146 = tpu.memref_slice %arg22[%mul3A_7, %dma_wait3A_145] : memref<10240x128xf32, #tpu.memory_space<vmem_shared>> -> memref<640x128xf32, #tpu.memory_space<vmem_shared>>
      tpu.wait_dma2 semaphore(%run_scoped3A_136 : memref<!tpu.dma_semaphore, #tpu.memory_space<semaphore_mem>>) src(%dma_wait3A_146 : memref<640x128xf32, #tpu.memory_space<vmem_shared>>) dst(%dma_wait3A_144 : memref<640x128xf32, #tpu.memory_space<hbm>>)
      tpu.yield
    }) : () -> ()
    return
  }
}

#map = affine_map<(d0, d1) -> (0)>
#map1 = affine_map<(d0, d1) -> (0, 0)>
module attributes {stable_mosaic.version = 14 : i64} {
  func.func @_hist_kernel(%arg0: i32, %arg1: i32, %arg2: memref<320000xi32, #tpu.memory_space<hbm>>, %arg3: memref<32x10240xi32, #tpu.memory_space<hbm>>, %arg4: memref<10000xi32, #tpu.memory_space<vmem>>, %arg5: memref<10240xi32, #tpu.memory_space<vmem>>) attributes {dimension_semantics = [#tpu.dimension_semantics<core_parallel>, #tpu.dimension_semantics<subcore_parallel>], iteration_bounds = array<i64: 2, 16>, scalar_prefetch = 0 : i64, scratch_operands = 2 : i64, tpu.core_type = #tpu.core_type<sc_vector_subcore>, window_params = [{transform_indices = #map}, {transform_indices = #map1}]} {
    %mul3A = arith.constant 16 : i32
    %mul3A_0 = arith.muli %arg0, %mul3A : i32
    %add3A = arith.addi %mul3A_0, %arg1 : i32
    %scan3A = arith.constant 0 : i32
    %scan3A_1 = arith.constant 0 : i32
    %scan3A_2 = arith.constant 640 : i32
    %scan3A_3 = arith.addi %scan3A_1, %scan3A_2 : i32
    %scan3A_4 = arith.constant 1 : i32
    scf.for %scan3A_15 = %scan3A_1 to %scan3A_3 step %scan3A_4  : i32 {
      %broadcast_in_dim3A_16 = arith.constant 0 : i32
      %broadcast_in_dim3A_17 = vector.broadcast %broadcast_in_dim3A_16 : i32 to vector<16xi32>
      %mul3A_18 = arith.constant 16 : i32
      %mul3A_19 = arith.muli %scan3A_15, %mul3A_18 : i32
      %swap3A = arith.index_cast %mul3A_19 : i32 to index
      %swap3A_20 = tpu.vector_load %arg5[%swap3A] {strides = array<i32>} : memref<10240xi32, #tpu.memory_space<vmem>>, vector<16xi32>,
      tpu.vector_store %arg5[%swap3A], %broadcast_in_dim3A_17 {strides = array<i32>} : memref<10240xi32, #tpu.memory_space<vmem>>, vector<16xi32>,
    }
    %scan3A_5 = arith.constant 640 : i32
    %mul3A_6 = arith.constant 10000 : i32
    %mul3A_7 = arith.muli %add3A, %mul3A_6 : i32
    "tpu.region"() ({
      %run_scoped3A = tpu.sem_alloc : memref<!tpu.dma_semaphore, #tpu.memory_space<semaphore_mem>>
      %dma_start3A = tpu.memref_slice %arg2[%mul3A_7] : memref<320000xi32, #tpu.memory_space<hbm>> -> memref<10000xi32, #tpu.memory_space<hbm>>
      %dma_start3A_15 = tpu.memref_slice %arg2[%mul3A_7] : memref<320000xi32, #tpu.memory_space<hbm>> -> memref<10000xi32, #tpu.memory_space<hbm>>
      tpu.enqueue_dma source(%dma_start3A_15 : memref<10000xi32, #tpu.memory_space<hbm>>) target(%arg4 : memref<10000xi32, #tpu.memory_space<vmem>>) target_semaphore(%run_scoped3A : memref<!tpu.dma_semaphore, #tpu.memory_space<semaphore_mem>>)
      %dma_wait3A = tpu.memref_slice %arg2[%mul3A_7] : memref<320000xi32, #tpu.memory_space<hbm>> -> memref<10000xi32, #tpu.memory_space<hbm>>
      %dma_wait3A_16 = tpu.memref_slice %arg2[%mul3A_7] : memref<320000xi32, #tpu.memory_space<hbm>> -> memref<10000xi32, #tpu.memory_space<hbm>>
      tpu.wait_dma2 semaphore(%run_scoped3A : memref<!tpu.dma_semaphore, #tpu.memory_space<semaphore_mem>>) src(%dma_wait3A_16 : memref<10000xi32, #tpu.memory_space<hbm>>) dst(%arg4 : memref<10000xi32, #tpu.memory_space<vmem>>)
      tpu.yield
    }) : () -> ()
    %broadcast_in_dim3A = arith.constant 1 : i32
    %broadcast_in_dim3A_8 = vector.broadcast %broadcast_in_dim3A : i32 to vector<16xi32>
    %scan3A_9 = arith.constant 0 : i32
    %scan3A_10 = arith.constant 0 : i32
    %scan3A_11 = arith.constant 625 : i32
    %scan3A_12 = arith.addi %scan3A_10, %scan3A_11 : i32
    %scan3A_13 = arith.constant 1 : i32
    scf.for %scan3A_15 = %scan3A_10 to %scan3A_12 step %scan3A_13  : i32 {
      %mul3A_16 = arith.constant 16 : i32
      %mul3A_17 = arith.muli %scan3A_15, %mul3A_16 : i32
      %get3A = arith.index_cast %mul3A_17 : i32 to index
      %get3A_18 = tpu.vector_load %arg4[%get3A] {strides = array<i32>} : memref<10000xi32, #tpu.memory_space<vmem>>, vector<16xi32>,
      tpu.vector_store_idx %arg5[%get3A_18], %broadcast_in_dim3A_8 {add = true} : memref<10240xi32, #tpu.memory_space<vmem>>[vector<16xi32>], vector<16xi32>,
    }
    %scan3A_14 = arith.constant 625 : i32
    "tpu.region"() ({
      %run_scoped3A = tpu.sem_alloc : memref<!tpu.dma_semaphore, #tpu.memory_space<semaphore_mem>>
      %dma_start3A = arith.constant 0 : i32
      %dma_start3A_15 = tpu.memref_slice %arg3[%add3A, %dma_start3A] : memref<32x10240xi32, #tpu.memory_space<hbm>> -> memref<1x10240xi32, #tpu.memory_space<hbm>>
      %dma_start3A_16 = tpu.memref_squeeze %dma_start3A_15 : memref<1x10240xi32, #tpu.memory_space<hbm>> -> memref<10240xi32, #tpu.memory_space<hbm>>
      %dma_start3A_17 = arith.constant 0 : i32
      %dma_start3A_18 = tpu.memref_slice %arg3[%add3A, %dma_start3A_17] : memref<32x10240xi32, #tpu.memory_space<hbm>> -> memref<1x10240xi32, #tpu.memory_space<hbm>>
      %dma_start3A_19 = tpu.memref_squeeze %dma_start3A_18 : memref<1x10240xi32, #tpu.memory_space<hbm>> -> memref<10240xi32, #tpu.memory_space<hbm>>
      tpu.enqueue_dma source(%arg5 : memref<10240xi32, #tpu.memory_space<vmem>>) target(%dma_start3A_19 : memref<10240xi32, #tpu.memory_space<hbm>>) target_semaphore(%run_scoped3A : memref<!tpu.dma_semaphore, #tpu.memory_space<semaphore_mem>>)
      %dma_wait3A = arith.constant 0 : i32
      %dma_wait3A_20 = tpu.memref_slice %arg3[%add3A, %dma_wait3A] : memref<32x10240xi32, #tpu.memory_space<hbm>> -> memref<1x10240xi32, #tpu.memory_space<hbm>>
      %dma_wait3A_21 = tpu.memref_squeeze %dma_wait3A_20 : memref<1x10240xi32, #tpu.memory_space<hbm>> -> memref<10240xi32, #tpu.memory_space<hbm>>
      %dma_wait3A_22 = arith.constant 0 : i32
      %dma_wait3A_23 = tpu.memref_slice %arg3[%add3A, %dma_wait3A_22] : memref<32x10240xi32, #tpu.memory_space<hbm>> -> memref<1x10240xi32, #tpu.memory_space<hbm>>
      %dma_wait3A_24 = tpu.memref_squeeze %dma_wait3A_23 : memref<1x10240xi32, #tpu.memory_space<hbm>> -> memref<10240xi32, #tpu.memory_space<hbm>>
      tpu.wait_dma2 semaphore(%run_scoped3A : memref<!tpu.dma_semaphore, #tpu.memory_space<semaphore_mem>>) src(%arg5 : memref<10240xi32, #tpu.memory_space<vmem>>) dst(%dma_wait3A_24 : memref<10240xi32, #tpu.memory_space<hbm>>)
      tpu.yield
    }) : () -> ()
    return
  }
}

#map = affine_map<(d0, d1) -> (0, 0)>
#map1 = affine_map<(d0, d1) -> (0)>
module attributes {stable_mosaic.version = 14 : i64} {
  func.func @_xt_scatter_kernel(%arg0: i32, %arg1: i32, %arg2: memref<10000x128xf32, #tpu.memory_space<hbm>>, %arg3: memref<10240xi32, #tpu.memory_space<hbm>>, %arg4: memref<10240x128xf32, #tpu.memory_space<hbm>>, %arg5: memref<128x128xf32, #tpu.memory_space<vmem>>, %arg6: memref<64x128xf32, #tpu.memory_space<vmem>>, %arg7: memref<16x128xf32, #tpu.memory_space<vmem>>, %arg8: memref<128xi32, #tpu.memory_space<vmem>>, %arg9: memref<64xi32, #tpu.memory_space<vmem>>, %arg10: memref<16xi32, #tpu.memory_space<vmem>>, %arg11: memref<!tpu.dma_semaphore, #tpu.memory_space<semaphore_mem>>) attributes {dimension_semantics = [#tpu.dimension_semantics<core_parallel>, #tpu.dimension_semantics<subcore_parallel>], iteration_bounds = array<i64: 2, 16>, scalar_prefetch = 0 : i64, scratch_operands = 7 : i64, tpu.core_type = #tpu.core_type<sc_vector_subcore>, window_params = [{transform_indices = #map}, {transform_indices = #map1}, {transform_indices = #map}]} {
    %mul3A = arith.constant 16 : i32
    %mul3A_0 = arith.muli %arg0, %mul3A : i32
    %add3A = arith.addi %mul3A_0, %arg1 : i32
    %mul3A_1 = arith.constant 320 : i32
    %mul3A_2 = arith.muli %add3A, %mul3A_1 : i32
    %lt3A = arith.constant 31 : i32
    %lt3A_3 = arith.cmpi slt, %add3A, %lt3A : i32
    %convert_element_type3A = arith.extui %lt3A_3 : i1 to i32
    %cond3A = arith.constant 0 : i32
    %cond3A_4 = arith.cmpi ne, %convert_element_type3A, %cond3A : i32
    scf.if %cond3A_4 {
      %add3A_9 = arith.constant 0 : i32
      %add3A_10 = arith.addi %mul3A_2, %add3A_9 : i32
      "tpu.region"() ({
        %run_scoped3A = tpu.sem_alloc : memref<!tpu.dma_semaphore, #tpu.memory_space<semaphore_mem>>
        %dma_start3A_31 = arith.constant 0 : i32
        %dma_start3A_32 = tpu.memref_slice %arg2[%add3A_10, %dma_start3A_31] : memref<10000x128xf32, #tpu.memory_space<hbm>> -> memref<128x128xf32, #tpu.memory_space<hbm>>
        %dma_start3A_33 = arith.constant 0 : i32
        %dma_start3A_34 = tpu.memref_slice %arg2[%add3A_10, %dma_start3A_33] : memref<10000x128xf32, #tpu.memory_space<hbm>> -> memref<128x128xf32, #tpu.memory_space<hbm>>
        tpu.enqueue_dma source(%dma_start3A_34 : memref<128x128xf32, #tpu.memory_space<hbm>>) target(%arg5 : memref<128x128xf32, #tpu.memory_space<vmem>>) target_semaphore(%run_scoped3A : memref<!tpu.dma_semaphore, #tpu.memory_space<semaphore_mem>>)
        %dma_wait3A_35 = arith.constant 0 : i32
        %dma_wait3A_36 = tpu.memref_slice %arg2[%add3A_10, %dma_wait3A_35] : memref<10000x128xf32, #tpu.memory_space<hbm>> -> memref<128x128xf32, #tpu.memory_space<hbm>>
        %dma_wait3A_37 = arith.constant 0 : i32
        %dma_wait3A_38 = tpu.memref_slice %arg2[%add3A_10, %dma_wait3A_37] : memref<10000x128xf32, #tpu.memory_space<hbm>> -> memref<128x128xf32, #tpu.memory_space<hbm>>
        tpu.wait_dma2 semaphore(%run_scoped3A : memref<!tpu.dma_semaphore, #tpu.memory_space<semaphore_mem>>) src(%dma_wait3A_38 : memref<128x128xf32, #tpu.memory_space<hbm>>) dst(%arg5 : memref<128x128xf32, #tpu.memory_space<vmem>>)
        tpu.yield
      }) : () -> ()
      "tpu.region"() ({
        %run_scoped3A = tpu.sem_alloc : memref<!tpu.dma_semaphore, #tpu.memory_space<semaphore_mem>>
        %dma_start3A_31 = tpu.memref_slice %arg3[%add3A_10] : memref<10240xi32, #tpu.memory_space<hbm>> -> memref<128xi32, #tpu.memory_space<hbm>>
        %dma_start3A_32 = tpu.memref_slice %arg3[%add3A_10] : memref<10240xi32, #tpu.memory_space<hbm>> -> memref<128xi32, #tpu.memory_space<hbm>>
        tpu.enqueue_dma source(%dma_start3A_32 : memref<128xi32, #tpu.memory_space<hbm>>) target(%arg8 : memref<128xi32, #tpu.memory_space<vmem>>) target_semaphore(%run_scoped3A : memref<!tpu.dma_semaphore, #tpu.memory_space<semaphore_mem>>)
        %dma_wait3A_33 = tpu.memref_slice %arg3[%add3A_10] : memref<10240xi32, #tpu.memory_space<hbm>> -> memref<128xi32, #tpu.memory_space<hbm>>
        %dma_wait3A_34 = tpu.memref_slice %arg3[%add3A_10] : memref<10240xi32, #tpu.memory_space<hbm>> -> memref<128xi32, #tpu.memory_space<hbm>>
        tpu.wait_dma2 semaphore(%run_scoped3A : memref<!tpu.dma_semaphore, #tpu.memory_space<semaphore_mem>>) src(%dma_wait3A_34 : memref<128xi32, #tpu.memory_space<hbm>>) dst(%arg8 : memref<128xi32, #tpu.memory_space<vmem>>)
        tpu.yield
      }) : () -> ()
      %dma_start3A = arith.constant 0 : i32
      %dma_start3A_11 = arith.constant 0 : i32
      %dma_start3A_12 = tpu.memref_slice %arg4[%dma_start3A, %dma_start3A_11] : memref<10240x128xf32, #tpu.memory_space<hbm>> -> memref<10240x128xf32, #tpu.memory_space<hbm>>
      tpu.enqueue_indirect_dma source(%arg5 : memref<128x128xf32, #tpu.memory_space<vmem>>) target(%dma_start3A_12 : memref<10240x128xf32, #tpu.memory_space<hbm>>) offsets(%arg8 : memref<128xi32, #tpu.memory_space<vmem>>) semaphore(%arg11 : memref<!tpu.dma_semaphore, #tpu.memory_space<semaphore_mem>>)
      %dma_wait3A = arith.constant 0 : i32
      %dma_wait3A_13 = arith.constant 0 : i32
      %dma_wait3A_14 = tpu.memref_slice %arg4[%dma_wait3A, %dma_wait3A_13] : memref<10240x128xf32, #tpu.memory_space<hbm>> -> memref<10240x128xf32, #tpu.memory_space<hbm>>
      tpu.wait_indirect_dma semaphore(%arg11 : memref<!tpu.dma_semaphore, #tpu.memory_space<semaphore_mem>>) src(%arg5 : memref<128x128xf32, #tpu.memory_space<vmem>>) dst(%dma_wait3A_14 : memref<10240x128xf32, #tpu.memory_space<hbm>>)
      %add3A_15 = arith.constant 128 : i32
      %add3A_16 = arith.addi %mul3A_2, %add3A_15 : i32
      "tpu.region"() ({
        %run_scoped3A = tpu.sem_alloc : memref<!tpu.dma_semaphore, #tpu.memory_space<semaphore_mem>>
        %dma_start3A_31 = arith.constant 0 : i32
        %dma_start3A_32 = tpu.memref_slice %arg2[%add3A_16, %dma_start3A_31] : memref<10000x128xf32, #tpu.memory_space<hbm>> -> memref<128x128xf32, #tpu.memory_space<hbm>>
        %dma_start3A_33 = arith.constant 0 : i32
        %dma_start3A_34 = tpu.memref_slice %arg2[%add3A_16, %dma_start3A_33] : memref<10000x128xf32, #tpu.memory_space<hbm>> -> memref<128x128xf32, #tpu.memory_space<hbm>>
        tpu.enqueue_dma source(%dma_start3A_34 : memref<128x128xf32, #tpu.memory_space<hbm>>) target(%arg5 : memref<128x128xf32, #tpu.memory_space<vmem>>) target_semaphore(%run_scoped3A : memref<!tpu.dma_semaphore, #tpu.memory_space<semaphore_mem>>)
        %dma_wait3A_35 = arith.constant 0 : i32
        %dma_wait3A_36 = tpu.memref_slice %arg2[%add3A_16, %dma_wait3A_35] : memref<10000x128xf32, #tpu.memory_space<hbm>> -> memref<128x128xf32, #tpu.memory_space<hbm>>
        %dma_wait3A_37 = arith.constant 0 : i32
        %dma_wait3A_38 = tpu.memref_slice %arg2[%add3A_16, %dma_wait3A_37] : memref<10000x128xf32, #tpu.memory_space<hbm>> -> memref<128x128xf32, #tpu.memory_space<hbm>>
        tpu.wait_dma2 semaphore(%run_scoped3A : memref<!tpu.dma_semaphore, #tpu.memory_space<semaphore_mem>>) src(%dma_wait3A_38 : memref<128x128xf32, #tpu.memory_space<hbm>>) dst(%arg5 : memref<128x128xf32, #tpu.memory_space<vmem>>)
        tpu.yield
      }) : () -> ()
      "tpu.region"() ({
        %run_scoped3A = tpu.sem_alloc : memref<!tpu.dma_semaphore, #tpu.memory_space<semaphore_mem>>
        %dma_start3A_31 = tpu.memref_slice %arg3[%add3A_16] : memref<10240xi32, #tpu.memory_space<hbm>> -> memref<128xi32, #tpu.memory_space<hbm>>
        %dma_start3A_32 = tpu.memref_slice %arg3[%add3A_16] : memref<10240xi32, #tpu.memory_space<hbm>> -> memref<128xi32, #tpu.memory_space<hbm>>
        tpu.enqueue_dma source(%dma_start3A_32 : memref<128xi32, #tpu.memory_space<hbm>>) target(%arg8 : memref<128xi32, #tpu.memory_space<vmem>>) target_semaphore(%run_scoped3A : memref<!tpu.dma_semaphore, #tpu.memory_space<semaphore_mem>>)
        %dma_wait3A_33 = tpu.memref_slice %arg3[%add3A_16] : memref<10240xi32, #tpu.memory_space<hbm>> -> memref<128xi32, #tpu.memory_space<hbm>>
        %dma_wait3A_34 = tpu.memref_slice %arg3[%add3A_16] : memref<10240xi32, #tpu.memory_space<hbm>> -> memref<128xi32, #tpu.memory_space<hbm>>
        tpu.wait_dma2 semaphore(%run_scoped3A : memref<!tpu.dma_semaphore, #tpu.memory_space<semaphore_mem>>) src(%dma_wait3A_34 : memref<128xi32, #tpu.memory_space<hbm>>) dst(%arg8 : memref<128xi32, #tpu.memory_space<vmem>>)
        tpu.yield
      }) : () -> ()
      %dma_start3A_17 = arith.constant 0 : i32
      %dma_start3A_18 = arith.constant 0 : i32
      %dma_start3A_19 = tpu.memref_slice %arg4[%dma_start3A_17, %dma_start3A_18] : memref<10240x128xf32, #tpu.memory_space<hbm>> -> memref<10240x128xf32, #tpu.memory_space<hbm>>
      tpu.enqueue_indirect_dma source(%arg5 : memref<128x128xf32, #tpu.memory_space<vmem>>) target(%dma_start3A_19 : memref<10240x128xf32, #tpu.memory_space<hbm>>) offsets(%arg8 : memref<128xi32, #tpu.memory_space<vmem>>) semaphore(%arg11 : memref<!tpu.dma_semaphore, #tpu.memory_space<semaphore_mem>>)
      %dma_wait3A_20 = arith.constant 0 : i32
      %dma_wait3A_21 = arith.constant 0 : i32
      %dma_wait3A_22 = tpu.memref_slice %arg4[%dma_wait3A_20, %dma_wait3A_21] : memref<10240x128xf32, #tpu.memory_space<hbm>> -> memref<10240x128xf32, #tpu.memory_space<hbm>>
      tpu.wait_indirect_dma semaphore(%arg11 : memref<!tpu.dma_semaphore, #tpu.memory_space<semaphore_mem>>) src(%arg5 : memref<128x128xf32, #tpu.memory_space<vmem>>) dst(%dma_wait3A_22 : memref<10240x128xf32, #tpu.memory_space<hbm>>)
      %add3A_23 = arith.constant 256 : i32
      %add3A_24 = arith.addi %mul3A_2, %add3A_23 : i32
      "tpu.region"() ({
        %run_scoped3A = tpu.sem_alloc : memref<!tpu.dma_semaphore, #tpu.memory_space<semaphore_mem>>
        %dma_start3A_31 = arith.constant 0 : i32
        %dma_start3A_32 = tpu.memref_slice %arg2[%add3A_24, %dma_start3A_31] : memref<10000x128xf32, #tpu.memory_space<hbm>> -> memref<64x128xf32, #tpu.memory_space<hbm>>
        %dma_start3A_33 = arith.constant 0 : i32
        %dma_start3A_34 = tpu.memref_slice %arg2[%add3A_24, %dma_start3A_33] : memref<10000x128xf32, #tpu.memory_space<hbm>> -> memref<64x128xf32, #tpu.memory_space<hbm>>
        tpu.enqueue_dma source(%dma_start3A_34 : memref<64x128xf32, #tpu.memory_space<hbm>>) target(%arg6 : memref<64x128xf32, #tpu.memory_space<vmem>>) target_semaphore(%run_scoped3A : memref<!tpu.dma_semaphore, #tpu.memory_space<semaphore_mem>>)
        %dma_wait3A_35 = arith.constant 0 : i32
        %dma_wait3A_36 = tpu.memref_slice %arg2[%add3A_24, %dma_wait3A_35] : memref<10000x128xf32, #tpu.memory_space<hbm>> -> memref<64x128xf32, #tpu.memory_space<hbm>>
        %dma_wait3A_37 = arith.constant 0 : i32
        %dma_wait3A_38 = tpu.memref_slice %arg2[%add3A_24, %dma_wait3A_37] : memref<10000x128xf32, #tpu.memory_space<hbm>> -> memref<64x128xf32, #tpu.memory_space<hbm>>
        tpu.wait_dma2 semaphore(%run_scoped3A : memref<!tpu.dma_semaphore, #tpu.memory_space<semaphore_mem>>) src(%dma_wait3A_38 : memref<64x128xf32, #tpu.memory_space<hbm>>) dst(%arg6 : memref<64x128xf32, #tpu.memory_space<vmem>>)
        tpu.yield
      }) : () -> ()
      "tpu.region"() ({
        %run_scoped3A = tpu.sem_alloc : memref<!tpu.dma_semaphore, #tpu.memory_space<semaphore_mem>>
        %dma_start3A_31 = tpu.memref_slice %arg3[%add3A_24] : memref<10240xi32, #tpu.memory_space<hbm>> -> memref<64xi32, #tpu.memory_space<hbm>>
        %dma_start3A_32 = tpu.memref_slice %arg3[%add3A_24] : memref<10240xi32, #tpu.memory_space<hbm>> -> memref<64xi32, #tpu.memory_space<hbm>>
        tpu.enqueue_dma source(%dma_start3A_32 : memref<64xi32, #tpu.memory_space<hbm>>) target(%arg9 : memref<64xi32, #tpu.memory_space<vmem>>) target_semaphore(%run_scoped3A : memref<!tpu.dma_semaphore, #tpu.memory_space<semaphore_mem>>)
        %dma_wait3A_33 = tpu.memref_slice %arg3[%add3A_24] : memref<10240xi32, #tpu.memory_space<hbm>> -> memref<64xi32, #tpu.memory_space<hbm>>
        %dma_wait3A_34 = tpu.memref_slice %arg3[%add3A_24] : memref<10240xi32, #tpu.memory_space<hbm>> -> memref<64xi32, #tpu.memory_space<hbm>>
        tpu.wait_dma2 semaphore(%run_scoped3A : memref<!tpu.dma_semaphore, #tpu.memory_space<semaphore_mem>>) src(%dma_wait3A_34 : memref<64xi32, #tpu.memory_space<hbm>>) dst(%arg9 : memref<64xi32, #tpu.memory_space<vmem>>)
        tpu.yield
      }) : () -> ()
      %dma_start3A_25 = arith.constant 0 : i32
      %dma_start3A_26 = arith.constant 0 : i32
      %dma_start3A_27 = tpu.memref_slice %arg4[%dma_start3A_25, %dma_start3A_26] : memref<10240x128xf32, #tpu.memory_space<hbm>> -> memref<10240x128xf32, #tpu.memory_space<hbm>>
      tpu.enqueue_indirect_dma source(%arg6 : memref<64x128xf32, #tpu.memory_space<vmem>>) target(%dma_start3A_27 : memref<10240x128xf32, #tpu.memory_space<hbm>>) offsets(%arg9 : memref<64xi32, #tpu.memory_space<vmem>>) semaphore(%arg11 : memref<!tpu.dma_semaphore, #tpu.memory_space<semaphore_mem>>)
      %dma_wait3A_28 = arith.constant 0 : i32
      %dma_wait3A_29 = arith.constant 0 : i32
      %dma_wait3A_30 = tpu.memref_slice %arg4[%dma_wait3A_28, %dma_wait3A_29] : memref<10240x128xf32, #tpu.memory_space<hbm>> -> memref<10240x128xf32, #tpu.memory_space<hbm>>
      tpu.wait_indirect_dma semaphore(%arg11 : memref<!tpu.dma_semaphore, #tpu.memory_space<semaphore_mem>>) src(%arg6 : memref<64x128xf32, #tpu.memory_space<vmem>>) dst(%dma_wait3A_30 : memref<10240x128xf32, #tpu.memory_space<hbm>>)
    } else {
    }
    %eq3A = arith.constant 31 : i32
    %eq3A_5 = arith.cmpi eq, %add3A, %eq3A : i32
    %convert_element_type3A_6 = arith.extui %eq3A_5 : i1 to i32
    %cond3A_7 = arith.constant 0 : i32
    %cond3A_8 = arith.cmpi ne, %convert_element_type3A_6, %cond3A_7 : i32
    scf.if %cond3A_8 {
      "tpu.region"() ({
        %run_scoped3A = tpu.sem_alloc : memref<!tpu.dma_semaphore, #tpu.memory_space<semaphore_mem>>
        %dma_start3A_23 = arith.constant 0 : i32
        %dma_start3A_24 = tpu.memref_slice %arg2[%mul3A_2, %dma_start3A_23] : memref<10000x128xf32, #tpu.memory_space<hbm>> -> memref<64x128xf32, #tpu.memory_space<hbm>>
        %dma_start3A_25 = arith.constant 0 : i32
        %dma_start3A_26 = tpu.memref_slice %arg2[%mul3A_2, %dma_start3A_25] : memref<10000x128xf32, #tpu.memory_space<hbm>> -> memref<64x128xf32, #tpu.memory_space<hbm>>
        tpu.enqueue_dma source(%dma_start3A_26 : memref<64x128xf32, #tpu.memory_space<hbm>>) target(%arg6 : memref<64x128xf32, #tpu.memory_space<vmem>>) target_semaphore(%run_scoped3A : memref<!tpu.dma_semaphore, #tpu.memory_space<semaphore_mem>>)
        %dma_wait3A_27 = arith.constant 0 : i32
        %dma_wait3A_28 = tpu.memref_slice %arg2[%mul3A_2, %dma_wait3A_27] : memref<10000x128xf32, #tpu.memory_space<hbm>> -> memref<64x128xf32, #tpu.memory_space<hbm>>
        %dma_wait3A_29 = arith.constant 0 : i32
        %dma_wait3A_30 = tpu.memref_slice %arg2[%mul3A_2, %dma_wait3A_29] : memref<10000x128xf32, #tpu.memory_space<hbm>> -> memref<64x128xf32, #tpu.memory_space<hbm>>
        tpu.wait_dma2 semaphore(%run_scoped3A : memref<!tpu.dma_semaphore, #tpu.memory_space<semaphore_mem>>) src(%dma_wait3A_30 : memref<64x128xf32, #tpu.memory_space<hbm>>) dst(%arg6 : memref<64x128xf32, #tpu.memory_space<vmem>>)
        tpu.yield
      }) : () -> ()
      "tpu.region"() ({
        %run_scoped3A = tpu.sem_alloc : memref<!tpu.dma_semaphore, #tpu.memory_space<semaphore_mem>>
        %dma_start3A_23 = tpu.memref_slice %arg3[%mul3A_2] : memref<10240xi32, #tpu.memory_space<hbm>> -> memref<64xi32, #tpu.memory_space<hbm>>
        %dma_start3A_24 = tpu.memref_slice %arg3[%mul3A_2] : memref<10240xi32, #tpu.memory_space<hbm>> -> memref<64xi32, #tpu.memory_space<hbm>>
        tpu.enqueue_dma source(%dma_start3A_24 : memref<64xi32, #tpu.memory_space<hbm>>) target(%arg9 : memref<64xi32, #tpu.memory_space<vmem>>) target_semaphore(%run_scoped3A : memref<!tpu.dma_semaphore, #tpu.memory_space<semaphore_mem>>)
        %dma_wait3A_25 = tpu.memref_slice %arg3[%mul3A_2] : memref<10240xi32, #tpu.memory_space<hbm>> -> memref<64xi32, #tpu.memory_space<hbm>>
        %dma_wait3A_26 = tpu.memref_slice %arg3[%mul3A_2] : memref<10240xi32, #tpu.memory_space<hbm>> -> memref<64xi32, #tpu.memory_space<hbm>>
        tpu.wait_dma2 semaphore(%run_scoped3A : memref<!tpu.dma_semaphore, #tpu.memory_space<semaphore_mem>>) src(%dma_wait3A_26 : memref<64xi32, #tpu.memory_space<hbm>>) dst(%arg9 : memref<64xi32, #tpu.memory_space<vmem>>)
        tpu.yield
      }) : () -> ()
      %dma_start3A = arith.constant 0 : i32
      %dma_start3A_9 = arith.constant 0 : i32
      %dma_start3A_10 = tpu.memref_slice %arg4[%dma_start3A, %dma_start3A_9] : memref<10240x128xf32, #tpu.memory_space<hbm>> -> memref<10240x128xf32, #tpu.memory_space<hbm>>
      tpu.enqueue_indirect_dma source(%arg6 : memref<64x128xf32, #tpu.memory_space<vmem>>) target(%dma_start3A_10 : memref<10240x128xf32, #tpu.memory_space<hbm>>) offsets(%arg9 : memref<64xi32, #tpu.memory_space<vmem>>) semaphore(%arg11 : memref<!tpu.dma_semaphore, #tpu.memory_space<semaphore_mem>>)
      %dma_wait3A = arith.constant 0 : i32
      %dma_wait3A_11 = arith.constant 0 : i32
      %dma_wait3A_12 = tpu.memref_slice %arg4[%dma_wait3A, %dma_wait3A_11] : memref<10240x128xf32, #tpu.memory_space<hbm>> -> memref<10240x128xf32, #tpu.memory_space<hbm>>
      tpu.wait_indirect_dma semaphore(%arg11 : memref<!tpu.dma_semaphore, #tpu.memory_space<semaphore_mem>>) src(%arg6 : memref<64x128xf32, #tpu.memory_space<vmem>>) dst(%dma_wait3A_12 : memref<10240x128xf32, #tpu.memory_space<hbm>>)
      %add3A_13 = arith.constant 64 : i32
      %add3A_14 = arith.addi %mul3A_2, %add3A_13 : i32
      "tpu.region"() ({
        %run_scoped3A = tpu.sem_alloc : memref<!tpu.dma_semaphore, #tpu.memory_space<semaphore_mem>>
        %dma_start3A_23 = arith.constant 0 : i32
        %dma_start3A_24 = tpu.memref_slice %arg2[%add3A_14, %dma_start3A_23] : memref<10000x128xf32, #tpu.memory_space<hbm>> -> memref<16x128xf32, #tpu.memory_space<hbm>>
        %dma_start3A_25 = arith.constant 0 : i32
        %dma_start3A_26 = tpu.memref_slice %arg2[%add3A_14, %dma_start3A_25] : memref<10000x128xf32, #tpu.memory_space<hbm>> -> memref<16x128xf32, #tpu.memory_space<hbm>>
        tpu.enqueue_dma source(%dma_start3A_26 : memref<16x128xf32, #tpu.memory_space<hbm>>) target(%arg7 : memref<16x128xf32, #tpu.memory_space<vmem>>) target_semaphore(%run_scoped3A : memref<!tpu.dma_semaphore, #tpu.memory_space<semaphore_mem>>)
        %dma_wait3A_27 = arith.constant 0 : i32
        %dma_wait3A_28 = tpu.memref_slice %arg2[%add3A_14, %dma_wait3A_27] : memref<10000x128xf32, #tpu.memory_space<hbm>> -> memref<16x128xf32, #tpu.memory_space<hbm>>
        %dma_wait3A_29 = arith.constant 0 : i32
        %dma_wait3A_30 = tpu.memref_slice %arg2[%add3A_14, %dma_wait3A_29] : memref<10000x128xf32, #tpu.memory_space<hbm>> -> memref<16x128xf32, #tpu.memory_space<hbm>>
        tpu.wait_dma2 semaphore(%run_scoped3A : memref<!tpu.dma_semaphore, #tpu.memory_space<semaphore_mem>>) src(%dma_wait3A_30 : memref<16x128xf32, #tpu.memory_space<hbm>>) dst(%arg7 : memref<16x128xf32, #tpu.memory_space<vmem>>)
        tpu.yield
      }) : () -> ()
      %add3A_15 = arith.constant 64 : i32
      %add3A_16 = arith.addi %mul3A_2, %add3A_15 : i32
      "tpu.region"() ({
        %run_scoped3A = tpu.sem_alloc : memref<!tpu.dma_semaphore, #tpu.memory_space<semaphore_mem>>
        %dma_start3A_23 = tpu.memref_slice %arg3[%add3A_16] : memref<10240xi32, #tpu.memory_space<hbm>> -> memref<16xi32, #tpu.memory_space<hbm>>
        %dma_start3A_24 = tpu.memref_slice %arg3[%add3A_16] : memref<10240xi32, #tpu.memory_space<hbm>> -> memref<16xi32, #tpu.memory_space<hbm>>
        tpu.enqueue_dma source(%dma_start3A_24 : memref<16xi32, #tpu.memory_space<hbm>>) target(%arg10 : memref<16xi32, #tpu.memory_space<vmem>>) target_semaphore(%run_scoped3A : memref<!tpu.dma_semaphore, #tpu.memory_space<semaphore_mem>>)
        %dma_wait3A_25 = tpu.memref_slice %arg3[%add3A_16] : memref<10240xi32, #tpu.memory_space<hbm>> -> memref<16xi32, #tpu.memory_space<hbm>>
        %dma_wait3A_26 = tpu.memref_slice %arg3[%add3A_16] : memref<10240xi32, #tpu.memory_space<hbm>> -> memref<16xi32, #tpu.memory_space<hbm>>
        tpu.wait_dma2 semaphore(%run_scoped3A : memref<!tpu.dma_semaphore, #tpu.memory_space<semaphore_mem>>) src(%dma_wait3A_26 : memref<16xi32, #tpu.memory_space<hbm>>) dst(%arg10 : memref<16xi32, #tpu.memory_space<vmem>>)
        tpu.yield
      }) : () -> ()
      %dma_start3A_17 = arith.constant 0 : i32
      %dma_start3A_18 = arith.constant 0 : i32
      %dma_start3A_19 = tpu.memref_slice %arg4[%dma_start3A_17, %dma_start3A_18] : memref<10240x128xf32, #tpu.memory_space<hbm>> -> memref<10240x128xf32, #tpu.memory_space<hbm>>
      tpu.enqueue_indirect_dma source(%arg7 : memref<16x128xf32, #tpu.memory_space<vmem>>) target(%dma_start3A_19 : memref<10240x128xf32, #tpu.memory_space<hbm>>) offsets(%arg10 : memref<16xi32, #tpu.memory_space<vmem>>) semaphore(%arg11 : memref<!tpu.dma_semaphore, #tpu.memory_space<semaphore_mem>>)
      %dma_wait3A_20 = arith.constant 0 : i32
      %dma_wait3A_21 = arith.constant 0 : i32
      %dma_wait3A_22 = tpu.memref_slice %arg4[%dma_wait3A_20, %dma_wait3A_21] : memref<10240x128xf32, #tpu.memory_space<hbm>> -> memref<10240x128xf32, #tpu.memory_space<hbm>>
      tpu.wait_indirect_dma semaphore(%arg11 : memref<!tpu.dma_semaphore, #tpu.memory_space<semaphore_mem>>) src(%arg7 : memref<16x128xf32, #tpu.memory_space<vmem>>) dst(%dma_wait3A_22 : memref<10240x128xf32, #tpu.memory_space<hbm>>)
    } else {
    }
    return
  }
}

module attributes {stable_mosaic.version = 14 : i64} {
  func.func @_dnn_body(%arg0: i32, %arg1: memref<1000x512xf32, #tpu.memory_space<vmem>>, %arg2: memref<1000x1xi32, #tpu.memory_space<vmem>>, %arg3: memref<80x128xf32, #tpu.memory_space<vmem>>, %arg4: memref<512x1024xf32, #tpu.memory_space<vmem>>, %arg5: memref<1x1024xf32, #tpu.memory_space<vmem>>, %arg6: memref<1024x128xf32, #tpu.memory_space<vmem>>, %arg7: memref<1x128xf32, #tpu.memory_space<vmem>>, %arg8: memref<128x128xf32, #tpu.memory_space<vmem>>, %arg9: memref<1x128xf32, #tpu.memory_space<vmem>>, %arg10: memref<128x128xf32, #tpu.memory_space<vmem>>, %arg11: memref<1x128xf32, #tpu.memory_space<vmem>>, %arg12: memref<1000x128xf32, #tpu.memory_space<vmem>>, %arg13: memref<1000x128xf32, #tpu.memory_space<vmem>>, %arg14: memref<1000x128xf32, #tpu.memory_space<vmem>>, %arg15: memref<80x128xi32, #tpu.memory_space<vmem>>) attributes {dimension_semantics = [#tpu.dimension_semantics<arbitrary>], iteration_bounds = array<i64: 10>, scalar_prefetch = 0 : i64, scratch_operands = 0 : i64, tpu.core_type = #tpu.core_type<tc>, window_params = [{transform_indices = @transform_0, window_bounds = array<i64: 1000, 512>}, {transform_indices = @transform_1, window_bounds = array<i64: 1000, 1>}, {pipeline_mode = #tpu.pipeline_mode<synchronous>, transform_indices = @transform_2, window_bounds = array<i64: 80, 128>}, {pipeline_mode = #tpu.pipeline_mode<synchronous>, transform_indices = @transform_3, window_bounds = array<i64: 512, 1024>}, {pipeline_mode = #tpu.pipeline_mode<synchronous>, transform_indices = @transform_4, window_bounds = array<i64: 1, 1024>}, {pipeline_mode = #tpu.pipeline_mode<synchronous>, transform_indices = @transform_5, window_bounds = array<i64: 1024, 128>}, {pipeline_mode = #tpu.pipeline_mode<synchronous>, transform_indices = @transform_6, window_bounds = array<i64: 1, 128>}, {pipeline_mode = #tpu.pipeline_mode<synchronous>, transform_indices = @transform_7, window_bounds = array<i64: 128, 128>}, {pipeline_mode = #tpu.pipeline_mode<synchronous>, transform_indices = @transform_8, window_bounds = array<i64: 1, 128>}, {pipeline_mode = #tpu.pipeline_mode<synchronous>, transform_indices = @transform_9, window_bounds = array<i64: 128, 128>}, {pipeline_mode = #tpu.pipeline_mode<synchronous>, transform_indices = @transform_10, window_bounds = array<i64: 1, 128>}, {transform_indices = @transform_11, window_bounds = array<i64: 1000, 128>}, {transform_indices = @transform_12, window_bounds = array<i64: 1000, 128>}, {transform_indices = @transform_13, window_bounds = array<i64: 1000, 128>}, {pipeline_mode = #tpu.pipeline_mode<synchronous>, transform_indices = @transform_14, window_bounds = array<i64: 80, 128>}]} {
    %get3A = arith.constant 0 : index
    %get3A_0 = arith.constant 0 : index
    %get3A_1 = vector.load %arg1[%get3A, %get3A_0] : memref<1000x512xf32, #tpu.memory_space<vmem>>, vector<1000x512xf32>
    %get3A_2 = arith.constant 0 : index
    %get3A_3 = arith.constant 0 : index
    %get3A_4 = vector.load %arg4[%get3A_2, %get3A_3] : memref<512x1024xf32, #tpu.memory_space<vmem>>, vector<512x1024xf32>
    %dot_general3A = arith.constant dense<0.000000e+00> : vector<1000x1024xf32>
    %dot_general3A_5 = tpu.matmul %get3A_1, %get3A_4, %dot_general3A {dimension_numbers = #tpu.dot_dimension_numbers<[1], [0], [0], [1], [0, 0, 1, 1], [], []>, transpose_lhs_hint = false} : vector<1000x512xf32>, vector<512x1024xf32>, vector<1000x1024xf32> -> vector<1000x1024xf32>
    %get3A_6 = arith.constant 0 : index
    %get3A_7 = arith.constant 0 : index
    %get3A_8 = vector.load %arg5[%get3A_6, %get3A_7] : memref<1x1024xf32, #tpu.memory_space<vmem>>, vector<1x1024xf32>
    %add3A = vector.broadcast %get3A_8 : vector<1x1024xf32> to vector<1000x1024xf32>
    %add3A_9 = arith.addf %dot_general3A_5, %add3A : vector<1000x1024xf32>
    %max3A = arith.constant 0.000000e+00 : f32
    %max3A_10 = vector.broadcast %max3A : f32 to vector<1000x1024xf32>
    %max3A_11 = arith.maximumf %add3A_9, %max3A_10 : vector<1000x1024xf32>
    %get3A_12 = arith.constant 0 : index
    %get3A_13 = arith.constant 0 : index
    %get3A_14 = vector.load %arg6[%get3A_12, %get3A_13] : memref<1024x128xf32, #tpu.memory_space<vmem>>, vector<1024x128xf32>
    %dot_general3A_15 = arith.constant dense<0.000000e+00> : vector<1000x128xf32>
    %dot_general3A_16 = tpu.matmul %max3A_11, %get3A_14, %dot_general3A_15 {dimension_numbers = #tpu.dot_dimension_numbers<[1], [0], [0], [1], [0, 0, 1, 1], [], []>, transpose_lhs_hint = false} : vector<1000x1024xf32>, vector<1024x128xf32>, vector<1000x128xf32> -> vector<1000x128xf32>
    %get3A_17 = arith.constant 0 : index
    %get3A_18 = arith.constant 0 : index
    %get3A_19 = vector.load %arg7[%get3A_17, %get3A_18] : memref<1x128xf32, #tpu.memory_space<vmem>>, vector<1x128xf32>
    %add3A_20 = vector.broadcast %get3A_19 : vector<1x128xf32> to vector<1000x128xf32>
    %add3A_21 = arith.addf %dot_general3A_16, %add3A_20 : vector<1000x128xf32>
    %max3A_22 = arith.constant 0.000000e+00 : f32
    %max3A_23 = vector.broadcast %max3A_22 : f32 to vector<1000x128xf32>
    %max3A_24 = arith.maximumf %add3A_21, %max3A_23 : vector<1000x128xf32>
    %get3A_25 = arith.constant 0 : index
    %get3A_26 = arith.constant 0 : index
    %get3A_27 = vector.load %arg2[%get3A_25, %get3A_26] : memref<1000x1xi32, #tpu.memory_space<vmem>>, vector<1000x1xi32>
    %gt3A = arith.constant 0 : i32
    %gt3A_28 = vector.broadcast %gt3A : i32 to vector<1000x1xi32>
    %gt3A_29 = arith.cmpi sgt, %get3A_27, %gt3A_28 : vector<1000x1xi32>
    %slice3A = vector.extract_strided_slice %get3A_1 {offsets = [0, 0], sizes = [1000, 128], strides = [1, 1]} : vector<1000x512xf32> to vector<1000x128xf32>
    %broadcast_in_dim3A = vector.shape_cast %gt3A_29 : vector<1000x1xi1> to vector<1000x1xi1>
    %broadcast_in_dim3A_30 = vector.broadcast %broadcast_in_dim3A : vector<1000x1xi1> to vector<1000x128xi1>
    %select_n3A = arith.select %broadcast_in_dim3A_30, %slice3A, %max3A_24 : vector<1000x128xi1>, vector<1000x128xf32>
    %swap3A = arith.constant 0 : index
    %swap3A_31 = arith.constant 0 : index
    %swap3A_32 = vector.load %arg12[%swap3A, %swap3A_31] : memref<1000x128xf32, #tpu.memory_space<vmem>>, vector<1000x128xf32>
    tpu.vector_store %arg12[%swap3A, %swap3A_31], %select_n3A {strides = array<i32>} : memref<1000x128xf32, #tpu.memory_space<vmem>>, vector<1000x128xf32>,
    %get3A_33 = arith.constant 0 : index
    %get3A_34 = arith.constant 0 : index
    %get3A_35 = vector.load %arg8[%get3A_33, %get3A_34] : memref<128x128xf32, #tpu.memory_space<vmem>>, vector<128x128xf32>
    %dot_general3A_36 = arith.constant dense<0.000000e+00> : vector<1000x128xf32>
    %dot_general3A_37 = tpu.matmul %max3A_24, %get3A_35, %dot_general3A_36 {dimension_numbers = #tpu.dot_dimension_numbers<[1], [0], [0], [1], [0, 0, 1, 1], [], []>, transpose_lhs_hint = false} : vector<1000x128xf32>, vector<128x128xf32>, vector<1000x128xf32> -> vector<1000x128xf32>
    %get3A_38 = arith.constant 0 : index
    %get3A_39 = arith.constant 0 : index
    %get3A_40 = vector.load %arg9[%get3A_38, %get3A_39] : memref<1x128xf32, #tpu.memory_space<vmem>>, vector<1x128xf32>
    %add3A_41 = vector.broadcast %get3A_40 : vector<1x128xf32> to vector<1000x128xf32>
    %add3A_42 = arith.addf %dot_general3A_37, %add3A_41 : vector<1000x128xf32>
    %swap3A_43 = arith.constant 0 : index
    %swap3A_44 = arith.constant 0 : index
    %swap3A_45 = vector.load %arg13[%swap3A_43, %swap3A_44] : memref<1000x128xf32, #tpu.memory_space<vmem>>, vector<1000x128xf32>
    tpu.vector_store %arg13[%swap3A_43, %swap3A_44], %add3A_42 {strides = array<i32>} : memref<1000x128xf32, #tpu.memory_space<vmem>>, vector<1000x128xf32>,
    %get3A_46 = arith.constant 0 : index
    %get3A_47 = arith.constant 0 : index
    %get3A_48 = vector.load %arg10[%get3A_46, %get3A_47] : memref<128x128xf32, #tpu.memory_space<vmem>>, vector<128x128xf32>
    %dot_general3A_49 = arith.constant dense<0.000000e+00> : vector<1000x128xf32>
    %dot_general3A_50 = tpu.matmul %add3A_42, %get3A_48, %dot_general3A_49 {dimension_numbers = #tpu.dot_dimension_numbers<[1], [0], [0], [1], [0, 0, 1, 1], [], []>, transpose_lhs_hint = false} : vector<1000x128xf32>, vector<128x128xf32>, vector<1000x128xf32> -> vector<1000x128xf32>
    %get3A_51 = arith.constant 0 : index
    %get3A_52 = arith.constant 0 : index
    %get3A_53 = vector.load %arg11[%get3A_51, %get3A_52] : memref<1x128xf32, #tpu.memory_space<vmem>>, vector<1x128xf32>
    %add3A_54 = vector.broadcast %get3A_53 : vector<1x128xf32> to vector<1000x128xf32>
    %add3A_55 = arith.addf %dot_general3A_50, %add3A_54 : vector<1000x128xf32>
    %swap3A_56 = arith.constant 0 : index
    %swap3A_57 = arith.constant 0 : index
    %swap3A_58 = vector.load %arg14[%swap3A_56, %swap3A_57] : memref<1000x128xf32, #tpu.memory_space<vmem>>, vector<1000x128xf32>
    tpu.vector_store %arg14[%swap3A_56, %swap3A_57], %add3A_55 {strides = array<i32>} : memref<1000x128xf32, #tpu.memory_space<vmem>>, vector<1000x128xf32>,
    %eq3A = arith.constant 0 : i32
    %eq3A_59 = arith.cmpi eq, %arg0, %eq3A : i32
    %convert_element_type3A = arith.extui %eq3A_59 : i1 to i32
    %cond3A = arith.constant 0 : i32
    %cond3A_60 = arith.cmpi ne, %convert_element_type3A, %cond3A : i32
    scf.if %cond3A_60 {
      %get3A_61 = arith.constant 0 : index
      %get3A_62 = arith.constant 0 : index
      %get3A_63 = vector.load %arg3[%get3A_61, %get3A_62] : memref<80x128xf32, #tpu.memory_space<vmem>>, vector<80x128xf32>
      %iota3A = tpu.iota {dimensions = array<i32: 0>} : vector<128x128xi32>
      %iota3A_64 = tpu.iota {dimensions = array<i32: 1>} : vector<128x128xi32>
      %le3A = arith.cmpi sle, %iota3A, %iota3A_64 : vector<128x128xi32>
      %convert_element_type3A_65 = arith.extui %le3A : vector<128x128xi1> to vector<128x128xi32>
      %convert_element_type3A_66 = arith.sitofp %convert_element_type3A_65 : vector<128x128xi32> to vector<128x128xf32>
      %dot_general3A_67 = arith.constant dense<0.000000e+00> : vector<80x128xf32>
      %dot_general3A_68 = tpu.matmul %get3A_63, %convert_element_type3A_66, %dot_general3A_67 {dimension_numbers = #tpu.dot_dimension_numbers<[1], [0], [0], [1], [0, 0, 1, 1], [], []>, transpose_lhs_hint = false} : vector<80x128xf32>, vector<128x128xf32>, vector<80x128xf32> -> vector<80x128xf32>
      %slice3A_69 = vector.extract_strided_slice %dot_general3A_68 {offsets = [0, 127], sizes = [80, 1], strides = [1, 1]} : vector<80x128xf32> to vector<80x1xf32>
      %iota3A_70 = tpu.iota {dimensions = array<i32: 0>} : vector<80x80xi32>
      %iota3A_71 = tpu.iota {dimensions = array<i32: 1>} : vector<80x80xi32>
      %lt3A = arith.cmpi slt, %iota3A_71, %iota3A_70 : vector<80x80xi32>
      %convert_element_type3A_72 = arith.extui %lt3A : vector<80x80xi1> to vector<80x80xi32>
      %convert_element_type3A_73 = arith.sitofp %convert_element_type3A_72 : vector<80x80xi32> to vector<80x80xf32>
      %dot_general3A_74 = arith.constant dense<0.000000e+00> : vector<80x1xf32>
      %dot_general3A_75 = tpu.matmul %convert_element_type3A_73, %slice3A_69, %dot_general3A_74 {dimension_numbers = #tpu.dot_dimension_numbers<[1], [0], [0], [1], [0, 0, 1, 1], [], []>, transpose_lhs_hint = false} : vector<80x80xf32>, vector<80x1xf32>, vector<80x1xf32> -> vector<80x1xf32>
      %add3A_76 = vector.broadcast %dot_general3A_75 : vector<80x1xf32> to vector<80x128xf32>
      %add3A_77 = arith.addf %dot_general3A_68, %add3A_76 : vector<80x128xf32>
      %reduce_sum3A = vector.shape_cast %get3A_63 : vector<80x128xf32> to vector<1x80x128xf32>
      %reduce_sum3A_78 = arith.constant dense<0.000000e+00> : vector<1xf32>
      %reduce_sum3A_79 = vector.multi_reduction <add>, %reduce_sum3A, %reduce_sum3A_78 [1, 2] : vector<1x80x128xf32> to vector<1xf32>
      %reduce_sum3A_80 = vector.shape_cast %reduce_sum3A_79 : vector<1xf32> to vector<1x1x1xf32>
      %reduce_sum3A_81 = vector.extract %reduce_sum3A_80[0, 0, 0] : f32 from vector<1x1x1xf32>
      %iota3A_82 = tpu.iota {dimensions = array<i32: 0>} : vector<80x128xi32>
      %mul3A = arith.constant 128 : i32
      %mul3A_83 = vector.broadcast %mul3A : i32 to vector<80x128xi32>
      %mul3A_84 = arith.muli %iota3A_82, %mul3A_83 : vector<80x128xi32>
      %iota3A_85 = tpu.iota {dimensions = array<i32: 1>} : vector<80x128xi32>
      %add3A_86 = arith.addi %mul3A_84, %iota3A_85 : vector<80x128xi32>
      %convert_element_type3A_87 = arith.sitofp %add3A_86 : vector<80x128xi32> to vector<80x128xf32>
      %gt3A_88 = arith.constant 0.000000e+00 : f32
      %gt3A_89 = vector.broadcast %gt3A_88 : f32 to vector<80x128xf32>
      %gt3A_90 = arith.cmpf ogt, %get3A_63, %gt3A_89 : vector<80x128xf32>
      %sub3A = arith.constant 1.000000e+00 : f32
      %sub3A_91 = vector.broadcast %sub3A : f32 to vector<80x128xf32>
      %sub3A_92 = arith.subf %add3A_77, %sub3A_91 : vector<80x128xf32>
      %add3A_93 = vector.broadcast %reduce_sum3A_81 : f32 to vector<80x128xf32>
      %add3A_94 = arith.addf %add3A_93, %convert_element_type3A_87 : vector<80x128xf32>
      %sub3A_95 = arith.subf %add3A_94, %add3A_77 : vector<80x128xf32>
      %select_n3A_96 = arith.select %gt3A_90, %sub3A_92, %sub3A_95 : vector<80x128xi1>, vector<80x128xf32>
      %convert_element_type3A_97 = arith.fptosi %select_n3A_96 : vector<80x128xf32> to vector<80x128xi32>
      %swap3A_98 = arith.constant 0 : index
      %swap3A_99 = arith.constant 0 : index
      %swap3A_100 = vector.load %arg15[%swap3A_98, %swap3A_99] : memref<80x128xi32, #tpu.memory_space<vmem>>, vector<80x128xi32>
      tpu.vector_store %arg15[%swap3A_98, %swap3A_99], %convert_element_type3A_97 {strides = array<i32>} : memref<80x128xi32, #tpu.memory_space<vmem>>, vector<80x128xi32>,
    } else {
    }
    return
  }
  func.func @transform_0(%arg0: i32) -> (i32, i32) {
    %c0_i32 = arith.constant 0 : i32
    %c0_i32_0 = arith.constant 0 : i32
    return %arg0, %c0_i32 : i32, i32
  }
  func.func @transform_1(%arg0: i32) -> (i32, i32) {
    %c0_i32 = arith.constant 0 : i32
    %c0_i32_0 = arith.constant 0 : i32
    return %arg0, %c0_i32 : i32, i32
  }
  func.func @transform_2(%arg0: i32) -> (i32, i32) {
    %c0_i32 = arith.constant 0 : i32
    %c0_i32_0 = arith.constant 0 : i32
    %c0_i32_1 = arith.constant 0 : i32
    return %c0_i32, %c0_i32_0 : i32, i32
  }
  func.func @transform_3(%arg0: i32) -> (i32, i32) {
    %c0_i32 = arith.constant 0 : i32
    %c0_i32_0 = arith.constant 0 : i32
    %c0_i32_1 = arith.constant 0 : i32
    return %c0_i32, %c0_i32_0 : i32, i32
  }
  func.func @transform_4(%arg0: i32) -> (i32, i32) {
    %c0_i32 = arith.constant 0 : i32
    %c0_i32_0 = arith.constant 0 : i32
    %c0_i32_1 = arith.constant 0 : i32
    return %c0_i32, %c0_i32_0 : i32, i32
  }
  func.func @transform_5(%arg0: i32) -> (i32, i32) {
    %c0_i32 = arith.constant 0 : i32
    %c0_i32_0 = arith.constant 0 : i32
    %c0_i32_1 = arith.constant 0 : i32
    return %c0_i32, %c0_i32_0 : i32, i32
  }
  func.func @transform_6(%arg0: i32) -> (i32, i32) {
    %c0_i32 = arith.constant 0 : i32
    %c0_i32_0 = arith.constant 0 : i32
    %c0_i32_1 = arith.constant 0 : i32
    return %c0_i32, %c0_i32_0 : i32, i32
  }
  func.func @transform_7(%arg0: i32) -> (i32, i32) {
    %c0_i32 = arith.constant 0 : i32
    %c0_i32_0 = arith.constant 0 : i32
    %c0_i32_1 = arith.constant 0 : i32
    return %c0_i32, %c0_i32_0 : i32, i32
  }
  func.func @transform_8(%arg0: i32) -> (i32, i32) {
    %c0_i32 = arith.constant 0 : i32
    %c0_i32_0 = arith.constant 0 : i32
    %c0_i32_1 = arith.constant 0 : i32
    return %c0_i32, %c0_i32_0 : i32, i32
  }
  func.func @transform_9(%arg0: i32) -> (i32, i32) {
    %c0_i32 = arith.constant 0 : i32
    %c0_i32_0 = arith.constant 0 : i32
    %c0_i32_1 = arith.constant 0 : i32
    return %c0_i32, %c0_i32_0 : i32, i32
  }
  func.func @transform_10(%arg0: i32) -> (i32, i32) {
    %c0_i32 = arith.constant 0 : i32
    %c0_i32_0 = arith.constant 0 : i32
    %c0_i32_1 = arith.constant 0 : i32
    return %c0_i32, %c0_i32_0 : i32, i32
  }
  func.func @transform_11(%arg0: i32) -> (i32, i32) {
    %c0_i32 = arith.constant 0 : i32
    %c0_i32_0 = arith.constant 0 : i32
    return %arg0, %c0_i32 : i32, i32
  }
  func.func @transform_12(%arg0: i32) -> (i32, i32) {
    %c0_i32 = arith.constant 0 : i32
    %c0_i32_0 = arith.constant 0 : i32
    return %arg0, %c0_i32 : i32, i32
  }
  func.func @transform_13(%arg0: i32) -> (i32, i32) {
    %c0_i32 = arith.constant 0 : i32
    %c0_i32_0 = arith.constant 0 : i32
    return %arg0, %c0_i32 : i32, i32
  }
  func.func @transform_14(%arg0: i32) -> (i32, i32) {
    %c0_i32 = arith.constant 0 : i32
    %c0_i32_0 = arith.constant 0 : i32
    %c0_i32_1 = arith.constant 0 : i32
    return %c0_i32, %c0_i32_0 : i32, i32
  }
}

module attributes {stable_mosaic.version = 14 : i64} {
  func.func @_xws_body(%arg0: i32, %arg1: memref<1000x128xf32, #tpu.memory_space<vmem>>, %arg2: memref<1000x32xi32, #tpu.memory_space<vmem>>, %arg3: memref<128x128xf32, #tpu.memory_space<vmem>>, %arg4: memref<1000x128xf32, #tpu.memory_space<vmem>>, %arg5: memref<1000x1xf32, #tpu.memory_space<vmem>>) attributes {dimension_semantics = [#tpu.dimension_semantics<arbitrary>], iteration_bounds = array<i64: 10>, scalar_prefetch = 0 : i64, scratch_operands = 0 : i64, tpu.core_type = #tpu.core_type<tc>, window_params = [{transform_indices = @transform_0, window_bounds = array<i64: 1000, 128>}, {transform_indices = @transform_1, window_bounds = array<i64: 1000, 32>}, {pipeline_mode = #tpu.pipeline_mode<synchronous>, transform_indices = @transform_2, window_bounds = array<i64: 128, 128>}, {transform_indices = @transform_3, window_bounds = array<i64: 1000, 128>}, {transform_indices = @transform_4, window_bounds = array<i64: 1000, 1>}]} {
    %get3A = arith.constant 0 : index
    %get3A_0 = arith.constant 0 : index
    %get3A_1 = vector.load %arg2[%get3A, %get3A_0] : memref<1000x32xi32, #tpu.memory_space<vmem>>, vector<1000x32xi32>
    %convert_element_type3A = arith.sitofp %get3A_1 : vector<1000x32xi32> to vector<1000x32xf32>
    %reduce_sum3A = arith.constant dense<0.000000e+00> : vector<1000xf32>
    %reduce_sum3A_2 = vector.multi_reduction <add>, %convert_element_type3A, %reduce_sum3A [1] : vector<1000x32xf32> to vector<1000xf32>
    %broadcast_in_dim3A = vector.shape_cast %reduce_sum3A_2 : vector<1000xf32> to vector<1000x1xf32>
    %add3A = arith.constant 1.000000e+00 : f32
    %add3A_3 = vector.broadcast %add3A : f32 to vector<1000x1xf32>
    %add3A_4 = arith.addf %broadcast_in_dim3A, %add3A_3 : vector<1000x1xf32>
    %rsqrt3A = math.rsqrt %add3A_4 : vector<1000x1xf32>
    %get3A_5 = arith.constant 0 : index
    %get3A_6 = arith.constant 0 : index
    %get3A_7 = vector.load %arg1[%get3A_5, %get3A_6] : memref<1000x128xf32, #tpu.memory_space<vmem>>, vector<1000x128xf32>
    %get3A_8 = arith.constant 0 : index
    %get3A_9 = arith.constant 0 : index
    %get3A_10 = vector.load %arg3[%get3A_8, %get3A_9] : memref<128x128xf32, #tpu.memory_space<vmem>>, vector<128x128xf32>
    %dot_general3A = arith.constant dense<0.000000e+00> : vector<1000x128xf32>
    %dot_general3A_11 = tpu.matmul %get3A_7, %get3A_10, %dot_general3A {dimension_numbers = #tpu.dot_dimension_numbers<[1], [0], [0], [1], [0, 0, 1, 1], [], []>, transpose_lhs_hint = false} : vector<1000x128xf32>, vector<128x128xf32>, vector<1000x128xf32> -> vector<1000x128xf32>
    %mul3A = vector.broadcast %rsqrt3A : vector<1000x1xf32> to vector<1000x128xf32>
    %mul3A_12 = arith.mulf %mul3A, %dot_general3A_11 : vector<1000x128xf32>
    %swap3A = arith.constant 0 : index
    %swap3A_13 = arith.constant 0 : index
    %swap3A_14 = vector.load %arg4[%swap3A, %swap3A_13] : memref<1000x128xf32, #tpu.memory_space<vmem>>, vector<1000x128xf32>
    tpu.vector_store %arg4[%swap3A, %swap3A_13], %mul3A_12 {strides = array<i32>} : memref<1000x128xf32, #tpu.memory_space<vmem>>, vector<1000x128xf32>,
    %swap3A_15 = arith.constant 0 : index
    %swap3A_16 = arith.constant 0 : index
    %swap3A_17 = vector.load %arg5[%swap3A_15, %swap3A_16] : memref<1000x1xf32, #tpu.memory_space<vmem>>, vector<1000x1xf32>
    tpu.vector_store %arg5[%swap3A_15, %swap3A_16], %rsqrt3A {strides = array<i32>} : memref<1000x1xf32, #tpu.memory_space<vmem>>, vector<1000x1xf32>,
    return
  }
  func.func @transform_0(%arg0: i32) -> (i32, i32) {
    %c0_i32 = arith.constant 0 : i32
    %c0_i32_0 = arith.constant 0 : i32
    return %arg0, %c0_i32 : i32, i32
  }
  func.func @transform_1(%arg0: i32) -> (i32, i32) {
    %c0_i32 = arith.constant 0 : i32
    %c0_i32_0 = arith.constant 0 : i32
    return %arg0, %c0_i32 : i32, i32
  }
  func.func @transform_2(%arg0: i32) -> (i32, i32) {
    %c0_i32 = arith.constant 0 : i32
    %c0_i32_0 = arith.constant 0 : i32
    %c0_i32_1 = arith.constant 0 : i32
    return %c0_i32, %c0_i32_0 : i32, i32
  }
  func.func @transform_3(%arg0: i32) -> (i32, i32) {
    %c0_i32 = arith.constant 0 : i32
    %c0_i32_0 = arith.constant 0 : i32
    return %arg0, %c0_i32 : i32, i32
  }
  func.func @transform_4(%arg0: i32) -> (i32, i32) {
    %c0_i32 = arith.constant 0 : i32
    %c0_i32_0 = arith.constant 0 : i32
    return %arg0, %c0_i32 : i32, i32
  }
}

module attributes {stable_mosaic.version = 14 : i64} {
  func.func @_mid_body(%arg0: i32, %arg1: memref<1000x128xf32, #tpu.memory_space<vmem>>, %arg2: memref<1000x128xf32, #tpu.memory_space<vmem>>, %arg3: memref<1000x128xf32, #tpu.memory_space<vmem>>, %arg4: memref<1000x1xf32, #tpu.memory_space<vmem>>, %arg5: memref<1000x128xf32, #tpu.memory_space<vmem>>, %arg6: memref<1000x1xi32, #tpu.memory_space<vmem>>, %arg7: memref<1x128xf32, #tpu.memory_space<vmem>>, %arg8: memref<128x128xf32, #tpu.memory_space<vmem>>, %arg9: memref<1000x128xf32, #tpu.memory_space<vmem>>) attributes {dimension_semantics = [#tpu.dimension_semantics<arbitrary>], iteration_bounds = array<i64: 10>, scalar_prefetch = 0 : i64, scratch_operands = 0 : i64, tpu.core_type = #tpu.core_type<tc>, window_params = [{transform_indices = @transform_0, window_bounds = array<i64: 1000, 128>}, {transform_indices = @transform_1, window_bounds = array<i64: 1000, 128>}, {transform_indices = @transform_2, window_bounds = array<i64: 1000, 128>}, {transform_indices = @transform_3, window_bounds = array<i64: 1000, 1>}, {transform_indices = @transform_4, window_bounds = array<i64: 1000, 128>}, {transform_indices = @transform_5, window_bounds = array<i64: 1000, 1>}, {pipeline_mode = #tpu.pipeline_mode<synchronous>, transform_indices = @transform_6, window_bounds = array<i64: 1, 128>}, {pipeline_mode = #tpu.pipeline_mode<synchronous>, transform_indices = @transform_7, window_bounds = array<i64: 128, 128>}, {transform_indices = @transform_8, window_bounds = array<i64: 1000, 128>}]} {
    %get3A = arith.constant 0 : index
    %get3A_0 = arith.constant 0 : index
    %get3A_1 = vector.load %arg1[%get3A, %get3A_0] : memref<1000x128xf32, #tpu.memory_space<vmem>>, vector<1000x128xf32>
    %get3A_2 = arith.constant 0 : index
    %get3A_3 = arith.constant 0 : index
    %get3A_4 = vector.load %arg2[%get3A_2, %get3A_3] : memref<1000x128xf32, #tpu.memory_space<vmem>>, vector<1000x128xf32>
    %add3A = arith.addf %get3A_1, %get3A_4 : vector<1000x128xf32>
    %get3A_5 = arith.constant 0 : index
    %get3A_6 = arith.constant 0 : index
    %get3A_7 = vector.load %arg3[%get3A_5, %get3A_6] : memref<1000x128xf32, #tpu.memory_space<vmem>>, vector<1000x128xf32>
    %add3A_8 = arith.addf %add3A, %get3A_7 : vector<1000x128xf32>
    %get3A_9 = arith.constant 0 : index
    %get3A_10 = arith.constant 0 : index
    %get3A_11 = vector.load %arg4[%get3A_9, %get3A_10] : memref<1000x1xf32, #tpu.memory_space<vmem>>, vector<1000x1xf32>
    %mul3A = vector.broadcast %get3A_11 : vector<1000x1xf32> to vector<1000x128xf32>
    %mul3A_12 = arith.mulf %mul3A, %add3A_8 : vector<1000x128xf32>
    %get3A_13 = arith.constant 0 : index
    %get3A_14 = arith.constant 0 : index
    %get3A_15 = vector.load %arg7[%get3A_13, %get3A_14] : memref<1x128xf32, #tpu.memory_space<vmem>>, vector<1x128xf32>
    %add3A_16 = vector.broadcast %get3A_15 : vector<1x128xf32> to vector<1000x128xf32>
    %add3A_17 = arith.addf %mul3A_12, %add3A_16 : vector<1000x128xf32>
    %max3A = arith.constant 0.000000e+00 : f32
    %max3A_18 = vector.broadcast %max3A : f32 to vector<1000x128xf32>
    %max3A_19 = arith.maximumf %add3A_17, %max3A_18 : vector<1000x128xf32>
    %get3A_20 = arith.constant 0 : index
    %get3A_21 = arith.constant 0 : index
    %get3A_22 = vector.load %arg6[%get3A_20, %get3A_21] : memref<1000x1xi32, #tpu.memory_space<vmem>>, vector<1000x1xi32>
    %gt3A = arith.constant 0 : i32
    %gt3A_23 = vector.broadcast %gt3A : i32 to vector<1000x1xi32>
    %gt3A_24 = arith.cmpi sgt, %get3A_22, %gt3A_23 : vector<1000x1xi32>
    %get3A_25 = arith.constant 0 : index
    %get3A_26 = arith.constant 0 : index
    %get3A_27 = vector.load %arg5[%get3A_25, %get3A_26] : memref<1000x128xf32, #tpu.memory_space<vmem>>, vector<1000x128xf32>
    %broadcast_in_dim3A = vector.shape_cast %gt3A_24 : vector<1000x1xi1> to vector<1000x1xi1>
    %broadcast_in_dim3A_28 = vector.broadcast %broadcast_in_dim3A : vector<1000x1xi1> to vector<1000x128xi1>
    %select_n3A = arith.select %broadcast_in_dim3A_28, %max3A_19, %get3A_27 : vector<1000x128xi1>, vector<1000x128xf32>
    %get3A_29 = arith.constant 0 : index
    %get3A_30 = arith.constant 0 : index
    %get3A_31 = vector.load %arg8[%get3A_29, %get3A_30] : memref<128x128xf32, #tpu.memory_space<vmem>>, vector<128x128xf32>
    %dot_general3A = arith.constant dense<0.000000e+00> : vector<1000x128xf32>
    %dot_general3A_32 = tpu.matmul %select_n3A, %get3A_31, %dot_general3A {dimension_numbers = #tpu.dot_dimension_numbers<[1], [0], [0], [1], [0, 0, 1, 1], [], []>, transpose_lhs_hint = false} : vector<1000x128xf32>, vector<128x128xf32>, vector<1000x128xf32> -> vector<1000x128xf32>
    %mul3A_33 = vector.broadcast %get3A_11 : vector<1000x1xf32> to vector<1000x128xf32>
    %mul3A_34 = arith.mulf %mul3A_33, %dot_general3A_32 : vector<1000x128xf32>
    %swap3A = arith.constant 0 : index
    %swap3A_35 = arith.constant 0 : index
    %swap3A_36 = vector.load %arg9[%swap3A, %swap3A_35] : memref<1000x128xf32, #tpu.memory_space<vmem>>, vector<1000x128xf32>
    tpu.vector_store %arg9[%swap3A, %swap3A_35], %mul3A_34 {strides = array<i32>} : memref<1000x128xf32, #tpu.memory_space<vmem>>, vector<1000x128xf32>,
    return
  }
  func.func @transform_0(%arg0: i32) -> (i32, i32) {
    %c0_i32 = arith.constant 0 : i32
    %c0_i32_0 = arith.constant 0 : i32
    return %arg0, %c0_i32 : i32, i32
  }
  func.func @transform_1(%arg0: i32) -> (i32, i32) {
    %c0_i32 = arith.constant 0 : i32
    %c0_i32_0 = arith.constant 0 : i32
    return %arg0, %c0_i32 : i32, i32
  }
  func.func @transform_2(%arg0: i32) -> (i32, i32) {
    %c0_i32 = arith.constant 0 : i32
    %c0_i32_0 = arith.constant 0 : i32
    return %arg0, %c0_i32 : i32, i32
  }
  func.func @transform_3(%arg0: i32) -> (i32, i32) {
    %c0_i32 = arith.constant 0 : i32
    %c0_i32_0 = arith.constant 0 : i32
    return %arg0, %c0_i32 : i32, i32
  }
  func.func @transform_4(%arg0: i32) -> (i32, i32) {
    %c0_i32 = arith.constant 0 : i32
    %c0_i32_0 = arith.constant 0 : i32
    return %arg0, %c0_i32 : i32, i32
  }
  func.func @transform_5(%arg0: i32) -> (i32, i32) {
    %c0_i32 = arith.constant 0 : i32
    %c0_i32_0 = arith.constant 0 : i32
    return %arg0, %c0_i32 : i32, i32
  }
  func.func @transform_6(%arg0: i32) -> (i32, i32) {
    %c0_i32 = arith.constant 0 : i32
    %c0_i32_0 = arith.constant 0 : i32
    %c0_i32_1 = arith.constant 0 : i32
    return %c0_i32, %c0_i32_0 : i32, i32
  }
  func.func @transform_7(%arg0: i32) -> (i32, i32) {
    %c0_i32 = arith.constant 0 : i32
    %c0_i32_0 = arith.constant 0 : i32
    %c0_i32_1 = arith.constant 0 : i32
    return %c0_i32, %c0_i32_0 : i32, i32
  }
  func.func @transform_8(%arg0: i32) -> (i32, i32) {
    %c0_i32 = arith.constant 0 : i32
    %c0_i32_0 = arith.constant 0 : i32
    return %arg0, %c0_i32 : i32, i32
  }
}

module attributes {stable_mosaic.version = 14 : i64} {
  func.func @_final_body(%arg0: i32, %arg1: memref<1000x128xf32, #tpu.memory_space<vmem>>, %arg2: memref<1000x128xf32, #tpu.memory_space<vmem>>, %arg3: memref<1000x128xf32, #tpu.memory_space<vmem>>, %arg4: memref<1000x1xf32, #tpu.memory_space<vmem>>, %arg5: memref<1000x128xf32, #tpu.memory_space<vmem>>, %arg6: memref<1000x1xi32, #tpu.memory_space<vmem>>, %arg7: memref<1x128xf32, #tpu.memory_space<vmem>>, %arg8: memref<128x64xf32, #tpu.memory_space<vmem>>, %arg9: memref<1x64xf32, #tpu.memory_space<vmem>>, %arg10: memref<1000x64xf32, #tpu.memory_space<vmem>>) attributes {dimension_semantics = [#tpu.dimension_semantics<arbitrary>], iteration_bounds = array<i64: 10>, scalar_prefetch = 0 : i64, scratch_operands = 0 : i64, tpu.core_type = #tpu.core_type<tc>, window_params = [{transform_indices = @transform_0, window_bounds = array<i64: 1000, 128>}, {transform_indices = @transform_1, window_bounds = array<i64: 1000, 128>}, {transform_indices = @transform_2, window_bounds = array<i64: 1000, 128>}, {transform_indices = @transform_3, window_bounds = array<i64: 1000, 1>}, {transform_indices = @transform_4, window_bounds = array<i64: 1000, 128>}, {transform_indices = @transform_5, window_bounds = array<i64: 1000, 1>}, {pipeline_mode = #tpu.pipeline_mode<synchronous>, transform_indices = @transform_6, window_bounds = array<i64: 1, 128>}, {pipeline_mode = #tpu.pipeline_mode<synchronous>, transform_indices = @transform_7, window_bounds = array<i64: 128, 64>}, {pipeline_mode = #tpu.pipeline_mode<synchronous>, transform_indices = @transform_8, window_bounds = array<i64: 1, 64>}, {transform_indices = @transform_9, window_bounds = array<i64: 1000, 64>}]} {
    %get3A = arith.constant 0 : index
    %get3A_0 = arith.constant 0 : index
    %get3A_1 = vector.load %arg1[%get3A, %get3A_0] : memref<1000x128xf32, #tpu.memory_space<vmem>>, vector<1000x128xf32>
    %get3A_2 = arith.constant 0 : index
    %get3A_3 = arith.constant 0 : index
    %get3A_4 = vector.load %arg2[%get3A_2, %get3A_3] : memref<1000x128xf32, #tpu.memory_space<vmem>>, vector<1000x128xf32>
    %add3A = arith.addf %get3A_1, %get3A_4 : vector<1000x128xf32>
    %get3A_5 = arith.constant 0 : index
    %get3A_6 = arith.constant 0 : index
    %get3A_7 = vector.load %arg3[%get3A_5, %get3A_6] : memref<1000x128xf32, #tpu.memory_space<vmem>>, vector<1000x128xf32>
    %add3A_8 = arith.addf %add3A, %get3A_7 : vector<1000x128xf32>
    %get3A_9 = arith.constant 0 : index
    %get3A_10 = arith.constant 0 : index
    %get3A_11 = vector.load %arg4[%get3A_9, %get3A_10] : memref<1000x1xf32, #tpu.memory_space<vmem>>, vector<1000x1xf32>
    %mul3A = vector.broadcast %get3A_11 : vector<1000x1xf32> to vector<1000x128xf32>
    %mul3A_12 = arith.mulf %mul3A, %add3A_8 : vector<1000x128xf32>
    %get3A_13 = arith.constant 0 : index
    %get3A_14 = arith.constant 0 : index
    %get3A_15 = vector.load %arg7[%get3A_13, %get3A_14] : memref<1x128xf32, #tpu.memory_space<vmem>>, vector<1x128xf32>
    %add3A_16 = vector.broadcast %get3A_15 : vector<1x128xf32> to vector<1000x128xf32>
    %add3A_17 = arith.addf %mul3A_12, %add3A_16 : vector<1000x128xf32>
    %max3A = arith.constant 0.000000e+00 : f32
    %max3A_18 = vector.broadcast %max3A : f32 to vector<1000x128xf32>
    %max3A_19 = arith.maximumf %add3A_17, %max3A_18 : vector<1000x128xf32>
    %get3A_20 = arith.constant 0 : index
    %get3A_21 = arith.constant 0 : index
    %get3A_22 = vector.load %arg6[%get3A_20, %get3A_21] : memref<1000x1xi32, #tpu.memory_space<vmem>>, vector<1000x1xi32>
    %gt3A = arith.constant 0 : i32
    %gt3A_23 = vector.broadcast %gt3A : i32 to vector<1000x1xi32>
    %gt3A_24 = arith.cmpi sgt, %get3A_22, %gt3A_23 : vector<1000x1xi32>
    %get3A_25 = arith.constant 0 : index
    %get3A_26 = arith.constant 0 : index
    %get3A_27 = vector.load %arg5[%get3A_25, %get3A_26] : memref<1000x128xf32, #tpu.memory_space<vmem>>, vector<1000x128xf32>
    %broadcast_in_dim3A = vector.shape_cast %gt3A_24 : vector<1000x1xi1> to vector<1000x1xi1>
    %broadcast_in_dim3A_28 = vector.broadcast %broadcast_in_dim3A : vector<1000x1xi1> to vector<1000x128xi1>
    %select_n3A = arith.select %broadcast_in_dim3A_28, %max3A_19, %get3A_27 : vector<1000x128xi1>, vector<1000x128xf32>
    %get3A_29 = arith.constant 0 : index
    %get3A_30 = arith.constant 0 : index
    %get3A_31 = vector.load %arg8[%get3A_29, %get3A_30] : memref<128x64xf32, #tpu.memory_space<vmem>>, vector<128x64xf32>
    %dot_general3A = arith.constant dense<0.000000e+00> : vector<1000x64xf32>
    %dot_general3A_32 = tpu.matmul %select_n3A, %get3A_31, %dot_general3A {dimension_numbers = #tpu.dot_dimension_numbers<[1], [0], [0], [1], [0, 0, 1, 1], [], []>, transpose_lhs_hint = false} : vector<1000x128xf32>, vector<128x64xf32>, vector<1000x64xf32> -> vector<1000x64xf32>
    %get3A_33 = arith.constant 0 : index
    %get3A_34 = arith.constant 0 : index
    %get3A_35 = vector.load %arg9[%get3A_33, %get3A_34] : memref<1x64xf32, #tpu.memory_space<vmem>>, vector<1x64xf32>
    %add3A_36 = vector.broadcast %get3A_35 : vector<1x64xf32> to vector<1000x64xf32>
    %add3A_37 = arith.addf %dot_general3A_32, %add3A_36 : vector<1000x64xf32>
    %swap3A = arith.constant 0 : index
    %swap3A_38 = arith.constant 0 : index
    %swap3A_39 = vector.load %arg10[%swap3A, %swap3A_38] : memref<1000x64xf32, #tpu.memory_space<vmem>>, vector<1000x64xf32>
    tpu.vector_store %arg10[%swap3A, %swap3A_38], %add3A_37 {strides = array<i32>} : memref<1000x64xf32, #tpu.memory_space<vmem>>, vector<1000x64xf32>,
    return
  }
  func.func @transform_0(%arg0: i32) -> (i32, i32) {
    %c0_i32 = arith.constant 0 : i32
    %c0_i32_0 = arith.constant 0 : i32
    return %arg0, %c0_i32 : i32, i32
  }
  func.func @transform_1(%arg0: i32) -> (i32, i32) {
    %c0_i32 = arith.constant 0 : i32
    %c0_i32_0 = arith.constant 0 : i32
    return %arg0, %c0_i32 : i32, i32
  }
  func.func @transform_2(%arg0: i32) -> (i32, i32) {
    %c0_i32 = arith.constant 0 : i32
    %c0_i32_0 = arith.constant 0 : i32
    return %arg0, %c0_i32 : i32, i32
  }
  func.func @transform_3(%arg0: i32) -> (i32, i32) {
    %c0_i32 = arith.constant 0 : i32
    %c0_i32_0 = arith.constant 0 : i32
    return %arg0, %c0_i32 : i32, i32
  }
  func.func @transform_4(%arg0: i32) -> (i32, i32) {
    %c0_i32 = arith.constant 0 : i32
    %c0_i32_0 = arith.constant 0 : i32
    return %arg0, %c0_i32 : i32, i32
  }
  func.func @transform_5(%arg0: i32) -> (i32, i32) {
    %c0_i32 = arith.constant 0 : i32
    %c0_i32_0 = arith.constant 0 : i32
    return %arg0, %c0_i32 : i32, i32
  }
  func.func @transform_6(%arg0: i32) -> (i32, i32) {
    %c0_i32 = arith.constant 0 : i32
    %c0_i32_0 = arith.constant 0 : i32
    %c0_i32_1 = arith.constant 0 : i32
    return %c0_i32, %c0_i32_0 : i32, i32
  }
  func.func @transform_7(%arg0: i32) -> (i32, i32) {
    %c0_i32 = arith.constant 0 : i32
    %c0_i32_0 = arith.constant 0 : i32
    %c0_i32_1 = arith.constant 0 : i32
    return %c0_i32, %c0_i32_0 : i32, i32
  }
  func.func @transform_8(%arg0: i32) -> (i32, i32) {
    %c0_i32 = arith.constant 0 : i32
    %c0_i32_0 = arith.constant 0 : i32
    %c0_i32_1 = arith.constant 0 : i32
    return %c0_i32, %c0_i32_0 : i32, i32
  }
  func.func @transform_9(%arg0: i32) -> (i32, i32) {
    %c0_i32 = arith.constant 0 : i32
    %c0_i32_0 = arith.constant 0 : i32
    return %arg0, %c0_i32 : i32, i32
  }
}

</mosaic_0001>

<sc_bundles>
// kernel: kernel.10.cloned.1.call-start
scs
__scs_entry_jumppad:
0x0: {  	(pc) =	sbr.rel $0x88, $3  }
0x1: {  	(tag) =	ssettag $0x0;
	lr =	simm.s32 $0x1  }
0x2: {  	[smem:$0x3F90] =	sst lr;
	_ =	strace $0xD0000000  }
0x3: {  	_ = 	snop  }
0x4: {  	_ = 	snop  }
0x5: {  	_ = 	snop  }
0x6: {  	_ = 	snop  }
0x7: {  	_ = 	snop  }
__scs_overlays_trampoline_lowered:
0x8: {  	[smem:$0x3F9F] =	sst s0  }
0x9: {  	[smem:$0x3FA0] =	sst s1  }
0xa: {  	[smem:$0x3FA1] =	sst s2  }
0xb: {  	[smem:$0x3FA2] =	sst s3  }
0xc: {  	[smem:$0x3FA3] =	sst s4  }
0xd: {  	[smem:$0x3FA4] =	sst s5  }
0xe: {  	[smem:$0x3FA5] =	sst s6  }
0xf: {  	[smem:$0x3FA6] =	sst s7  }
0x10: {  	[smem:$0x3FA7] =	sst s8  }
0x11: {  	[smem:$0x3FA8] =	sst s9;
	s0 =	simm.s32 @!p0 $0x0  }
0x12: {  	s1 =	sld [smem:$0x3F8E];
	s0 =	simm.s32 @p0 $0x1  }
0x13: {  	[smem:$0x3FA9] =	sst s0;
	s0 =	simm.s32 @!p1 $0x0  }
0x14: {  	s2 =	sld [smem:$0x3F8D];
	s0 =	simm.s32 @p1 $0x1  }
0x15: {  	[smem:$0x3FAA] =	sst s0;
	s0 =	simm.s32 @!p2 $0x0  }
0x16: {  	s3 =	sld [smem:$0x3FDB];
	s0 =	simm.s32 @p2 $0x1  }
0x17: {  	s4 =	simm.s32 $0x1BF5;
	[smem:$0x3FAC] =	sst s0  }
0x18: {  	s0 =	sld [smem:$0x3F8F];
	_ =	swait.ge [sflag:s4], $0x0  }
0x19: {  	s7 =	sld [smem:$0x3F90]  }
0x1a: {  	s8 =	sadd.s32 $0xFFFFE003, lr  }
0x1b: {  	s9 =	sadd.s32 $0xFFFFFEF7, lr;
	s5 =	simm.s32 $0xFFFFFFFF;
	p2 =	slt.u32 s8, $0xFFFFF086  }
0x1c: {  	p1 =	slt.u32 s9, $0xF7A;
	s5 =	simm.s32 @!p2 $0x0  }
0x1d: {  	s5 =	simm.s32 @p1 $0x1;
	p0 =	seq.s32 s7, s2  }
0x1e: {  	s7 =	smul.u32 @!p0 $0xF7A, s2;
	p2 =	seq.s32 @!p0 s5, $0x0  }
0x1f: {  	s9 =	smul.u32 $0xF7A, s1;
	s8 =	simm.s32 @!p0 $0x1BF5;
	p2 =	por !p2, p0  }
0x20: {  	[sflag:s8] =	ssyncset.s32 @!p0 $0xFFFFF086;
	s6 =	sadd.s32 @!p0 s3, s7;
	s7 =	simm.s32 @!p0 $0x108  }
0x21: {  	s3 =	sadd.s32 s3, s9;
	s6 =	sadd.s32 @!p0 $0x88, s6;
	s7 =	simm.s32 @p2 $0x1082  }
0x22: {  	[simem:s7], [sflag:s8] =	dma.local @!p0 [hbm:s6], $0xF7A  }
0x23: {  	s9 =	sor.u32 $0xD0000000, s2;
	s6 =	simm.s32 $0x108;
	_ =	swait.ge @!p0 [sflag:s8], $0x0  }
0x24: {  	s3 =	sadd.s32 $0x88, s3;
	s6 =	simm.s32 @!p1 $0x1082;
	[sflag:s4] =	ssyncset.s32 $0xFFFFF086  }
0x25: {  	[simem:s6], [sflag:s4] =	dma.local [hbm:s3], $0xF7A  }
0x26: {  	[smem:$0x3F90] =	sst s1;
	(tag) =	ssettag s2;
	_ =	strace s9  }
0x27: {  	s1 =	sld [smem:$0x3FA0]  }
0x28: {  	s2 =	sld [smem:$0x3FA1]  }
0x29: {  	s4 =	sld [smem:$0x3FA3]  }
0x2a: {  	p0 =	seq.s32 s5, $0x0;
	s5 =	sld [smem:$0x3FA4]  }
0x2b: {  	s6 =	sld [smem:$0x3FA5]  }
0x2c: {  	s7 =	sld [smem:$0x3FA6]  }
0x2d: {  	s3 =	simm.s32 $0x108;
	s8 =	sld [smem:$0x3FA7]  }
0x2e: {  	s3 =	simm.s32 @!p0 $0x1082;
	s9 =	sld [smem:$0x3FA8]  }
0x2f: {  	lr =	sadd.s32 s0, s3;
	s0 =	sld [smem:$0x3F9F]  }
0x30: {  	s3 =	sld [smem:$0x3FA2]  }
0x31: {  	[smem:$0x3FAB] =	sst s10  }
0x32: {  	s10 =	sld [smem:$0x3FA9];
	_ =	sdelay $0x3  }
0x33: {  	p0 =	seq.s32 s10, $0x1;
	s10 =	sld [smem:$0x3FAB];
	_ =	sdelay $0x3  }
0x34: {  	[smem:$0x3FAB] =	sst s10  }
0x35: {  	s10 =	sld [smem:$0x3FAA];
	_ =	sdelay $0x3  }
0x36: {  	p1 =	seq.s32 s10, $0x1;
	s10 =	sld [smem:$0x3FAB];
	_ =	sdelay $0x3  }
0x37: {  	[smem:$0x3FAB] =	sst s10  }
0x38: {  	s10 =	sld [smem:$0x3FAC]  }
0x39: {  	_ = 	snop;
	(pc) =	sbr.ind lr, $3  }
0x3a: {  	_ = 	snop  }
0x3b: {  	_ = 	snop  }
0x3c: {  	p2 =	seq.s32 s10, $0x1;
	s10 =	sld [smem:$0x3FAB]  }
0x3d: {  	_ =	shalt  }
0x3e: {  	_ =	shalt  }
0x3f: {  	_ =	shalt  }
0x40: {  	_ =	shalt  }
0x41: {  	_ =	shalt  }
0x42: {  	_ =	shalt  }
0x43: {  	_ =	shalt  }
0x44: {  	_ =	shalt  }
0x45: {  	_ =	shalt  }
0x46: {  	_ =	shalt  }
0x47: {  	_ =	shalt  }
0x48: {  	_ =	shalt  }
0x49: {  	_ =	shalt  }
0x4a: {  	_ =	shalt  }
0x4b: {  	_ =	shalt  }
0x4c: {  	_ =	shalt  }
0x4d: {  	_ =	shalt  }
0x4e: {  	_ =	shalt  }
0x4f: {  	_ =	shalt  }
0x50: {  	_ =	shalt  }
0x51: {  	_ =	shalt  }
0x52: {  	_ =	shalt  }
0x53: {  	_ =	shalt  }
0x54: {  	_ =	shalt  }
0x55: {  	_ =	shalt  }
0x56: {  	_ =	shalt  }
0x57: {  	_ =	shalt  }
0x58: {  	_ =	shalt  }
0x59: {  	_ =	shalt  }
0x5a: {  	_ =	shalt  }
0x5b: {  	_ =	shalt  }
0x5c: {  	_ =	shalt  }
0x5d: {  	_ =	shalt  }
0x5e: {  	_ =	shalt  }
0x5f: {  	_ =	shalt  }
0x60: {  	_ =	shalt  }
0x61: {  	_ =	shalt  }
0x62: {  	_ =	shalt  }
0x63: {  	_ =	shalt  }
0x64: {  	_ =	shalt  }
0x65: {  	_ =	shalt  }
0x66: {  	_ =	shalt  }
0x67: {  	_ =	shalt  }
0x68: {  	_ =	shalt  }
0x69: {  	_ =	shalt  }
0x6a: {  	_ =	shalt  }
0x6b: {  	_ =	shalt  }
0x6c: {  	_ =	shalt  }
0x6d: {  	_ =	shalt  }
0x6e: {  	_ =	shalt  }
0x6f: {  	_ =	shalt  }
0x70: {  	_ =	shalt  }
0x71: {  	_ =	shalt  }
0x72: {  	_ =	shalt  }
0x73: {  	_ =	shalt  }
0x74: {  	_ =	shalt  }
0x75: {  	_ =	shalt  }
0x76: {  	_ =	shalt  }
0x77: {  	_ =	shalt  }
0x78: {  	_ =	shalt  }
0x79: {  	_ =	shalt  }
0x7a: {  	_ =	shalt  }
0x7b: {  	_ =	shalt  }
0x7c: {  	_ =	shalt  }
0x7d: {  	_ =	shalt  }
0x7e: {  	_ =	shalt  }
0x7f: {  	_ =	shalt  }
0x80: {  	_ =	shalt  }
0x81: {  	_ =	shalt  }
0x82: {  	_ =	shalt  }
0x83: {  	_ =	shalt  }
0x84: {  	_ =	shalt  }
0x85: {  	_ =	shalt  }
0x86: {  	_ =	shalt  }
0x87: {  	_ =	shalt  }
.Lfunc_end0:
.L_simem_size_0:
called_computation_lowered:
.L_overlay_start_0:
0x88: {  	s2 =	sld [smem:$0x3FD9]  }
0x89: {  	s3 =	sld [smem:$0x3FFE];
	_ =	sdelay $0x1  }
0x8a: {  	s1 =	srdreg.scid  }
0x8b: {  	s0 =	sand.u32 $0x1, s1  }
0x8c: {  	s17 =	sshll.u32 s0, $0xA;
	s2 =	sadd.s32 s3, s2  }
0x8d: {  	s2 =	sadd.s32 s2, s17  }
0x8e: {  	[smem:$0x3FB7] =	sst s2  }
0x8f: {  	_ = 	snop  }
0x90: {  	s2 =	sld [smem:$0x3FD0];
	(tm) =	ssettm $0x1  }
0x91: {  	s18 =	sld [smem:$0x3FFB];
	_ =	sdelay $0x3  }
0x92: {  	_ =	strace s18  }
0x93: {  	s3 =	sld [smem:$0x3FFC];
	_ =	sdelay $0x3  }
0x94: {  	_ =	strace s3  }
0x95: {  	s3 =	sld [smem:$0x3FFD];
	_ =	sdelay $0x3  }
0x96: {  	_ =	strace s3  }
0x97: {  	_ =	strace $0x8FFFFFFF  }
0x98: {  	s19 =	sld [smem:$0x3FDB];
	_ =	sdelay $0x1  }
0x99: {  	s4 =	simm.s32 $_scs_section_size  }
0x9a: {  	s5 =	simm.s32 $_size__tile_overlayer_lowered;
	s6 =	simm.s32 $_tile_overlayer_lowered  }
0x9b: {  	s22 =	simm.s32 $0x1BFF;
	s21 =	sshll.u32 s6, $0x1;
	s3 =	sadd.s32 s4, s19  }
0x9c: {  	s7 =	simm.s32 $0x0;
	s20 =	sshll.u32 s5, $0x1;
	s5 =	sadd.s32 s21, s3  }
0x9d: {  	[timem:s7], [sflag:s22] =	dma.local [hbm:s5], s20  }
0x9e: {  	_ =	swait.ge [sflag:s22], s20  }
0x9f: {  	s4 =	ssub.s32 $0x0, s20;
	[sflag:s22] =	ssyncset.done $0x0  }
0xa0: {  	[sflag:s22] =	ssyncadd.s32 s4;
	_ =	sdelay $0x1  }
0xa1: {  	s23 =	simm.s32 $0x1B8B  }
0xa2: {  	_ =	swait.ge [sflag:s23], $0x1  }
0xa3: {  	[sflag:s23] =	ssyncset.done $0x0  }
0xa4: {  	s25 =	simm.s32 $0x1B8E;
	s24 =	sld [smem:$0x3FFE];
	[sflag:s23] =	ssyncadd.s32 $0xFFFFFFFF  }
0xa5: {  	s26 =	simm.s32 $execute0_lowered;
	[smem:$0x3FD2] =	sst s25  }
0xa6: {  	s5 =	sshll.u32 s26, $0x1;
	_ =	strace $0x80000046;
	[dreg:$0x1] =	wrdreg $0xFFFFFFFF  }
0xa7: {  	s28 =	simm.s32 $_size_execute0_lowered;
	s3 =	sadd.s32 s3, s5;
	[dreg:$0x0] =	wrdreg $0x0  }
0xa8: {  	s5 =	sshll.u32 s28, $0x1;
	[dreg:$0x2] =	wrdreg s3  }
0xa9: {  	[dreg:$0x3] =	wrdreg s5  }
0xaa: {  	[dreg:$0x4] =	wrdreg $0xC0  }
0xab: {  	_ =	task [dreg:s7], $0x5FFFF  }
0xac: {  	[dreg:$0x1] =	wrdreg $0xFFFFFFFF  }
0xad: {  	[dreg:$0x0] =	wrdreg $0x60  }
0xae: {  	[dreg:$0x2] =	wrdreg s24  }
0xaf: {  	[dreg:$0x3] =	wrdreg s2  }
0xb0: {  	[dreg:$0x4] =	wrdreg $0x9  }
0xb1: {  	_ =	task.clear_ibuf [dreg:s7], $0x5FFFF;
	_ =	strace $0x90000046  }
0xb2: {  	s29 =	simm.s32 $0x9;
	_ =	strace $0x80000048  }
0xb3: {  	_ =	swait.ge [sflag:s29], $0x1  }
0xb4: {  	[sflag:s29] =	ssyncadd.s32 $0xFFFFFFFF  }
0xb5: {  	_ =	strace $0x90000048  }
0xb6: {  	_ =	sfence  }
0xb7: {  	s30 =	sld [smem:$0x0];
	_ =	sdelay $0x2  }
0xb8: {  	s31 =	sshll.u32 s1, $0xD;
	s1 =	sshrl.u32 s1, $0x2  }
0xb9: {  	s3 =	sand.u32 $0x4000, s31;
	s1 =	sadd.s32 s1, s30  }
0xba: {  	s0 =	sor.u32 s3, s0;
	s1 =	sshll.u32 s1, $0x11  }
0xbb: {  	s0 =	sor.u32 s1, s0  }
0xbc: {  	s0 =	sadd.s32 $0x8F2B, s0  }
0xbd: {  	[sflag:s0] =	ssyncadd.remote.s32 $0x1  }
0xbe: {  	_ =	sfence.sel $0xFFFF  }
0xbf: {  	[dreg:$0x0] =	wrdreg $0xFFFFFFFF;
	(pc) =	sbr.abs _section_cstart, $3  }
0xc0: {  	[dreg:$0x1] =	wrdreg $0xFFFFFFFF  }
0xc1: {  	_ =	task.clear_ibuf [dreg:s7], $0x2FFFF;
	_ =	strace $0x9FFFFFFF  }
0xc2: {  	(tm) =	ssettm $0x7FFFFFFF  }
0xc3: {  	_ =	shalt  }
tec
execute0_lowered:
.L_overlay_start_1:
0x0: {  	(tag) =	ssettag $0x1  }
0x1: {  	s0 =	srdreg.scid;
	s3 =	rddreg [dreg:$0x0]  }
0x2: {  	s5 =	rddreg [dreg:$0x1];
	s1 =	stileid.u32;
	s4 =	sand.u32 $0x1, s0  }
0x3: {  	s9 =	simm.s32 $0x400;
	s0 =	rddreg [dreg:$0x2];
	s2 =	sshll.u32 s4, $0x4  }
0x4: {  	s8 =	sshll.u32 s1, $0x7;
	s4 =	ssub.s32 $0x2, s4;
	s6 =	sor.u32 s1, s2  }
0x5: {  	s2 =	simm.s32 $0x0;
	s7 =	smul.u32 $0x4E2, s6;
	s6 =	sshrl.u32 s6, $0x3  }
0x6: {  	s8 =	sand.u32 $0x380, s8;
	[smem:$0x7FF] =	sst s2;
	s6 =	smul.u32 $0x14000, s6  }
0x7: {  	s30 =	sshrl.u32 s4, $0x1;
	_ =	strace $0x80000047;
	s3 =	sadd.s32 s7, s3  }
0x8: {  	s7 =	ssub.s32 s4, s30;
	s6 =	sor.u32 s8, s6;
	s3 =	sadd.s32 $0xF000, s3  }
0x9: {  	s8 =	simm.s32 $0x80;
	s31 =	sshrl.u32 s6, $0x3;
	s6 =	simm.s32 $0x1  }
0xa: {  	v0 =	vimm.s32 $0x0;
	v1 =	vimm.s32 $0x1;
	s4 =	sadd.s32 s5, s31;
	s5 =	smax.u32 s7, $0x1;
	s7 =	simm.s32 $0x2780  }
.LBB2_1:
0xb: {  	s10 =	simm.s32 $0x40;
	s11 =	simm.s32 $0x0  }
.LBB2_2:
0xc: {  	p0 =	sne.s32 s10, $0x9FC0;
	[tilespmem:s11+$0x2780] =	vst v0;
	s11 =	smov.u32 s10;
	s10 =	sadd.s32 $0x40, s10  }
.Ltmp0:
0xd: {  	(pc) =	sbr.rel @p0 .LBB2_2-.Ltmp0, $2  }
0xe: {  	_ =	sdelay $0x2  }
0xf: {  	s11 =	sshra.s32 s11, $0x2  }
0x10: {  	[tilespmem:s11+$0x2780] =	vst v0;
	s10 =	simm.s32 $0x0  }
0x11: {  	[tilespmem:s10], [sflag:$0x1] =	stream.linear.gather [hbm4b:s3+s10], $0x2710, $0x38;
	[tilespmem:$0x4F80] =	vst v63  }
0x12: {  	_ =	swait.ge [sflag:s6], $0x2710  }
0x13: {  	[sflag:s6] =	ssyncset.done $0x0  }
0x14: {  	s11 =	simm.s32 $0x0;
	s10 =	simm.s32 $0x40;
	[sflag:s6] =	ssyncadd.s32 $0xFFFFD8F0  }
.LBB2_4:
0x15: {  	p0 =	sne.s32 s10, $0x9C00;
	v2 =	vld [tilespmem:s11+$0x0];
	_ =	sdelay $0x3  }
.Ltmp1:
0x16: {  	(pc) =	sbr.rel @p0 .LBB2_4-.Ltmp1, $2  }
0x17: {  	_ =	sdelay $0x2  }
0x18: {  	s11 =	sshra.s32 s10, $0x2;
	s10 =	sadd.s32 $0x40, s10;
	[tilespmem:v2+s7+$0x0] =	vst.idx.add.s32.msk $0xffff, v1  }
0x19: {  	v2 =	vld [tilespmem:s11+$0x0];
	_ =	sdelay $0x5  }
0x1a: {  	s2 =	sadd.s32 $0x1, s2  }
0x1b: {  	p0 =	sne.s32 s2, s5  }
.Ltmp2:
0x1c: {  	[tilespmem:v2+s7+$0x0] =	vst.idx.add.s32.msk $0xffff, v1;
	(pc) =	sbr.rel @p0 .LBB2_1-.Ltmp2, $4  }
0x1d: {  	[hbm4b:s4+s8] =	stream.strided.scatter [tilespmem:s7], [sflag:$0x1], $0x2800, s9, s8, $0x38;
	[tilespmem:$0x4F80] =	vst v63  }
0x1e: {  	_ =	swait.ge [sflag:s6], $0x2800  }
0x1f: {  	[sflag:s6] =	ssyncset.done $0x0  }
0x20: {  	[sflag:s6] =	ssyncadd.s32 $0xFFFFD800  }
0x21: {  	_ =	sfence.sel $0x180000  }
0x22: {  	[bflag:$0x0] =	sbarrier.arrive $0xFFFF  }
0x23: {  	p0 =	sne.s32 s1, $0x0;
	_ =	strace $0x90000047  }
0x24: {  	s0 =	sadd.s32 @!p0 $0x100000, s0;
	[bflag:$0x2] =	sbarrier.arrive $0xFFFF  }
0x25: {  	[sflag:s0] =	ssyncadd.tile.s32 @!p0 $0x1;
	_ =	shalt  }
.Lfunc_end2:
_tile_overlayer_lowered:
.L_overlay_start_2:
0x26: {  	(tag) =	ssettag $0x2  }
0x27: {  	s0 =	rddreg [dreg:$0x0];
	s2 =	stileid.u32  }
0x28: {  	s1 =	rddreg [dreg:$0x1];
	p0 =	sne.s32 s2, $0x0  }
0x29: {  	s3 =	rddreg [dreg:$0x2];
	[bflag:$0x3] =	sbarrier.arrive $0xFFFF;
	s2 =	simm.s32 @!p0 $0x1C01  }
0x2a: {  	[timem:s3], [sflag:s2] =	dma.local @!p0 [hbm:s0], s1  }
0x2b: {  	s0 =	simm.s32 @!p0 $0x1  }
0x2c: {  	_ =	swait.ge @!p0 [sflag:s0], s1  }
0x2d: {  	s1 =	ssub.s32 @!p0 $0x0, s1;
	[sflag:s0] =	ssyncset.done @!p0 $0x0  }
0x2e: {  	[sflag:s0] =	ssyncadd.s32 @!p0 s1  }
0x2f: {  	[bflag:$0x3] =	sbarrier.arrive $0xFFFF  }
0x30: {  	_ =	shalt  }

// kernel: kernel.13.cloned.1.call-start
scs
__scs_entry_jumppad:
0x0: {  	(pc) =	sbr.rel $0x88, $3  }
0x1: {  	(tag) =	ssettag $0x0;
	lr =	simm.s32 $0x1  }
0x2: {  	[smem:$0x3F90] =	sst lr;
	_ =	strace $0xD0000000  }
0x3: {  	_ = 	snop  }
0x4: {  	_ = 	snop  }
0x5: {  	_ = 	snop  }
0x6: {  	_ = 	snop  }
0x7: {  	_ = 	snop  }
__scs_overlays_trampoline_lowered:
0x8: {  	[smem:$0x3F9F] =	sst s0  }
0x9: {  	[smem:$0x3FA0] =	sst s1  }
0xa: {  	[smem:$0x3FA1] =	sst s2  }
0xb: {  	[smem:$0x3FA2] =	sst s3  }
0xc: {  	[smem:$0x3FA3] =	sst s4  }
0xd: {  	[smem:$0x3FA4] =	sst s5  }
0xe: {  	[smem:$0x3FA5] =	sst s6  }
0xf: {  	[smem:$0x3FA6] =	sst s7  }
0x10: {  	[smem:$0x3FA7] =	sst s8  }
0x11: {  	[smem:$0x3FA8] =	sst s9;
	s0 =	simm.s32 @!p0 $0x0  }
0x12: {  	s1 =	sld [smem:$0x3F8E];
	s0 =	simm.s32 @p0 $0x1  }
0x13: {  	[smem:$0x3FA9] =	sst s0;
	s0 =	simm.s32 @!p1 $0x0  }
0x14: {  	s2 =	sld [smem:$0x3F8D];
	s0 =	simm.s32 @p1 $0x1  }
0x15: {  	[smem:$0x3FAA] =	sst s0;
	s0 =	simm.s32 @!p2 $0x0  }
0x16: {  	s3 =	sld [smem:$0x3FDB];
	s0 =	simm.s32 @p2 $0x1  }
0x17: {  	s4 =	simm.s32 $0x1BF5;
	[smem:$0x3FAC] =	sst s0  }
0x18: {  	s0 =	sld [smem:$0x3F8F];
	_ =	swait.ge [sflag:s4], $0x0  }
0x19: {  	s7 =	sld [smem:$0x3F90]  }
0x1a: {  	s8 =	sadd.s32 $0xFFFFE003, lr  }
0x1b: {  	s9 =	sadd.s32 $0xFFFFFEF7, lr;
	s5 =	simm.s32 $0xFFFFFFFF;
	p2 =	slt.u32 s8, $0xFFFFF086  }
0x1c: {  	p1 =	slt.u32 s9, $0xF7A;
	s5 =	simm.s32 @!p2 $0x0  }
0x1d: {  	s5 =	simm.s32 @p1 $0x1;
	p0 =	seq.s32 s7, s2  }
0x1e: {  	s7 =	smul.u32 @!p0 $0xF7A, s2;
	p2 =	seq.s32 @!p0 s5, $0x0  }
0x1f: {  	s9 =	smul.u32 $0xF7A, s1;
	s8 =	simm.s32 @!p0 $0x1BF5;
	p2 =	por !p2, p0  }
0x20: {  	[sflag:s8] =	ssyncset.s32 @!p0 $0xFFFFF086;
	s6 =	sadd.s32 @!p0 s3, s7;
	s7 =	simm.s32 @!p0 $0x108  }
0x21: {  	s3 =	sadd.s32 s3, s9;
	s6 =	sadd.s32 @!p0 $0x88, s6;
	s7 =	simm.s32 @p2 $0x1082  }
0x22: {  	[simem:s7], [sflag:s8] =	dma.local @!p0 [hbm:s6], $0xF7A  }
0x23: {  	s9 =	sor.u32 $0xD0000000, s2;
	s6 =	simm.s32 $0x108;
	_ =	swait.ge @!p0 [sflag:s8], $0x0  }
0x24: {  	s3 =	sadd.s32 $0x88, s3;
	s6 =	simm.s32 @!p1 $0x1082;
	[sflag:s4] =	ssyncset.s32 $0xFFFFF086  }
0x25: {  	[simem:s6], [sflag:s4] =	dma.local [hbm:s3], $0xF7A  }
0x26: {  	[smem:$0x3F90] =	sst s1;
	(tag) =	ssettag s2;
	_ =	strace s9  }
0x27: {  	s1 =	sld [smem:$0x3FA0]  }
0x28: {  	s2 =	sld [smem:$0x3FA1]  }
0x29: {  	s4 =	sld [smem:$0x3FA3]  }
0x2a: {  	p0 =	seq.s32 s5, $0x0;
	s5 =	sld [smem:$0x3FA4]  }
0x2b: {  	s6 =	sld [smem:$0x3FA5]  }
0x2c: {  	s7 =	sld [smem:$0x3FA6]  }
0x2d: {  	s3 =	simm.s32 $0x108;
	s8 =	sld [smem:$0x3FA7]  }
0x2e: {  	s3 =	simm.s32 @!p0 $0x1082;
	s9 =	sld [smem:$0x3FA8]  }
0x2f: {  	lr =	sadd.s32 s0, s3;
	s0 =	sld [smem:$0x3F9F]  }
0x30: {  	s3 =	sld [smem:$0x3FA2]  }
0x31: {  	[smem:$0x3FAB] =	sst s10  }
0x32: {  	s10 =	sld [smem:$0x3FA9];
	_ =	sdelay $0x3  }
0x33: {  	p0 =	seq.s32 s10, $0x1;
	s10 =	sld [smem:$0x3FAB];
	_ =	sdelay $0x3  }
0x34: {  	[smem:$0x3FAB] =	sst s10  }
0x35: {  	s10 =	sld [smem:$0x3FAA];
	_ =	sdelay $0x3  }
0x36: {  	p1 =	seq.s32 s10, $0x1;
	s10 =	sld [smem:$0x3FAB];
	_ =	sdelay $0x3  }
0x37: {  	[smem:$0x3FAB] =	sst s10  }
0x38: {  	s10 =	sld [smem:$0x3FAC]  }
0x39: {  	_ = 	snop;
	(pc) =	sbr.ind lr, $3  }
0x3a: {  	_ = 	snop  }
0x3b: {  	_ = 	snop  }
0x3c: {  	p2 =	seq.s32 s10, $0x1;
	s10 =	sld [smem:$0x3FAB]  }
0x3d: {  	_ =	shalt  }
0x3e: {  	_ =	shalt  }
0x3f: {  	_ =	shalt  }
0x40: {  	_ =	shalt  }
0x41: {  	_ =	shalt  }
0x42: {  	_ =	shalt  }
0x43: {  	_ =	shalt  }
0x44: {  	_ =	shalt  }
0x45: {  	_ =	shalt  }
0x46: {  	_ =	shalt  }
0x47: {  	_ =	shalt  }
0x48: {  	_ =	shalt  }
0x49: {  	_ =	shalt  }
0x4a: {  	_ =	shalt  }
0x4b: {  	_ =	shalt  }
0x4c: {  	_ =	shalt  }
0x4d: {  	_ =	shalt  }
0x4e: {  	_ =	shalt  }
0x4f: {  	_ =	shalt  }
0x50: {  	_ =	shalt  }
0x51: {  	_ =	shalt  }
0x52: {  	_ =	shalt  }
0x53: {  	_ =	shalt  }
0x54: {  	_ =	shalt  }
0x55: {  	_ =	shalt  }
0x56: {  	_ =	shalt  }
0x57: {  	_ =	shalt  }
0x58: {  	_ =	shalt  }
0x59: {  	_ =	shalt  }
0x5a: {  	_ =	shalt  }
0x5b: {  	_ =	shalt  }
0x5c: {  	_ =	shalt  }
0x5d: {  	_ =	shalt  }
0x5e: {  	_ =	shalt  }
0x5f: {  	_ =	shalt  }
0x60: {  	_ =	shalt  }
0x61: {  	_ =	shalt  }
0x62: {  	_ =	shalt  }
0x63: {  	_ =	shalt  }
0x64: {  	_ =	shalt  }
0x65: {  	_ =	shalt  }
0x66: {  	_ =	shalt  }
0x67: {  	_ =	shalt  }
0x68: {  	_ =	shalt  }
0x69: {  	_ =	shalt  }
0x6a: {  	_ =	shalt  }
0x6b: {  	_ =	shalt  }
0x6c: {  	_ =	shalt  }
0x6d: {  	_ =	shalt  }
0x6e: {  	_ =	shalt  }
0x6f: {  	_ =	shalt  }
0x70: {  	_ =	shalt  }
0x71: {  	_ =	shalt  }
0x72: {  	_ =	shalt  }
0x73: {  	_ =	shalt  }
0x74: {  	_ =	shalt  }
0x75: {  	_ =	shalt  }
0x76: {  	_ =	shalt  }
0x77: {  	_ =	shalt  }
0x78: {  	_ =	shalt  }
0x79: {  	_ =	shalt  }
0x7a: {  	_ =	shalt  }
0x7b: {  	_ =	shalt  }
0x7c: {  	_ =	shalt  }
0x7d: {  	_ =	shalt  }
0x7e: {  	_ =	shalt  }
0x7f: {  	_ =	shalt  }
0x80: {  	_ =	shalt  }
0x81: {  	_ =	shalt  }
0x82: {  	_ =	shalt  }
0x83: {  	_ =	shalt  }
0x84: {  	_ =	shalt  }
0x85: {  	_ =	shalt  }
0x86: {  	_ =	shalt  }
0x87: {  	_ =	shalt  }
.Lfunc_end0:
.L_simem_size_0:
called_computation.1_lowered:
.L_overlay_start_0:
0x88: {  	s2 =	sld [smem:$0x3FD9]  }
0x89: {  	s3 =	sld [smem:$0x3FFE];
	_ =	sdelay $0x1  }
0x8a: {  	s1 =	srdreg.scid  }
0x8b: {  	s0 =	sand.u32 $0x1, s1  }
0x8c: {  	s17 =	sshll.u32 s0, $0xA;
	s2 =	sadd.s32 s3, s2  }
0x8d: {  	s2 =	sadd.s32 s2, s17  }
0x8e: {  	[smem:$0x3FB7] =	sst s2  }
0x8f: {  	_ = 	snop  }
0x90: {  	(tm) =	ssettm $0x1  }
0x91: {  	s18 =	sld [smem:$0x3FFB];
	_ =	sdelay $0x3  }
0x92: {  	_ =	strace s18  }
0x93: {  	s2 =	sld [smem:$0x3FFC];
	_ =	sdelay $0x3  }
0x94: {  	_ =	strace s2  }
0x95: {  	s2 =	sld [smem:$0x3FFD];
	_ =	sdelay $0x3  }
0x96: {  	_ =	strace s2  }
0x97: {  	_ =	strace $0x8FFFFFFF  }
0x98: {  	s19 =	sld [smem:$0x3FDB];
	_ =	sdelay $0x1  }
0x99: {  	s20 =	simm.s32 $_scs_section_size  }
0x9a: {  	s4 =	simm.s32 $_size__tile_overlayer_lowered;
	s5 =	simm.s32 $_tile_overlayer_lowered  }
0x9b: {  	s6 =	simm.s32 $0x1BFF;
	s21 =	sshll.u32 s5, $0x1;
	s3 =	sadd.s32 s20, s19  }
0x9c: {  	s22 =	simm.s32 $0x0;
	s4 =	sshll.u32 s4, $0x1;
	s5 =	sadd.s32 s21, s3  }
0x9d: {  	[timem:s22], [sflag:s6] =	dma.local [hbm:s5], s4  }
0x9e: {  	_ =	swait.ge [sflag:s6], s4  }
0x9f: {  	s4 =	ssub.s32 $0x0, s4;
	[sflag:s6] =	ssyncset.done $0x0  }
0xa0: {  	[sflag:s6] =	ssyncadd.s32 s4;
	_ =	sdelay $0x1  }
0xa1: {  	s23 =	simm.s32 $0x1B8B  }
0xa2: {  	_ =	swait.ge [sflag:s23], $0x1  }
0xa3: {  	[sflag:s23] =	ssyncset.done $0x0  }
0xa4: {  	[sflag:s23] =	ssyncadd.s32 $0xFFFFFFFF  }
0xa5: {  	s4 =	sld [smem:$0x0]  }
0xa6: {  	s5 =	sand.u32 $0xFFFFFFFE, s1  }
0xa7: {  	p0 =	sne.s32 s1, s5  }
0xa8: {  	s5 =	sshll.u32 @p0 s5, $0xE  }
0xa9: {  	s5 =	sadd.s32 @p0 $0x11B8D, s5;
	s6 =	sshll.u32 @p0 s4, $0x11  }
0xaa: {  	s5 =	sor.u32 @p0 s6, s5  }
0xab: {  	[sflag:s5] =	ssyncadd.remote.s32 @p0 $0x1;
	_ =	sdelay $0x1  }
0xac: {  	s5 =	simm.s32 @p0 $0x1B8D  }
0xad: {  	_ =	swait.eq @p0 [sflag:s5], $0x1  }
0xae: {  	[sflag:s5] =	ssyncadd.s32 @p0 $0xFFFFFFFF  }
0xaf: {  	s6 =	sshll.u32 @!p0 s1, $0xE  }
0xb0: {  	s6 =	sor.u32 @!p0 $0x4000, s6;
	s5 =	simm.s32 @!p0 $0x1B8D  }
0xb1: {  	s4 =	sshll.u32 @!p0 s4, $0x11;
	s6 =	sadd.s32 @!p0 $0x11B8D, s6;
	_ =	swait.eq @!p0 [sflag:s5], $0x1  }
0xb2: {  	s4 =	sor.u32 @!p0 s4, s6;
	[sflag:s5] =	ssyncadd.s32 @!p0 $0xFFFFFFFF  }
0xb3: {  	s25 =	simm.s32 $0x1B8E;
	s24 =	sld [smem:$0x3FFE];
	[sflag:s4] =	ssyncadd.remote.s32 @!p0 $0x1  }
0xb4: {  	s26 =	simm.s32 $execute0_lowered;
	[smem:$0x3FD2] =	sst s25  }
0xb5: {  	s5 =	sshll.u32 s26, $0x1;
	_ =	strace $0x80000049;
	[dreg:$0x1] =	wrdreg $0xFFFFFFFF  }
0xb6: {  	s28 =	simm.s32 $_size_execute0_lowered;
	s3 =	sadd.s32 s3, s5;
	[dreg:$0x0] =	wrdreg $0x0  }
0xb7: {  	s5 =	sshll.u32 s28, $0x1;
	[dreg:$0x2] =	wrdreg s3  }
0xb8: {  	[dreg:$0x3] =	wrdreg s5  }
0xb9: {  	[dreg:$0x4] =	wrdreg $0xC0  }
0xba: {  	_ =	task [dreg:s22], $0x5FFFF  }
0xbb: {  	[dreg:$0x1] =	wrdreg $0xFFFFFFFF  }
0xbc: {  	[dreg:$0x0] =	wrdreg $0x60  }
0xbd: {  	[dreg:$0x2] =	wrdreg s24  }
0xbe: {  	[dreg:$0x3] =	wrdreg $0xA  }
0xbf: {  	_ =	task.clear_ibuf [dreg:s22], $0x4FFFF;
	_ =	strace $0x90000049  }
0xc0: {  	s29 =	simm.s32 $0xA;
	_ =	strace $0x8000004B  }
0xc1: {  	_ =	swait.ge [sflag:s29], $0x1  }
0xc2: {  	[sflag:s29] =	ssyncadd.s32 $0xFFFFFFFF  }
0xc3: {  	_ =	strace $0x9000004B  }
0xc4: {  	_ =	sfence  }
0xc5: {  	s30 =	sld [smem:$0x0];
	_ =	sdelay $0x2  }
0xc6: {  	s31 =	sshll.u32 s1, $0xD;
	s1 =	sshrl.u32 s1, $0x2  }
0xc7: {  	s4 =	sand.u32 $0x4000, s31;
	s1 =	sadd.s32 s1, s30  }
0xc8: {  	s0 =	sor.u32 s4, s0;
	s1 =	sshll.u32 s1, $0x11  }
0xc9: {  	s0 =	sor.u32 s1, s0  }
0xca: {  	s0 =	sadd.s32 $0x8F2B, s0  }
0xcb: {  	[sflag:s0] =	ssyncadd.remote.s32 $0x1  }
0xcc: {  	_ =	sfence.sel $0xFFFF  }
0xcd: {  	[dreg:$0x0] =	wrdreg $0xFFFFFFFF;
	(pc) =	sbr.abs _section_cstart, $3  }
0xce: {  	[dreg:$0x1] =	wrdreg $0xFFFFFFFF  }
0xcf: {  	_ =	task.clear_ibuf [dreg:s22], $0x2FFFF;
	_ =	strace $0x9FFFFFFF  }
0xd0: {  	(tm) =	ssettm $0x7FFFFFFF  }
0xd1: {  	_ =	shalt  }
tec
execute0_lowered:
.L_overlay_start_1:
0x0: {  	(tag) =	ssettag $0x1  }
0x1: {  	s9 =	rddreg [dreg:$0x0]  }
0x2: {  	s1 =	srdreg.scid;
	s16 =	rddreg [dreg:$0x1];
	s3 =	simm.s32 $0x0  }
0x3: {  	p1 =	por $0x0, $0x0;
	s2 =	sand.u32 $0x1, s1;
	s1 =	stileid.u32  }
0x4: {  	[smem:$0x7FF] =	sst s3;
	s11 =	sadd.s32 $0x40000, s9;
	s4 =	sshll.u32 s2, $0x4  }
0x5: {  	s12 =	sadd.s32 $0x67200, s9;
	s23 =	ssub.s32 $0x2, s2;
	s10 =	sor.u32 s1, s4  }
0x6: {  	_ =	strace $0x8000004A;
	s5 =	sshrl.u32 s23, $0x1;
	s4 =	smul.u32 $0x140, s10  }
0x7: {  	s2 =	sadd.s32 $0x8EA00, s9;
	s6 =	smul.u32 $0x1400, s10;
	s13 =	ssub.s32 s23, s5  }
0x8: {  	p0 =	seq.s32 s10, $0x1F;
	s31 =	smax.u32 s13, $0x1;
	s13 =	sadd.s32 $0x676D8, s9  }
0x9: {  	s10 =	simm.s32 @p0 $0x2;
	s8 =	sadd.s32 s11, s6;
	s30 =	sadd.s32 $0xFFFFFFFF, s31  }
0xa: {  	s24 =	sshrl.u32 s4, $0x3;
	s25 =	sadd.s32 $0x80, s4;
	p2 =	sne.s32 s30, $0x0  }
.Ltmp0:
0xb: {  	s14 =	sadd.s32 $0x100, s4;
	s7 =	sadd.s32 s12, s24;
	(pc) =	sbr.rel @!p2 .LBB2_1-.Ltmp0, $4  }
0xc: {  	s26 =	sshll.u32 s25, $0x4;
	s28 =	sshrl.u32 s25, $0x3;
	s4 =	sshll.u32 s14, $0x4  }
0xd: {  	s29 =	sshrl.u32 s14, $0x3;
	s14 =	sadd.s32 $0x66C00, s9;
	s6 =	sadd.s32 s11, s26  }
0xe: {  	s5 =	sadd.s32 s12, s28;
	s4 =	sadd.s32 s11, s4;
	s3 =	sadd.s32 s12, s29  }
0xf: {  	s11 =	sadd.s32 $0x67000, s9;
	s9 =	sadd.s32 $0x676E0, s9;
	s12 =	simm.s32 @p0 $0x0  }
0x10: {  	s15 =	simm.s32 @p0 $0x4000  }
0x11: {  	[tilespmem:s15], [sflag:$0x2] =	stream.linear.gather @p0 [hbm4b:s14+s12], $0x2000, $0x38;
	[tilespmem:$0x6980] =	vst v63  }
0x12: {  	_ =	swait.ge @p0 [sflag:s10], $0x2000  }
0x13: {  	[sflag:s10] =	ssyncset.done @p0 $0x0  }
0x14: {  	s1 =	smov.u32 s16;
	s16 =	simm.s32 @p0 $0x6880;
	[sflag:s10] =	ssyncadd.s32 @p0 $0xFFFFE000  }
0x15: {  	[tilespmem:s16], [sflag:$0x2] =	stream.linear.gather @p0 [hbm4b:s13+s12], $0x40, $0x38;
	[tilespmem:$0x6980] =	vst v63  }
0x16: {  	_ =	swait.ge @p0 [sflag:s10], $0x40  }
0x17: {  	[sflag:s10] =	ssyncset.done @p0 $0x0  }
0x18: {  	s17 =	simm.s32 @p0 $0x40;
	s18 =	simm.s32 @p0 $0x1;
	[sflag:s10] =	ssyncadd.s32 @p0 $0xFFFFFFC0  }
0x19: {  	[hbm4b:s2+s17] =	stream.indirect.scatter @p0 [tilespmem:s15], [sflag:$0x1], $0x80, s16, s17, $0xb8;
	[tilespmem:$0x6980] =	vst v63  }
0x1a: {  	_ =	swait.ge @p0 [sflag:s18], $0x2000  }
0x1b: {  	[sflag:s18] =	ssyncset.done @p0 $0x0  }
0x1c: {  	s19 =	simm.s32 @p0 $0x6000;
	[sflag:s18] =	ssyncadd.s32 @p0 $0xFFFFE000  }
0x1d: {  	[tilespmem:s19], [sflag:$0x2] =	stream.linear.gather @p0 [hbm4b:s11+s12], $0x800, $0x38;
	[tilespmem:$0x6980] =	vst v63  }
0x1e: {  	_ =	swait.ge @p0 [sflag:s10], $0x800  }
0x1f: {  	[sflag:s10] =	ssyncset.done @p0 $0x0  }
0x20: {  	s20 =	simm.s32 @p0 $0x6900;
	[sflag:s10] =	ssyncadd.s32 @p0 $0xFFFFF800  }
0x21: {  	[tilespmem:s20], [sflag:$0x2] =	stream.linear.gather @p0 [hbm4b:s9+s12], $0x10, $0x38;
	[tilespmem:$0x6980] =	vst v63  }
0x22: {  	_ =	swait.ge @p0 [sflag:s10], $0x10  }
0x23: {  	[sflag:s10] =	ssyncset.done @p0 $0x0  }
0x24: {  	s21 =	simm.s32 @p0 $0x10;
	[sflag:s10] =	ssyncadd.s32 @p0 $0xFFFFFFF0  }
0x25: {  	[hbm4b:s2+s21] =	stream.indirect.scatter @p0 [tilespmem:s19], [sflag:$0x1], $0x80, s20, s21, $0xb8;
	[tilespmem:$0x6980] =	vst v63  }
0x26: {  	_ =	swait.ge @p0 [sflag:s18], $0x800  }
0x27: {  	[sflag:s18] =	ssyncset.done @p0 $0x0  }
0x28: {  	s22 =	simm.s32 @!p0 $0x0;
	s23 =	simm.s32 @!p0 $0x2;
	[sflag:s18] =	ssyncadd.s32 @p0 $0xFFFFF800  }
0x29: {  	[tilespmem:s22], [sflag:$0x2] =	stream.linear.gather @!p0 [hbm4b:s8+s22], $0x4000, $0x38;
	[tilespmem:$0x6980] =	vst v63  }
0x2a: {  	_ =	swait.ge @!p0 [sflag:s23], $0x4000  }
0x2b: {  	[sflag:s23] =	ssyncset.done @!p0 $0x0  }
0x2c: {  	s25 =	simm.s32 @!p0 $0x6800;
	[sflag:s23] =	ssyncadd.s32 @!p0 $0xFFFFC000  }
0x2d: {  	[tilespmem:s25], [sflag:$0x2] =	stream.linear.gather @!p0 [hbm4b:s7+s22], $0x80, $0x38;
	[tilespmem:$0x6980] =	vst v63  }
0x2e: {  	_ =	swait.ge @!p0 [sflag:s23], $0x80  }
0x2f: {  	[sflag:s23] =	ssyncset.done @!p0 $0x0  }
0x30: {  	s26 =	simm.s32 @!p0 $0x80;
	s24 =	simm.s32 @!p0 $0x1;
	[sflag:s23] =	ssyncadd.s32 @!p0 $0xFFFFFF80  }
0x31: {  	[hbm4b:s2+s26] =	stream.indirect.scatter @!p0 [tilespmem:s22], [sflag:$0x1], $0x80, s25, s26, $0xb8;
	[tilespmem:$0x6980] =	vst v63  }
0x32: {  	_ =	swait.ge @!p0 [sflag:s24], $0x4000  }
0x33: {  	[sflag:s24] =	ssyncset.done @!p0 $0x0  }
0x34: {  	[sflag:s24] =	ssyncadd.s32 @!p0 $0xFFFFC000  }
0x35: {  	[tilespmem:s22], [sflag:$0x2] =	stream.linear.gather @!p0 [hbm4b:s6+s22], $0x4000, $0x38;
	[tilespmem:$0x6980] =	vst v63  }
0x36: {  	_ =	swait.ge @!p0 [sflag:s23], $0x4000  }
0x37: {  	[sflag:s23] =	ssyncset.done @!p0 $0x0  }
0x38: {  	[sflag:s23] =	ssyncadd.s32 @!p0 $0xFFFFC000  }
0x39: {  	[tilespmem:s25], [sflag:$0x2] =	stream.linear.gather @!p0 [hbm4b:s5+s22], $0x80, $0x38;
	[tilespmem:$0x6980] =	vst v63  }
0x3a: {  	_ =	swait.ge @!p0 [sflag:s23], $0x80  }
0x3b: {  	[sflag:s23] =	ssyncset.done @!p0 $0x0  }
0x3c: {  	[sflag:s23] =	ssyncadd.s32 @!p0 $0xFFFFFF80  }
0x3d: {  	[hbm4b:s2+s26] =	stream.indirect.scatter @!p0 [tilespmem:s22], [sflag:$0x1], $0x80, s25, s26, $0xb8;
	[tilespmem:$0x6980] =	vst v63  }
0x3e: {  	_ =	swait.ge @!p0 [sflag:s24], $0x4000  }
0x3f: {  	[sflag:s24] =	ssyncset.done @!p0 $0x0  }
0x40: {  	s28 =	simm.s32 @!p0 $0x4000;
	[sflag:s24] =	ssyncadd.s32 @!p0 $0xFFFFC000  }
0x41: {  	[tilespmem:s28], [sflag:$0x2] =	stream.linear.gather @!p0 [hbm4b:s4+s22], $0x2000, $0x38;
	[tilespmem:$0x6980] =	vst v63  }
0x42: {  	_ =	swait.ge @!p0 [sflag:s23], $0x2000  }
0x43: {  	[sflag:s23] =	ssyncset.done @!p0 $0x0  }
0x44: {  	s29 =	simm.s32 @!p0 $0x6880;
	s30 =	sadd.s32 $0xFFFFFFFF, s30;
	[sflag:s23] =	ssyncadd.s32 @!p0 $0xFFFFE000  }
0x45: {  	[tilespmem:s29], [sflag:$0x2] =	stream.linear.gather @!p0 [hbm4b:s3+s22], $0x40, $0x38;
	[tilespmem:$0x6980] =	vst v63  }
0x46: {  	p2 =	sne.s32 s30, $0x0;
	_ =	swait.ge @!p0 [sflag:s23], $0x40  }
.Ltmp1:
0x47: {  	[sflag:s23] =	ssyncset.done @!p0 $0x0;
	(pc) =	sbr.rel @!p2 .LBB2_3-.Ltmp1, $4  }
0x48: {  	s31 =	simm.s32 @!p0 $0x40;
	[sflag:s23] =	ssyncadd.s32 @!p0 $0xFFFFFFC0  }
0x49: {  	[hbm4b:s2+s31] =	stream.indirect.scatter @!p0 [tilespmem:s28], [sflag:$0x1], $0x80, s29, s31, $0xb8;
	[tilespmem:$0x6980] =	vst v63  }
0x4a: {  	_ =	swait.ge @!p0 [sflag:s24], $0x2000  }
0x4b: {  	p1 =	por $0x1, $0x1;
	[sflag:s24] =	ssyncset.done @!p0 $0x0  }
.LBB2_4:
0x4c: {  	s0 =	simm.s32 @p0 $0x0;
	[sflag:s24] =	ssyncadd.s32 @!p0 $0xFFFFE000  }
0x4d: {  	[tilespmem:s15], [sflag:$0x2] =	stream.linear.gather @p0 [hbm4b:s14+s12], $0x2000, $0x38;
	[tilespmem:$0x6980] =	vst v63  }
0x4e: {  	s30 =	sadd.s32 $0xFFFFFFFF, s30;
	_ =	swait.ge @p0 [sflag:s10], $0x2000  }
0x4f: {  	p2 =	sne.s32 s30, $0x0;
	[sflag:s10] =	ssyncset.done @p0 $0x0  }
0x50: {  	[sflag:s10] =	ssyncadd.s32 @p0 $0xFFFFE000  }
0x51: {  	[tilespmem:s16], [sflag:$0x2] =	stream.linear.gather @p0 [hbm4b:s13+s12], $0x40, $0x38;
	[tilespmem:$0x6980] =	vst v63  }
0x52: {  	_ =	swait.ge @p0 [sflag:s10], $0x40  }
0x53: {  	[sflag:s10] =	ssyncset.done @p0 $0x0  }
0x54: {  	[sflag:s10] =	ssyncadd.s32 @p0 $0xFFFFFFC0  }
0x55: {  	[hbm4b:s2+s17] =	stream.indirect.scatter @p0 [tilespmem:s15], [sflag:$0x1], $0x80, s16, s17, $0xb8;
	[tilespmem:$0x6980] =	vst v63  }
0x56: {  	_ =	swait.ge @p0 [sflag:s18], $0x2000  }
0x57: {  	[sflag:s18] =	ssyncset.done @p0 $0x0  }
0x58: {  	[sflag:s18] =	ssyncadd.s32 @p0 $0xFFFFE000  }
0x59: {  	[tilespmem:s19], [sflag:$0x2] =	stream.linear.gather @p0 [hbm4b:s11+s12], $0x800, $0x38;
	[tilespmem:$0x6980] =	vst v63  }
0x5a: {  	_ =	swait.ge @p0 [sflag:s10], $0x800  }
0x5b: {  	[sflag:s10] =	ssyncset.done @p0 $0x0  }
0x5c: {  	[sflag:s10] =	ssyncadd.s32 @p0 $0xFFFFF800  }
0x5d: {  	[tilespmem:s20], [sflag:$0x2] =	stream.linear.gather @p0 [hbm4b:s9+s12], $0x10, $0x38;
	[tilespmem:$0x6980] =	vst v63  }
0x5e: {  	s12 =	smov.u32 s0;
	_ =	swait.ge @p0 [sflag:s10], $0x10  }
0x5f: {  	[sflag:s10] =	ssyncset.done @p0 $0x0  }
0x60: {  	[sflag:s10] =	ssyncadd.s32 @p0 $0xFFFFFFF0  }
0x61: {  	[hbm4b:s2+s21] =	stream.indirect.scatter @p0 [tilespmem:s19], [sflag:$0x1], $0x80, s20, s21, $0xb8;
	[tilespmem:$0x6980] =	vst v63  }
0x62: {  	_ =	swait.ge @p0 [sflag:s18], $0x800  }
0x63: {  	[sflag:s18] =	ssyncset.done @p0 $0x0  }
0x64: {  	[sflag:s18] =	ssyncadd.s32 @p0 $0xFFFFF800  }
0x65: {  	[tilespmem:s22], [sflag:$0x2] =	stream.linear.gather @!p0 [hbm4b:s8+s22], $0x4000, $0x38;
	[tilespmem:$0x6980] =	vst v63  }
0x66: {  	_ =	swait.ge @!p0 [sflag:s23], $0x4000  }
0x67: {  	[sflag:s23] =	ssyncset.done @!p0 $0x0  }
0x68: {  	[sflag:s23] =	ssyncadd.s32 @!p0 $0xFFFFC000  }
0x69: {  	[tilespmem:s25], [sflag:$0x2] =	stream.linear.gather @!p0 [hbm4b:s7+s22], $0x80, $0x38;
	[tilespmem:$0x6980] =	vst v63  }
0x6a: {  	_ =	swait.ge @!p0 [sflag:s23], $0x80  }
0x6b: {  	[sflag:s23] =	ssyncset.done @!p0 $0x0  }
0x6c: {  	[sflag:s23] =	ssyncadd.s32 @!p0 $0xFFFFFF80  }
0x6d: {  	[hbm4b:s2+s26] =	stream.indirect.scatter @!p0 [tilespmem:s22], [sflag:$0x1], $0x80, s25, s26, $0xb8;
	[tilespmem:$0x6980] =	vst v63  }
0x6e: {  	_ =	swait.ge @!p0 [sflag:s24], $0x4000  }
0x6f: {  	[sflag:s24] =	ssyncset.done @!p0 $0x0  }
0x70: {  	[sflag:s24] =	ssyncadd.s32 @!p0 $0xFFFFC000  }
0x71: {  	[tilespmem:s22], [sflag:$0x2] =	stream.linear.gather @!p0 [hbm4b:s6+s22], $0x4000, $0x38;
	[tilespmem:$0x6980] =	vst v63  }
0x72: {  	_ =	swait.ge @!p0 [sflag:s23], $0x4000  }
0x73: {  	[sflag:s23] =	ssyncset.done @!p0 $0x0  }
0x74: {  	[sflag:s23] =	ssyncadd.s32 @!p0 $0xFFFFC000  }
0x75: {  	[tilespmem:s25], [sflag:$0x2] =	stream.linear.gather @!p0 [hbm4b:s5+s22], $0x80, $0x38;
	[tilespmem:$0x6980] =	vst v63  }
0x76: {  	_ =	swait.ge @!p0 [sflag:s23], $0x80  }
0x77: {  	[sflag:s23] =	ssyncset.done @!p0 $0x0  }
0x78: {  	[sflag:s23] =	ssyncadd.s32 @!p0 $0xFFFFFF80  }
0x79: {  	[hbm4b:s2+s26] =	stream.indirect.scatter @!p0 [tilespmem:s22], [sflag:$0x1], $0x80, s25, s26, $0xb8;
	[tilespmem:$0x6980] =	vst v63  }
0x7a: {  	_ =	swait.ge @!p0 [sflag:s24], $0x4000  }
0x7b: {  	[sflag:s24] =	ssyncset.done @!p0 $0x0  }
0x7c: {  	[sflag:s24] =	ssyncadd.s32 @!p0 $0xFFFFC000  }
0x7d: {  	[tilespmem:s28], [sflag:$0x2] =	stream.linear.gather @!p0 [hbm4b:s4+s22], $0x2000, $0x38;
	[tilespmem:$0x6980] =	vst v63  }
0x7e: {  	_ =	swait.ge @!p0 [sflag:s23], $0x2000  }
0x7f: {  	[sflag:s23] =	ssyncset.done @!p0 $0x0  }
0x80: {  	[sflag:s23] =	ssyncadd.s32 @!p0 $0xFFFFE000  }
0x81: {  	[tilespmem:s29], [sflag:$0x2] =	stream.linear.gather @!p0 [hbm4b:s3+s22], $0x40, $0x38;
	[tilespmem:$0x6980] =	vst v63  }
0x82: {  	_ =	swait.ge @!p0 [sflag:s23], $0x40  }
.Ltmp2:
0x83: {  	[sflag:s23] =	ssyncset.done @!p0 $0x0;
	(pc) =	sbr.rel @p2 .LBB2_4-.Ltmp2, $4  }
0x84: {  	[sflag:s23] =	ssyncadd.s32 @!p0 $0xFFFFFFC0  }
0x85: {  	[hbm4b:s2+s31] =	stream.indirect.scatter @!p0 [tilespmem:s28], [sflag:$0x1], $0x80, s29, s31, $0xb8;
	[tilespmem:$0x6980] =	vst v63  }
0x86: {  	_ =	swait.ge @!p0 [sflag:s24], $0x2000  }
0x87: {  	[sflag:s24] =	ssyncset.done @!p0 $0x0  }
0x88: {  	s16 =	smov.u32 s1;
	s1 =	stileid.u32  }
.LBB2_6:
0x89: {  	p1 =	por p0, !p1  }
0x8a: {  	s0 =	simm.s32 @p0 $0x4000;
	[sflag:s24] =	ssyncadd.s32 @!p1 $0xFFFFE000  }
0x8b: {  	[tilespmem:s0], [sflag:$0x2] =	stream.linear.gather @p0 [hbm4b:s14+s12], $0x2000, $0x38;
	[tilespmem:$0x6980] =	vst v63  }
0x8c: {  	_ =	swait.ge @p0 [sflag:s10], $0x2000  }
0x8d: {  	[sflag:s10] =	ssyncset.done @p0 $0x0  }
0x8e: {  	s14 =	simm.s32 @p0 $0x6880;
	[sflag:s10] =	ssyncadd.s32 @p0 $0xFFFFE000  }
0x8f: {  	[tilespmem:s14], [sflag:$0x2] =	stream.linear.gather @p0 [hbm4b:s13+s12], $0x40, $0x38;
	[tilespmem:$0x6980] =	vst v63  }
0x90: {  	_ =	swait.ge @p0 [sflag:s10], $0x40  }
0x91: {  	[sflag:s10] =	ssyncset.done @p0 $0x0  }
0x92: {  	s15 =	simm.s32 @p0 $0x1;
	s13 =	simm.s32 @p0 $0x40;
	[sflag:s10] =	ssyncadd.s32 @p0 $0xFFFFFFC0  }
0x93: {  	[hbm4b:s2+s13] =	stream.indirect.scatter @p0 [tilespmem:s0], [sflag:$0x1], $0x80, s14, s13, $0xb8;
	[tilespmem:$0x6980] =	vst v63  }
0x94: {  	_ =	swait.ge @p0 [sflag:s15], $0x2000  }
0x95: {  	[sflag:s15] =	ssyncset.done @p0 $0x0  }
0x96: {  	s0 =	simm.s32 @p0 $0x6000;
	[sflag:s15] =	ssyncadd.s32 @p0 $0xFFFFE000  }
0x97: {  	[tilespmem:s0], [sflag:$0x2] =	stream.linear.gather @p0 [hbm4b:s11+s12], $0x800, $0x38;
	[tilespmem:$0x6980] =	vst v63  }
0x98: {  	_ =	swait.ge @p0 [sflag:s10], $0x800  }
0x99: {  	[sflag:s10] =	ssyncset.done @p0 $0x0  }
0x9a: {  	s11 =	simm.s32 @p0 $0x6900;
	[sflag:s10] =	ssyncadd.s32 @p0 $0xFFFFF800  }
0x9b: {  	[tilespmem:s11], [sflag:$0x2] =	stream.linear.gather @p0 [hbm4b:s9+s12], $0x10, $0x38;
	[tilespmem:$0x6980] =	vst v63  }
0x9c: {  	_ =	swait.ge @p0 [sflag:s10], $0x10  }
0x9d: {  	[sflag:s10] =	ssyncset.done @p0 $0x0  }
0x9e: {  	s9 =	simm.s32 @p0 $0x10;
	[sflag:s10] =	ssyncadd.s32 @p0 $0xFFFFFFF0  }
0x9f: {  	[hbm4b:s2+s9] =	stream.indirect.scatter @p0 [tilespmem:s0], [sflag:$0x1], $0x80, s11, s9, $0xb8;
	[tilespmem:$0x6980] =	vst v63  }
0xa0: {  	_ =	swait.ge @p0 [sflag:s15], $0x800  }
0xa1: {  	[sflag:s15] =	ssyncset.done @p0 $0x0  }
0xa2: {  	s0 =	simm.s32 @!p0 $0x0;
	s9 =	simm.s32 @!p0 $0x2;
	[sflag:s15] =	ssyncadd.s32 @p0 $0xFFFFF800  }
0xa3: {  	[tilespmem:s0], [sflag:$0x2] =	stream.linear.gather @!p0 [hbm4b:s8+s0], $0x4000, $0x38;
	[tilespmem:$0x6980] =	vst v63  }
0xa4: {  	_ =	swait.ge @!p0 [sflag:s9], $0x4000  }
0xa5: {  	[sflag:s9] =	ssyncset.done @!p0 $0x0  }
0xa6: {  	s8 =	simm.s32 @!p0 $0x6800;
	[sflag:s9] =	ssyncadd.s32 @!p0 $0xFFFFC000  }
0xa7: {  	[tilespmem:s8], [sflag:$0x2] =	stream.linear.gather @!p0 [hbm4b:s7+s0], $0x80, $0x38;
	[tilespmem:$0x6980] =	vst v63  }
0xa8: {  	_ =	swait.ge @!p0 [sflag:s9], $0x80  }
0xa9: {  	[sflag:s9] =	ssyncset.done @!p0 $0x0  }
0xaa: {  	s10 =	simm.s32 @!p0 $0x1;
	s7 =	simm.s32 @!p0 $0x80;
	[sflag:s9] =	ssyncadd.s32 @!p0 $0xFFFFFF80  }
0xab: {  	[hbm4b:s2+s7] =	stream.indirect.scatter @!p0 [tilespmem:s0], [sflag:$0x1], $0x80, s8, s7, $0xb8;
	[tilespmem:$0x6980] =	vst v63  }
0xac: {  	_ =	swait.ge @!p0 [sflag:s10], $0x4000  }
0xad: {  	[sflag:s10] =	ssyncset.done @!p0 $0x0  }
0xae: {  	[sflag:s10] =	ssyncadd.s32 @!p0 $0xFFFFC000  }
0xaf: {  	[tilespmem:s0], [sflag:$0x2] =	stream.linear.gather @!p0 [hbm4b:s6+s0], $0x4000, $0x38;
	[tilespmem:$0x6980] =	vst v63  }
0xb0: {  	_ =	swait.ge @!p0 [sflag:s9], $0x4000  }
0xb1: {  	[sflag:s9] =	ssyncset.done @!p0 $0x0  }
0xb2: {  	[sflag:s9] =	ssyncadd.s32 @!p0 $0xFFFFC000  }
0xb3: {  	[tilespmem:s8], [sflag:$0x2] =	stream.linear.gather @!p0 [hbm4b:s5+s0], $0x80, $0x38;
	[tilespmem:$0x6980] =	vst v63  }
0xb4: {  	_ =	swait.ge @!p0 [sflag:s9], $0x80  }
0xb5: {  	[sflag:s9] =	ssyncset.done @!p0 $0x0  }
0xb6: {  	[sflag:s9] =	ssyncadd.s32 @!p0 $0xFFFFFF80  }
0xb7: {  	[hbm4b:s2+s7] =	stream.indirect.scatter @!p0 [tilespmem:s0], [sflag:$0x1], $0x80, s8, s7, $0xb8;
	[tilespmem:$0x6980] =	vst v63  }
0xb8: {  	_ =	swait.ge @!p0 [sflag:s10], $0x4000  }
0xb9: {  	[sflag:s10] =	ssyncset.done @!p0 $0x0  }
0xba: {  	s5 =	simm.s32 @!p0 $0x4000;
	[sflag:s10] =	ssyncadd.s32 @!p0 $0xFFFFC000  }
0xbb: {  	[tilespmem:s5], [sflag:$0x2] =	stream.linear.gather @!p0 [hbm4b:s4+s0], $0x2000, $0x38;
	[tilespmem:$0x6980] =	vst v63  }
0xbc: {  	_ =	swait.ge @!p0 [sflag:s9], $0x2000  }
0xbd: {  	[sflag:s9] =	ssyncset.done @!p0 $0x0  }
0xbe: {  	s4 =	simm.s32 @!p0 $0x6880;
	[sflag:s9] =	ssyncadd.s32 @!p0 $0xFFFFE000  }
0xbf: {  	[tilespmem:s4], [sflag:$0x2] =	stream.linear.gather @!p0 [hbm4b:s3+s0], $0x40, $0x38;
	[tilespmem:$0x6980] =	vst v63  }
0xc0: {  	_ =	swait.ge @!p0 [sflag:s9], $0x40  }
0xc1: {  	[sflag:s9] =	ssyncset.done @!p0 $0x0  }
0xc2: {  	s0 =	simm.s32 @!p0 $0x40;
	[sflag:s9] =	ssyncadd.s32 @!p0 $0xFFFFFFC0  }
0xc3: {  	[hbm4b:s2+s0] =	stream.indirect.scatter @!p0 [tilespmem:s5], [sflag:$0x1], $0x80, s4, s0, $0xb8;
	[tilespmem:$0x6980] =	vst v63  }
0xc4: {  	_ =	swait.ge @!p0 [sflag:s10], $0x2000  }
0xc5: {  	[sflag:s10] =	ssyncset.done @!p0 $0x0  }
0xc6: {  	[sflag:s10] =	ssyncadd.s32 @!p0 $0xFFFFE000  }
0xc7: {  	_ =	sfence.sel $0x180000  }
0xc8: {  	[bflag:$0x0] =	sbarrier.arrive $0xFFFF  }
0xc9: {  	p0 =	sne.s32 s1, $0x0;
	_ =	strace $0x9000004A  }
0xca: {  	s0 =	sadd.s32 @!p0 $0x100000, s16;
	[bflag:$0x2] =	sbarrier.arrive $0xFFFF  }
0xcb: {  	[sflag:s0] =	ssyncadd.tile.s32 @!p0 $0x1;
	_ =	shalt  }
.LBB2_1:
.Ltmp3:
0xcc: {  	(pc) =	sbr.rel .LBB2_6-.Ltmp3, $2  }
0xcd: {  	_ =	sdelay $0x2  }
0xce: {  	_ = 	snop  }
.LBB2_3:
.Ltmp4:
0xcf: {  	(pc) =	sbr.rel .LBB2_6-.Ltmp4, $2  }
0xd0: {  	_ =	sdelay $0x2  }
0xd1: {  	s16 =	smov.u32 s1;
	s1 =	stileid.u32  }
.Lfunc_end2:
_tile_overlayer_lowered:
.L_overlay_start_2:
0xd2: {  	(tag) =	ssettag $0x2  }
0xd3: {  	s0 =	rddreg [dreg:$0x0];
	s2 =	stileid.u32  }
0xd4: {  	s1 =	rddreg [dreg:$0x1];
	p0 =	sne.s32 s2, $0x0  }
0xd5: {  	s3 =	rddreg [dreg:$0x2];
	[bflag:$0x3] =	sbarrier.arrive $0xFFFF;
	s2 =	simm.s32 @!p0 $0x1C02  }
0xd6: {  	[timem:s3], [sflag:s2] =	dma.local @!p0 [hbm:s0], s1  }
0xd7: {  	s0 =	simm.s32 @!p0 $0x2  }
0xd8: {  	_ =	swait.ge @!p0 [sflag:s0], s1  }
0xd9: {  	s1 =	ssub.s32 @!p0 $0x0, s1;
	[sflag:s0] =	ssyncset.done @!p0 $0x0  }
0xda: {  	[sflag:s0] =	ssyncadd.s32 @!p0 s1  }
0xdb: {  	[bflag:$0x3] =	sbarrier.arrive $0xFFFF  }
0xdc: {  	_ =	shalt  }

// kernel: kernel.16.cloned.1.call-start
scs
__scs_entry_jumppad:
0x0: {  	(pc) =	sbr.rel $0x88, $3  }
0x1: {  	(tag) =	ssettag $0x0;
	lr =	simm.s32 $0x1  }
0x2: {  	[smem:$0x3F90] =	sst lr;
	_ =	strace $0xD0000000  }
0x3: {  	_ = 	snop  }
0x4: {  	_ = 	snop  }
0x5: {  	_ = 	snop  }
0x6: {  	_ = 	snop  }
0x7: {  	_ = 	snop  }
__scs_overlays_trampoline_lowered:
0x8: {  	[smem:$0x3F9F] =	sst s0  }
0x9: {  	[smem:$0x3FA0] =	sst s1  }
0xa: {  	[smem:$0x3FA1] =	sst s2  }
0xb: {  	[smem:$0x3FA2] =	sst s3  }
0xc: {  	[smem:$0x3FA3] =	sst s4  }
0xd: {  	[smem:$0x3FA4] =	sst s5  }
0xe: {  	[smem:$0x3FA5] =	sst s6  }
0xf: {  	[smem:$0x3FA6] =	sst s7  }
0x10: {  	[smem:$0x3FA7] =	sst s8  }
0x11: {  	[smem:$0x3FA8] =	sst s9;
	s0 =	simm.s32 @!p0 $0x0  }
0x12: {  	s1 =	sld [smem:$0x3F8E];
	s0 =	simm.s32 @p0 $0x1  }
0x13: {  	[smem:$0x3FA9] =	sst s0;
	s0 =	simm.s32 @!p1 $0x0  }
0x14: {  	s2 =	sld [smem:$0x3F8D];
	s0 =	simm.s32 @p1 $0x1  }
0x15: {  	[smem:$0x3FAA] =	sst s0;
	s0 =	simm.s32 @!p2 $0x0  }
0x16: {  	s3 =	sld [smem:$0x3FDB];
	s0 =	simm.s32 @p2 $0x1  }
0x17: {  	s4 =	simm.s32 $0x1BF5;
	[smem:$0x3FAC] =	sst s0  }
0x18: {  	s0 =	sld [smem:$0x3F8F];
	_ =	swait.ge [sflag:s4], $0x0  }
0x19: {  	s7 =	sld [smem:$0x3F90]  }
0x1a: {  	s8 =	sadd.s32 $0xFFFFE003, lr  }
0x1b: {  	s9 =	sadd.s32 $0xFFFFFEF7, lr;
	s5 =	simm.s32 $0xFFFFFFFF;
	p2 =	slt.u32 s8, $0xFFFFF086  }
0x1c: {  	p1 =	slt.u32 s9, $0xF7A;
	s5 =	simm.s32 @!p2 $0x0  }
0x1d: {  	s5 =	simm.s32 @p1 $0x1;
	p0 =	seq.s32 s7, s2  }
0x1e: {  	s7 =	smul.u32 @!p0 $0xF7A, s2;
	p2 =	seq.s32 @!p0 s5, $0x0  }
0x1f: {  	s9 =	smul.u32 $0xF7A, s1;
	s8 =	simm.s32 @!p0 $0x1BF5;
	p2 =	por !p2, p0  }
0x20: {  	[sflag:s8] =	ssyncset.s32 @!p0 $0xFFFFF086;
	s6 =	sadd.s32 @!p0 s3, s7;
	s7 =	simm.s32 @!p0 $0x108  }
0x21: {  	s3 =	sadd.s32 s3, s9;
	s6 =	sadd.s32 @!p0 $0x88, s6;
	s7 =	simm.s32 @p2 $0x1082  }
0x22: {  	[simem:s7], [sflag:s8] =	dma.local @!p0 [hbm:s6], $0xF7A  }
0x23: {  	s9 =	sor.u32 $0xD0000000, s2;
	s6 =	simm.s32 $0x108;
	_ =	swait.ge @!p0 [sflag:s8], $0x0  }
0x24: {  	s3 =	sadd.s32 $0x88, s3;
	s6 =	simm.s32 @!p1 $0x1082;
	[sflag:s4] =	ssyncset.s32 $0xFFFFF086  }
0x25: {  	[simem:s6], [sflag:s4] =	dma.local [hbm:s3], $0xF7A  }
0x26: {  	[smem:$0x3F90] =	sst s1;
	(tag) =	ssettag s2;
	_ =	strace s9  }
0x27: {  	s1 =	sld [smem:$0x3FA0]  }
0x28: {  	s2 =	sld [smem:$0x3FA1]  }
0x29: {  	s4 =	sld [smem:$0x3FA3]  }
0x2a: {  	p0 =	seq.s32 s5, $0x0;
	s5 =	sld [smem:$0x3FA4]  }
0x2b: {  	s6 =	sld [smem:$0x3FA5]  }
0x2c: {  	s7 =	sld [smem:$0x3FA6]  }
0x2d: {  	s3 =	simm.s32 $0x108;
	s8 =	sld [smem:$0x3FA7]  }
0x2e: {  	s3 =	simm.s32 @!p0 $0x1082;
	s9 =	sld [smem:$0x3FA8]  }
0x2f: {  	lr =	sadd.s32 s0, s3;
	s0 =	sld [smem:$0x3F9F]  }
0x30: {  	s3 =	sld [smem:$0x3FA2]  }
0x31: {  	[smem:$0x3FAB] =	sst s10  }
0x32: {  	s10 =	sld [smem:$0x3FA9];
	_ =	sdelay $0x3  }
0x33: {  	p0 =	seq.s32 s10, $0x1;
	s10 =	sld [smem:$0x3FAB];
	_ =	sdelay $0x3  }
0x34: {  	[smem:$0x3FAB] =	sst s10  }
0x35: {  	s10 =	sld [smem:$0x3FAA];
	_ =	sdelay $0x3  }
0x36: {  	p1 =	seq.s32 s10, $0x1;
	s10 =	sld [smem:$0x3FAB];
	_ =	sdelay $0x3  }
0x37: {  	[smem:$0x3FAB] =	sst s10  }
0x38: {  	s10 =	sld [smem:$0x3FAC]  }
0x39: {  	_ = 	snop;
	(pc) =	sbr.ind lr, $3  }
0x3a: {  	_ = 	snop  }
0x3b: {  	_ = 	snop  }
0x3c: {  	p2 =	seq.s32 s10, $0x1;
	s10 =	sld [smem:$0x3FAB]  }
0x3d: {  	_ =	shalt  }
0x3e: {  	_ =	shalt  }
0x3f: {  	_ =	shalt  }
0x40: {  	_ =	shalt  }
0x41: {  	_ =	shalt  }
0x42: {  	_ =	shalt  }
0x43: {  	_ =	shalt  }
0x44: {  	_ =	shalt  }
0x45: {  	_ =	shalt  }
0x46: {  	_ =	shalt  }
0x47: {  	_ =	shalt  }
0x48: {  	_ =	shalt  }
0x49: {  	_ =	shalt  }
0x4a: {  	_ =	shalt  }
0x4b: {  	_ =	shalt  }
0x4c: {  	_ =	shalt  }
0x4d: {  	_ =	shalt  }
0x4e: {  	_ =	shalt  }
0x4f: {  	_ =	shalt  }
0x50: {  	_ =	shalt  }
0x51: {  	_ =	shalt  }
0x52: {  	_ =	shalt  }
0x53: {  	_ =	shalt  }
0x54: {  	_ =	shalt  }
0x55: {  	_ =	shalt  }
0x56: {  	_ =	shalt  }
0x57: {  	_ =	shalt  }
0x58: {  	_ =	shalt  }
0x59: {  	_ =	shalt  }
0x5a: {  	_ =	shalt  }
0x5b: {  	_ =	shalt  }
0x5c: {  	_ =	shalt  }
0x5d: {  	_ =	shalt  }
0x5e: {  	_ =	shalt  }
0x5f: {  	_ =	shalt  }
0x60: {  	_ =	shalt  }
0x61: {  	_ =	shalt  }
0x62: {  	_ =	shalt  }
0x63: {  	_ =	shalt  }
0x64: {  	_ =	shalt  }
0x65: {  	_ =	shalt  }
0x66: {  	_ =	shalt  }
0x67: {  	_ =	shalt  }
0x68: {  	_ =	shalt  }
0x69: {  	_ =	shalt  }
0x6a: {  	_ =	shalt  }
0x6b: {  	_ =	shalt  }
0x6c: {  	_ =	shalt  }
0x6d: {  	_ =	shalt  }
0x6e: {  	_ =	shalt  }
0x6f: {  	_ =	shalt  }
0x70: {  	_ =	shalt  }
0x71: {  	_ =	shalt  }
0x72: {  	_ =	shalt  }
0x73: {  	_ =	shalt  }
0x74: {  	_ =	shalt  }
0x75: {  	_ =	shalt  }
0x76: {  	_ =	shalt  }
0x77: {  	_ =	shalt  }
0x78: {  	_ =	shalt  }
0x79: {  	_ =	shalt  }
0x7a: {  	_ =	shalt  }
0x7b: {  	_ =	shalt  }
0x7c: {  	_ =	shalt  }
0x7d: {  	_ =	shalt  }
0x7e: {  	_ =	shalt  }
0x7f: {  	_ =	shalt  }
0x80: {  	_ =	shalt  }
0x81: {  	_ =	shalt  }
0x82: {  	_ =	shalt  }
0x83: {  	_ =	shalt  }
0x84: {  	_ =	shalt  }
0x85: {  	_ =	shalt  }
0x86: {  	_ =	shalt  }
0x87: {  	_ =	shalt  }
.Lfunc_end0:
.L_simem_size_0:
called_computation.2_lowered:
.L_overlay_start_0:
0x88: {  	s2 =	sld [smem:$0x3FD9]  }
0x89: {  	s3 =	sld [smem:$0x3FFE];
	_ =	sdelay $0x1  }
0x8a: {  	s1 =	srdreg.scid  }
0x8b: {  	s0 =	sand.u32 $0x1, s1  }
0x8c: {  	s16 =	sshll.u32 s0, $0xA;
	s2 =	sadd.s32 s3, s2  }
0x8d: {  	s2 =	sadd.s32 s2, s16  }
0x8e: {  	[smem:$0x3FB7] =	sst s2  }
0x8f: {  	_ = 	snop  }
0x90: {  	(tm) =	ssettm $0x1  }
0x91: {  	s17 =	sld [smem:$0x3FFB];
	_ =	sdelay $0x3  }
0x92: {  	_ =	strace s17  }
0x93: {  	s2 =	sld [smem:$0x3FFC];
	_ =	sdelay $0x3  }
0x94: {  	_ =	strace s2  }
0x95: {  	s2 =	sld [smem:$0x3FFD];
	_ =	sdelay $0x3  }
0x96: {  	_ =	strace s2  }
0x97: {  	_ =	strace $0x8FFFFFFF  }
0x98: {  	s18 =	sld [smem:$0x3FDB];
	_ =	sdelay $0x1  }
0x99: {  	s19 =	simm.s32 $_scs_section_size  }
0x9a: {  	s4 =	simm.s32 $_size__tile_overlayer_lowered;
	s5 =	simm.s32 $_tile_overlayer_lowered  }
0x9b: {  	s22 =	simm.s32 $0x1BFF;
	s21 =	sshll.u32 s5, $0x1;
	s2 =	sadd.s32 s19, s18  }
0x9c: {  	s6 =	simm.s32 $0x0;
	s20 =	sshll.u32 s4, $0x1;
	s4 =	sadd.s32 s21, s2  }
0x9d: {  	[timem:s6], [sflag:s22] =	dma.local [hbm:s4], s20  }
0x9e: {  	_ =	swait.ge [sflag:s22], s20  }
0x9f: {  	s3 =	ssub.s32 $0x0, s20;
	[sflag:s22] =	ssyncset.done $0x0  }
0xa0: {  	[sflag:s22] =	ssyncadd.s32 s3;
	_ =	sdelay $0x1  }
0xa1: {  	s23 =	simm.s32 $0x1B8B  }
0xa2: {  	_ =	swait.ge [sflag:s23], $0x1  }
0xa3: {  	[sflag:s23] =	ssyncset.done $0x0  }
0xa4: {  	s25 =	simm.s32 $0x1B8E;
	s24 =	sld [smem:$0x3FFE];
	[sflag:s23] =	ssyncadd.s32 $0xFFFFFFFF  }
0xa5: {  	s26 =	simm.s32 $execute0_lowered;
	[smem:$0x3FD2] =	sst s25  }
0xa6: {  	s4 =	sshll.u32 s26, $0x1;
	_ =	strace $0x8000004C;
	[dreg:$0x1] =	wrdreg $0xFFFFFFFF  }
0xa7: {  	s28 =	simm.s32 $_size_execute0_lowered;
	s2 =	sadd.s32 s2, s4;
	[dreg:$0x0] =	wrdreg $0x0  }
0xa8: {  	s4 =	sshll.u32 s28, $0x1;
	[dreg:$0x2] =	wrdreg s2  }
0xa9: {  	[dreg:$0x3] =	wrdreg s4  }
0xaa: {  	[dreg:$0x4] =	wrdreg $0xC0  }
0xab: {  	_ =	task [dreg:s6], $0x5FFFF  }
0xac: {  	[dreg:$0x1] =	wrdreg $0xFFFFFFFF  }
0xad: {  	[dreg:$0x0] =	wrdreg $0x60  }
0xae: {  	[dreg:$0x2] =	wrdreg s24  }
0xaf: {  	[dreg:$0x3] =	wrdreg $0xAB000  }
0xb0: {  	[dreg:$0x4] =	wrdreg $0x9  }
0xb1: {  	_ =	task.clear_ibuf [dreg:s6], $0x5FFFF;
	_ =	strace $0x9000004C  }
0xb2: {  	s29 =	simm.s32 $0x9;
	_ =	strace $0x8000004E  }
0xb3: {  	_ =	swait.ge [sflag:s29], $0x1  }
0xb4: {  	[sflag:s29] =	ssyncadd.s32 $0xFFFFFFFF  }
0xb5: {  	_ =	strace $0x9000004E  }
0xb6: {  	_ =	sfence  }
0xb7: {  	s30 =	sld [smem:$0x0];
	_ =	sdelay $0x2  }
0xb8: {  	s31 =	sshll.u32 s1, $0xD;
	s1 =	sshrl.u32 s1, $0x2  }
0xb9: {  	s3 =	sand.u32 $0x4000, s31;
	s1 =	sadd.s32 s1, s30  }
0xba: {  	s0 =	sor.u32 s3, s0;
	s1 =	sshll.u32 s1, $0x11  }
0xbb: {  	s0 =	sor.u32 s1, s0  }
0xbc: {  	s0 =	sadd.s32 $0x8F2B, s0  }
0xbd: {  	[sflag:s0] =	ssyncadd.remote.s32 $0x1  }
0xbe: {  	_ =	sfence.sel $0xFFFF  }
0xbf: {  	[dreg:$0x0] =	wrdreg $0xFFFFFFFF;
	(pc) =	sbr.abs _section_cstart, $3  }
0xc0: {  	[dreg:$0x1] =	wrdreg $0xFFFFFFFF  }
0xc1: {  	_ =	task.clear_ibuf [dreg:s6], $0x2FFFF;
	_ =	strace $0x9FFFFFFF  }
0xc2: {  	(tm) =	ssettm $0x7FFFFFFF  }
0xc3: {  	_ =	shalt  }
tec
execute0_lowered:
.L_overlay_start_1:
0x0: {  	(tag) =	ssettag $0x1  }
0x1: {  	s0 =	rddreg [dreg:$0x0]  }
0x2: {  	s5 =	rddreg [dreg:$0x1]  }
0x3: {  	s2 =	srdreg.scid;
	s11 =	stileid.u32  }
0x4: {  	s3 =	simm.s32 $0x0;
	s2 =	sand.u32 $0x1, s2;
	s6 =	smul.u32 $0x14000, s11  }
0x5: {  	[smem:$0x7FF] =	sst s3;
	s4 =	sadd.s32 $0x40000, s0;
	s8 =	smul.u32 $0x50000, s11  }
0x6: {  	s1 =	smul.u32 $0x140000, s2;
	_ =	strace $0x8000004D;
	s25 =	ssub.s32 $0x2, s2  }
0x7: {  	s10 =	sshll.u32 s2, $0x4;
	s2 =	smul.u32 $0x27100, s2;
	s8 =	sshrl.u32 s8, $0x2  }
0x8: {  	s9 =	sshrl.u32 s25, $0x1;
	s26 =	sor.u32 s11, s10;
	s11 =	smul.u32 $0x2710, s11  }
0x9: {  	s7 =	sadd.s32 s6, s1;
	s6 =	sadd.s32 $0x5200, s0;
	s12 =	sadd.s32 s8, s5  }
0xa: {  	s1 =	sadd.s32 $0xF000, s0;
	s28 =	sadd.s32 $0x3400, s12;
	[dreg:$0xc] =	wrdreg s12  }
0xb: {  	s8 =	smul.u32 $0x2710, s26;
	s29 =	sadd.s32 $0x6800, s12;
	[dreg:$0xd] =	wrdreg s28  }
0xc: {  	s7 =	sshrl.u32 s7, $0x3;
	s30 =	sadd.s32 $0x9C00, s12;
	[dreg:$0xe] =	wrdreg s29  }
0xd: {  	s31 =	sadd.s32 $0xD000, s12;
	s10 =	sadd.s32 $0x10400, s12;
	[dreg:$0xf] =	wrdreg s30  }
0xe: {  	s12 =	sadd.s32 $0x13800, s12;
	s2 =	sadd.s32 s11, s2;
	[dreg:$0x10] =	wrdreg s31  }
0xf: {  	s0 =	sadd.s32 s7, s0;
	s7 =	ssub.s32 s25, s9;
	[dreg:$0x11] =	wrdreg s10  }
0x10: {  	[dreg:$0x12] =	wrdreg s12;
	s13 =	sshrl.u32 s8, $0x3;
	s19 =	sadd.s32 $0x270, s8  }
0x11: {  	s14 =	sadd.s32 $0x68, s8;
	s20 =	sadd.s32 $0x2D8, s8;
	[dreg:$0x3] =	wrdreg s19  }
0x12: {  	s21 =	sadd.s32 $0x208, s2;
	s8 =	sadd.s32 $0x340, s8;
	[dreg:$0x4] =	wrdreg s20  }
0x13: {  	s25 =	sadd.s32 $0x1A0, s2;
	s15 =	sadd.s32 s6, s13;
	[dreg:$0x5] =	wrdreg s8  }
0x14: {  	s2 =	sadd.s32 $0x138, s2;
	s16 =	sadd.s32 s1, s13;
	[dreg:$0x13] =	wrdreg s15  }
0x15: {  	s12 =	simm.s32 $0x3;
	s0 =	sadd.s32 $0x8EA00, s0;
	[dreg:$0x14] =	wrdreg s16  }
0x16: {  	s10 =	sshrl.u32 s14, $0x3;
	s31 =	smax.u32 s7, $0x1;
	[dreg:$0x1b] =	wrdreg s0  }
0x17: {  	s18 =	sadd.s32 $0x1A, s13;
	s17 =	sadd.s32 s6, s10;
	[dreg:$0x1c] =	wrdreg s31  }
0x18: {  	s22 =	sshrl.u32 s21, $0x3;
	s10 =	sadd.s32 s1, s10;
	[dreg:$0x15] =	wrdreg s17  }
0x19: {  	s9 =	sadd.s32 $0x4E0, s13;
	s23 =	sadd.s32 s6, s18;
	[dreg:$0x16] =	wrdreg s10  }
0x1a: {  	s8 =	sshrl.u32 s25, $0x3;
	s24 =	sadd.s32 s22, s1;
	[dreg:$0x17] =	wrdreg s23  }
0x1b: {  	s2 =	sshrl.u32 s2, $0x3;
	s26 =	sadd.s32 s22, s6;
	[dreg:$0x6] =	wrdreg s24  }
0x1c: {  	s19 =	simm.s32 $0x5;
	s28 =	sadd.s32 s8, s1;
	[dreg:$0x7] =	wrdreg s26  }
0x1d: {  	s20 =	simm.s32 $0xB;
	s29 =	sadd.s32 s6, s9;
	[dreg:$0x8] =	wrdreg s28  }
0x1e: {  	s7 =	simm.s32 $0x4;
	s8 =	sadd.s32 s8, s6;
	[dreg:$0x19] =	wrdreg s29  }
0x1f: {  	s21 =	simm.s32 $0x8;
	s9 =	sadd.s32 s1, s9;
	[dreg:$0x9] =	wrdreg s8  }
0x20: {  	s30 =	sadd.s32 s2, s1;
	s2 =	sadd.s32 s2, s6;
	[dreg:$0x1a] =	wrdreg s9  }
0x21: {  	s16 =	simm.s32 $0xA;
	s10 =	sadd.s32 s1, s18;
	[dreg:$0xa] =	wrdreg s30  }
0x22: {  	[dreg:$0xb] =	wrdreg s2;
	s8 =	simm.s32 $0x1;
	s9 =	simm.s32 $0x68  }
0x23: {  	v0 =	vimm.f32 $0.0e+00;
	s23 =	simm.s32 $0xC;
	s2 =	simm.s32 $0x0;
	[dreg:$0x18] =	wrdreg s10  }
.LBB2_1:
0x24: {  	s28 =	sand.u32 $0xFE00, s3  }
0x25: {  	[dreg:$0x1d] =	wrdreg s2;
	s29 =	sand.u32 $0x70, s3;
	s30 =	sshrl.u32 s28, $0x2  }
0x26: {  	s28 =	simm.s32 $0x40;
	s30 =	sor.u32 s29, s30;
	s29 =	simm.s32 $0x0  }
.LBB2_2:
0x27: {  	p0 =	sne.s32 s28, $0xCFC0  }
0x28: {  	[tilespmem:s30+$0x600] =	vst v0;
	s29 =	sadd.s32 $0x10, s29;
	s30 =	smov.u32 s28;
	s28 =	sadd.s32 $0x40, s28  }
.Ltmp0:
0x29: {  	(pc) =	sbr.rel @p0 .LBB2_2-.Ltmp0, $4  }
0x2a: {  	_ = 	snop  }
0x2b: {  	s30 =	sand.u32 $0xFE00, s30  }
0x2c: {  	s31 =	sand.u32 $0x70, s29;
	s30 =	sshrl.u32 s30, $0x2  }
0x2d: {  	s30 =	sor.u32 s31, s30  }
0x2e: {  	[tilespmem:s30+$0x600] =	vst v0;
	s0 =	rddreg [dreg:$0xc];
	s10 =	simm.s32 $0x600;
	s2 =	simm.s32 $0xD  }
0x2f: {  	[spmem:s0] =	stream.linear.scatter [tilespmem:s10], [sflag:$0xD], $0x3400, $0x38;
	[tilespmem:$0x1EB00] =	vst v63  }
0x30: {  	_ =	swait.ge [sflag:s2], $0x3400  }
0x31: {  	[sflag:s2] =	ssyncset.done $0x0  }
0x32: {  	s22 =	rddreg [dreg:$0xd];
	[sflag:s2] =	ssyncadd.s32 $0xFFFFCC00  }
0x33: {  	[spmem:s22] =	stream.linear.scatter [tilespmem:s10], [sflag:$0xD], $0x3400, $0x38;
	[tilespmem:$0x1EB00] =	vst v63  }
0x34: {  	_ =	swait.ge [sflag:s2], $0x3400  }
0x35: {  	[sflag:s2] =	ssyncset.done $0x0  }
0x36: {  	s24 =	rddreg [dreg:$0xe];
	[sflag:s2] =	ssyncadd.s32 $0xFFFFCC00  }
0x37: {  	[spmem:s24] =	stream.linear.scatter [tilespmem:s10], [sflag:$0xD], $0x3400, $0x38;
	[tilespmem:$0x1EB00] =	vst v63  }
0x38: {  	_ =	swait.ge [sflag:s2], $0x3400  }
0x39: {  	[sflag:s2] =	ssyncset.done $0x0  }
0x3a: {  	s25 =	rddreg [dreg:$0xf];
	[sflag:s2] =	ssyncadd.s32 $0xFFFFCC00  }
0x3b: {  	[spmem:s25] =	stream.linear.scatter [tilespmem:s10], [sflag:$0xD], $0x3400, $0x38;
	[tilespmem:$0x1EB00] =	vst v63  }
0x3c: {  	_ =	swait.ge [sflag:s2], $0x3400  }
0x3d: {  	[sflag:s2] =	ssyncset.done $0x0  }
0x3e: {  	s26 =	rddreg [dreg:$0x10];
	[sflag:s2] =	ssyncadd.s32 $0xFFFFCC00  }
0x3f: {  	[spmem:s26] =	stream.linear.scatter [tilespmem:s10], [sflag:$0xD], $0x3400, $0x38;
	[tilespmem:$0x1EB00] =	vst v63  }
0x40: {  	_ =	swait.ge [sflag:s2], $0x3400  }
0x41: {  	[sflag:s2] =	ssyncset.done $0x0  }
0x42: {  	s11 =	rddreg [dreg:$0x11];
	[sflag:s2] =	ssyncadd.s32 $0xFFFFCC00  }
0x43: {  	[spmem:s11] =	stream.linear.scatter [tilespmem:s10], [sflag:$0xD], $0x3400, $0x38;
	[tilespmem:$0x1EB00] =	vst v63  }
0x44: {  	_ =	swait.ge [sflag:s2], $0x3400  }
0x45: {  	[sflag:s2] =	ssyncset.done $0x0  }
0x46: {  	s13 =	rddreg [dreg:$0x12];
	[sflag:s2] =	ssyncadd.s32 $0xFFFFCC00  }
0x47: {  	[spmem:s13] =	stream.linear.scatter [tilespmem:s10], [sflag:$0xD], $0x800, $0x38;
	[tilespmem:$0x1EB00] =	vst v63  }
0x48: {  	_ =	swait.ge [sflag:s2], $0x800  }
0x49: {  	[sflag:s2] =	ssyncset.done $0x0  }
0x4a: {  	[sflag:s2] =	ssyncadd.s32 $0xFFFFF800  }
0x4b: {  	[bflag:$0x0] =	sbarrier.arrive $0xFFFF  }
0x4c: {  	s28 =	simm.s32 $0x0;
	s14 =	rddreg [dreg:$0x13]  }
0x4d: {  	[tilespmem:s28], [sflag:$0x1] =	stream.linear.gather [hbm4b:s14+s28], $0x68, $0x38;
	[tilespmem:$0x1EB00] =	vst v63  }
0x4e: {  	s2 =	simm.s32 $0x300;
	s15 =	rddreg [dreg:$0x14]  }
0x4f: {  	[tilespmem:s2], [sflag:$0x1] =	stream.linear.gather [hbm4b:s15+s28], $0x68, $0x38;
	[tilespmem:$0x1EB00] =	vst v63  }
0x50: {  	s17 =	rddreg [dreg:$0x15];
	s15 =	simm.s32 $0x100  }
0x51: {  	[tilespmem:s15], [sflag:$0x3] =	stream.linear.gather [hbm4b:s17+s28], $0x68, $0x38;
	[tilespmem:$0x1EB00] =	vst v63  }
0x52: {  	s11 =	simm.s32 $0x400;
	s18 =	rddreg [dreg:$0x16]  }
0x53: {  	[tilespmem:s11], [sflag:$0x3] =	stream.linear.gather [hbm4b:s18+s28], $0x68, $0x38;
	[tilespmem:$0x1EB00] =	vst v63  }
0x54: {  	p0 =	por $0x1, $0x1;
	s13 =	simm.s32 $0x200;
	s22 =	rddreg [dreg:$0x17]  }
0x55: {  	[tilespmem:s13], [sflag:$0x5] =	stream.linear.gather [hbm4b:s22+s28], $0x68, $0x38;
	[tilespmem:$0x1EB00] =	vst v63  }
0x56: {  	s29 =	simm.s32 @!p0 $0xA;
	s24 =	rddreg [dreg:$0x18];
	s14 =	simm.s32 $0x500  }
0x57: {  	[tilespmem:s14], [sflag:$0x5] =	stream.linear.gather [hbm4b:s24+s28], $0x68, $0x38;
	[tilespmem:$0x1EB00] =	vst v63  }
0x58: {  	_ =	swait.ge @!p0 [sflag:s29], $0x3400  }
0x59: {  	s26 =	simm.s32 $0x80;
	s30 =	rddreg [dreg:$0xb];
	[sflag:s29] =	ssyncset.done @!p0 $0x0  }
0x5a: {  	s31 =	rddreg [dreg:$0xa];
	[sflag:s29] =	ssyncadd.s32 @!p0 $0xFFFFCC00;
	s29 =	sadd.s32 $0x0, s30  }
0x5b: {  	[tilespmem:s26], [sflag:$0x2] =	stream.linear.gather [hbm4b:s29+s3], $0x68, $0x38;
	[tilespmem:$0x1EB00] =	vst v63  }
0x5c: {  	s17 =	simm.s32 $0x380;
	s29 =	sadd.s32 $0x0, s31  }
0x5d: {  	[tilespmem:s17], [sflag:$0x2] =	stream.linear.gather [hbm4b:s29+s3], $0x68, $0x38;
	[tilespmem:$0x1EB00] =	vst v63  }
0x5e: {  	_ =	swait.ge [sflag:s8], $0x68  }
0x5f: {  	[sflag:s8] =	ssyncset.done $0x0  }
0x60: {  	[sflag:s8] =	ssyncadd.s32 $0xFFFFFF98  }
0x61: {  	_ =	swait.ge [sflag:s8], $0x68  }
0x62: {  	[sflag:s8] =	ssyncset.done $0x0  }
0x63: {  	s29 =	simm.s32 @!p0 $0xB;
	[sflag:s8] =	ssyncadd.s32 $0xFFFFFF98  }
0x64: {  	[tilespmem:s10], [sflag:$0x7] =	stream.indirect.gather [hbm4b:s4+s9], $0x80, s3, s9, $0xb8;
	[tilespmem:$0x1EB00] =	vst v63  }
0x65: {  	_ =	swait.ge @!p0 [sflag:s29], $0x3400  }
0x66: {  	s0 =	simm.s32 $0x180;
	s30 =	rddreg [dreg:$0x9];
	[sflag:s29] =	ssyncset.done @!p0 $0x0  }
0x67: {  	s31 =	rddreg [dreg:$0x8];
	[sflag:s29] =	ssyncadd.s32 @!p0 $0xFFFFCC00;
	s29 =	sadd.s32 $0x0, s30  }
0x68: {  	[tilespmem:s0], [sflag:$0x4] =	stream.linear.gather [hbm4b:s29+s3], $0x68, $0x38;
	[tilespmem:$0x1EB00] =	vst v63  }
0x69: {  	s25 =	simm.s32 $0x480;
	s29 =	sadd.s32 $0x0, s31  }
0x6a: {  	[tilespmem:s25], [sflag:$0x4] =	stream.linear.gather [hbm4b:s29+s3], $0x68, $0x38;
	[tilespmem:$0x1EB00] =	vst v63  }
0x6b: {  	_ =	swait.ge [sflag:s12], $0x68  }
0x6c: {  	[sflag:s12] =	ssyncset.done $0x0  }
0x6d: {  	[sflag:s12] =	ssyncadd.s32 $0xFFFFFF98  }
0x6e: {  	_ =	swait.ge [sflag:s12], $0x68  }
0x6f: {  	[sflag:s12] =	ssyncset.done $0x0  }
0x70: {  	s18 =	simm.s32 $0x3A00;
	[sflag:s12] =	ssyncadd.s32 $0xFFFFFF98;
	s12 =	simm.s32 $0x7  }
0x71: {  	[tilespmem:s18], [sflag:$0x8] =	stream.indirect.gather [hbm4b:s4+s9], $0x80, s15, s9, $0xb8;
	[tilespmem:$0x1EB00] =	vst v63  }
0x72: {  	_ =	swait.ge [sflag:s12], $0x3400  }
0x73: {  	[sflag:s12] =	ssyncset.done $0x0  }
0x74: {  	s29 =	simm.s32 @!p0 $0xC;
	[sflag:s12] =	ssyncadd.s32 $0xFFFFCC00  }
0x75: {  	[spmem:s5] =	stream.indirect.scatter.add.f32 [tilespmem:s10], [sflag:$0xA], $0x80, s2, s9, $0xb8;
	[tilespmem:$0x1EB00] =	vst v63  }
0x76: {  	_ =	swait.ge @!p0 [sflag:s29], $0x3400  }
0x77: {  	s25 =	simm.s32 $0x280;
	s30 =	rddreg [dreg:$0x7];
	[sflag:s29] =	ssyncset.done @!p0 $0x0  }
0x78: {  	s31 =	rddreg [dreg:$0x6];
	[sflag:s29] =	ssyncadd.s32 @!p0 $0xFFFFCC00;
	s29 =	sadd.s32 $0x0, s30  }
0x79: {  	[tilespmem:s25], [sflag:$0x6] =	stream.linear.gather [hbm4b:s29+s3], $0x68, $0x38;
	[tilespmem:$0x1EB00] =	vst v63  }
0x7a: {  	s10 =	simm.s32 $0x580;
	s29 =	sadd.s32 $0x0, s31  }
0x7b: {  	[tilespmem:s10], [sflag:$0x6] =	stream.linear.gather [hbm4b:s29+s3], $0x68, $0x38;
	[tilespmem:$0x1EB00] =	vst v63  }
0x7c: {  	_ =	swait.ge [sflag:s19], $0x68  }
0x7d: {  	[sflag:s19] =	ssyncset.done $0x0  }
0x7e: {  	[sflag:s19] =	ssyncadd.s32 $0xFFFFFF98  }
0x7f: {  	_ =	swait.ge [sflag:s19], $0x68  }
0x80: {  	[sflag:s19] =	ssyncset.done $0x0  }
0x81: {  	s24 =	simm.s32 $0x6E00;
	[sflag:s19] =	ssyncadd.s32 $0xFFFFFF98  }
0x82: {  	[tilespmem:s24], [sflag:$0x9] =	stream.indirect.gather [hbm4b:s4+s9], $0x80, s13, s9, $0xb8;
	[tilespmem:$0x1EB00] =	vst v63  }
0x83: {  	_ =	swait.ge [sflag:s21], $0x3400  }
0x84: {  	[sflag:s21] =	ssyncset.done $0x0  }
0x85: {  	s29 =	smin.u32 s28, $0x59;
	[sflag:s21] =	ssyncadd.s32 $0xFFFFCC00  }
0x86: {  	[spmem:s5] =	stream.indirect.scatter.add.f32 [tilespmem:s18], [sflag:$0xB], $0x80, s11, s9, $0xb8;
	[tilespmem:$0x1EB00] =	vst v63  }
0x87: {  	s29 =	smul.u32 $0x68, s29;
	_ =	swait.ge [sflag:s16], $0x3400  }
0x88: {  	s30 =	rddreg [dreg:$0x3]  }
0x89: {  	s29 =	sadd.s32 s29, s30  }
0x8a: {  	[sflag:s16] =	ssyncset.done $0x0;
	s29 =	sshrl.u32 s29, $0x3  }
0x8b: {  	[sflag:s16] =	ssyncadd.s32 $0xFFFFCC00;
	s30 =	sadd.s32 s6, s29  }
0x8c: {  	[tilespmem:s3], [sflag:$0x1] =	stream.linear.gather [hbm4b:s30+s3], $0x68, $0x38;
	[tilespmem:$0x1EB00] =	vst v63  }
0x8d: {  	s22 =	simm.s32 $0x2;
	s29 =	sadd.s32 s1, s29  }
0x8e: {  	[tilespmem:s2], [sflag:$0x1] =	stream.linear.gather [hbm4b:s29+s3], $0x68, $0x38;
	[tilespmem:$0x1EB00] =	vst v63  }
0x8f: {  	_ =	swait.ge [sflag:s22], $0x68  }
0x90: {  	[sflag:s22] =	ssyncset.done $0x0  }
0x91: {  	[sflag:s22] =	ssyncadd.s32 $0xFFFFFF98  }
0x92: {  	_ =	swait.ge [sflag:s22], $0x68  }
0x93: {  	[sflag:s22] =	ssyncset.done $0x0  }
0x94: {  	s31 =	simm.s32 $0x9;
	s16 =	simm.s32 $0x600;
	[sflag:s22] =	ssyncadd.s32 $0xFFFFFF98  }
0x95: {  	[tilespmem:s16], [sflag:$0x7] =	stream.indirect.gather [hbm4b:s4+s9], $0x80, s26, s9, $0xb8;
	[tilespmem:$0x1EB00] =	vst v63  }
0x96: {  	_ =	swait.ge [sflag:s31], $0x3400  }
0x97: {  	[sflag:s31] =	ssyncset.done $0x0  }
0x98: {  	s29 =	smin.u32 s28, $0x58;
	[sflag:s31] =	ssyncadd.s32 $0xFFFFCC00  }
0x99: {  	[spmem:s5] =	stream.indirect.scatter.add.f32 [tilespmem:s24], [sflag:$0xC], $0x80, s14, s9, $0xb8;
	[tilespmem:$0x1EB00] =	vst v63  }
0x9a: {  	s29 =	smul.u32 $0x68, s29;
	_ =	swait.ge [sflag:s20], $0x3400  }
0x9b: {  	s30 =	rddreg [dreg:$0x4]  }
0x9c: {  	s29 =	sadd.s32 s29, s30  }
0x9d: {  	[sflag:s20] =	ssyncset.done $0x0;
	s29 =	sshrl.u32 s29, $0x3  }
0x9e: {  	[sflag:s20] =	ssyncadd.s32 $0xFFFFCC00;
	s30 =	sadd.s32 s6, s29  }
0x9f: {  	[tilespmem:s15], [sflag:$0x3] =	stream.linear.gather [hbm4b:s30+s3], $0x68, $0x38;
	[tilespmem:$0x1EB00] =	vst v63  }
0xa0: {  	s29 =	sadd.s32 s1, s29  }
0xa1: {  	[tilespmem:s11], [sflag:$0x3] =	stream.linear.gather [hbm4b:s29+s3], $0x68, $0x38;
	[tilespmem:$0x1EB00] =	vst v63  }
0xa2: {  	_ =	swait.ge [sflag:s7], $0x68  }
0xa3: {  	[sflag:s7] =	ssyncset.done $0x0  }
0xa4: {  	[sflag:s7] =	ssyncadd.s32 $0xFFFFFF98  }
0xa5: {  	_ =	swait.ge [sflag:s7], $0x68  }
0xa6: {  	[sflag:s7] =	ssyncset.done $0x0  }
0xa7: {  	s15 =	simm.s32 $0x3A00;
	[sflag:s7] =	ssyncadd.s32 $0xFFFFFF98  }
0xa8: {  	[tilespmem:s15], [sflag:$0x8] =	stream.indirect.gather [hbm4b:s4+s9], $0x80, s0, s9, $0xb8;
	[tilespmem:$0x1EB00] =	vst v63  }
0xa9: {  	_ =	swait.ge [sflag:s12], $0x3400  }
0xaa: {  	[sflag:s12] =	ssyncset.done $0x0  }
0xab: {  	s28 =	smin.u32 s28, $0x57;
	[sflag:s12] =	ssyncadd.s32 $0xFFFFCC00  }
0xac: {  	[spmem:s5] =	stream.indirect.scatter.add.f32 [tilespmem:s16], [sflag:$0xA], $0x80, s17, s9, $0xb8;
	[tilespmem:$0x1EB00] =	vst v63  }
0xad: {  	s28 =	smul.u32 $0x68, s28;
	_ =	swait.ge [sflag:s23], $0x3400  }
0xae: {  	s29 =	rddreg [dreg:$0x5]  }
0xaf: {  	s28 =	sadd.s32 s28, s29  }
0xb0: {  	[sflag:s23] =	ssyncset.done $0x0;
	s28 =	sshrl.u32 s28, $0x3  }
0xb1: {  	[sflag:s23] =	ssyncadd.s32 $0xFFFFCC00;
	s29 =	sadd.s32 s6, s28  }
0xb2: {  	[tilespmem:s13], [sflag:$0x5] =	stream.linear.gather [hbm4b:s29+s3], $0x68, $0x38;
	[tilespmem:$0x1EB00] =	vst v63  }
0xb3: {  	s17 =	simm.s32 $0x6;
	s28 =	sadd.s32 s1, s28  }
0xb4: {  	[tilespmem:s14], [sflag:$0x5] =	stream.linear.gather [hbm4b:s28+s3], $0x68, $0x38;
	[tilespmem:$0x1EB00] =	vst v63  }
0xb5: {  	_ =	swait.ge [sflag:s17], $0x68  }
0xb6: {  	[sflag:s17] =	ssyncset.done $0x0  }
0xb7: {  	[sflag:s17] =	ssyncadd.s32 $0xFFFFFF98  }
0xb8: {  	_ =	swait.ge [sflag:s17], $0x68  }
0xb9: {  	[sflag:s17] =	ssyncset.done $0x0  }
0xba: {  	s2 =	simm.s32 $0x6E00;
	[sflag:s17] =	ssyncadd.s32 $0xFFFFFF98  }
0xbb: {  	[tilespmem:s2], [sflag:$0x9] =	stream.indirect.gather [hbm4b:s4+s9], $0x80, s25, s9, $0xb8;
	[tilespmem:$0x1EB00] =	vst v63  }
0xbc: {  	_ =	swait.ge [sflag:s21], $0x3400  }
0xbd: {  	p1 =	por $0x0, $0x0;
	[sflag:s21] =	ssyncset.done $0x0  }
0xbe: {  	s8 =	smov.u32 s1;
	s26 =	simm.s32 $0x480;
	[sflag:s21] =	ssyncadd.s32 $0xFFFFCC00  }
0xbf: {  	[spmem:s5] =	stream.indirect.scatter.add.f32 [tilespmem:s15], [sflag:$0xB], $0x80, s26, s9, $0xb8;
	[tilespmem:$0x1EB00] =	vst v63  }
0xc0: {  	s19 =	simm.s32 $0x5;
	s30 =	simm.s32 $0x9C;
	_ =	swait.ge [sflag:s31], $0x3400  }
0xc1: {  	s29 =	simm.s32 $0x4E;
	s28 =	simm.s32 $0x6;
	[sflag:s31] =	ssyncset.done $0x0  }
.LBB2_4:
0xc2: {  	s0 =	simm.s32 @!p1 $0xA;
	[sflag:s31] =	ssyncadd.s32 $0xFFFFCC00  }
0xc3: {  	[spmem:s5] =	stream.indirect.scatter.add.f32 [tilespmem:s2], [sflag:$0xC], $0x80, s10, s9, $0xb8;
	[tilespmem:$0x1EB00] =	vst v63  }
0xc4: {  	_ =	swait.ge @!p1 [sflag:s0], $0x3400  }
0xc5: {  	s26 =	simm.s32 $0x80;
	[sflag:s0] =	ssyncset.done @!p1 $0x0;
	s18 =	rddreg [dreg:$0xb]  }
0xc6: {  	s20 =	rddreg [dreg:$0xa];
	[sflag:s0] =	ssyncadd.s32 @!p1 $0xFFFFCC00;
	s2 =	sadd.s32 s29, s18  }
0xc7: {  	[tilespmem:s26], [sflag:$0x2] =	stream.linear.gather [hbm4b:s2+s3], $0x68, $0x38;
	[tilespmem:$0x1EB00] =	vst v63  }
0xc8: {  	s13 =	simm.s32 $0x380;
	s24 =	simm.s32 $0x1;
	s0 =	sadd.s32 s29, s20  }
0xc9: {  	[tilespmem:s13], [sflag:$0x2] =	stream.linear.gather [hbm4b:s0+s3], $0x68, $0x38;
	[tilespmem:$0x1EB00] =	vst v63  }
0xca: {  	_ =	swait.ge [sflag:s24], $0x68  }
0xcb: {  	[sflag:s24] =	ssyncset.done $0x0  }
0xcc: {  	[sflag:s24] =	ssyncadd.s32 $0xFFFFFF98  }
0xcd: {  	_ =	swait.ge [sflag:s24], $0x68  }
0xce: {  	[sflag:s24] =	ssyncset.done $0x0  }
0xcf: {  	s0 =	simm.s32 @!p1 $0xB;
	[sflag:s24] =	ssyncadd.s32 $0xFFFFFF98  }
0xd0: {  	[tilespmem:s16], [sflag:$0x7] =	stream.indirect.gather [hbm4b:s4+s9], $0x80, s3, s9, $0xb8;
	[tilespmem:$0x1EB00] =	vst v63  }
0xd1: {  	_ =	swait.ge @!p1 [sflag:s0], $0x3400  }
0xd2: {  	s25 =	rddreg [dreg:$0x9]  }
0xd3: {  	[sflag:s0] =	ssyncset.done @!p1 $0x0;
	s1 =	rddreg [dreg:$0x8]  }
0xd4: {  	[sflag:s0] =	ssyncadd.s32 @!p1 $0xFFFFCC00;
	s11 =	sadd.s32 s29, s25;
	s25 =	simm.s32 $0x180  }
0xd5: {  	[tilespmem:s25], [sflag:$0x4] =	stream.linear.gather [hbm4b:s11+s3], $0x68, $0x38;
	[tilespmem:$0x1EB00] =	vst v63  }
0xd6: {  	s14 =	simm.s32 $0x3;
	s12 =	sadd.s32 s29, s1;
	s11 =	simm.s32 $0x480  }
0xd7: {  	[tilespmem:s11], [sflag:$0x4] =	stream.linear.gather [hbm4b:s12+s3], $0x68, $0x38;
	[tilespmem:$0x1EB00] =	vst v63  }
0xd8: {  	_ =	swait.ge [sflag:s14], $0x68  }
0xd9: {  	[sflag:s14] =	ssyncset.done $0x0  }
0xda: {  	[sflag:s14] =	ssyncadd.s32 $0xFFFFFF98  }
0xdb: {  	_ =	swait.ge [sflag:s14], $0x68  }
0xdc: {  	[sflag:s14] =	ssyncset.done $0x0  }
0xdd: {  	s20 =	simm.s32 $0x100;
	[sflag:s14] =	ssyncadd.s32 $0xFFFFFF98;
	s14 =	simm.s32 $0x7  }
0xde: {  	[tilespmem:s15], [sflag:$0x8] =	stream.indirect.gather [hbm4b:s4+s9], $0x80, s20, s9, $0xb8;
	[tilespmem:$0x1EB00] =	vst v63  }
0xdf: {  	_ =	swait.ge [sflag:s14], $0x3400  }
0xe0: {  	s0 =	simm.s32 @!p1 $0xC;
	[sflag:s14] =	ssyncset.done $0x0  }
0xe1: {  	s1 =	smov.u32 s5;
	s5 =	simm.s32 $0x300;
	[sflag:s14] =	ssyncadd.s32 $0xFFFFCC00  }
0xe2: {  	[spmem:s1] =	stream.indirect.scatter.add.f32 [tilespmem:s16], [sflag:$0xA], $0x80, s5, s9, $0xb8;
	[tilespmem:$0x1EB00] =	vst v63  }
0xe3: {  	_ =	swait.ge @!p1 [sflag:s0], $0x3400  }
0xe4: {  	s24 =	simm.s32 $0x280;
	s15 =	rddreg [dreg:$0x7];
	[sflag:s0] =	ssyncset.done @!p1 $0x0  }
0xe5: {  	s16 =	rddreg [dreg:$0x6];
	[sflag:s0] =	ssyncadd.s32 @!p1 $0xFFFFCC00;
	s18 =	sadd.s32 s29, s15  }
0xe6: {  	[tilespmem:s24], [sflag:$0x6] =	stream.linear.gather [hbm4b:s18+s3], $0x68, $0x38;
	[tilespmem:$0x1EB00] =	vst v63  }
0xe7: {  	s10 =	simm.s32 $0x580;
	s2 =	sadd.s32 s29, s16  }
0xe8: {  	[tilespmem:s10], [sflag:$0x6] =	stream.linear.gather [hbm4b:s2+s3], $0x68, $0x38;
	[tilespmem:$0x1EB00] =	vst v63  }
0xe9: {  	_ =	swait.ge [sflag:s19], $0x68  }
0xea: {  	[sflag:s19] =	ssyncset.done $0x0  }
0xeb: {  	[sflag:s19] =	ssyncadd.s32 $0xFFFFFF98  }
0xec: {  	_ =	swait.ge [sflag:s19], $0x68  }
0xed: {  	[sflag:s19] =	ssyncset.done $0x0  }
0xee: {  	s23 =	simm.s32 $0x6E00;
	s15 =	simm.s32 $0x200;
	[sflag:s19] =	ssyncadd.s32 $0xFFFFFF98  }
0xef: {  	[tilespmem:s23], [sflag:$0x9] =	stream.indirect.gather [hbm4b:s4+s9], $0x80, s15, s9, $0xb8;
	[tilespmem:$0x1EB00] =	vst v63  }
0xf0: {  	_ =	swait.ge [sflag:s21], $0x3400  }
0xf1: {  	s12 =	simm.s32 $0xA;
	s16 =	simm.s32 $0x400;
	[sflag:s21] =	ssyncset.done $0x0  }
0xf2: {  	s0 =	smin.u32 s28, $0x59;
	s18 =	simm.s32 $0x3A00;
	[sflag:s21] =	ssyncadd.s32 $0xFFFFCC00  }
0xf3: {  	[spmem:s1] =	stream.indirect.scatter.add.f32 [tilespmem:s18], [sflag:$0xB], $0x80, s16, s9, $0xb8;
	[tilespmem:$0x1EB00] =	vst v63  }
0xf4: {  	s0 =	smul.u32 $0x68, s0;
	_ =	swait.ge [sflag:s12], $0x3400  }
0xf5: {  	s2 =	rddreg [dreg:$0x3]  }
0xf6: {  	s0 =	sadd.s32 s0, s2  }
0xf7: {  	[sflag:s12] =	ssyncset.done $0x0;
	s0 =	sshrl.u32 s0, $0x3  }
0xf8: {  	[sflag:s12] =	ssyncadd.s32 $0xFFFFCC00;
	s12 =	sadd.s32 s6, s0  }
0xf9: {  	[tilespmem:s3], [sflag:$0x1] =	stream.linear.gather [hbm4b:s12+s3], $0x68, $0x38;
	[tilespmem:$0x1EB00] =	vst v63  }
0xfa: {  	s0 =	sadd.s32 s8, s0  }
0xfb: {  	[tilespmem:s5], [sflag:$0x1] =	stream.linear.gather [hbm4b:s0+s3], $0x68, $0x38;
	[tilespmem:$0x1EB00] =	vst v63  }
0xfc: {  	_ =	swait.ge [sflag:s22], $0x68  }
0xfd: {  	[sflag:s22] =	ssyncset.done $0x0  }
0xfe: {  	[sflag:s22] =	ssyncadd.s32 $0xFFFFFF98  }
0xff: {  	_ =	swait.ge [sflag:s22], $0x68  }
0x100: {  	s7 =	simm.s32 $0x9;
	s31 =	smov.u32 s30;
	[sflag:s22] =	ssyncset.done $0x0  }
0x101: {  	s29 =	smov.u32 s31;
	s31 =	simm.s32 $0x600;
	[sflag:s22] =	ssyncadd.s32 $0xFFFFFF98  }
0x102: {  	[tilespmem:s31], [sflag:$0x7] =	stream.indirect.gather [hbm4b:s4+s9], $0x80, s26, s9, $0xb8;
	[tilespmem:$0x1EB00] =	vst v63  }
0x103: {  	_ =	swait.ge [sflag:s7], $0x3400  }
0x104: {  	[sflag:s7] =	ssyncset.done $0x0  }
0x105: {  	s31 =	simm.s32 $0x500;
	[sflag:s7] =	ssyncadd.s32 $0xFFFFCC00  }
0x106: {  	[spmem:s1] =	stream.indirect.scatter.add.f32 [tilespmem:s23], [sflag:$0xC], $0x80, s31, s9, $0xb8;
	[tilespmem:$0x1EB00] =	vst v63  }
0x107: {  	s12 =	simm.s32 $0xB;
	s23 =	smin.u32 s28, $0x58  }
0x108: {  	_ =	swait.ge [sflag:s12], $0x3400;
	s0 =	smul.u32 $0x68, s23  }
0x109: {  	s26 =	rddreg [dreg:$0x4]  }
0x10a: {  	s0 =	sadd.s32 s0, s26  }
0x10b: {  	[sflag:s12] =	ssyncset.done $0x0;
	s0 =	sshrl.u32 s0, $0x3  }
0x10c: {  	[sflag:s12] =	ssyncadd.s32 $0xFFFFCC00;
	s12 =	sadd.s32 s6, s0  }
0x10d: {  	[tilespmem:s20], [sflag:$0x3] =	stream.linear.gather [hbm4b:s12+s3], $0x68, $0x38;
	[tilespmem:$0x1EB00] =	vst v63  }
0x10e: {  	s7 =	simm.s32 $0x4;
	s0 =	sadd.s32 s8, s0  }
0x10f: {  	[tilespmem:s16], [sflag:$0x3] =	stream.linear.gather [hbm4b:s0+s3], $0x68, $0x38;
	[tilespmem:$0x1EB00] =	vst v63  }
0x110: {  	_ =	swait.ge [sflag:s7], $0x68  }
0x111: {  	[sflag:s7] =	ssyncset.done $0x0  }
0x112: {  	[sflag:s7] =	ssyncadd.s32 $0xFFFFFF98  }
0x113: {  	_ =	swait.ge [sflag:s7], $0x68  }
0x114: {  	[sflag:s7] =	ssyncset.done $0x0  }
0x115: {  	[sflag:s7] =	ssyncadd.s32 $0xFFFFFF98  }
0x116: {  	[tilespmem:s18], [sflag:$0x8] =	stream.indirect.gather [hbm4b:s4+s9], $0x80, s25, s9, $0xb8;
	[tilespmem:$0x1EB00] =	vst v63  }
0x117: {  	_ =	swait.ge [sflag:s14], $0x3400  }
0x118: {  	s23 =	smin.u32 s28, $0x57;
	[sflag:s14] =	ssyncset.done $0x0  }
0x119: {  	s20 =	simm.s32 $0xC;
	s16 =	simm.s32 $0x600;
	[sflag:s14] =	ssyncadd.s32 $0xFFFFCC00  }
0x11a: {  	[spmem:s1] =	stream.indirect.scatter.add.f32 [tilespmem:s16], [sflag:$0xA], $0x80, s13, s9, $0xb8;
	[tilespmem:$0x1EB00] =	vst v63  }
0x11b: {  	s0 =	smul.u32 $0x68, s23;
	_ =	swait.ge [sflag:s20], $0x3400  }
0x11c: {  	s25 =	rddreg [dreg:$0x5]  }
0x11d: {  	s0 =	sadd.s32 s0, s25  }
0x11e: {  	[sflag:s20] =	ssyncset.done $0x0;
	s0 =	sshrl.u32 s0, $0x3  }
0x11f: {  	[sflag:s20] =	ssyncadd.s32 $0xFFFFCC00;
	s26 =	sadd.s32 s6, s0  }
0x120: {  	[tilespmem:s15], [sflag:$0x5] =	stream.linear.gather [hbm4b:s26+s3], $0x68, $0x38;
	[tilespmem:$0x1EB00] =	vst v63  }
0x121: {  	s0 =	sadd.s32 s8, s0  }
0x122: {  	[tilespmem:s31], [sflag:$0x5] =	stream.linear.gather [hbm4b:s0+s3], $0x68, $0x38;
	[tilespmem:$0x1EB00] =	vst v63  }
0x123: {  	_ =	swait.ge [sflag:s17], $0x68  }
0x124: {  	[sflag:s17] =	ssyncset.done $0x0  }
0x125: {  	[sflag:s17] =	ssyncadd.s32 $0xFFFFFF98  }
0x126: {  	_ =	swait.ge [sflag:s17], $0x68  }
0x127: {  	[sflag:s17] =	ssyncset.done $0x0  }
0x128: {  	s30 =	sadd.s32 $0x4E, s30;
	s2 =	simm.s32 $0x6E00;
	[sflag:s17] =	ssyncadd.s32 $0xFFFFFF98  }
0x129: {  	[tilespmem:s2], [sflag:$0x9] =	stream.indirect.gather [hbm4b:s4+s9], $0x80, s24, s9, $0xb8;
	[tilespmem:$0x1EB00] =	vst v63  }
0x12a: {  	p0 =	sne.s32 s30, $0x4E0;
	_ =	swait.ge [sflag:s21], $0x3400  }
.Ltmp1:
0x12b: {  	[sflag:s21] =	ssyncset.done $0x0;
	(pc) =	sbr.rel @p0 .LBB2_4-.Ltmp1, $4  }
0x12c: {  	s15 =	simm.s32 $0x3A00;
	s31 =	simm.s32 $0x9;
	[sflag:s21] =	ssyncadd.s32 $0xFFFFCC00  }
0x12d: {  	[spmem:s1] =	stream.indirect.scatter.add.f32 [tilespmem:s15], [sflag:$0xB], $0x80, s11, s9, $0xb8;
	[tilespmem:$0x1EB00] =	vst v63  }
0x12e: {  	p1 =	seq.s32 s29, $0x0;
	_ =	swait.ge [sflag:s31], $0x3400  }
0x12f: {  	s5 =	smov.u32 s1;
	s28 =	sadd.s32 $0x6, s28;
	[sflag:s31] =	ssyncset.done $0x0  }
0x130: {  	s0 =	simm.s32 @!p1 $0xA;
	[sflag:s31] =	ssyncadd.s32 $0xFFFFCC00  }
0x131: {  	[spmem:s5] =	stream.indirect.scatter.add.f32 [tilespmem:s2], [sflag:$0xC], $0x80, s10, s9, $0xb8;
	[tilespmem:$0x1EB00] =	vst v63  }
0x132: {  	_ =	swait.ge @!p1 [sflag:s0], $0x3400  }
0x133: {  	s26 =	simm.s32 $0x80;
	s11 =	rddreg [dreg:$0xb];
	[sflag:s0] =	ssyncset.done @!p1 $0x0  }
0x134: {  	s12 =	rddreg [dreg:$0xa];
	[sflag:s0] =	ssyncadd.s32 @!p1 $0xFFFFCC00;
	s14 =	sadd.s32 s29, s11  }
0x135: {  	[tilespmem:s26], [sflag:$0x2] =	stream.linear.gather [hbm4b:s14+s3], $0x68, $0x38;
	[tilespmem:$0x1EB00] =	vst v63  }
0x136: {  	s30 =	simm.s32 $0x380;
	s18 =	sadd.s32 s29, s12;
	s12 =	simm.s32 $0x1  }
0x137: {  	[tilespmem:s30], [sflag:$0x2] =	stream.linear.gather [hbm4b:s18+s3], $0x68, $0x38;
	[tilespmem:$0x1EB00] =	vst v63  }
0x138: {  	_ =	swait.ge [sflag:s12], $0x68  }
0x139: {  	[sflag:s12] =	ssyncset.done $0x0  }
0x13a: {  	[sflag:s12] =	ssyncadd.s32 $0xFFFFFF98  }
0x13b: {  	_ =	swait.ge [sflag:s12], $0x68  }
0x13c: {  	[sflag:s12] =	ssyncset.done $0x0  }
0x13d: {  	s0 =	simm.s32 @!p1 $0xB;
	[sflag:s12] =	ssyncadd.s32 $0xFFFFFF98  }
0x13e: {  	[tilespmem:s16], [sflag:$0x7] =	stream.indirect.gather [hbm4b:s4+s9], $0x80, s3, s9, $0xb8;
	[tilespmem:$0x1EB00] =	vst v63  }
0x13f: {  	_ =	swait.ge @!p1 [sflag:s0], $0x3400  }
0x140: {  	s25 =	simm.s32 $0x180;
	s20 =	rddreg [dreg:$0x9];
	[sflag:s0] =	ssyncset.done @!p1 $0x0  }
0x141: {  	s24 =	rddreg [dreg:$0x8];
	[sflag:s0] =	ssyncadd.s32 @!p1 $0xFFFFCC00;
	s5 =	sadd.s32 s29, s20  }
0x142: {  	[tilespmem:s25], [sflag:$0x4] =	stream.linear.gather [hbm4b:s5+s3], $0x68, $0x38;
	[tilespmem:$0x1EB00] =	vst v63  }
0x143: {  	s14 =	simm.s32 $0x480;
	s11 =	sadd.s32 s29, s24  }
0x144: {  	[tilespmem:s14], [sflag:$0x4] =	stream.linear.gather [hbm4b:s11+s3], $0x68, $0x38;
	[tilespmem:$0x1EB00] =	vst v63  }
0x145: {  	s11 =	simm.s32 $0x3  }
0x146: {  	_ =	swait.ge [sflag:s11], $0x68  }
0x147: {  	[sflag:s11] =	ssyncset.done $0x0  }
0x148: {  	[sflag:s11] =	ssyncadd.s32 $0xFFFFFF98  }
0x149: {  	_ =	swait.ge [sflag:s11], $0x68  }
0x14a: {  	[sflag:s11] =	ssyncset.done $0x0  }
0x14b: {  	s20 =	simm.s32 $0x100;
	s14 =	simm.s32 $0x7;
	[sflag:s11] =	ssyncadd.s32 $0xFFFFFF98  }
0x14c: {  	[tilespmem:s15], [sflag:$0x8] =	stream.indirect.gather [hbm4b:s4+s9], $0x80, s20, s9, $0xb8;
	[tilespmem:$0x1EB00] =	vst v63  }
0x14d: {  	_ =	swait.ge [sflag:s14], $0x3400  }
0x14e: {  	[sflag:s14] =	ssyncset.done $0x0  }
0x14f: {  	s0 =	simm.s32 @!p1 $0xC;
	s5 =	simm.s32 $0x300;
	[sflag:s14] =	ssyncadd.s32 $0xFFFFCC00  }
0x150: {  	[spmem:s1] =	stream.indirect.scatter.add.f32 [tilespmem:s16], [sflag:$0xA], $0x80, s5, s9, $0xb8;
	[tilespmem:$0x1EB00] =	vst v63  }
0x151: {  	_ =	swait.ge @!p1 [sflag:s0], $0x3400  }
0x152: {  	s24 =	simm.s32 $0x280;
	s15 =	rddreg [dreg:$0x7];
	[sflag:s0] =	ssyncset.done @!p1 $0x0  }
0x153: {  	s16 =	rddreg [dreg:$0x6];
	[sflag:s0] =	ssyncadd.s32 @!p1 $0xFFFFCC00;
	s18 =	sadd.s32 s29, s15  }
0x154: {  	[tilespmem:s24], [sflag:$0x6] =	stream.linear.gather [hbm4b:s18+s3], $0x68, $0x38;
	[tilespmem:$0x1EB00] =	vst v63  }
0x155: {  	s13 =	simm.s32 $0x580;
	s29 =	sadd.s32 s29, s16  }
0x156: {  	[tilespmem:s13], [sflag:$0x6] =	stream.linear.gather [hbm4b:s29+s3], $0x68, $0x38;
	[tilespmem:$0x1EB00] =	vst v63  }
0x157: {  	_ =	swait.ge [sflag:s19], $0x68  }
0x158: {  	[sflag:s19] =	ssyncset.done $0x0  }
0x159: {  	[sflag:s19] =	ssyncadd.s32 $0xFFFFFF98  }
0x15a: {  	_ =	swait.ge [sflag:s19], $0x68  }
0x15b: {  	[sflag:s19] =	ssyncset.done $0x0  }
0x15c: {  	s23 =	simm.s32 $0x6E00;
	s15 =	simm.s32 $0x200;
	[sflag:s19] =	ssyncadd.s32 $0xFFFFFF98  }
0x15d: {  	[tilespmem:s23], [sflag:$0x9] =	stream.indirect.gather [hbm4b:s4+s9], $0x80, s15, s9, $0xb8;
	[tilespmem:$0x1EB00] =	vst v63  }
0x15e: {  	_ =	swait.ge [sflag:s21], $0x3400  }
0x15f: {  	s2 =	smin.u32 s28, $0x59;
	s16 =	simm.s32 $0x400;
	[sflag:s21] =	ssyncset.done $0x0  }
0x160: {  	s18 =	simm.s32 $0x3A00;
	s13 =	simm.s32 $0xA;
	[sflag:s21] =	ssyncadd.s32 $0xFFFFCC00  }
0x161: {  	[spmem:s1] =	stream.indirect.scatter.add.f32 [tilespmem:s18], [sflag:$0xB], $0x80, s16, s9, $0xb8;
	[tilespmem:$0x1EB00] =	vst v63  }
0x162: {  	s0 =	smul.u32 $0x68, s2;
	_ =	swait.ge [sflag:s13], $0x3400  }
0x163: {  	s10 =	rddreg [dreg:$0x3]  }
0x164: {  	s0 =	sadd.s32 s0, s10  }
0x165: {  	[sflag:s13] =	ssyncset.done $0x0;
	s0 =	sshrl.u32 s0, $0x3  }
0x166: {  	[sflag:s13] =	ssyncadd.s32 $0xFFFFCC00;
	s10 =	sadd.s32 s6, s0  }
0x167: {  	[tilespmem:s3], [sflag:$0x1] =	stream.linear.gather [hbm4b:s10+s3], $0x68, $0x38;
	[tilespmem:$0x1EB00] =	vst v63  }
0x168: {  	s0 =	sadd.s32 s8, s0  }
0x169: {  	[tilespmem:s5], [sflag:$0x1] =	stream.linear.gather [hbm4b:s0+s3], $0x68, $0x38;
	[tilespmem:$0x1EB00] =	vst v63  }
0x16a: {  	_ =	swait.ge [sflag:s22], $0x68  }
0x16b: {  	[sflag:s22] =	ssyncset.done $0x0  }
0x16c: {  	[sflag:s22] =	ssyncadd.s32 $0xFFFFFF98  }
0x16d: {  	_ =	swait.ge [sflag:s22], $0x68  }
0x16e: {  	[sflag:s22] =	ssyncset.done $0x0  }
0x16f: {  	s29 =	simm.s32 $0x600;
	[sflag:s22] =	ssyncadd.s32 $0xFFFFFF98  }
0x170: {  	[tilespmem:s29], [sflag:$0x7] =	stream.indirect.gather [hbm4b:s4+s9], $0x80, s26, s9, $0xb8;
	[tilespmem:$0x1EB00] =	vst v63  }
0x171: {  	_ =	swait.ge [sflag:s31], $0x3400  }
0x172: {  	s2 =	smin.u32 s28, $0x58;
	[sflag:s31] =	ssyncset.done $0x0  }
0x173: {  	s10 =	simm.s32 $0x500;
	s22 =	simm.s32 $0xB;
	[sflag:s31] =	ssyncadd.s32 $0xFFFFCC00  }
0x174: {  	[spmem:s1] =	stream.indirect.scatter.add.f32 [tilespmem:s23], [sflag:$0xC], $0x80, s10, s9, $0xb8;
	[tilespmem:$0x1EB00] =	vst v63  }
0x175: {  	s0 =	smul.u32 $0x68, s2;
	_ =	swait.ge [sflag:s22], $0x3400  }
0x176: {  	s26 =	rddreg [dreg:$0x4]  }
0x177: {  	s0 =	sadd.s32 s0, s26  }
0x178: {  	[sflag:s22] =	ssyncset.done $0x0;
	s0 =	sshrl.u32 s0, $0x3  }
0x179: {  	[sflag:s22] =	ssyncadd.s32 $0xFFFFCC00;
	s26 =	sadd.s32 s6, s0  }
0x17a: {  	[tilespmem:s20], [sflag:$0x3] =	stream.linear.gather [hbm4b:s26+s3], $0x68, $0x38;
	[tilespmem:$0x1EB00] =	vst v63  }
0x17b: {  	s0 =	sadd.s32 s8, s0  }
0x17c: {  	[tilespmem:s16], [sflag:$0x3] =	stream.linear.gather [hbm4b:s0+s3], $0x68, $0x38;
	[tilespmem:$0x1EB00] =	vst v63  }
0x17d: {  	_ =	swait.ge [sflag:s7], $0x68  }
0x17e: {  	[sflag:s7] =	ssyncset.done $0x0  }
0x17f: {  	[sflag:s7] =	ssyncadd.s32 $0xFFFFFF98  }
0x180: {  	_ =	swait.ge [sflag:s7], $0x68  }
0x181: {  	[sflag:s7] =	ssyncset.done $0x0  }
0x182: {  	[sflag:s7] =	ssyncadd.s32 $0xFFFFFF98  }
0x183: {  	[tilespmem:s18], [sflag:$0x8] =	stream.indirect.gather [hbm4b:s4+s9], $0x80, s25, s9, $0xb8;
	[tilespmem:$0x1EB00] =	vst v63  }
0x184: {  	_ =	swait.ge [sflag:s14], $0x3400  }
0x185: {  	[sflag:s14] =	ssyncset.done $0x0  }
0x186: {  	s26 =	smin.u32 s28, $0x57;
	s25 =	simm.s32 $0xC;
	[sflag:s14] =	ssyncadd.s32 $0xFFFFCC00  }
0x187: {  	[spmem:s1] =	stream.indirect.scatter.add.f32 [tilespmem:s29], [sflag:$0xA], $0x80, s30, s9, $0xb8;
	[tilespmem:$0x1EB00] =	vst v63  }
0x188: {  	s0 =	smul.u32 $0x68, s26;
	_ =	swait.ge [sflag:s25], $0x3400  }
0x189: {  	s28 =	rddreg [dreg:$0x5]  }
0x18a: {  	s0 =	sadd.s32 s0, s28  }
0x18b: {  	[sflag:s25] =	ssyncset.done $0x0;
	s0 =	sshrl.u32 s0, $0x3  }
0x18c: {  	[sflag:s25] =	ssyncadd.s32 $0xFFFFCC00;
	s29 =	sadd.s32 s6, s0  }
0x18d: {  	[tilespmem:s15], [sflag:$0x5] =	stream.linear.gather [hbm4b:s29+s3], $0x68, $0x38;
	[tilespmem:$0x1EB00] =	vst v63  }
0x18e: {  	s0 =	sadd.s32 s8, s0  }
0x18f: {  	[tilespmem:s10], [sflag:$0x5] =	stream.linear.gather [hbm4b:s0+s3], $0x68, $0x38;
	[tilespmem:$0x1EB00] =	vst v63  }
0x190: {  	_ =	swait.ge [sflag:s17], $0x68  }
0x191: {  	[sflag:s17] =	ssyncset.done $0x0  }
0x192: {  	[sflag:s17] =	ssyncadd.s32 $0xFFFFFF98  }
0x193: {  	_ =	swait.ge [sflag:s17], $0x68  }
0x194: {  	[sflag:s17] =	ssyncset.done $0x0  }
0x195: {  	[sflag:s17] =	ssyncadd.s32 $0xFFFFFF98  }
0x196: {  	[tilespmem:s23], [sflag:$0x9] =	stream.indirect.gather [hbm4b:s4+s9], $0x80, s24, s9, $0xb8;
	[tilespmem:$0x1EB00] =	vst v63  }
0x197: {  	_ =	swait.ge [sflag:s21], $0x3400  }
0x198: {  	s5 =	smov.u32 s1;
	[sflag:s21] =	ssyncset.done $0x0  }
0x199: {  	s30 =	simm.s32 $0x3A00;
	s15 =	simm.s32 $0x480;
	[sflag:s21] =	ssyncadd.s32 $0xFFFFCC00  }
0x19a: {  	[spmem:s5] =	stream.indirect.scatter.add.f32 [tilespmem:s30], [sflag:$0xB], $0x80, s15, s9, $0xb8;
	[tilespmem:$0x1EB00] =	vst v63  }
0x19b: {  	_ =	swait.ge [sflag:s31], $0x3400  }
0x19c: {  	[sflag:s31] =	ssyncset.done $0x0  }
0x19d: {  	s16 =	simm.s32 $0x580;
	[sflag:s31] =	ssyncadd.s32 $0xFFFFCC00  }
0x19e: {  	[spmem:s5] =	stream.indirect.scatter.add.f32 [tilespmem:s23], [sflag:$0xC], $0x80, s16, s9, $0xb8;
	[tilespmem:$0x1EB00] =	vst v63  }
0x19f: {  	_ =	swait.ge [sflag:s13], $0x3400  }
0x1a0: {  	[sflag:s13] =	ssyncset.done $0x0  }
0x1a1: {  	[sflag:s13] =	ssyncadd.s32 $0xFFFFCC00  }
0x1a2: {  	_ =	swait.ge [sflag:s12], $0x68  }
0x1a3: {  	[sflag:s12] =	ssyncset.done $0x0  }
0x1a4: {  	[sflag:s12] =	ssyncadd.s32 $0xFFFFFF98  }
0x1a5: {  	_ =	swait.ge [sflag:s12], $0x68  }
0x1a6: {  	[sflag:s12] =	ssyncset.done $0x0  }
0x1a7: {  	[sflag:s12] =	ssyncadd.s32 $0xFFFFFF98  }
0x1a8: {  	_ =	swait.ge [sflag:s22], $0x3400  }
0x1a9: {  	[sflag:s22] =	ssyncset.done $0x0  }
0x1aa: {  	[sflag:s22] =	ssyncadd.s32 $0xFFFFCC00  }
0x1ab: {  	_ =	swait.ge [sflag:s11], $0x68  }
0x1ac: {  	[sflag:s11] =	ssyncset.done $0x0  }
0x1ad: {  	[sflag:s11] =	ssyncadd.s32 $0xFFFFFF98  }
0x1ae: {  	_ =	swait.ge [sflag:s11], $0x68  }
0x1af: {  	[sflag:s11] =	ssyncset.done $0x0  }
0x1b0: {  	[sflag:s11] =	ssyncadd.s32 $0xFFFFFF98  }
0x1b1: {  	_ =	swait.ge [sflag:s25], $0x3400  }
0x1b2: {  	[sflag:s25] =	ssyncset.done $0x0  }
0x1b3: {  	[sflag:s25] =	ssyncadd.s32 $0xFFFFCC00  }
0x1b4: {  	_ =	swait.ge [sflag:s19], $0x68  }
0x1b5: {  	[sflag:s19] =	ssyncset.done $0x0  }
0x1b6: {  	[sflag:s19] =	ssyncadd.s32 $0xFFFFFF98  }
0x1b7: {  	_ =	swait.ge [sflag:s19], $0x68  }
0x1b8: {  	s18 =	simm.s32 $0xA200;
	[sflag:s19] =	ssyncset.done $0x0  }
0x1b9: {  	s17 =	rddreg [dreg:$0x19];
	[sflag:s19] =	ssyncadd.s32 $0xFFFFFF98;
	s19 =	simm.s32 $0xD  }
0x1ba: {  	[tilespmem:s18], [sflag:$0xD] =	stream.linear.gather [hbm4b:s17+s3], $0x10, $0x38;
	[tilespmem:$0x1EB00] =	vst v63  }
0x1bb: {  	_ =	swait.ge [sflag:s19], $0x10  }
0x1bc: {  	[sflag:s19] =	ssyncset.done $0x0  }
0x1bd: {  	s22 =	simm.s32 $0xA280;
	s20 =	rddreg [dreg:$0x1a];
	[sflag:s19] =	ssyncadd.s32 $0xFFFFFFF0  }
0x1be: {  	[tilespmem:s22], [sflag:$0xD] =	stream.linear.gather [hbm4b:s20+s3], $0x10, $0x38;
	[tilespmem:$0x1EB00] =	vst v63  }
0x1bf: {  	_ =	swait.ge [sflag:s19], $0x10  }
0x1c0: {  	[sflag:s19] =	ssyncset.done $0x0  }
0x1c1: {  	s24 =	simm.s32 $0xA300;
	s23 =	simm.s32 $0x10;
	[sflag:s19] =	ssyncadd.s32 $0xFFFFFFF0  }
0x1c2: {  	[tilespmem:s24], [sflag:$0x7] =	stream.indirect.gather [hbm4b:s4+s23], $0x80, s18, s23, $0xb8;
	[tilespmem:$0x1EB00] =	vst v63  }
0x1c3: {  	_ =	swait.ge [sflag:s14], $0x800  }
0x1c4: {  	[sflag:s14] =	ssyncset.done $0x0  }
0x1c5: {  	[sflag:s14] =	ssyncadd.s32 $0xFFFFF800  }
0x1c6: {  	[spmem:s5] =	stream.indirect.scatter.add.f32 [tilespmem:s24], [sflag:$0xA], $0x80, s22, s23, $0xb8;
	[tilespmem:$0x1EB00] =	vst v63  }
0x1c7: {  	_ =	swait.ge [sflag:s13], $0x800  }
0x1c8: {  	[sflag:s13] =	ssyncset.done $0x0  }
0x1c9: {  	[sflag:s13] =	ssyncadd.s32 $0xFFFFF800  }
0x1ca: {  	s25 =	stileid.u32;
	[bflag:$0x0] =	sbarrier.arrive $0xFFFF  }
0x1cb: {  	s0 =	sshll.u32 s25, $0x6;
	s26 =	rddreg [dreg:$0xc]  }
0x1cc: {  	s0 =	sor.u32 $0x1C0D, s0;
	s29 =	rddreg [dreg:$0x1b];
	s2 =	sshrl.u32 s26, $0x3  }
0x1cd: {  	[hbm:s29], [sflag:s0] =	dma.local [spmem:s2], $0x2800  }
0x1ce: {  	_ =	swait.ge [sflag:s19], $0x2800  }
0x1cf: {  	s30 =	rddreg [dreg:$0x1d]  }
0x1d0: {  	s31 =	rddreg [dreg:$0x1c];
	s2 =	sadd.s32 $0x1, s30  }
0x1d1: {  	p0 =	sne.s32 s2, s31  }
.Ltmp2:
0x1d2: {  	_ = 	snop;
	(pc) =	sbr.rel @p0 .LBB2_1-.Ltmp2, $4  }
0x1d3: {  	_ = 	snop  }
0x1d4: {  	s1 =	smov.u32 s8;
	s8 =	simm.s32 $0x1;
	s16 =	simm.s32 $0xA  }
0x1d5: {  	s12 =	simm.s32 $0x3;
	s20 =	simm.s32 $0xB;
	[sflag:s19] =	ssyncset.done $0x0  }
0x1d6: {  	s23 =	simm.s32 $0xC;
	[sflag:s19] =	ssyncadd.s32 $0xFFFFD800;
	s19 =	simm.s32 $0x5  }
0x1d7: {  	_ =	sfence.sel $0x180000  }
0x1d8: {  	[bflag:$0x0] =	sbarrier.arrive $0xFFFF  }
0x1d9: {  	_ =	strace $0x9000004D  }
0x1da: {  	s0 =	stileid.u32;
	[bflag:$0x2] =	sbarrier.arrive $0xFFFF  }
0x1db: {  	p0 =	sne.s32 s0, $0x0;
	s0 =	rddreg [dreg:$0x2]  }
0x1dc: {  	s0 =	sadd.s32 @!p0 $0x100000, s0  }
0x1dd: {  	[sflag:s0] =	ssyncadd.tile.s32 @!p0 $0x1;
	_ =	shalt  }
.Lfunc_end2:
_tile_overlayer_lowered:
.L_overlay_start_2:
0x1de: {  	(tag) =	ssettag $0x2  }
0x1df: {  	s0 =	rddreg [dreg:$0x0];
	s2 =	stileid.u32  }
0x1e0: {  	s1 =	rddreg [dreg:$0x1];
	p0 =	sne.s32 s2, $0x0  }
0x1e1: {  	s3 =	rddreg [dreg:$0x2];
	[bflag:$0x3] =	sbarrier.arrive $0xFFFF;
	s2 =	simm.s32 @!p0 $0x1C0D  }
0x1e2: {  	[timem:s3], [sflag:s2] =	dma.local @!p0 [hbm:s0], s1  }
0x1e3: {  	s0 =	simm.s32 @!p0 $0xD  }
0x1e4: {  	_ =	swait.ge @!p0 [sflag:s0], s1  }
0x1e5: {  	s1 =	ssub.s32 @!p0 $0x0, s1;
	[sflag:s0] =	ssyncset.done @!p0 $0x0  }
0x1e6: {  	[sflag:s0] =	ssyncadd.s32 @!p0 s1  }
0x1e7: {  	[bflag:$0x3] =	sbarrier.arrive $0xFFFF  }
0x1e8: {  	_ =	shalt  }

// kernel: kernel.19.cloned.1.call-start
scs
__scs_entry_jumppad:
0x0: {  	(pc) =	sbr.rel $0x88, $3  }
0x1: {  	(tag) =	ssettag $0x0;
	lr =	simm.s32 $0x1  }
0x2: {  	[smem:$0x3F90] =	sst lr;
	_ =	strace $0xD0000000  }
0x3: {  	_ = 	snop  }
0x4: {  	_ = 	snop  }
0x5: {  	_ = 	snop  }
0x6: {  	_ = 	snop  }
0x7: {  	_ = 	snop  }
__scs_overlays_trampoline_lowered:
0x8: {  	[smem:$0x3F9F] =	sst s0  }
0x9: {  	[smem:$0x3FA0] =	sst s1  }
0xa: {  	[smem:$0x3FA1] =	sst s2  }
0xb: {  	[smem:$0x3FA2] =	sst s3  }
0xc: {  	[smem:$0x3FA3] =	sst s4  }
0xd: {  	[smem:$0x3FA4] =	sst s5  }
0xe: {  	[smem:$0x3FA5] =	sst s6  }
0xf: {  	[smem:$0x3FA6] =	sst s7  }
0x10: {  	[smem:$0x3FA7] =	sst s8  }
0x11: {  	[smem:$0x3FA8] =	sst s9;
	s0 =	simm.s32 @!p0 $0x0  }
0x12: {  	s1 =	sld [smem:$0x3F8E];
	s0 =	simm.s32 @p0 $0x1  }
0x13: {  	[smem:$0x3FA9] =	sst s0;
	s0 =	simm.s32 @!p1 $0x0  }
0x14: {  	s2 =	sld [smem:$0x3F8D];
	s0 =	simm.s32 @p1 $0x1  }
0x15: {  	[smem:$0x3FAA] =	sst s0;
	s0 =	simm.s32 @!p2 $0x0  }
0x16: {  	s3 =	sld [smem:$0x3FDB];
	s0 =	simm.s32 @p2 $0x1  }
0x17: {  	s4 =	simm.s32 $0x1BF5;
	[smem:$0x3FAC] =	sst s0  }
0x18: {  	s0 =	sld [smem:$0x3F8F];
	_ =	swait.ge [sflag:s4], $0x0  }
0x19: {  	s7 =	sld [smem:$0x3F90]  }
0x1a: {  	s8 =	sadd.s32 $0xFFFFE003, lr  }
0x1b: {  	s9 =	sadd.s32 $0xFFFFFEF7, lr;
	s5 =	simm.s32 $0xFFFFFFFF;
	p2 =	slt.u32 s8, $0xFFFFF086  }
0x1c: {  	p1 =	slt.u32 s9, $0xF7A;
	s5 =	simm.s32 @!p2 $0x0  }
0x1d: {  	s5 =	simm.s32 @p1 $0x1;
	p0 =	seq.s32 s7, s2  }
0x1e: {  	s7 =	smul.u32 @!p0 $0xF7A, s2;
	p2 =	seq.s32 @!p0 s5, $0x0  }
0x1f: {  	s9 =	smul.u32 $0xF7A, s1;
	s8 =	simm.s32 @!p0 $0x1BF5;
	p2 =	por !p2, p0  }
0x20: {  	[sflag:s8] =	ssyncset.s32 @!p0 $0xFFFFF086;
	s6 =	sadd.s32 @!p0 s3, s7;
	s7 =	simm.s32 @!p0 $0x108  }
0x21: {  	s3 =	sadd.s32 s3, s9;
	s6 =	sadd.s32 @!p0 $0x88, s6;
	s7 =	simm.s32 @p2 $0x1082  }
0x22: {  	[simem:s7], [sflag:s8] =	dma.local @!p0 [hbm:s6], $0xF7A  }
0x23: {  	s9 =	sor.u32 $0xD0000000, s2;
	s6 =	simm.s32 $0x108;
	_ =	swait.ge @!p0 [sflag:s8], $0x0  }
0x24: {  	s3 =	sadd.s32 $0x88, s3;
	s6 =	simm.s32 @!p1 $0x1082;
	[sflag:s4] =	ssyncset.s32 $0xFFFFF086  }
0x25: {  	[simem:s6], [sflag:s4] =	dma.local [hbm:s3], $0xF7A  }
0x26: {  	[smem:$0x3F90] =	sst s1;
	(tag) =	ssettag s2;
	_ =	strace s9  }
0x27: {  	s1 =	sld [smem:$0x3FA0]  }
0x28: {  	s2 =	sld [smem:$0x3FA1]  }
0x29: {  	s4 =	sld [smem:$0x3FA3]  }
0x2a: {  	p0 =	seq.s32 s5, $0x0;
	s5 =	sld [smem:$0x3FA4]  }
0x2b: {  	s6 =	sld [smem:$0x3FA5]  }
0x2c: {  	s7 =	sld [smem:$0x3FA6]  }
0x2d: {  	s3 =	simm.s32 $0x108;
	s8 =	sld [smem:$0x3FA7]  }
0x2e: {  	s3 =	simm.s32 @!p0 $0x1082;
	s9 =	sld [smem:$0x3FA8]  }
0x2f: {  	lr =	sadd.s32 s0, s3;
	s0 =	sld [smem:$0x3F9F]  }
0x30: {  	s3 =	sld [smem:$0x3FA2]  }
0x31: {  	[smem:$0x3FAB] =	sst s10  }
0x32: {  	s10 =	sld [smem:$0x3FA9];
	_ =	sdelay $0x3  }
0x33: {  	p0 =	seq.s32 s10, $0x1;
	s10 =	sld [smem:$0x3FAB];
	_ =	sdelay $0x3  }
0x34: {  	[smem:$0x3FAB] =	sst s10  }
0x35: {  	s10 =	sld [smem:$0x3FAA];
	_ =	sdelay $0x3  }
0x36: {  	p1 =	seq.s32 s10, $0x1;
	s10 =	sld [smem:$0x3FAB];
	_ =	sdelay $0x3  }
0x37: {  	[smem:$0x3FAB] =	sst s10  }
0x38: {  	s10 =	sld [smem:$0x3FAC]  }
0x39: {  	_ = 	snop;
	(pc) =	sbr.ind lr, $3  }
0x3a: {  	_ = 	snop  }
0x3b: {  	_ = 	snop  }
0x3c: {  	p2 =	seq.s32 s10, $0x1;
	s10 =	sld [smem:$0x3FAB]  }
0x3d: {  	_ =	shalt  }
0x3e: {  	_ =	shalt  }
0x3f: {  	_ =	shalt  }
0x40: {  	_ =	shalt  }
0x41: {  	_ =	shalt  }
0x42: {  	_ =	shalt  }
0x43: {  	_ =	shalt  }
0x44: {  	_ =	shalt  }
0x45: {  	_ =	shalt  }
0x46: {  	_ =	shalt  }
0x47: {  	_ =	shalt  }
0x48: {  	_ =	shalt  }
0x49: {  	_ =	shalt  }
0x4a: {  	_ =	shalt  }
0x4b: {  	_ =	shalt  }
0x4c: {  	_ =	shalt  }
0x4d: {  	_ =	shalt  }
0x4e: {  	_ =	shalt  }
0x4f: {  	_ =	shalt  }
0x50: {  	_ =	shalt  }
0x51: {  	_ =	shalt  }
0x52: {  	_ =	shalt  }
0x53: {  	_ =	shalt  }
0x54: {  	_ =	shalt  }
0x55: {  	_ =	shalt  }
0x56: {  	_ =	shalt  }
0x57: {  	_ =	shalt  }
0x58: {  	_ =	shalt  }
0x59: {  	_ =	shalt  }
0x5a: {  	_ =	shalt  }
0x5b: {  	_ =	shalt  }
0x5c: {  	_ =	shalt  }
0x5d: {  	_ =	shalt  }
0x5e: {  	_ =	shalt  }
0x5f: {  	_ =	shalt  }
0x60: {  	_ =	shalt  }
0x61: {  	_ =	shalt  }
0x62: {  	_ =	shalt  }
0x63: {  	_ =	shalt  }
0x64: {  	_ =	shalt  }
0x65: {  	_ =	shalt  }
0x66: {  	_ =	shalt  }
0x67: {  	_ =	shalt  }
0x68: {  	_ =	shalt  }
0x69: {  	_ =	shalt  }
0x6a: {  	_ =	shalt  }
0x6b: {  	_ =	shalt  }
0x6c: {  	_ =	shalt  }
0x6d: {  	_ =	shalt  }
0x6e: {  	_ =	shalt  }
0x6f: {  	_ =	shalt  }
0x70: {  	_ =	shalt  }
0x71: {  	_ =	shalt  }
0x72: {  	_ =	shalt  }
0x73: {  	_ =	shalt  }
0x74: {  	_ =	shalt  }
0x75: {  	_ =	shalt  }
0x76: {  	_ =	shalt  }
0x77: {  	_ =	shalt  }
0x78: {  	_ =	shalt  }
0x79: {  	_ =	shalt  }
0x7a: {  	_ =	shalt  }
0x7b: {  	_ =	shalt  }
0x7c: {  	_ =	shalt  }
0x7d: {  	_ =	shalt  }
0x7e: {  	_ =	shalt  }
0x7f: {  	_ =	shalt  }
0x80: {  	_ =	shalt  }
0x81: {  	_ =	shalt  }
0x82: {  	_ =	shalt  }
0x83: {  	_ =	shalt  }
0x84: {  	_ =	shalt  }
0x85: {  	_ =	shalt  }
0x86: {  	_ =	shalt  }
0x87: {  	_ =	shalt  }
.Lfunc_end0:
.L_simem_size_0:
called_computation.3_lowered:
.L_overlay_start_0:
0x88: {  	s2 =	sld [smem:$0x3FD9]  }
0x89: {  	s3 =	sld [smem:$0x3FFE];
	_ =	sdelay $0x1  }
0x8a: {  	s1 =	srdreg.scid  }
0x8b: {  	s0 =	sand.u32 $0x1, s1  }
0x8c: {  	s16 =	sshll.u32 s0, $0xA;
	s2 =	sadd.s32 s3, s2  }
0x8d: {  	s2 =	sadd.s32 s2, s16  }
0x8e: {  	[smem:$0x3FB7] =	sst s2  }
0x8f: {  	_ = 	snop  }
0x90: {  	(tm) =	ssettm $0x1  }
0x91: {  	s17 =	sld [smem:$0x3FFB];
	_ =	sdelay $0x3  }
0x92: {  	_ =	strace s17  }
0x93: {  	s2 =	sld [smem:$0x3FFC];
	_ =	sdelay $0x3  }
0x94: {  	_ =	strace s2  }
0x95: {  	s2 =	sld [smem:$0x3FFD];
	_ =	sdelay $0x3  }
0x96: {  	_ =	strace s2  }
0x97: {  	_ =	strace $0x8FFFFFFF  }
0x98: {  	s18 =	sld [smem:$0x3FDB];
	_ =	sdelay $0x1  }
0x99: {  	s19 =	simm.s32 $_scs_section_size  }
0x9a: {  	s4 =	simm.s32 $_size__tile_overlayer_lowered;
	s5 =	simm.s32 $_tile_overlayer_lowered  }
0x9b: {  	s22 =	simm.s32 $0x1BFF;
	s21 =	sshll.u32 s5, $0x1;
	s2 =	sadd.s32 s19, s18  }
0x9c: {  	s6 =	simm.s32 $0x0;
	s20 =	sshll.u32 s4, $0x1;
	s4 =	sadd.s32 s21, s2  }
0x9d: {  	[timem:s6], [sflag:s22] =	dma.local [hbm:s4], s20  }
0x9e: {  	_ =	swait.ge [sflag:s22], s20  }
0x9f: {  	s3 =	ssub.s32 $0x0, s20;
	[sflag:s22] =	ssyncset.done $0x0  }
0xa0: {  	[sflag:s22] =	ssyncadd.s32 s3;
	_ =	sdelay $0x1  }
0xa1: {  	s23 =	simm.s32 $0x1B8B  }
0xa2: {  	_ =	swait.ge [sflag:s23], $0x1  }
0xa3: {  	[sflag:s23] =	ssyncset.done $0x0  }
0xa4: {  	s25 =	simm.s32 $0x1B8E;
	s24 =	sld [smem:$0x3FFE];
	[sflag:s23] =	ssyncadd.s32 $0xFFFFFFFF  }
0xa5: {  	s26 =	simm.s32 $execute0_lowered;
	[smem:$0x3FD2] =	sst s25  }
0xa6: {  	s4 =	sshll.u32 s26, $0x1;
	_ =	strace $0x8000004F;
	[dreg:$0x1] =	wrdreg $0xFFFFFFFF  }
0xa7: {  	s28 =	simm.s32 $_size_execute0_lowered;
	s2 =	sadd.s32 s2, s4;
	[dreg:$0x0] =	wrdreg $0x0  }
0xa8: {  	s4 =	sshll.u32 s28, $0x1;
	[dreg:$0x2] =	wrdreg s2  }
0xa9: {  	[dreg:$0x3] =	wrdreg s4  }
0xaa: {  	[dreg:$0x4] =	wrdreg $0xC0  }
0xab: {  	_ =	task [dreg:s6], $0x5FFFF  }
0xac: {  	[dreg:$0x1] =	wrdreg $0xFFFFFFFF  }
0xad: {  	[dreg:$0x0] =	wrdreg $0x60  }
0xae: {  	[dreg:$0x2] =	wrdreg s24  }
0xaf: {  	[dreg:$0x3] =	wrdreg $0xAB000  }
0xb0: {  	[dreg:$0x4] =	wrdreg $0x9  }
0xb1: {  	_ =	task.clear_ibuf [dreg:s6], $0x5FFFF;
	_ =	strace $0x9000004F  }
0xb2: {  	s29 =	simm.s32 $0x9;
	_ =	strace $0x80000051  }
0xb3: {  	_ =	swait.ge [sflag:s29], $0x1  }
0xb4: {  	[sflag:s29] =	ssyncadd.s32 $0xFFFFFFFF  }
0xb5: {  	_ =	strace $0x90000051  }
0xb6: {  	_ =	sfence  }
0xb7: {  	s30 =	sld [smem:$0x0];
	_ =	sdelay $0x2  }
0xb8: {  	s31 =	sshll.u32 s1, $0xD;
	s1 =	sshrl.u32 s1, $0x2  }
0xb9: {  	s3 =	sand.u32 $0x4000, s31;
	s1 =	sadd.s32 s1, s30  }
0xba: {  	s0 =	sor.u32 s3, s0;
	s1 =	sshll.u32 s1, $0x11  }
0xbb: {  	s0 =	sor.u32 s1, s0  }
0xbc: {  	s0 =	sadd.s32 $0x8F2B, s0  }
0xbd: {  	[sflag:s0] =	ssyncadd.remote.s32 $0x1  }
0xbe: {  	_ =	sfence.sel $0xFFFF  }
0xbf: {  	[dreg:$0x0] =	wrdreg $0xFFFFFFFF;
	(pc) =	sbr.abs _section_cstart, $3  }
0xc0: {  	[dreg:$0x1] =	wrdreg $0xFFFFFFFF  }
0xc1: {  	_ =	task.clear_ibuf [dreg:s6], $0x2FFFF;
	_ =	strace $0x9FFFFFFF  }
0xc2: {  	(tm) =	ssettm $0x7FFFFFFF  }
0xc3: {  	_ =	shalt  }
tec
execute0_lowered:
.L_overlay_start_1:
0x0: {  	(tag) =	ssettag $0x1  }
0x1: {  	s0 =	rddreg [dreg:$0x0]  }
0x2: {  	s5 =	rddreg [dreg:$0x1]  }
0x3: {  	s2 =	srdreg.scid;
	s11 =	stileid.u32  }
0x4: {  	s3 =	simm.s32 $0x0;
	s2 =	sand.u32 $0x1, s2;
	s6 =	smul.u32 $0x14000, s11  }
0x5: {  	[smem:$0x7FF] =	sst s3;
	s4 =	sadd.s32 $0x40000, s0;
	s8 =	smul.u32 $0x50000, s11  }
0x6: {  	s1 =	smul.u32 $0x140000, s2;
	_ =	strace $0x80000050;
	s25 =	ssub.s32 $0x2, s2  }
0x7: {  	s10 =	sshll.u32 s2, $0x4;
	s2 =	smul.u32 $0x27100, s2;
	s8 =	sshrl.u32 s8, $0x2  }
0x8: {  	s9 =	sshrl.u32 s25, $0x1;
	s26 =	sor.u32 s11, s10;
	s11 =	smul.u32 $0x2710, s11  }
0x9: {  	s7 =	sadd.s32 s6, s1;
	s6 =	sadd.s32 $0x5200, s0;
	s12 =	sadd.s32 s8, s5  }
0xa: {  	s1 =	sadd.s32 $0xF000, s0;
	s28 =	sadd.s32 $0x3400, s12;
	[dreg:$0xc] =	wrdreg s12  }
0xb: {  	s8 =	smul.u32 $0x2710, s26;
	s29 =	sadd.s32 $0x6800, s12;
	[dreg:$0xd] =	wrdreg s28  }
0xc: {  	s7 =	sshrl.u32 s7, $0x3;
	s30 =	sadd.s32 $0x9C00, s12;
	[dreg:$0xe] =	wrdreg s29  }
0xd: {  	s31 =	sadd.s32 $0xD000, s12;
	s10 =	sadd.s32 $0x10400, s12;
	[dreg:$0xf] =	wrdreg s30  }
0xe: {  	s12 =	sadd.s32 $0x13800, s12;
	s2 =	sadd.s32 s11, s2;
	[dreg:$0x10] =	wrdreg s31  }
0xf: {  	s0 =	sadd.s32 s7, s0;
	s7 =	ssub.s32 s25, s9;
	[dreg:$0x11] =	wrdreg s10  }
0x10: {  	[dreg:$0x12] =	wrdreg s12;
	s13 =	sshrl.u32 s8, $0x3;
	s19 =	sadd.s32 $0x270, s8  }
0x11: {  	s14 =	sadd.s32 $0x68, s8;
	s20 =	sadd.s32 $0x2D8, s8;
	[dreg:$0x3] =	wrdreg s19  }
0x12: {  	s21 =	sadd.s32 $0x208, s2;
	s8 =	sadd.s32 $0x340, s8;
	[dreg:$0x4] =	wrdreg s20  }
0x13: {  	s25 =	sadd.s32 $0x1A0, s2;
	s15 =	sadd.s32 s6, s13;
	[dreg:$0x5] =	wrdreg s8  }
0x14: {  	s2 =	sadd.s32 $0x138, s2;
	s16 =	sadd.s32 s1, s13;
	[dreg:$0x13] =	wrdreg s15  }
0x15: {  	s12 =	simm.s32 $0x3;
	s0 =	sadd.s32 $0x67200, s0;
	[dreg:$0x14] =	wrdreg s16  }
0x16: {  	s10 =	sshrl.u32 s14, $0x3;
	s31 =	smax.u32 s7, $0x1;
	[dreg:$0x1b] =	wrdreg s0  }
0x17: {  	s18 =	sadd.s32 $0x1A, s13;
	s17 =	sadd.s32 s6, s10;
	[dreg:$0x1c] =	wrdreg s31  }
0x18: {  	s22 =	sshrl.u32 s21, $0x3;
	s10 =	sadd.s32 s1, s10;
	[dreg:$0x15] =	wrdreg s17  }
0x19: {  	s9 =	sadd.s32 $0x4E0, s13;
	s23 =	sadd.s32 s6, s18;
	[dreg:$0x16] =	wrdreg s10  }
0x1a: {  	s8 =	sshrl.u32 s25, $0x3;
	s24 =	sadd.s32 s22, s1;
	[dreg:$0x17] =	wrdreg s23  }
0x1b: {  	s2 =	sshrl.u32 s2, $0x3;
	s26 =	sadd.s32 s22, s6;
	[dreg:$0x6] =	wrdreg s24  }
0x1c: {  	s19 =	simm.s32 $0x5;
	s28 =	sadd.s32 s8, s1;
	[dreg:$0x7] =	wrdreg s26  }
0x1d: {  	s20 =	simm.s32 $0xB;
	s29 =	sadd.s32 s6, s9;
	[dreg:$0x8] =	wrdreg s28  }
0x1e: {  	s7 =	simm.s32 $0x4;
	s8 =	sadd.s32 s8, s6;
	[dreg:$0x19] =	wrdreg s29  }
0x1f: {  	s21 =	simm.s32 $0x8;
	s9 =	sadd.s32 s1, s9;
	[dreg:$0x9] =	wrdreg s8  }
0x20: {  	s30 =	sadd.s32 s2, s1;
	s2 =	sadd.s32 s2, s6;
	[dreg:$0x1a] =	wrdreg s9  }
0x21: {  	s16 =	simm.s32 $0xA;
	s10 =	sadd.s32 s1, s18;
	[dreg:$0xa] =	wrdreg s30  }
0x22: {  	[dreg:$0xb] =	wrdreg s2;
	s8 =	simm.s32 $0x1;
	s9 =	simm.s32 $0x68  }
0x23: {  	v0 =	vimm.f32 $0.0e+00;
	s23 =	simm.s32 $0xC;
	s2 =	simm.s32 $0x0;
	[dreg:$0x18] =	wrdreg s10  }
.LBB2_1:
0x24: {  	s28 =	sand.u32 $0xFE00, s3  }
0x25: {  	[dreg:$0x1d] =	wrdreg s2;
	s29 =	sand.u32 $0x70, s3;
	s30 =	sshrl.u32 s28, $0x2  }
0x26: {  	s28 =	simm.s32 $0x40;
	s30 =	sor.u32 s29, s30;
	s29 =	simm.s32 $0x0  }
.LBB2_2:
0x27: {  	p0 =	sne.s32 s28, $0xCFC0  }
0x28: {  	[tilespmem:s30+$0x600] =	vst v0;
	s29 =	sadd.s32 $0x10, s29;
	s30 =	smov.u32 s28;
	s28 =	sadd.s32 $0x40, s28  }
.Ltmp0:
0x29: {  	(pc) =	sbr.rel @p0 .LBB2_2-.Ltmp0, $4  }
0x2a: {  	_ = 	snop  }
0x2b: {  	s30 =	sand.u32 $0xFE00, s30  }
0x2c: {  	s31 =	sand.u32 $0x70, s29;
	s30 =	sshrl.u32 s30, $0x2  }
0x2d: {  	s30 =	sor.u32 s31, s30  }
0x2e: {  	[tilespmem:s30+$0x600] =	vst v0;
	s0 =	rddreg [dreg:$0xc];
	s10 =	simm.s32 $0x600;
	s2 =	simm.s32 $0xD  }
0x2f: {  	[spmem:s0] =	stream.linear.scatter [tilespmem:s10], [sflag:$0xD], $0x3400, $0x38;
	[tilespmem:$0x1EB00] =	vst v63  }
0x30: {  	_ =	swait.ge [sflag:s2], $0x3400  }
0x31: {  	[sflag:s2] =	ssyncset.done $0x0  }
0x32: {  	s22 =	rddreg [dreg:$0xd];
	[sflag:s2] =	ssyncadd.s32 $0xFFFFCC00  }
0x33: {  	[spmem:s22] =	stream.linear.scatter [tilespmem:s10], [sflag:$0xD], $0x3400, $0x38;
	[tilespmem:$0x1EB00] =	vst v63  }
0x34: {  	_ =	swait.ge [sflag:s2], $0x3400  }
0x35: {  	[sflag:s2] =	ssyncset.done $0x0  }
0x36: {  	s24 =	rddreg [dreg:$0xe];
	[sflag:s2] =	ssyncadd.s32 $0xFFFFCC00  }
0x37: {  	[spmem:s24] =	stream.linear.scatter [tilespmem:s10], [sflag:$0xD], $0x3400, $0x38;
	[tilespmem:$0x1EB00] =	vst v63  }
0x38: {  	_ =	swait.ge [sflag:s2], $0x3400  }
0x39: {  	[sflag:s2] =	ssyncset.done $0x0  }
0x3a: {  	s25 =	rddreg [dreg:$0xf];
	[sflag:s2] =	ssyncadd.s32 $0xFFFFCC00  }
0x3b: {  	[spmem:s25] =	stream.linear.scatter [tilespmem:s10], [sflag:$0xD], $0x3400, $0x38;
	[tilespmem:$0x1EB00] =	vst v63  }
0x3c: {  	_ =	swait.ge [sflag:s2], $0x3400  }
0x3d: {  	[sflag:s2] =	ssyncset.done $0x0  }
0x3e: {  	s26 =	rddreg [dreg:$0x10];
	[sflag:s2] =	ssyncadd.s32 $0xFFFFCC00  }
0x3f: {  	[spmem:s26] =	stream.linear.scatter [tilespmem:s10], [sflag:$0xD], $0x3400, $0x38;
	[tilespmem:$0x1EB00] =	vst v63  }
0x40: {  	_ =	swait.ge [sflag:s2], $0x3400  }
0x41: {  	[sflag:s2] =	ssyncset.done $0x0  }
0x42: {  	s11 =	rddreg [dreg:$0x11];
	[sflag:s2] =	ssyncadd.s32 $0xFFFFCC00  }
0x43: {  	[spmem:s11] =	stream.linear.scatter [tilespmem:s10], [sflag:$0xD], $0x3400, $0x38;
	[tilespmem:$0x1EB00] =	vst v63  }
0x44: {  	_ =	swait.ge [sflag:s2], $0x3400  }
0x45: {  	[sflag:s2] =	ssyncset.done $0x0  }
0x46: {  	s13 =	rddreg [dreg:$0x12];
	[sflag:s2] =	ssyncadd.s32 $0xFFFFCC00  }
0x47: {  	[spmem:s13] =	stream.linear.scatter [tilespmem:s10], [sflag:$0xD], $0x800, $0x38;
	[tilespmem:$0x1EB00] =	vst v63  }
0x48: {  	_ =	swait.ge [sflag:s2], $0x800  }
0x49: {  	[sflag:s2] =	ssyncset.done $0x0  }
0x4a: {  	[sflag:s2] =	ssyncadd.s32 $0xFFFFF800  }
0x4b: {  	[bflag:$0x0] =	sbarrier.arrive $0xFFFF  }
0x4c: {  	s28 =	simm.s32 $0x0;
	s14 =	rddreg [dreg:$0x13]  }
0x4d: {  	[tilespmem:s28], [sflag:$0x1] =	stream.linear.gather [hbm4b:s14+s28], $0x68, $0x38;
	[tilespmem:$0x1EB00] =	vst v63  }
0x4e: {  	s2 =	simm.s32 $0x300;
	s15 =	rddreg [dreg:$0x14]  }
0x4f: {  	[tilespmem:s2], [sflag:$0x1] =	stream.linear.gather [hbm4b:s15+s28], $0x68, $0x38;
	[tilespmem:$0x1EB00] =	vst v63  }
0x50: {  	s17 =	rddreg [dreg:$0x15];
	s15 =	simm.s32 $0x100  }
0x51: {  	[tilespmem:s15], [sflag:$0x3] =	stream.linear.gather [hbm4b:s17+s28], $0x68, $0x38;
	[tilespmem:$0x1EB00] =	vst v63  }
0x52: {  	s11 =	simm.s32 $0x400;
	s18 =	rddreg [dreg:$0x16]  }
0x53: {  	[tilespmem:s11], [sflag:$0x3] =	stream.linear.gather [hbm4b:s18+s28], $0x68, $0x38;
	[tilespmem:$0x1EB00] =	vst v63  }
0x54: {  	p0 =	por $0x1, $0x1;
	s13 =	simm.s32 $0x200;
	s22 =	rddreg [dreg:$0x17]  }
0x55: {  	[tilespmem:s13], [sflag:$0x5] =	stream.linear.gather [hbm4b:s22+s28], $0x68, $0x38;
	[tilespmem:$0x1EB00] =	vst v63  }
0x56: {  	s29 =	simm.s32 @!p0 $0xA;
	s24 =	rddreg [dreg:$0x18];
	s14 =	simm.s32 $0x500  }
0x57: {  	[tilespmem:s14], [sflag:$0x5] =	stream.linear.gather [hbm4b:s24+s28], $0x68, $0x38;
	[tilespmem:$0x1EB00] =	vst v63  }
0x58: {  	_ =	swait.ge @!p0 [sflag:s29], $0x3400  }
0x59: {  	s26 =	simm.s32 $0x80;
	s30 =	rddreg [dreg:$0xb];
	[sflag:s29] =	ssyncset.done @!p0 $0x0  }
0x5a: {  	s31 =	rddreg [dreg:$0xa];
	[sflag:s29] =	ssyncadd.s32 @!p0 $0xFFFFCC00;
	s29 =	sadd.s32 $0x0, s30  }
0x5b: {  	[tilespmem:s26], [sflag:$0x2] =	stream.linear.gather [hbm4b:s29+s3], $0x68, $0x38;
	[tilespmem:$0x1EB00] =	vst v63  }
0x5c: {  	s17 =	simm.s32 $0x380;
	s29 =	sadd.s32 $0x0, s31  }
0x5d: {  	[tilespmem:s17], [sflag:$0x2] =	stream.linear.gather [hbm4b:s29+s3], $0x68, $0x38;
	[tilespmem:$0x1EB00] =	vst v63  }
0x5e: {  	_ =	swait.ge [sflag:s8], $0x68  }
0x5f: {  	[sflag:s8] =	ssyncset.done $0x0  }
0x60: {  	[sflag:s8] =	ssyncadd.s32 $0xFFFFFF98  }
0x61: {  	_ =	swait.ge [sflag:s8], $0x68  }
0x62: {  	[sflag:s8] =	ssyncset.done $0x0  }
0x63: {  	s29 =	simm.s32 @!p0 $0xB;
	[sflag:s8] =	ssyncadd.s32 $0xFFFFFF98  }
0x64: {  	[tilespmem:s10], [sflag:$0x7] =	stream.indirect.gather [hbm4b:s4+s9], $0x80, s3, s9, $0xb8;
	[tilespmem:$0x1EB00] =	vst v63  }
0x65: {  	_ =	swait.ge @!p0 [sflag:s29], $0x3400  }
0x66: {  	s0 =	simm.s32 $0x180;
	s30 =	rddreg [dreg:$0x9];
	[sflag:s29] =	ssyncset.done @!p0 $0x0  }
0x67: {  	s31 =	rddreg [dreg:$0x8];
	[sflag:s29] =	ssyncadd.s32 @!p0 $0xFFFFCC00;
	s29 =	sadd.s32 $0x0, s30  }
0x68: {  	[tilespmem:s0], [sflag:$0x4] =	stream.linear.gather [hbm4b:s29+s3], $0x68, $0x38;
	[tilespmem:$0x1EB00] =	vst v63  }
0x69: {  	s25 =	simm.s32 $0x480;
	s29 =	sadd.s32 $0x0, s31  }
0x6a: {  	[tilespmem:s25], [sflag:$0x4] =	stream.linear.gather [hbm4b:s29+s3], $0x68, $0x38;
	[tilespmem:$0x1EB00] =	vst v63  }
0x6b: {  	_ =	swait.ge [sflag:s12], $0x68  }
0x6c: {  	[sflag:s12] =	ssyncset.done $0x0  }
0x6d: {  	[sflag:s12] =	ssyncadd.s32 $0xFFFFFF98  }
0x6e: {  	_ =	swait.ge [sflag:s12], $0x68  }
0x6f: {  	[sflag:s12] =	ssyncset.done $0x0  }
0x70: {  	s18 =	simm.s32 $0x3A00;
	[sflag:s12] =	ssyncadd.s32 $0xFFFFFF98;
	s12 =	simm.s32 $0x7  }
0x71: {  	[tilespmem:s18], [sflag:$0x8] =	stream.indirect.gather [hbm4b:s4+s9], $0x80, s15, s9, $0xb8;
	[tilespmem:$0x1EB00] =	vst v63  }
0x72: {  	_ =	swait.ge [sflag:s12], $0x3400  }
0x73: {  	[sflag:s12] =	ssyncset.done $0x0  }
0x74: {  	s29 =	simm.s32 @!p0 $0xC;
	[sflag:s12] =	ssyncadd.s32 $0xFFFFCC00  }
0x75: {  	[spmem:s5] =	stream.indirect.scatter.add.f32 [tilespmem:s10], [sflag:$0xA], $0x80, s2, s9, $0xb8;
	[tilespmem:$0x1EB00] =	vst v63  }
0x76: {  	_ =	swait.ge @!p0 [sflag:s29], $0x3400  }
0x77: {  	s25 =	simm.s32 $0x280;
	s30 =	rddreg [dreg:$0x7];
	[sflag:s29] =	ssyncset.done @!p0 $0x0  }
0x78: {  	s31 =	rddreg [dreg:$0x6];
	[sflag:s29] =	ssyncadd.s32 @!p0 $0xFFFFCC00;
	s29 =	sadd.s32 $0x0, s30  }
0x79: {  	[tilespmem:s25], [sflag:$0x6] =	stream.linear.gather [hbm4b:s29+s3], $0x68, $0x38;
	[tilespmem:$0x1EB00] =	vst v63  }
0x7a: {  	s10 =	simm.s32 $0x580;
	s29 =	sadd.s32 $0x0, s31  }
0x7b: {  	[tilespmem:s10], [sflag:$0x6] =	stream.linear.gather [hbm4b:s29+s3], $0x68, $0x38;
	[tilespmem:$0x1EB00] =	vst v63  }
0x7c: {  	_ =	swait.ge [sflag:s19], $0x68  }
0x7d: {  	[sflag:s19] =	ssyncset.done $0x0  }
0x7e: {  	[sflag:s19] =	ssyncadd.s32 $0xFFFFFF98  }
0x7f: {  	_ =	swait.ge [sflag:s19], $0x68  }
0x80: {  	[sflag:s19] =	ssyncset.done $0x0  }
0x81: {  	s24 =	simm.s32 $0x6E00;
	[sflag:s19] =	ssyncadd.s32 $0xFFFFFF98  }
0x82: {  	[tilespmem:s24], [sflag:$0x9] =	stream.indirect.gather [hbm4b:s4+s9], $0x80, s13, s9, $0xb8;
	[tilespmem:$0x1EB00] =	vst v63  }
0x83: {  	_ =	swait.ge [sflag:s21], $0x3400  }
0x84: {  	[sflag:s21] =	ssyncset.done $0x0  }
0x85: {  	s29 =	smin.u32 s28, $0x59;
	[sflag:s21] =	ssyncadd.s32 $0xFFFFCC00  }
0x86: {  	[spmem:s5] =	stream.indirect.scatter.add.f32 [tilespmem:s18], [sflag:$0xB], $0x80, s11, s9, $0xb8;
	[tilespmem:$0x1EB00] =	vst v63  }
0x87: {  	s29 =	smul.u32 $0x68, s29;
	_ =	swait.ge [sflag:s16], $0x3400  }
0x88: {  	s30 =	rddreg [dreg:$0x3]  }
0x89: {  	s29 =	sadd.s32 s29, s30  }
0x8a: {  	[sflag:s16] =	ssyncset.done $0x0;
	s29 =	sshrl.u32 s29, $0x3  }
0x8b: {  	[sflag:s16] =	ssyncadd.s32 $0xFFFFCC00;
	s30 =	sadd.s32 s6, s29  }
0x8c: {  	[tilespmem:s3], [sflag:$0x1] =	stream.linear.gather [hbm4b:s30+s3], $0x68, $0x38;
	[tilespmem:$0x1EB00] =	vst v63  }
0x8d: {  	s22 =	simm.s32 $0x2;
	s29 =	sadd.s32 s1, s29  }
0x8e: {  	[tilespmem:s2], [sflag:$0x1] =	stream.linear.gather [hbm4b:s29+s3], $0x68, $0x38;
	[tilespmem:$0x1EB00] =	vst v63  }
0x8f: {  	_ =	swait.ge [sflag:s22], $0x68  }
0x90: {  	[sflag:s22] =	ssyncset.done $0x0  }
0x91: {  	[sflag:s22] =	ssyncadd.s32 $0xFFFFFF98  }
0x92: {  	_ =	swait.ge [sflag:s22], $0x68  }
0x93: {  	[sflag:s22] =	ssyncset.done $0x0  }
0x94: {  	s31 =	simm.s32 $0x9;
	s16 =	simm.s32 $0x600;
	[sflag:s22] =	ssyncadd.s32 $0xFFFFFF98  }
0x95: {  	[tilespmem:s16], [sflag:$0x7] =	stream.indirect.gather [hbm4b:s4+s9], $0x80, s26, s9, $0xb8;
	[tilespmem:$0x1EB00] =	vst v63  }
0x96: {  	_ =	swait.ge [sflag:s31], $0x3400  }
0x97: {  	[sflag:s31] =	ssyncset.done $0x0  }
0x98: {  	s29 =	smin.u32 s28, $0x58;
	[sflag:s31] =	ssyncadd.s32 $0xFFFFCC00  }
0x99: {  	[spmem:s5] =	stream.indirect.scatter.add.f32 [tilespmem:s24], [sflag:$0xC], $0x80, s14, s9, $0xb8;
	[tilespmem:$0x1EB00] =	vst v63  }
0x9a: {  	s29 =	smul.u32 $0x68, s29;
	_ =	swait.ge [sflag:s20], $0x3400  }
0x9b: {  	s30 =	rddreg [dreg:$0x4]  }
0x9c: {  	s29 =	sadd.s32 s29, s30  }
0x9d: {  	[sflag:s20] =	ssyncset.done $0x0;
	s29 =	sshrl.u32 s29, $0x3  }
0x9e: {  	[sflag:s20] =	ssyncadd.s32 $0xFFFFCC00;
	s30 =	sadd.s32 s6, s29  }
0x9f: {  	[tilespmem:s15], [sflag:$0x3] =	stream.linear.gather [hbm4b:s30+s3], $0x68, $0x38;
	[tilespmem:$0x1EB00] =	vst v63  }
0xa0: {  	s29 =	sadd.s32 s1, s29  }
0xa1: {  	[tilespmem:s11], [sflag:$0x3] =	stream.linear.gather [hbm4b:s29+s3], $0x68, $0x38;
	[tilespmem:$0x1EB00] =	vst v63  }
0xa2: {  	_ =	swait.ge [sflag:s7], $0x68  }
0xa3: {  	[sflag:s7] =	ssyncset.done $0x0  }
0xa4: {  	[sflag:s7] =	ssyncadd.s32 $0xFFFFFF98  }
0xa5: {  	_ =	swait.ge [sflag:s7], $0x68  }
0xa6: {  	[sflag:s7] =	ssyncset.done $0x0  }
0xa7: {  	s15 =	simm.s32 $0x3A00;
	[sflag:s7] =	ssyncadd.s32 $0xFFFFFF98  }
0xa8: {  	[tilespmem:s15], [sflag:$0x8] =	stream.indirect.gather [hbm4b:s4+s9], $0x80, s0, s9, $0xb8;
	[tilespmem:$0x1EB00] =	vst v63  }
0xa9: {  	_ =	swait.ge [sflag:s12], $0x3400  }
0xaa: {  	[sflag:s12] =	ssyncset.done $0x0  }
0xab: {  	s28 =	smin.u32 s28, $0x57;
	[sflag:s12] =	ssyncadd.s32 $0xFFFFCC00  }
0xac: {  	[spmem:s5] =	stream.indirect.scatter.add.f32 [tilespmem:s16], [sflag:$0xA], $0x80, s17, s9, $0xb8;
	[tilespmem:$0x1EB00] =	vst v63  }
0xad: {  	s28 =	smul.u32 $0x68, s28;
	_ =	swait.ge [sflag:s23], $0x3400  }
0xae: {  	s29 =	rddreg [dreg:$0x5]  }
0xaf: {  	s28 =	sadd.s32 s28, s29  }
0xb0: {  	[sflag:s23] =	ssyncset.done $0x0;
	s28 =	sshrl.u32 s28, $0x3  }
0xb1: {  	[sflag:s23] =	ssyncadd.s32 $0xFFFFCC00;
	s29 =	sadd.s32 s6, s28  }
0xb2: {  	[tilespmem:s13], [sflag:$0x5] =	stream.linear.gather [hbm4b:s29+s3], $0x68, $0x38;
	[tilespmem:$0x1EB00] =	vst v63  }
0xb3: {  	s17 =	simm.s32 $0x6;
	s28 =	sadd.s32 s1, s28  }
0xb4: {  	[tilespmem:s14], [sflag:$0x5] =	stream.linear.gather [hbm4b:s28+s3], $0x68, $0x38;
	[tilespmem:$0x1EB00] =	vst v63  }
0xb5: {  	_ =	swait.ge [sflag:s17], $0x68  }
0xb6: {  	[sflag:s17] =	ssyncset.done $0x0  }
0xb7: {  	[sflag:s17] =	ssyncadd.s32 $0xFFFFFF98  }
0xb8: {  	_ =	swait.ge [sflag:s17], $0x68  }
0xb9: {  	[sflag:s17] =	ssyncset.done $0x0  }
0xba: {  	s2 =	simm.s32 $0x6E00;
	[sflag:s17] =	ssyncadd.s32 $0xFFFFFF98  }
0xbb: {  	[tilespmem:s2], [sflag:$0x9] =	stream.indirect.gather [hbm4b:s4+s9], $0x80, s25, s9, $0xb8;
	[tilespmem:$0x1EB00] =	vst v63  }
0xbc: {  	_ =	swait.ge [sflag:s21], $0x3400  }
0xbd: {  	p1 =	por $0x0, $0x0;
	[sflag:s21] =	ssyncset.done $0x0  }
0xbe: {  	s8 =	smov.u32 s1;
	s26 =	simm.s32 $0x480;
	[sflag:s21] =	ssyncadd.s32 $0xFFFFCC00  }
0xbf: {  	[spmem:s5] =	stream.indirect.scatter.add.f32 [tilespmem:s15], [sflag:$0xB], $0x80, s26, s9, $0xb8;
	[tilespmem:$0x1EB00] =	vst v63  }
0xc0: {  	s19 =	simm.s32 $0x5;
	s30 =	simm.s32 $0x9C;
	_ =	swait.ge [sflag:s31], $0x3400  }
0xc1: {  	s29 =	simm.s32 $0x4E;
	s28 =	simm.s32 $0x6;
	[sflag:s31] =	ssyncset.done $0x0  }
.LBB2_4:
0xc2: {  	s0 =	simm.s32 @!p1 $0xA;
	[sflag:s31] =	ssyncadd.s32 $0xFFFFCC00  }
0xc3: {  	[spmem:s5] =	stream.indirect.scatter.add.f32 [tilespmem:s2], [sflag:$0xC], $0x80, s10, s9, $0xb8;
	[tilespmem:$0x1EB00] =	vst v63  }
0xc4: {  	_ =	swait.ge @!p1 [sflag:s0], $0x3400  }
0xc5: {  	s26 =	simm.s32 $0x80;
	[sflag:s0] =	ssyncset.done @!p1 $0x0;
	s18 =	rddreg [dreg:$0xb]  }
0xc6: {  	s20 =	rddreg [dreg:$0xa];
	[sflag:s0] =	ssyncadd.s32 @!p1 $0xFFFFCC00;
	s2 =	sadd.s32 s29, s18  }
0xc7: {  	[tilespmem:s26], [sflag:$0x2] =	stream.linear.gather [hbm4b:s2+s3], $0x68, $0x38;
	[tilespmem:$0x1EB00] =	vst v63  }
0xc8: {  	s13 =	simm.s32 $0x380;
	s24 =	simm.s32 $0x1;
	s0 =	sadd.s32 s29, s20  }
0xc9: {  	[tilespmem:s13], [sflag:$0x2] =	stream.linear.gather [hbm4b:s0+s3], $0x68, $0x38;
	[tilespmem:$0x1EB00] =	vst v63  }
0xca: {  	_ =	swait.ge [sflag:s24], $0x68  }
0xcb: {  	[sflag:s24] =	ssyncset.done $0x0  }
0xcc: {  	[sflag:s24] =	ssyncadd.s32 $0xFFFFFF98  }
0xcd: {  	_ =	swait.ge [sflag:s24], $0x68  }
0xce: {  	[sflag:s24] =	ssyncset.done $0x0  }
0xcf: {  	s0 =	simm.s32 @!p1 $0xB;
	[sflag:s24] =	ssyncadd.s32 $0xFFFFFF98  }
0xd0: {  	[tilespmem:s16], [sflag:$0x7] =	stream.indirect.gather [hbm4b:s4+s9], $0x80, s3, s9, $0xb8;
	[tilespmem:$0x1EB00] =	vst v63  }
0xd1: {  	_ =	swait.ge @!p1 [sflag:s0], $0x3400  }
0xd2: {  	s25 =	rddreg [dreg:$0x9]  }
0xd3: {  	[sflag:s0] =	ssyncset.done @!p1 $0x0;
	s1 =	rddreg [dreg:$0x8]  }
0xd4: {  	[sflag:s0] =	ssyncadd.s32 @!p1 $0xFFFFCC00;
	s11 =	sadd.s32 s29, s25;
	s25 =	simm.s32 $0x180  }
0xd5: {  	[tilespmem:s25], [sflag:$0x4] =	stream.linear.gather [hbm4b:s11+s3], $0x68, $0x38;
	[tilespmem:$0x1EB00] =	vst v63  }
0xd6: {  	s14 =	simm.s32 $0x3;
	s12 =	sadd.s32 s29, s1;
	s11 =	simm.s32 $0x480  }
0xd7: {  	[tilespmem:s11], [sflag:$0x4] =	stream.linear.gather [hbm4b:s12+s3], $0x68, $0x38;
	[tilespmem:$0x1EB00] =	vst v63  }
0xd8: {  	_ =	swait.ge [sflag:s14], $0x68  }
0xd9: {  	[sflag:s14] =	ssyncset.done $0x0  }
0xda: {  	[sflag:s14] =	ssyncadd.s32 $0xFFFFFF98  }
0xdb: {  	_ =	swait.ge [sflag:s14], $0x68  }
0xdc: {  	[sflag:s14] =	ssyncset.done $0x0  }
0xdd: {  	s20 =	simm.s32 $0x100;
	[sflag:s14] =	ssyncadd.s32 $0xFFFFFF98;
	s14 =	simm.s32 $0x7  }
0xde: {  	[tilespmem:s15], [sflag:$0x8] =	stream.indirect.gather [hbm4b:s4+s9], $0x80, s20, s9, $0xb8;
	[tilespmem:$0x1EB00] =	vst v63  }
0xdf: {  	_ =	swait.ge [sflag:s14], $0x3400  }
0xe0: {  	s0 =	simm.s32 @!p1 $0xC;
	[sflag:s14] =	ssyncset.done $0x0  }
0xe1: {  	s1 =	smov.u32 s5;
	s5 =	simm.s32 $0x300;
	[sflag:s14] =	ssyncadd.s32 $0xFFFFCC00  }
0xe2: {  	[spmem:s1] =	stream.indirect.scatter.add.f32 [tilespmem:s16], [sflag:$0xA], $0x80, s5, s9, $0xb8;
	[tilespmem:$0x1EB00] =	vst v63  }
0xe3: {  	_ =	swait.ge @!p1 [sflag:s0], $0x3400  }
0xe4: {  	s24 =	simm.s32 $0x280;
	s15 =	rddreg [dreg:$0x7];
	[sflag:s0] =	ssyncset.done @!p1 $0x0  }
0xe5: {  	s16 =	rddreg [dreg:$0x6];
	[sflag:s0] =	ssyncadd.s32 @!p1 $0xFFFFCC00;
	s18 =	sadd.s32 s29, s15  }
0xe6: {  	[tilespmem:s24], [sflag:$0x6] =	stream.linear.gather [hbm4b:s18+s3], $0x68, $0x38;
	[tilespmem:$0x1EB00] =	vst v63  }
0xe7: {  	s10 =	simm.s32 $0x580;
	s2 =	sadd.s32 s29, s16  }
0xe8: {  	[tilespmem:s10], [sflag:$0x6] =	stream.linear.gather [hbm4b:s2+s3], $0x68, $0x38;
	[tilespmem:$0x1EB00] =	vst v63  }
0xe9: {  	_ =	swait.ge [sflag:s19], $0x68  }
0xea: {  	[sflag:s19] =	ssyncset.done $0x0  }
0xeb: {  	[sflag:s19] =	ssyncadd.s32 $0xFFFFFF98  }
0xec: {  	_ =	swait.ge [sflag:s19], $0x68  }
0xed: {  	[sflag:s19] =	ssyncset.done $0x0  }
0xee: {  	s23 =	simm.s32 $0x6E00;
	s15 =	simm.s32 $0x200;
	[sflag:s19] =	ssyncadd.s32 $0xFFFFFF98  }
0xef: {  	[tilespmem:s23], [sflag:$0x9] =	stream.indirect.gather [hbm4b:s4+s9], $0x80, s15, s9, $0xb8;
	[tilespmem:$0x1EB00] =	vst v63  }
0xf0: {  	_ =	swait.ge [sflag:s21], $0x3400  }
0xf1: {  	s12 =	simm.s32 $0xA;
	s16 =	simm.s32 $0x400;
	[sflag:s21] =	ssyncset.done $0x0  }
0xf2: {  	s0 =	smin.u32 s28, $0x59;
	s18 =	simm.s32 $0x3A00;
	[sflag:s21] =	ssyncadd.s32 $0xFFFFCC00  }
0xf3: {  	[spmem:s1] =	stream.indirect.scatter.add.f32 [tilespmem:s18], [sflag:$0xB], $0x80, s16, s9, $0xb8;
	[tilespmem:$0x1EB00] =	vst v63  }
0xf4: {  	s0 =	smul.u32 $0x68, s0;
	_ =	swait.ge [sflag:s12], $0x3400  }
0xf5: {  	s2 =	rddreg [dreg:$0x3]  }
0xf6: {  	s0 =	sadd.s32 s0, s2  }
0xf7: {  	[sflag:s12] =	ssyncset.done $0x0;
	s0 =	sshrl.u32 s0, $0x3  }
0xf8: {  	[sflag:s12] =	ssyncadd.s32 $0xFFFFCC00;
	s12 =	sadd.s32 s6, s0  }
0xf9: {  	[tilespmem:s3], [sflag:$0x1] =	stream.linear.gather [hbm4b:s12+s3], $0x68, $0x38;
	[tilespmem:$0x1EB00] =	vst v63  }
0xfa: {  	s0 =	sadd.s32 s8, s0  }
0xfb: {  	[tilespmem:s5], [sflag:$0x1] =	stream.linear.gather [hbm4b:s0+s3], $0x68, $0x38;
	[tilespmem:$0x1EB00] =	vst v63  }
0xfc: {  	_ =	swait.ge [sflag:s22], $0x68  }
0xfd: {  	[sflag:s22] =	ssyncset.done $0x0  }
0xfe: {  	[sflag:s22] =	ssyncadd.s32 $0xFFFFFF98  }
0xff: {  	_ =	swait.ge [sflag:s22], $0x68  }
0x100: {  	s7 =	simm.s32 $0x9;
	s31 =	smov.u32 s30;
	[sflag:s22] =	ssyncset.done $0x0  }
0x101: {  	s29 =	smov.u32 s31;
	s31 =	simm.s32 $0x600;
	[sflag:s22] =	ssyncadd.s32 $0xFFFFFF98  }
0x102: {  	[tilespmem:s31], [sflag:$0x7] =	stream.indirect.gather [hbm4b:s4+s9], $0x80, s26, s9, $0xb8;
	[tilespmem:$0x1EB00] =	vst v63  }
0x103: {  	_ =	swait.ge [sflag:s7], $0x3400  }
0x104: {  	[sflag:s7] =	ssyncset.done $0x0  }
0x105: {  	s31 =	simm.s32 $0x500;
	[sflag:s7] =	ssyncadd.s32 $0xFFFFCC00  }
0x106: {  	[spmem:s1] =	stream.indirect.scatter.add.f32 [tilespmem:s23], [sflag:$0xC], $0x80, s31, s9, $0xb8;
	[tilespmem:$0x1EB00] =	vst v63  }
0x107: {  	s12 =	simm.s32 $0xB;
	s23 =	smin.u32 s28, $0x58  }
0x108: {  	_ =	swait.ge [sflag:s12], $0x3400;
	s0 =	smul.u32 $0x68, s23  }
0x109: {  	s26 =	rddreg [dreg:$0x4]  }
0x10a: {  	s0 =	sadd.s32 s0, s26  }
0x10b: {  	[sflag:s12] =	ssyncset.done $0x0;
	s0 =	sshrl.u32 s0, $0x3  }
0x10c: {  	[sflag:s12] =	ssyncadd.s32 $0xFFFFCC00;
	s12 =	sadd.s32 s6, s0  }
0x10d: {  	[tilespmem:s20], [sflag:$0x3] =	stream.linear.gather [hbm4b:s12+s3], $0x68, $0x38;
	[tilespmem:$0x1EB00] =	vst v63  }
0x10e: {  	s7 =	simm.s32 $0x4;
	s0 =	sadd.s32 s8, s0  }
0x10f: {  	[tilespmem:s16], [sflag:$0x3] =	stream.linear.gather [hbm4b:s0+s3], $0x68, $0x38;
	[tilespmem:$0x1EB00] =	vst v63  }
0x110: {  	_ =	swait.ge [sflag:s7], $0x68  }
0x111: {  	[sflag:s7] =	ssyncset.done $0x0  }
0x112: {  	[sflag:s7] =	ssyncadd.s32 $0xFFFFFF98  }
0x113: {  	_ =	swait.ge [sflag:s7], $0x68  }
0x114: {  	[sflag:s7] =	ssyncset.done $0x0  }
0x115: {  	[sflag:s7] =	ssyncadd.s32 $0xFFFFFF98  }
0x116: {  	[tilespmem:s18], [sflag:$0x8] =	stream.indirect.gather [hbm4b:s4+s9], $0x80, s25, s9, $0xb8;
	[tilespmem:$0x1EB00] =	vst v63  }
0x117: {  	_ =	swait.ge [sflag:s14], $0x3400  }
0x118: {  	s23 =	smin.u32 s28, $0x57;
	[sflag:s14] =	ssyncset.done $0x0  }
0x119: {  	s20 =	simm.s32 $0xC;
	s16 =	simm.s32 $0x600;
	[sflag:s14] =	ssyncadd.s32 $0xFFFFCC00  }
0x11a: {  	[spmem:s1] =	stream.indirect.scatter.add.f32 [tilespmem:s16], [sflag:$0xA], $0x80, s13, s9, $0xb8;
	[tilespmem:$0x1EB00] =	vst v63  }
0x11b: {  	s0 =	smul.u32 $0x68, s23;
	_ =	swait.ge [sflag:s20], $0x3400  }
0x11c: {  	s25 =	rddreg [dreg:$0x5]  }
0x11d: {  	s0 =	sadd.s32 s0, s25  }
0x11e: {  	[sflag:s20] =	ssyncset.done $0x0;
	s0 =	sshrl.u32 s0, $0x3  }
0x11f: {  	[sflag:s20] =	ssyncadd.s32 $0xFFFFCC00;
	s26 =	sadd.s32 s6, s0  }
0x120: {  	[tilespmem:s15], [sflag:$0x5] =	stream.linear.gather [hbm4b:s26+s3], $0x68, $0x38;
	[tilespmem:$0x1EB00] =	vst v63  }
0x121: {  	s0 =	sadd.s32 s8, s0  }
0x122: {  	[tilespmem:s31], [sflag:$0x5] =	stream.linear.gather [hbm4b:s0+s3], $0x68, $0x38;
	[tilespmem:$0x1EB00] =	vst v63  }
0x123: {  	_ =	swait.ge [sflag:s17], $0x68  }
0x124: {  	[sflag:s17] =	ssyncset.done $0x0  }
0x125: {  	[sflag:s17] =	ssyncadd.s32 $0xFFFFFF98  }
0x126: {  	_ =	swait.ge [sflag:s17], $0x68  }
0x127: {  	[sflag:s17] =	ssyncset.done $0x0  }
0x128: {  	s30 =	sadd.s32 $0x4E, s30;
	s2 =	simm.s32 $0x6E00;
	[sflag:s17] =	ssyncadd.s32 $0xFFFFFF98  }
0x129: {  	[tilespmem:s2], [sflag:$0x9] =	stream.indirect.gather [hbm4b:s4+s9], $0x80, s24, s9, $0xb8;
	[tilespmem:$0x1EB00] =	vst v63  }
0x12a: {  	p0 =	sne.s32 s30, $0x4E0;
	_ =	swait.ge [sflag:s21], $0x3400  }
.Ltmp1:
0x12b: {  	[sflag:s21] =	ssyncset.done $0x0;
	(pc) =	sbr.rel @p0 .LBB2_4-.Ltmp1, $4  }
0x12c: {  	s15 =	simm.s32 $0x3A00;
	s31 =	simm.s32 $0x9;
	[sflag:s21] =	ssyncadd.s32 $0xFFFFCC00  }
0x12d: {  	[spmem:s1] =	stream.indirect.scatter.add.f32 [tilespmem:s15], [sflag:$0xB], $0x80, s11, s9, $0xb8;
	[tilespmem:$0x1EB00] =	vst v63  }
0x12e: {  	p1 =	seq.s32 s29, $0x0;
	_ =	swait.ge [sflag:s31], $0x3400  }
0x12f: {  	s5 =	smov.u32 s1;
	s28 =	sadd.s32 $0x6, s28;
	[sflag:s31] =	ssyncset.done $0x0  }
0x130: {  	s0 =	simm.s32 @!p1 $0xA;
	[sflag:s31] =	ssyncadd.s32 $0xFFFFCC00  }
0x131: {  	[spmem:s5] =	stream.indirect.scatter.add.f32 [tilespmem:s2], [sflag:$0xC], $0x80, s10, s9, $0xb8;
	[tilespmem:$0x1EB00] =	vst v63  }
0x132: {  	_ =	swait.ge @!p1 [sflag:s0], $0x3400  }
0x133: {  	s26 =	simm.s32 $0x80;
	s11 =	rddreg [dreg:$0xb];
	[sflag:s0] =	ssyncset.done @!p1 $0x0  }
0x134: {  	s12 =	rddreg [dreg:$0xa];
	[sflag:s0] =	ssyncadd.s32 @!p1 $0xFFFFCC00;
	s14 =	sadd.s32 s29, s11  }
0x135: {  	[tilespmem:s26], [sflag:$0x2] =	stream.linear.gather [hbm4b:s14+s3], $0x68, $0x38;
	[tilespmem:$0x1EB00] =	vst v63  }
0x136: {  	s30 =	simm.s32 $0x380;
	s18 =	sadd.s32 s29, s12;
	s12 =	simm.s32 $0x1  }
0x137: {  	[tilespmem:s30], [sflag:$0x2] =	stream.linear.gather [hbm4b:s18+s3], $0x68, $0x38;
	[tilespmem:$0x1EB00] =	vst v63  }
0x138: {  	_ =	swait.ge [sflag:s12], $0x68  }
0x139: {  	[sflag:s12] =	ssyncset.done $0x0  }
0x13a: {  	[sflag:s12] =	ssyncadd.s32 $0xFFFFFF98  }
0x13b: {  	_ =	swait.ge [sflag:s12], $0x68  }
0x13c: {  	[sflag:s12] =	ssyncset.done $0x0  }
0x13d: {  	s0 =	simm.s32 @!p1 $0xB;
	[sflag:s12] =	ssyncadd.s32 $0xFFFFFF98  }
0x13e: {  	[tilespmem:s16], [sflag:$0x7] =	stream.indirect.gather [hbm4b:s4+s9], $0x80, s3, s9, $0xb8;
	[tilespmem:$0x1EB00] =	vst v63  }
0x13f: {  	_ =	swait.ge @!p1 [sflag:s0], $0x3400  }
0x140: {  	s25 =	simm.s32 $0x180;
	s20 =	rddreg [dreg:$0x9];
	[sflag:s0] =	ssyncset.done @!p1 $0x0  }
0x141: {  	s24 =	rddreg [dreg:$0x8];
	[sflag:s0] =	ssyncadd.s32 @!p1 $0xFFFFCC00;
	s5 =	sadd.s32 s29, s20  }
0x142: {  	[tilespmem:s25], [sflag:$0x4] =	stream.linear.gather [hbm4b:s5+s3], $0x68, $0x38;
	[tilespmem:$0x1EB00] =	vst v63  }
0x143: {  	s14 =	simm.s32 $0x480;
	s11 =	sadd.s32 s29, s24  }
0x144: {  	[tilespmem:s14], [sflag:$0x4] =	stream.linear.gather [hbm4b:s11+s3], $0x68, $0x38;
	[tilespmem:$0x1EB00] =	vst v63  }
0x145: {  	s11 =	simm.s32 $0x3  }
0x146: {  	_ =	swait.ge [sflag:s11], $0x68  }
0x147: {  	[sflag:s11] =	ssyncset.done $0x0  }
0x148: {  	[sflag:s11] =	ssyncadd.s32 $0xFFFFFF98  }
0x149: {  	_ =	swait.ge [sflag:s11], $0x68  }
0x14a: {  	[sflag:s11] =	ssyncset.done $0x0  }
0x14b: {  	s20 =	simm.s32 $0x100;
	s14 =	simm.s32 $0x7;
	[sflag:s11] =	ssyncadd.s32 $0xFFFFFF98  }
0x14c: {  	[tilespmem:s15], [sflag:$0x8] =	stream.indirect.gather [hbm4b:s4+s9], $0x80, s20, s9, $0xb8;
	[tilespmem:$0x1EB00] =	vst v63  }
0x14d: {  	_ =	swait.ge [sflag:s14], $0x3400  }
0x14e: {  	[sflag:s14] =	ssyncset.done $0x0  }
0x14f: {  	s0 =	simm.s32 @!p1 $0xC;
	s5 =	simm.s32 $0x300;
	[sflag:s14] =	ssyncadd.s32 $0xFFFFCC00  }
0x150: {  	[spmem:s1] =	stream.indirect.scatter.add.f32 [tilespmem:s16], [sflag:$0xA], $0x80, s5, s9, $0xb8;
	[tilespmem:$0x1EB00] =	vst v63  }
0x151: {  	_ =	swait.ge @!p1 [sflag:s0], $0x3400  }
0x152: {  	s24 =	simm.s32 $0x280;
	s15 =	rddreg [dreg:$0x7];
	[sflag:s0] =	ssyncset.done @!p1 $0x0  }
0x153: {  	s16 =	rddreg [dreg:$0x6];
	[sflag:s0] =	ssyncadd.s32 @!p1 $0xFFFFCC00;
	s18 =	sadd.s32 s29, s15  }
0x154: {  	[tilespmem:s24], [sflag:$0x6] =	stream.linear.gather [hbm4b:s18+s3], $0x68, $0x38;
	[tilespmem:$0x1EB00] =	vst v63  }
0x155: {  	s13 =	simm.s32 $0x580;
	s29 =	sadd.s32 s29, s16  }
0x156: {  	[tilespmem:s13], [sflag:$0x6] =	stream.linear.gather [hbm4b:s29+s3], $0x68, $0x38;
	[tilespmem:$0x1EB00] =	vst v63  }
0x157: {  	_ =	swait.ge [sflag:s19], $0x68  }
0x158: {  	[sflag:s19] =	ssyncset.done $0x0  }
0x159: {  	[sflag:s19] =	ssyncadd.s32 $0xFFFFFF98  }
0x15a: {  	_ =	swait.ge [sflag:s19], $0x68  }
0x15b: {  	[sflag:s19] =	ssyncset.done $0x0  }
0x15c: {  	s23 =	simm.s32 $0x6E00;
	s15 =	simm.s32 $0x200;
	[sflag:s19] =	ssyncadd.s32 $0xFFFFFF98  }
0x15d: {  	[tilespmem:s23], [sflag:$0x9] =	stream.indirect.gather [hbm4b:s4+s9], $0x80, s15, s9, $0xb8;
	[tilespmem:$0x1EB00] =	vst v63  }
0x15e: {  	_ =	swait.ge [sflag:s21], $0x3400  }
0x15f: {  	s2 =	smin.u32 s28, $0x59;
	s16 =	simm.s32 $0x400;
	[sflag:s21] =	ssyncset.done $0x0  }
0x160: {  	s18 =	simm.s32 $0x3A00;
	s13 =	simm.s32 $0xA;
	[sflag:s21] =	ssyncadd.s32 $0xFFFFCC00  }
0x161: {  	[spmem:s1] =	stream.indirect.scatter.add.f32 [tilespmem:s18], [sflag:$0xB], $0x80, s16, s9, $0xb8;
	[tilespmem:$0x1EB00] =	vst v63  }
0x162: {  	s0 =	smul.u32 $0x68, s2;
	_ =	swait.ge [sflag:s13], $0x3400  }
0x163: {  	s10 =	rddreg [dreg:$0x3]  }
0x164: {  	s0 =	sadd.s32 s0, s10  }
0x165: {  	[sflag:s13] =	ssyncset.done $0x0;
	s0 =	sshrl.u32 s0, $0x3  }
0x166: {  	[sflag:s13] =	ssyncadd.s32 $0xFFFFCC00;
	s10 =	sadd.s32 s6, s0  }
0x167: {  	[tilespmem:s3], [sflag:$0x1] =	stream.linear.gather [hbm4b:s10+s3], $0x68, $0x38;
	[tilespmem:$0x1EB00] =	vst v63  }
0x168: {  	s0 =	sadd.s32 s8, s0  }
0x169: {  	[tilespmem:s5], [sflag:$0x1] =	stream.linear.gather [hbm4b:s0+s3], $0x68, $0x38;
	[tilespmem:$0x1EB00] =	vst v63  }
0x16a: {  	_ =	swait.ge [sflag:s22], $0x68  }
0x16b: {  	[sflag:s22] =	ssyncset.done $0x0  }
0x16c: {  	[sflag:s22] =	ssyncadd.s32 $0xFFFFFF98  }
0x16d: {  	_ =	swait.ge [sflag:s22], $0x68  }
0x16e: {  	[sflag:s22] =	ssyncset.done $0x0  }
0x16f: {  	s29 =	simm.s32 $0x600;
	[sflag:s22] =	ssyncadd.s32 $0xFFFFFF98  }
0x170: {  	[tilespmem:s29], [sflag:$0x7] =	stream.indirect.gather [hbm4b:s4+s9], $0x80, s26, s9, $0xb8;
	[tilespmem:$0x1EB00] =	vst v63  }
0x171: {  	_ =	swait.ge [sflag:s31], $0x3400  }
0x172: {  	s2 =	smin.u32 s28, $0x58;
	[sflag:s31] =	ssyncset.done $0x0  }
0x173: {  	s10 =	simm.s32 $0x500;
	s22 =	simm.s32 $0xB;
	[sflag:s31] =	ssyncadd.s32 $0xFFFFCC00  }
0x174: {  	[spmem:s1] =	stream.indirect.scatter.add.f32 [tilespmem:s23], [sflag:$0xC], $0x80, s10, s9, $0xb8;
	[tilespmem:$0x1EB00] =	vst v63  }
0x175: {  	s0 =	smul.u32 $0x68, s2;
	_ =	swait.ge [sflag:s22], $0x3400  }
0x176: {  	s26 =	rddreg [dreg:$0x4]  }
0x177: {  	s0 =	sadd.s32 s0, s26  }
0x178: {  	[sflag:s22] =	ssyncset.done $0x0;
	s0 =	sshrl.u32 s0, $0x3  }
0x179: {  	[sflag:s22] =	ssyncadd.s32 $0xFFFFCC00;
	s26 =	sadd.s32 s6, s0  }
0x17a: {  	[tilespmem:s20], [sflag:$0x3] =	stream.linear.gather [hbm4b:s26+s3], $0x68, $0x38;
	[tilespmem:$0x1EB00] =	vst v63  }
0x17b: {  	s0 =	sadd.s32 s8, s0  }
0x17c: {  	[tilespmem:s16], [sflag:$0x3] =	stream.linear.gather [hbm4b:s0+s3], $0x68, $0x38;
	[tilespmem:$0x1EB00] =	vst v63  }
0x17d: {  	_ =	swait.ge [sflag:s7], $0x68  }
0x17e: {  	[sflag:s7] =	ssyncset.done $0x0  }
0x17f: {  	[sflag:s7] =	ssyncadd.s32 $0xFFFFFF98  }
0x180: {  	_ =	swait.ge [sflag:s7], $0x68  }
0x181: {  	[sflag:s7] =	ssyncset.done $0x0  }
0x182: {  	[sflag:s7] =	ssyncadd.s32 $0xFFFFFF98  }
0x183: {  	[tilespmem:s18], [sflag:$0x8] =	stream.indirect.gather [hbm4b:s4+s9], $0x80, s25, s9, $0xb8;
	[tilespmem:$0x1EB00] =	vst v63  }
0x184: {  	_ =	swait.ge [sflag:s14], $0x3400  }
0x185: {  	[sflag:s14] =	ssyncset.done $0x0  }
0x186: {  	s26 =	smin.u32 s28, $0x57;
	s25 =	simm.s32 $0xC;
	[sflag:s14] =	ssyncadd.s32 $0xFFFFCC00  }
0x187: {  	[spmem:s1] =	stream.indirect.scatter.add.f32 [tilespmem:s29], [sflag:$0xA], $0x80, s30, s9, $0xb8;
	[tilespmem:$0x1EB00] =	vst v63  }
0x188: {  	s0 =	smul.u32 $0x68, s26;
	_ =	swait.ge [sflag:s25], $0x3400  }
0x189: {  	s28 =	rddreg [dreg:$0x5]  }
0x18a: {  	s0 =	sadd.s32 s0, s28  }
0x18b: {  	[sflag:s25] =	ssyncset.done $0x0;
	s0 =	sshrl.u32 s0, $0x3  }
0x18c: {  	[sflag:s25] =	ssyncadd.s32 $0xFFFFCC00;
	s29 =	sadd.s32 s6, s0  }
0x18d: {  	[tilespmem:s15], [sflag:$0x5] =	stream.linear.gather [hbm4b:s29+s3], $0x68, $0x38;
	[tilespmem:$0x1EB00] =	vst v63  }
0x18e: {  	s0 =	sadd.s32 s8, s0  }
0x18f: {  	[tilespmem:s10], [sflag:$0x5] =	stream.linear.gather [hbm4b:s0+s3], $0x68, $0x38;
	[tilespmem:$0x1EB00] =	vst v63  }
0x190: {  	_ =	swait.ge [sflag:s17], $0x68  }
0x191: {  	[sflag:s17] =	ssyncset.done $0x0  }
0x192: {  	[sflag:s17] =	ssyncadd.s32 $0xFFFFFF98  }
0x193: {  	_ =	swait.ge [sflag:s17], $0x68  }
0x194: {  	[sflag:s17] =	ssyncset.done $0x0  }
0x195: {  	[sflag:s17] =	ssyncadd.s32 $0xFFFFFF98  }
0x196: {  	[tilespmem:s23], [sflag:$0x9] =	stream.indirect.gather [hbm4b:s4+s9], $0x80, s24, s9, $0xb8;
	[tilespmem:$0x1EB00] =	vst v63  }
0x197: {  	_ =	swait.ge [sflag:s21], $0x3400  }
0x198: {  	s5 =	smov.u32 s1;
	[sflag:s21] =	ssyncset.done $0x0  }
0x199: {  	s30 =	simm.s32 $0x3A00;
	s15 =	simm.s32 $0x480;
	[sflag:s21] =	ssyncadd.s32 $0xFFFFCC00  }
0x19a: {  	[spmem:s5] =	stream.indirect.scatter.add.f32 [tilespmem:s30], [sflag:$0xB], $0x80, s15, s9, $0xb8;
	[tilespmem:$0x1EB00] =	vst v63  }
0x19b: {  	_ =	swait.ge [sflag:s31], $0x3400  }
0x19c: {  	[sflag:s31] =	ssyncset.done $0x0  }
0x19d: {  	s16 =	simm.s32 $0x580;
	[sflag:s31] =	ssyncadd.s32 $0xFFFFCC00  }
0x19e: {  	[spmem:s5] =	stream.indirect.scatter.add.f32 [tilespmem:s23], [sflag:$0xC], $0x80, s16, s9, $0xb8;
	[tilespmem:$0x1EB00] =	vst v63  }
0x19f: {  	_ =	swait.ge [sflag:s13], $0x3400  }
0x1a0: {  	[sflag:s13] =	ssyncset.done $0x0  }
0x1a1: {  	[sflag:s13] =	ssyncadd.s32 $0xFFFFCC00  }
0x1a2: {  	_ =	swait.ge [sflag:s12], $0x68  }
0x1a3: {  	[sflag:s12] =	ssyncset.done $0x0  }
0x1a4: {  	[sflag:s12] =	ssyncadd.s32 $0xFFFFFF98  }
0x1a5: {  	_ =	swait.ge [sflag:s12], $0x68  }
0x1a6: {  	[sflag:s12] =	ssyncset.done $0x0  }
0x1a7: {  	[sflag:s12] =	ssyncadd.s32 $0xFFFFFF98  }
0x1a8: {  	_ =	swait.ge [sflag:s22], $0x3400  }
0x1a9: {  	[sflag:s22] =	ssyncset.done $0x0  }
0x1aa: {  	[sflag:s22] =	ssyncadd.s32 $0xFFFFCC00  }
0x1ab: {  	_ =	swait.ge [sflag:s11], $0x68  }
0x1ac: {  	[sflag:s11] =	ssyncset.done $0x0  }
0x1ad: {  	[sflag:s11] =	ssyncadd.s32 $0xFFFFFF98  }
0x1ae: {  	_ =	swait.ge [sflag:s11], $0x68  }
0x1af: {  	[sflag:s11] =	ssyncset.done $0x0  }
0x1b0: {  	[sflag:s11] =	ssyncadd.s32 $0xFFFFFF98  }
0x1b1: {  	_ =	swait.ge [sflag:s25], $0x3400  }
0x1b2: {  	[sflag:s25] =	ssyncset.done $0x0  }
0x1b3: {  	[sflag:s25] =	ssyncadd.s32 $0xFFFFCC00  }
0x1b4: {  	_ =	swait.ge [sflag:s19], $0x68  }
0x1b5: {  	[sflag:s19] =	ssyncset.done $0x0  }
0x1b6: {  	[sflag:s19] =	ssyncadd.s32 $0xFFFFFF98  }
0x1b7: {  	_ =	swait.ge [sflag:s19], $0x68  }
0x1b8: {  	s18 =	simm.s32 $0xA200;
	[sflag:s19] =	ssyncset.done $0x0  }
0x1b9: {  	s17 =	rddreg [dreg:$0x19];
	[sflag:s19] =	ssyncadd.s32 $0xFFFFFF98;
	s19 =	simm.s32 $0xD  }
0x1ba: {  	[tilespmem:s18], [sflag:$0xD] =	stream.linear.gather [hbm4b:s17+s3], $0x10, $0x38;
	[tilespmem:$0x1EB00] =	vst v63  }
0x1bb: {  	_ =	swait.ge [sflag:s19], $0x10  }
0x1bc: {  	[sflag:s19] =	ssyncset.done $0x0  }
0x1bd: {  	s22 =	simm.s32 $0xA280;
	s20 =	rddreg [dreg:$0x1a];
	[sflag:s19] =	ssyncadd.s32 $0xFFFFFFF0  }
0x1be: {  	[tilespmem:s22], [sflag:$0xD] =	stream.linear.gather [hbm4b:s20+s3], $0x10, $0x38;
	[tilespmem:$0x1EB00] =	vst v63  }
0x1bf: {  	_ =	swait.ge [sflag:s19], $0x10  }
0x1c0: {  	[sflag:s19] =	ssyncset.done $0x0  }
0x1c1: {  	s24 =	simm.s32 $0xA300;
	s23 =	simm.s32 $0x10;
	[sflag:s19] =	ssyncadd.s32 $0xFFFFFFF0  }
0x1c2: {  	[tilespmem:s24], [sflag:$0x7] =	stream.indirect.gather [hbm4b:s4+s23], $0x80, s18, s23, $0xb8;
	[tilespmem:$0x1EB00] =	vst v63  }
0x1c3: {  	_ =	swait.ge [sflag:s14], $0x800  }
0x1c4: {  	[sflag:s14] =	ssyncset.done $0x0  }
0x1c5: {  	[sflag:s14] =	ssyncadd.s32 $0xFFFFF800  }
0x1c6: {  	[spmem:s5] =	stream.indirect.scatter.add.f32 [tilespmem:s24], [sflag:$0xA], $0x80, s22, s23, $0xb8;
	[tilespmem:$0x1EB00] =	vst v63  }
0x1c7: {  	_ =	swait.ge [sflag:s13], $0x800  }
0x1c8: {  	[sflag:s13] =	ssyncset.done $0x0  }
0x1c9: {  	[sflag:s13] =	ssyncadd.s32 $0xFFFFF800  }
0x1ca: {  	s25 =	stileid.u32;
	[bflag:$0x0] =	sbarrier.arrive $0xFFFF  }
0x1cb: {  	s0 =	sshll.u32 s25, $0x6;
	s26 =	rddreg [dreg:$0xc]  }
0x1cc: {  	s0 =	sor.u32 $0x1C0D, s0;
	s29 =	rddreg [dreg:$0x1b];
	s2 =	sshrl.u32 s26, $0x3  }
0x1cd: {  	[hbm:s29], [sflag:s0] =	dma.local [spmem:s2], $0x2800  }
0x1ce: {  	_ =	swait.ge [sflag:s19], $0x2800  }
0x1cf: {  	s30 =	rddreg [dreg:$0x1d]  }
0x1d0: {  	s31 =	rddreg [dreg:$0x1c];
	s2 =	sadd.s32 $0x1, s30  }
0x1d1: {  	p0 =	sne.s32 s2, s31  }
.Ltmp2:
0x1d2: {  	_ = 	snop;
	(pc) =	sbr.rel @p0 .LBB2_1-.Ltmp2, $4  }
0x1d3: {  	_ = 	snop  }
0x1d4: {  	s1 =	smov.u32 s8;
	s8 =	simm.s32 $0x1;
	s16 =	simm.s32 $0xA  }
0x1d5: {  	s12 =	simm.s32 $0x3;
	s20 =	simm.s32 $0xB;
	[sflag:s19] =	ssyncset.done $0x0  }
0x1d6: {  	s23 =	simm.s32 $0xC;
	[sflag:s19] =	ssyncadd.s32 $0xFFFFD800;
	s19 =	simm.s32 $0x5  }
0x1d7: {  	_ =	sfence.sel $0x180000  }
0x1d8: {  	[bflag:$0x0] =	sbarrier.arrive $0xFFFF  }
0x1d9: {  	_ =	strace $0x90000050  }
0x1da: {  	s0 =	stileid.u32;
	[bflag:$0x2] =	sbarrier.arrive $0xFFFF  }
0x1db: {  	p0 =	sne.s32 s0, $0x0;
	s0 =	rddreg [dreg:$0x2]  }
0x1dc: {  	s0 =	sadd.s32 @!p0 $0x100000, s0  }
0x1dd: {  	[sflag:s0] =	ssyncadd.tile.s32 @!p0 $0x1;
	_ =	shalt  }
.Lfunc_end2:
_tile_overlayer_lowered:
.L_overlay_start_2:
0x1de: {  	(tag) =	ssettag $0x2  }
0x1df: {  	s0 =	rddreg [dreg:$0x0];
	s2 =	stileid.u32  }
0x1e0: {  	s1 =	rddreg [dreg:$0x1];
	p0 =	sne.s32 s2, $0x0  }
0x1e1: {  	s3 =	rddreg [dreg:$0x2];
	[bflag:$0x3] =	sbarrier.arrive $0xFFFF;
	s2 =	simm.s32 @!p0 $0x1C0D  }
0x1e2: {  	[timem:s3], [sflag:s2] =	dma.local @!p0 [hbm:s0], s1  }
0x1e3: {  	s0 =	simm.s32 @!p0 $0xD  }
0x1e4: {  	_ =	swait.ge @!p0 [sflag:s0], s1  }
0x1e5: {  	s1 =	ssub.s32 @!p0 $0x0, s1;
	[sflag:s0] =	ssyncset.done @!p0 $0x0  }
0x1e6: {  	[sflag:s0] =	ssyncadd.s32 @!p0 s1  }
0x1e7: {  	[bflag:$0x3] =	sbarrier.arrive $0xFFFF  }
0x1e8: {  	_ =	shalt  }

</sc_bundles>
